<compile_context>
chip_gen: v7x
topology: tpu7x:2x2x1
jax: 0.10.2.dev20260603
libtpu: 0.0.44.dev20260713+nightly
codegen_flags: <defaults>
</compile_context>

<pallas_src>
import functools

import jax
import jax.numpy as jnp
from jax import lax
from jax.experimental import pallas as pl
from jax.experimental.pallas import tpu as pltpu
from jax.experimental.pallas import tpu_sc as plsc

_Q = 2048
_K = 2048
_VROW = 4096
_HALF = _Q // 2
_NHEADS = 16
_QB = 8
_KB = 128
_NKT = _K // _KB
_WIN = 4
_NBUF = 4


def _sc_body(table_hbm, d0_hbm, out_hbm, table_v, d0_v, v_ref, stage, sem):
    (tbl_n,) = table_v.shape
    nheads = _NHEADS
    max_d = (tbl_n // nheads - 1) // 2

    wid = lax.axis_index("s") * 2 + lax.axis_index("c")
    h = wid // 2
    q0 = (wid % 2) * _HALF
    qb0 = q0 // _QB

    pltpu.sync_copy(table_hbm, table_v)
    pltpu.sync_copy(d0_hbm, d0_v)
    d0vec = d0_v[...]
    d0s = jnp.max(d0vec)

    lanes = lax.iota(jnp.int32, 16)
    col16 = jnp.full((16,), h, dtype=jnp.int32)

    def build_v(c, carry):
        j = 16 * c + lanes
        d = j - (_Q - 1) + d0vec
        ridx = jnp.clip(d, -max_d, max_d) + max_d
        v_ref[pl.ds(16 * c, 16)] = plsc.load_gather(table_v, [ridx * nheads + h])
        return carry

    lax.fori_loop(0, _VROW // 16, build_v, 0)

    clo = plsc.load_gather(table_v, [col16])
    chi = plsc.load_gather(table_v, [2 * max_d * nheads + col16])

    def tv_of(qbg):
        m = _QB * qbg - (max_d - 1) - d0s
        return jnp.clip(lax.shift_right_arithmetic(m, 7), 0, _NKT - _WIN)

    def outer(jj, carry):
        b = lax.rem(jj, _NBUF)
        qbg = qb0 + jj
        tv = tv_of(qbg)
        tvp = jnp.where(jj >= _NBUF, tv_of(qbg - _NBUF), 0)

        @pl.when(jj >= _NBUF)
        def _drain():
            pltpu.make_async_copy(stage.at[0], out_hbm.at[0, 0], sem).wait()

        def refill_lo(kb, carry2):
            for qi in range(_QB):
                for t in range(_KB // 16):
                    stage[b, kb, qi, pl.ds(16 * t, 16)] = clo
            return carry2

        lax.fori_loop(tvp, tv, refill_lo, 0)

        hi_end = jnp.where(jj < _NBUF, jnp.int32(_NKT), tv + _WIN)

        def refill_hi(kb, carry2):
            for qi in range(_QB):
                for t in range(_KB // 16):
                    stage[b, kb, qi, pl.ds(16 * t, 16)] = chi
            return carry2

        lax.fori_loop(tv + _WIN, hi_end, refill_hi, 0)

        for kbp in range(_WIN):
            kb = tv + kbp
            for qi in range(_QB):
                o = (_Q - 1) - (_QB * qbg + qi)
                base = o + _KB * kb
                for t in range(_KB // 16):
                    stage[b, kb, qi, pl.ds(16 * t, 16)] = v_ref[
                        pl.ds(base + 16 * t, 16)
                    ]

        pltpu.async_copy(stage.at[b], out_hbm.at[h, qbg], sem)
        return carry

    lax.fori_loop(0, _HALF // _QB, outer, 0)
    for _ in range(_NBUF):
        pltpu.make_async_copy(stage.at[0], out_hbm.at[0, 0], sem).wait()


def kernel(qlen, klen, relative_bias_table):
    nrows, nheads = relative_bias_table.shape
    assert nheads == _NHEADS
    d0_arr = jnp.full((16,), klen - qlen, dtype=jnp.int32)

    run = functools.partial(
        pl.kernel,
        mesh=plsc.VectorSubcoreMesh(core_axis_name="c", subcore_axis_name="s"),
        compiler_params=pltpu.CompilerParams(
            needs_layout_passes=False,
            use_tc_tiling_on_sc=False,
        ),
        out_type=jax.ShapeDtypeStruct(
            (nheads, _Q // _QB, _NKT, _QB, _KB), jnp.float32
        ),
        scratch_types=[
            pltpu.VMEM((nrows * nheads,), jnp.float32),
            pltpu.VMEM((16,), jnp.int32),
            pltpu.VMEM((_VROW,), jnp.float32),
            pltpu.VMEM((_NBUF, _NKT, _QB, _KB), jnp.float32),
            pltpu.SemaphoreType.DMA,
        ],
    )(_sc_body)

    out5 = run(relative_bias_table.reshape(-1), d0_arr)
    return jnp.transpose(out5, (0, 1, 3, 2, 4)).reshape(nheads, _Q, _K)

# --- scband reference (transcript-rebuilt; emitter-appended) ---
"""Pipeline reference for scband-relative-position-bias-9818295239093 (READ-ONLY COPY).

The authoritative reference and input builder live on the scoring server;
editing this copy changes nothing except your own understanding.
"""

import jax, jax.numpy as jnp
import numpy as np

NUM_HEADS = 16
MAX_DISTANCE = 128


def setup_inputs(seed: int = 0) -> dict:
    key = jax.random.key(seed)
    table = jax.random.truncated_normal(key, -2.0, 2.0, (2 * MAX_DISTANCE + 1, NUM_HEADS), dtype=jnp.float32) * 0.02
    return {"qlen": 2048, "klen": 2048, "relative_bias_table": table}


def reference(qlen, klen, relative_bias_table):
    max_distance = (relative_bias_table.shape[0] - 1) // 2
    range_q = jnp.arange(2048) + (qlen - 2048)
    range_k = jnp.arange(2048) + (klen - 2048)
    distance = range_k[None, :] - range_q[:, None]
    distance_clipped = jnp.clip(distance, -max_distance, max_distance) + max_distance
    bias = jnp.take(relative_bias_table, distance_clipped.reshape(-1), axis=0)
    bias = bias.reshape(2048, 2048, -1)
    bias = jnp.transpose(bias, (2, 0, 1))
    return bias

if __name__ == "__main__":
    import jax
    _d = setup_inputs()
    print(jax.jit(kernel)(*tuple(_d.values())))

</pallas_src>

<mosaic_0001>
#map = affine_map<(d0, d1) -> (0)>
#map1 = affine_map<(d0, d1) -> (0, 0, 0, 0, 0)>
module attributes {stable_mosaic.version = 14 : i64} {
  func.func @_sc_body(%arg0: i32, %arg1: i32, %arg2: memref<4112xf32, #tpu.memory_space<hbm>>, %arg3: memref<16xi32, #tpu.memory_space<hbm>>, %arg4: memref<16x256x16x8x128xf32, #tpu.memory_space<hbm>>, %arg5: memref<4112xf32, #tpu.memory_space<vmem>>, %arg6: memref<16xi32, #tpu.memory_space<vmem>>, %arg7: memref<4096xf32, #tpu.memory_space<vmem>>, %arg8: memref<4x16x8x128xf32, #tpu.memory_space<vmem>>, %arg9: memref<!tpu.dma_semaphore, #tpu.memory_space<semaphore_mem>>) attributes {dimension_semantics = [#tpu.dimension_semantics<core_parallel>, #tpu.dimension_semantics<subcore_parallel>], iteration_bounds = array<i64: 2, 16>, scalar_prefetch = 0 : i64, scratch_operands = 5 : i64, tpu.core_type = #tpu.core_type<sc_vector_subcore>, window_params = [{transform_indices = #map}, {transform_indices = #map}, {transform_indices = #map1}]} {
    %mul3A = arith.constant 2 : i32
    %mul3A_0 = arith.muli %arg1, %mul3A : i32
    %add3A = arith.addi %mul3A_0, %arg0 : i32
    %jit3A = arith.constant 2 : i32
    %div3A = arith.divsi %add3A, %jit3A : i32
    %sign3A = arith.constant 0 : i32
    %sign3A_1 = arith.cmpi sgt, %add3A, %sign3A : i32
    %sign3A_2 = arith.extui %sign3A_1 : i1 to i32
    %sign3A_3 = arith.constant 0 : i32
    %sign3A_4 = arith.cmpi slt, %add3A, %sign3A_3 : i32
    %sign3A_5 = arith.extui %sign3A_4 : i1 to i32
    %sign3A_6 = arith.subi %sign3A_2, %sign3A_5 : i32
    %sign3A_7 = arith.constant 0 : i32
    %sign3A_8 = arith.cmpi sgt, %jit3A, %sign3A_7 : i32
    %sign3A_9 = arith.extui %sign3A_8 : i1 to i32
    %sign3A_10 = arith.constant 0 : i32
    %sign3A_11 = arith.cmpi slt, %jit3A, %sign3A_10 : i32
    %sign3A_12 = arith.extui %sign3A_11 : i1 to i32
    %sign3A_13 = arith.subi %sign3A_9, %sign3A_12 : i32
    %ne3A = arith.cmpi ne, %sign3A_6, %sign3A_13 : i32
    %rem3A = arith.remsi %add3A, %jit3A : i32
    %ne3A_14 = arith.constant 0 : i32
    %ne3A_15 = arith.cmpi ne, %rem3A, %ne3A_14 : i32
    %and3A = arith.andi %ne3A, %ne3A_15 : i1
    %sub3A = arith.constant 1 : i32
    %sub3A_16 = arith.subi %div3A, %sub3A : i32
    %select_n3A = arith.select %and3A, %sub3A_16, %div3A : i32
    %jit3A_17 = arith.constant 2 : i32
    %eq3A = arith.constant 0 : i32
    %eq3A_18 = arith.cmpi eq, %jit3A_17, %eq3A : i32
    %jit3A_19 = arith.constant 1 : i32
    %select_n3A_20 = arith.select %eq3A_18, %jit3A_19, %jit3A_17 : i32
    %rem3A_21 = arith.remsi %add3A, %select_n3A_20 : i32
    %ne3A_22 = arith.constant 0 : i32
    %ne3A_23 = arith.cmpi ne, %rem3A_21, %ne3A_22 : i32
    %lt3A = arith.constant 0 : i32
    %lt3A_24 = arith.cmpi slt, %rem3A_21, %lt3A : i32
    %lt3A_25 = arith.constant 0 : i32
    %lt3A_26 = arith.cmpi slt, %select_n3A_20, %lt3A_25 : i32
    %ne3A_27 = arith.xori %lt3A_24, %lt3A_26 : i1
    %and3A_28 = arith.andi %ne3A_27, %ne3A_23 : i1
    %add3A_29 = arith.addi %rem3A_21, %select_n3A_20 : i32
    %select_n3A_30 = arith.select %and3A_28, %add3A_29, %rem3A_21 : i32
    %mul3A_31 = arith.constant 1024 : i32
    %mul3A_32 = arith.muli %select_n3A_30, %mul3A_31 : i32
    %jit3A_33 = arith.constant 8 : i32
    %div3A_34 = arith.divsi %mul3A_32, %jit3A_33 : i32
    %sign3A_35 = arith.constant 0 : i32
    %sign3A_36 = arith.cmpi sgt, %mul3A_32, %sign3A_35 : i32
    %sign3A_37 = arith.extui %sign3A_36 : i1 to i32
    %sign3A_38 = arith.constant 0 : i32
    %sign3A_39 = arith.cmpi slt, %mul3A_32, %sign3A_38 : i32
    %sign3A_40 = arith.extui %sign3A_39 : i1 to i32
    %sign3A_41 = arith.subi %sign3A_37, %sign3A_40 : i32
    %sign3A_42 = arith.constant 0 : i32
    %sign3A_43 = arith.cmpi sgt, %jit3A_33, %sign3A_42 : i32
    %sign3A_44 = arith.extui %sign3A_43 : i1 to i32
    %sign3A_45 = arith.constant 0 : i32
    %sign3A_46 = arith.cmpi slt, %jit3A_33, %sign3A_45 : i32
    %sign3A_47 = arith.extui %sign3A_46 : i1 to i32
    %sign3A_48 = arith.subi %sign3A_44, %sign3A_47 : i32
    %ne3A_49 = arith.cmpi ne, %sign3A_41, %sign3A_48 : i32
    %rem3A_50 = arith.remsi %mul3A_32, %jit3A_33 : i32
    %ne3A_51 = arith.constant 0 : i32
    %ne3A_52 = arith.cmpi ne, %rem3A_50, %ne3A_51 : i32
    %and3A_53 = arith.andi %ne3A_49, %ne3A_52 : i1
    %sub3A_54 = arith.constant 1 : i32
    %sub3A_55 = arith.subi %div3A_34, %sub3A_54 : i32
    %select_n3A_56 = arith.select %and3A_53, %sub3A_55, %div3A_34 : i32
    "tpu.region"() ({
      %run_scoped3A = tpu.sem_alloc : memref<!tpu.dma_semaphore, #tpu.memory_space<semaphore_mem>>
      tpu.enqueue_dma source(%arg2 : memref<4112xf32, #tpu.memory_space<hbm>>) target(%arg5 : memref<4112xf32, #tpu.memory_space<vmem>>) target_semaphore(%run_scoped3A : memref<!tpu.dma_semaphore, #tpu.memory_space<semaphore_mem>>)
      tpu.wait_dma2 semaphore(%run_scoped3A : memref<!tpu.dma_semaphore, #tpu.memory_space<semaphore_mem>>) src(%arg2 : memref<4112xf32, #tpu.memory_space<hbm>>) dst(%arg5 : memref<4112xf32, #tpu.memory_space<vmem>>)
      tpu.yield
    }) : () -> ()
    "tpu.region"() ({
      %run_scoped3A = tpu.sem_alloc : memref<!tpu.dma_semaphore, #tpu.memory_space<semaphore_mem>>
      tpu.enqueue_dma source(%arg3 : memref<16xi32, #tpu.memory_space<hbm>>) target(%arg6 : memref<16xi32, #tpu.memory_space<vmem>>) target_semaphore(%run_scoped3A : memref<!tpu.dma_semaphore, #tpu.memory_space<semaphore_mem>>)
      tpu.wait_dma2 semaphore(%run_scoped3A : memref<!tpu.dma_semaphore, #tpu.memory_space<semaphore_mem>>) src(%arg3 : memref<16xi32, #tpu.memory_space<hbm>>) dst(%arg6 : memref<16xi32, #tpu.memory_space<vmem>>)
      tpu.yield
    }) : () -> ()
    %get3A = arith.constant 0 : index
    %get3A_57 = tpu.vector_load %arg6[%get3A] {strides = array<i32>} : memref<16xi32, #tpu.memory_space<vmem>>, vector<16xi32>,
    %reduce_max3A = arith.constant true
    %reduce_max3A_58 = vector.broadcast %reduce_max3A : i1 to vector<16xi1>
    %reduce_max3A_59 = arith.constant -2147483648 : i32
    %reduce_max3A_60 = vector.broadcast %reduce_max3A_59 : i32 to vector<16xi32>
    %reduce_max3A_61 = arith.xori %get3A_57, %reduce_max3A_60 : vector<16xi32>
    %reduce_max3A_62 = tpu.scan <max>, %reduce_max3A_61 masked %reduce_max3A_58 : vector<16xi32>, vector<16xi1> -> vector<16xi32>
    %reduce_max3A_63 = arith.xori %reduce_max3A_62, %reduce_max3A_60 : vector<16xi32>
    %reduce_max3A_64 = vector.extract %reduce_max3A_63[15] : i32 from vector<16xi32>
    %iota3A = tpu.iota {dimensions = array<i32: 0>} : vector<16xi32>
    %broadcast_in_dim3A = vector.broadcast %select_n3A : i32 to vector<16xi32>
    %scan3A = arith.constant 0 : i32
    %scan3A_65 = arith.constant 0 : i32
    %scan3A_66 = arith.constant 256 : i32
    %scan3A_67 = arith.addi %scan3A_65, %scan3A_66 : i32
    %scan3A_68 = arith.constant 1 : i32
    scf.for %scan3A_171 = %scan3A_65 to %scan3A_67 step %scan3A_68  : i32 {
      %mul3A_172 = arith.constant 16 : i32
      %mul3A_173 = arith.muli %mul3A_172, %scan3A_171 : i32
      %add3A_174 = vector.broadcast %mul3A_173 : i32 to vector<16xi32>
      %add3A_175 = arith.addi %add3A_174, %iota3A : vector<16xi32>
      %sub3A_176 = arith.constant 2047 : i32
      %sub3A_177 = vector.broadcast %sub3A_176 : i32 to vector<16xi32>
      %sub3A_178 = arith.subi %add3A_175, %sub3A_177 : vector<16xi32>
      %add3A_179 = arith.addi %sub3A_178, %get3A_57 : vector<16xi32>
      %jit3A_180 = arith.constant -128 : i32
      %jit3A_181 = arith.constant 128 : i32
      %max3A = vector.broadcast %jit3A_180 : i32 to vector<16xi32>
      %max3A_182 = arith.maxsi %max3A, %add3A_179 : vector<16xi32>
      %min3A = vector.broadcast %jit3A_181 : i32 to vector<16xi32>
      %min3A_183 = arith.minsi %min3A, %max3A_182 : vector<16xi32>
      %add3A_184 = arith.constant 128 : i32
      %add3A_185 = vector.broadcast %add3A_184 : i32 to vector<16xi32>
      %add3A_186 = arith.addi %min3A_183, %add3A_185 : vector<16xi32>
      %mul3A_187 = arith.constant 16 : i32
      %mul3A_188 = vector.broadcast %mul3A_187 : i32 to vector<16xi32>
      %mul3A_189 = arith.muli %add3A_186, %mul3A_188 : vector<16xi32>
      %add3A_190 = vector.broadcast %select_n3A : i32 to vector<16xi32>
      %add3A_191 = arith.addi %mul3A_189, %add3A_190 : vector<16xi32>
      %gather3A_192 = tpu.vector_load_idx %arg5[%add3A_191] : memref<4112xf32, #tpu.memory_space<vmem>>[vector<16xi32>], vector<16xf32>,
      %mul3A_193 = arith.constant 16 : i32
      %mul3A_194 = arith.muli %mul3A_193, %scan3A_171 : i32
      %swap3A = arith.index_cast %mul3A_194 : i32 to index
      %swap3A_195 = tpu.vector_load %arg7[%swap3A] {strides = array<i32>} : memref<4096xf32, #tpu.memory_space<vmem>>, vector<16xf32>,
      tpu.vector_store %arg7[%swap3A], %gather3A_192 {strides = array<i32>} : memref<4096xf32, #tpu.memory_space<vmem>>, vector<16xf32>,
    }
    %scan3A_69 = arith.constant 256 : i32
    %gather3A = tpu.vector_load_idx %arg5[%broadcast_in_dim3A] : memref<4112xf32, #tpu.memory_space<vmem>>[vector<16xi32>], vector<16xf32>,
    %add3A_70 = arith.constant 4096 : i32
    %add3A_71 = vector.broadcast %add3A_70 : i32 to vector<16xi32>
    %add3A_72 = arith.addi %add3A_71, %broadcast_in_dim3A : vector<16xi32>
    %gather3A_73 = tpu.vector_load_idx %arg5[%add3A_72] : memref<4112xf32, #tpu.memory_space<vmem>>[vector<16xi32>], vector<16xf32>,
    %scan3A_74 = arith.constant 0 : i32
    %scan3A_75 = arith.constant 0 : i32
    %scan3A_76 = arith.constant 128 : i32
    %scan3A_77 = arith.addi %scan3A_75, %scan3A_76 : i32
    %scan3A_78 = arith.constant 1 : i32
    scf.for %scan3A_171 = %scan3A_75 to %scan3A_77 step %scan3A_78  : i32 {
      %rem3A_172 = arith.constant 4 : i32
      %rem3A_173 = arith.remsi %scan3A_171, %rem3A_172 : i32
      %add3A_174 = arith.addi %select_n3A_56, %scan3A_171 : i32
      %mul3A_175 = arith.constant 8 : i32
      %mul3A_176 = arith.muli %mul3A_175, %add3A_174 : i32
      %sub3A_177 = arith.constant 127 : i32
      %sub3A_178 = arith.subi %mul3A_176, %sub3A_177 : i32
      %sub3A_179 = arith.subi %sub3A_178, %reduce_max3A_64 : i32
      %shift_right_arithmetic3A = arith.constant 7 : i32
      %shift_right_arithmetic3A_180 = arith.shrsi %sub3A_179, %shift_right_arithmetic3A : i32
      %jit3A_181 = arith.constant 0 : i32
      %jit3A_182 = arith.constant 12 : i32
      %max3A = arith.maxsi %jit3A_181, %shift_right_arithmetic3A_180 : i32
      %min3A = arith.minsi %jit3A_182, %max3A : i32
      %ge3A = arith.constant 4 : i32
      %ge3A_183 = arith.cmpi sge, %scan3A_171, %ge3A : i32
      %sub3A_184 = arith.constant 4 : i32
      %sub3A_185 = arith.subi %add3A_174, %sub3A_184 : i32
      %mul3A_186 = arith.constant 8 : i32
      %mul3A_187 = arith.muli %mul3A_186, %sub3A_185 : i32
      %sub3A_188 = arith.constant 127 : i32
      %sub3A_189 = arith.subi %mul3A_187, %sub3A_188 : i32
      %sub3A_190 = arith.subi %sub3A_189, %reduce_max3A_64 : i32
      %shift_right_arithmetic3A_191 = arith.constant 7 : i32
      %shift_right_arithmetic3A_192 = arith.shrsi %sub3A_190, %shift_right_arithmetic3A_191 : i32
      %jit3A_193 = arith.constant 0 : i32
      %jit3A_194 = arith.constant 12 : i32
      %max3A_195 = arith.maxsi %jit3A_193, %shift_right_arithmetic3A_192 : i32
      %min3A_196 = arith.minsi %jit3A_194, %max3A_195 : i32
      %jit3A_197 = arith.constant 0 : i32
      %select_n3A_198 = arith.select %ge3A_183, %min3A_196, %jit3A_197 : i32
      %ge3A_199 = arith.constant 4 : i32
      %ge3A_200 = arith.cmpi sge, %scan3A_171, %ge3A_199 : i32
      %convert_element_type3A = arith.extui %ge3A_200 : i1 to i32
      %cond3A = arith.constant 0 : i32
      %cond3A_201 = arith.cmpi ne, %convert_element_type3A, %cond3A : i32
      scf.if %cond3A_201 {
        %dma_wait3A_3101 = arith.constant 0 : i32
        %dma_wait3A_3102 = arith.constant 0 : i32
        %dma_wait3A_3103 = arith.constant 0 : i32
        %dma_wait3A_3104 = arith.constant 0 : i32
        %dma_wait3A_3105 = arith.constant 0 : i32
        %dma_wait3A_3106 = arith.constant 0 : i32
        %dma_wait3A_3107 = tpu.memref_slice %arg8[%dma_wait3A_3101, %dma_wait3A_3104, %dma_wait3A_3105, %dma_wait3A_3106] : memref<4x16x8x128xf32, #tpu.memory_space<vmem>> -> memref<1x16x8x128xf32, #tpu.memory_space<vmem>>
        %dma_wait3A_3108 = tpu.memref_squeeze %dma_wait3A_3107 : memref<1x16x8x128xf32, #tpu.memory_space<vmem>> -> memref<16x8x128xf32, #tpu.memory_space<vmem>>
        %dma_wait3A_3109 = arith.constant 0 : i32
        %dma_wait3A_3110 = arith.constant 0 : i32
        %dma_wait3A_3111 = arith.constant 0 : i32
        %dma_wait3A_3112 = tpu.memref_slice %arg4[%dma_wait3A_3102, %dma_wait3A_3103, %dma_wait3A_3109, %dma_wait3A_3110, %dma_wait3A_3111] : memref<16x256x16x8x128xf32, #tpu.memory_space<hbm>> -> memref<1x1x16x8x128xf32, #tpu.memory_space<hbm>>
        %dma_wait3A_3113 = tpu.memref_squeeze %dma_wait3A_3112 : memref<1x1x16x8x128xf32, #tpu.memory_space<hbm>> -> memref<16x8x128xf32, #tpu.memory_space<hbm>>
        %dma_wait3A_3114 = arith.constant 0 : i32
        %dma_wait3A_3115 = arith.constant 0 : i32
        %dma_wait3A_3116 = arith.constant 0 : i32
        %dma_wait3A_3117 = tpu.memref_slice %arg4[%dma_wait3A_3102, %dma_wait3A_3103, %dma_wait3A_3114, %dma_wait3A_3115, %dma_wait3A_3116] : memref<16x256x16x8x128xf32, #tpu.memory_space<hbm>> -> memref<1x1x16x8x128xf32, #tpu.memory_space<hbm>>
        %dma_wait3A_3118 = tpu.memref_squeeze %dma_wait3A_3117 : memref<1x1x16x8x128xf32, #tpu.memory_space<hbm>> -> memref<16x8x128xf32, #tpu.memory_space<hbm>>
        %dma_wait3A_3119 = arith.constant 0 : i32
        %dma_wait3A_3120 = arith.constant 0 : i32
        %dma_wait3A_3121 = arith.constant 0 : i32
        %dma_wait3A_3122 = tpu.memref_slice %arg8[%dma_wait3A_3101, %dma_wait3A_3119, %dma_wait3A_3120, %dma_wait3A_3121] : memref<4x16x8x128xf32, #tpu.memory_space<vmem>> -> memref<1x16x8x128xf32, #tpu.memory_space<vmem>>
        %dma_wait3A_3123 = tpu.memref_squeeze %dma_wait3A_3122 : memref<1x16x8x128xf32, #tpu.memory_space<vmem>> -> memref<16x8x128xf32, #tpu.memory_space<vmem>>
        tpu.wait_dma2 semaphore(%arg9 : memref<!tpu.dma_semaphore, #tpu.memory_space<semaphore_mem>>) src(%dma_wait3A_3123 : memref<16x8x128xf32, #tpu.memory_space<vmem>>) dst(%dma_wait3A_3118 : memref<16x8x128xf32, #tpu.memory_space<hbm>>)
      } else {
      }
      %while3A = arith.constant 0 : i32
      %while3A_202 = arith.subi %min3A, %select_n3A_198 : i32
      %while3A_203 = arith.addi %select_n3A_198, %while3A_202 : i32
      %while3A_204 = arith.constant 1 : i32
      %while3A_205 = arith.divsi %while3A_202, %while3A_204 : i32
      %while3A_206 = arith.muli %while3A_205, %while3A_204 : i32
      %while3A_207 = arith.addi %select_n3A_198, %while3A_206 : i32
      %while3A_208 = arith.constant 1 : i32
      scf.for %while3A_3101 = %select_n3A_198 to %while3A_207 step %while3A_208  : i32 {
        %swap3A_3102 = arith.constant 0 : i32
        %swap3A_3103 = arith.index_cast %rem3A_173 : i32 to index
        %swap3A_3104 = arith.index_cast %while3A_3101 : i32 to index
        %swap3A_3105 = arith.index_cast %swap3A_3102 : i32 to index
        %swap3A_3106 = arith.constant 0 : index
        %swap3A_3107 = tpu.vector_load %arg8[%swap3A_3103, %swap3A_3104, %swap3A_3105, %swap3A_3106] {strides = array<i32>} : memref<4x16x8x128xf32, #tpu.memory_space<vmem>>, vector<16xf32>,
        tpu.vector_store %arg8[%swap3A_3103, %swap3A_3104, %swap3A_3105, %swap3A_3106], %gather3A {strides = array<i32>} : memref<4x16x8x128xf32, #tpu.memory_space<vmem>>, vector<16xf32>,
        %swap3A_3108 = arith.constant 0 : i32
        %swap3A_3109 = arith.index_cast %rem3A_173 : i32 to index
        %swap3A_3110 = arith.index_cast %while3A_3101 : i32 to index
        %swap3A_3111 = arith.index_cast %swap3A_3108 : i32 to index
        %swap3A_3112 = arith.constant 16 : index
        %swap3A_3113 = tpu.vector_load %arg8[%swap3A_3109, %swap3A_3110, %swap3A_3111, %swap3A_3112] {strides = array<i32>} : memref<4x16x8x128xf32, #tpu.memory_space<vmem>>, vector<16xf32>,
        tpu.vector_store %arg8[%swap3A_3109, %swap3A_3110, %swap3A_3111, %swap3A_3112], %gather3A {strides = array<i32>} : memref<4x16x8x128xf32, #tpu.memory_space<vmem>>, vector<16xf32>,
        %swap3A_3114 = arith.constant 0 : i32
        %swap3A_3115 = arith.index_cast %rem3A_173 : i32 to index
        %swap3A_3116 = arith.index_cast %while3A_3101 : i32 to index
        %swap3A_3117 = arith.index_cast %swap3A_3114 : i32 to index
        %swap3A_3118 = arith.constant 32 : index
        %swap3A_3119 = tpu.vector_load %arg8[%swap3A_3115, %swap3A_3116, %swap3A_3117, %swap3A_3118] {strides = array<i32>} : memref<4x16x8x128xf32, #tpu.memory_space<vmem>>, vector<16xf32>,
        tpu.vector_store %arg8[%swap3A_3115, %swap3A_3116, %swap3A_3117, %swap3A_3118], %gather3A {strides = array<i32>} : memref<4x16x8x128xf32, #tpu.memory_space<vmem>>, vector<16xf32>,
        %swap3A_3120 = arith.constant 0 : i32
        %swap3A_3121 = arith.index_cast %rem3A_173 : i32 to index
        %swap3A_3122 = arith.index_cast %while3A_3101 : i32 to index
        %swap3A_3123 = arith.index_cast %swap3A_3120 : i32 to index
        %swap3A_3124 = arith.constant 48 : index
        %swap3A_3125 = tpu.vector_load %arg8[%swap3A_3121, %swap3A_3122, %swap3A_3123, %swap3A_3124] {strides = array<i32>} : memref<4x16x8x128xf32, #tpu.memory_space<vmem>>, vector<16xf32>,
        tpu.vector_store %arg8[%swap3A_3121, %swap3A_3122, %swap3A_3123, %swap3A_3124], %gather3A {strides = array<i32>} : memref<4x16x8x128xf32, #tpu.memory_space<vmem>>, vector<16xf32>,
        %swap3A_3126 = arith.constant 0 : i32
        %swap3A_3127 = arith.index_cast %rem3A_173 : i32 to index
        %swap3A_3128 = arith.index_cast %while3A_3101 : i32 to index
        %swap3A_3129 = arith.index_cast %swap3A_3126 : i32 to index
        %swap3A_3130 = arith.constant 64 : index
        %swap3A_3131 = tpu.vector_load %arg8[%swap3A_3127, %swap3A_3128, %swap3A_3129, %swap3A_3130] {strides = array<i32>} : memref<4x16x8x128xf32, #tpu.memory_space<vmem>>, vector<16xf32>,
        tpu.vector_store %arg8[%swap3A_3127, %swap3A_3128, %swap3A_3129, %swap3A_3130], %gather3A {strides = array<i32>} : memref<4x16x8x128xf32, #tpu.memory_space<vmem>>, vector<16xf32>,
        %swap3A_3132 = arith.constant 0 : i32
        %swap3A_3133 = arith.index_cast %rem3A_173 : i32 to index
        %swap3A_3134 = arith.index_cast %while3A_3101 : i32 to index
        %swap3A_3135 = arith.index_cast %swap3A_3132 : i32 to index
        %swap3A_3136 = arith.constant 80 : index
        %swap3A_3137 = tpu.vector_load %arg8[%swap3A_3133, %swap3A_3134, %swap3A_3135, %swap3A_3136] {strides = array<i32>} : memref<4x16x8x128xf32, #tpu.memory_space<vmem>>, vector<16xf32>,
        tpu.vector_store %arg8[%swap3A_3133, %swap3A_3134, %swap3A_3135, %swap3A_3136], %gather3A {strides = array<i32>} : memref<4x16x8x128xf32, #tpu.memory_space<vmem>>, vector<16xf32>,
        %swap3A_3138 = arith.constant 0 : i32
        %swap3A_3139 = arith.index_cast %rem3A_173 : i32 to index
        %swap3A_3140 = arith.index_cast %while3A_3101 : i32 to index
        %swap3A_3141 = arith.index_cast %swap3A_3138 : i32 to index
        %swap3A_3142 = arith.constant 96 : index
        %swap3A_3143 = tpu.vector_load %arg8[%swap3A_3139, %swap3A_3140, %swap3A_3141, %swap3A_3142] {strides = array<i32>} : memref<4x16x8x128xf32, #tpu.memory_space<vmem>>, vector<16xf32>,
        tpu.vector_store %arg8[%swap3A_3139, %swap3A_3140, %swap3A_3141, %swap3A_3142], %gather3A {strides = array<i32>} : memref<4x16x8x128xf32, #tpu.memory_space<vmem>>, vector<16xf32>,
        %swap3A_3144 = arith.constant 0 : i32
        %swap3A_3145 = arith.index_cast %rem3A_173 : i32 to index
        %swap3A_3146 = arith.index_cast %while3A_3101 : i32 to index
        %swap3A_3147 = arith.index_cast %swap3A_3144 : i32 to index
        %swap3A_3148 = arith.constant 112 : index
        %swap3A_3149 = tpu.vector_load %arg8[%swap3A_3145, %swap3A_3146, %swap3A_3147, %swap3A_3148] {strides = array<i32>} : memref<4x16x8x128xf32, #tpu.memory_space<vmem>>, vector<16xf32>,
        tpu.vector_store %arg8[%swap3A_3145, %swap3A_3146, %swap3A_3147, %swap3A_3148], %gather3A {strides = array<i32>} : memref<4x16x8x128xf32, #tpu.memory_space<vmem>>, vector<16xf32>,
        %swap3A_3150 = arith.constant 1 : i32
        %swap3A_3151 = arith.index_cast %rem3A_173 : i32 to index
        %swap3A_3152 = arith.index_cast %while3A_3101 : i32 to index
        %swap3A_3153 = arith.index_cast %swap3A_3150 : i32 to index
        %swap3A_3154 = arith.constant 0 : index
        %swap3A_3155 = tpu.vector_load %arg8[%swap3A_3151, %swap3A_3152, %swap3A_3153, %swap3A_3154] {strides = array<i32>} : memref<4x16x8x128xf32, #tpu.memory_space<vmem>>, vector<16xf32>,
        tpu.vector_store %arg8[%swap3A_3151, %swap3A_3152, %swap3A_3153, %swap3A_3154], %gather3A {strides = array<i32>} : memref<4x16x8x128xf32, #tpu.memory_space<vmem>>, vector<16xf32>,
        %swap3A_3156 = arith.constant 1 : i32
        %swap3A_3157 = arith.index_cast %rem3A_173 : i32 to index
        %swap3A_3158 = arith.index_cast %while3A_3101 : i32 to index
        %swap3A_3159 = arith.index_cast %swap3A_3156 : i32 to index
        %swap3A_3160 = arith.constant 16 : index
        %swap3A_3161 = tpu.vector_load %arg8[%swap3A_3157, %swap3A_3158, %swap3A_3159, %swap3A_3160] {strides = array<i32>} : memref<4x16x8x128xf32, #tpu.memory_space<vmem>>, vector<16xf32>,
        tpu.vector_store %arg8[%swap3A_3157, %swap3A_3158, %swap3A_3159, %swap3A_3160], %gather3A {strides = array<i32>} : memref<4x16x8x128xf32, #tpu.memory_space<vmem>>, vector<16xf32>,
        %swap3A_3162 = arith.constant 1 : i32
        %swap3A_3163 = arith.index_cast %rem3A_173 : i32 to index
        %swap3A_3164 = arith.index_cast %while3A_3101 : i32 to index
        %swap3A_3165 = arith.index_cast %swap3A_3162 : i32 to index
        %swap3A_3166 = arith.constant 32 : index
        %swap3A_3167 = tpu.vector_load %arg8[%swap3A_3163, %swap3A_3164, %swap3A_3165, %swap3A_3166] {strides = array<i32>} : memref<4x16x8x128xf32, #tpu.memory_space<vmem>>, vector<16xf32>,
        tpu.vector_store %arg8[%swap3A_3163, %swap3A_3164, %swap3A_3165, %swap3A_3166], %gather3A {strides = array<i32>} : memref<4x16x8x128xf32, #tpu.memory_space<vmem>>, vector<16xf32>,
        %swap3A_3168 = arith.constant 1 : i32
        %swap3A_3169 = arith.index_cast %rem3A_173 : i32 to index
        %swap3A_3170 = arith.index_cast %while3A_3101 : i32 to index
        %swap3A_3171 = arith.index_cast %swap3A_3168 : i32 to index
        %swap3A_3172 = arith.constant 48 : index
        %swap3A_3173 = tpu.vector_load %arg8[%swap3A_3169, %swap3A_3170, %swap3A_3171, %swap3A_3172] {strides = array<i32>} : memref<4x16x8x128xf32, #tpu.memory_space<vmem>>, vector<16xf32>,
        tpu.vector_store %arg8[%swap3A_3169, %swap3A_3170, %swap3A_3171, %swap3A_3172], %gather3A {strides = array<i32>} : memref<4x16x8x128xf32, #tpu.memory_space<vmem>>, vector<16xf32>,
        %swap3A_3174 = arith.constant 1 : i32
        %swap3A_3175 = arith.index_cast %rem3A_173 : i32 to index
        %swap3A_3176 = arith.index_cast %while3A_3101 : i32 to index
        %swap3A_3177 = arith.index_cast %swap3A_3174 : i32 to index
        %swap3A_3178 = arith.constant 64 : index
        %swap3A_3179 = tpu.vector_load %arg8[%swap3A_3175, %swap3A_3176, %swap3A_3177, %swap3A_3178] {strides = array<i32>} : memref<4x16x8x128xf32, #tpu.memory_space<vmem>>, vector<16xf32>,
        tpu.vector_store %arg8[%swap3A_3175, %swap3A_3176, %swap3A_3177, %swap3A_3178], %gather3A {strides = array<i32>} : memref<4x16x8x128xf32, #tpu.memory_space<vmem>>, vector<16xf32>,
        %swap3A_3180 = arith.constant 1 : i32
        %swap3A_3181 = arith.index_cast %rem3A_173 : i32 to index
        %swap3A_3182 = arith.index_cast %while3A_3101 : i32 to index
        %swap3A_3183 = arith.index_cast %swap3A_3180 : i32 to index
        %swap3A_3184 = arith.constant 80 : index
        %swap3A_3185 = tpu.vector_load %arg8[%swap3A_3181, %swap3A_3182, %swap3A_3183, %swap3A_3184] {strides = array<i32>} : memref<4x16x8x128xf32, #tpu.memory_space<vmem>>, vector<16xf32>,
        tpu.vector_store %arg8[%swap3A_3181, %swap3A_3182, %swap3A_3183, %swap3A_3184], %gather3A {strides = array<i32>} : memref<4x16x8x128xf32, #tpu.memory_space<vmem>>, vector<16xf32>,
        %swap3A_3186 = arith.constant 1 : i32
        %swap3A_3187 = arith.index_cast %rem3A_173 : i32 to index
        %swap3A_3188 = arith.index_cast %while3A_3101 : i32 to index
        %swap3A_3189 = arith.index_cast %swap3A_3186 : i32 to index
        %swap3A_3190 = arith.constant 96 : index
        %swap3A_3191 = tpu.vector_load %arg8[%swap3A_3187, %swap3A_3188, %swap3A_3189, %swap3A_3190] {strides = array<i32>} : memref<4x16x8x128xf32, #tpu.memory_space<vmem>>, vector<16xf32>,
        tpu.vector_store %arg8[%swap3A_3187, %swap3A_3188, %swap3A_3189, %swap3A_3190], %gather3A {strides = array<i32>} : memref<4x16x8x128xf32, #tpu.memory_space<vmem>>, vector<16xf32>,
        %swap3A_3192 = arith.constant 1 : i32
        %swap3A_3193 = arith.index_cast %rem3A_173 : i32 to index
        %swap3A_3194 = arith.index_cast %while3A_3101 : i32 to index
        %swap3A_3195 = arith.index_cast %swap3A_3192 : i32 to index
        %swap3A_3196 = arith.constant 112 : index
        %swap3A_3197 = tpu.vector_load %arg8[%swap3A_3193, %swap3A_3194, %swap3A_3195, %swap3A_3196] {strides = array<i32>} : memref<4x16x8x128xf32, #tpu.memory_space<vmem>>, vector<16xf32>,
        tpu.vector_store %arg8[%swap3A_3193, %swap3A_3194, %swap3A_3195, %swap3A_3196], %gather3A {strides = array<i32>} : memref<4x16x8x128xf32, #tpu.memory_space<vmem>>, vector<16xf32>,
        %swap3A_3198 = arith.constant 2 : i32
        %swap3A_3199 = arith.index_cast %rem3A_173 : i32 to index
        %swap3A_3200 = arith.index_cast %while3A_3101 : i32 to index
        %swap3A_3201 = arith.index_cast %swap3A_3198 : i32 to index
        %swap3A_3202 = arith.constant 0 : index
        %swap3A_3203 = tpu.vector_load %arg8[%swap3A_3199, %swap3A_3200, %swap3A_3201, %swap3A_3202] {strides = array<i32>} : memref<4x16x8x128xf32, #tpu.memory_space<vmem>>, vector<16xf32>,
        tpu.vector_store %arg8[%swap3A_3199, %swap3A_3200, %swap3A_3201, %swap3A_3202], %gather3A {strides = array<i32>} : memref<4x16x8x128xf32, #tpu.memory_space<vmem>>, vector<16xf32>,
        %swap3A_3204 = arith.constant 2 : i32
        %swap3A_3205 = arith.index_cast %rem3A_173 : i32 to index
        %swap3A_3206 = arith.index_cast %while3A_3101 : i32 to index
        %swap3A_3207 = arith.index_cast %swap3A_3204 : i32 to index
        %swap3A_3208 = arith.constant 16 : index
        %swap3A_3209 = tpu.vector_load %arg8[%swap3A_3205, %swap3A_3206, %swap3A_3207, %swap3A_3208] {strides = array<i32>} : memref<4x16x8x128xf32, #tpu.memory_space<vmem>>, vector<16xf32>,
        tpu.vector_store %arg8[%swap3A_3205, %swap3A_3206, %swap3A_3207, %swap3A_3208], %gather3A {strides = array<i32>} : memref<4x16x8x128xf32, #tpu.memory_space<vmem>>, vector<16xf32>,
        %swap3A_3210 = arith.constant 2 : i32
        %swap3A_3211 = arith.index_cast %rem3A_173 : i32 to index
        %swap3A_3212 = arith.index_cast %while3A_3101 : i32 to index
        %swap3A_3213 = arith.index_cast %swap3A_3210 : i32 to index
        %swap3A_3214 = arith.constant 32 : index
        %swap3A_3215 = tpu.vector_load %arg8[%swap3A_3211, %swap3A_3212, %swap3A_3213, %swap3A_3214] {strides = array<i32>} : memref<4x16x8x128xf32, #tpu.memory_space<vmem>>, vector<16xf32>,
        tpu.vector_store %arg8[%swap3A_3211, %swap3A_3212, %swap3A_3213, %swap3A_3214], %gather3A {strides = array<i32>} : memref<4x16x8x128xf32, #tpu.memory_space<vmem>>, vector<16xf32>,
        %swap3A_3216 = arith.constant 2 : i32
        %swap3A_3217 = arith.index_cast %rem3A_173 : i32 to index
        %swap3A_3218 = arith.index_cast %while3A_3101 : i32 to index
        %swap3A_3219 = arith.index_cast %swap3A_3216 : i32 to index
        %swap3A_3220 = arith.constant 48 : index
        %swap3A_3221 = tpu.vector_load %arg8[%swap3A_3217, %swap3A_3218, %swap3A_3219, %swap3A_3220] {strides = array<i32>} : memref<4x16x8x128xf32, #tpu.memory_space<vmem>>, vector<16xf32>,
        tpu.vector_store %arg8[%swap3A_3217, %swap3A_3218, %swap3A_3219, %swap3A_3220], %gather3A {strides = array<i32>} : memref<4x16x8x128xf32, #tpu.memory_space<vmem>>, vector<16xf32>,
        %swap3A_3222 = arith.constant 2 : i32
        %swap3A_3223 = arith.index_cast %rem3A_173 : i32 to index
        %swap3A_3224 = arith.index_cast %while3A_3101 : i32 to index
        %swap3A_3225 = arith.index_cast %swap3A_3222 : i32 to index
        %swap3A_3226 = arith.constant 64 : index
        %swap3A_3227 = tpu.vector_load %arg8[%swap3A_3223, %swap3A_3224, %swap3A_3225, %swap3A_3226] {strides = array<i32>} : memref<4x16x8x128xf32, #tpu.memory_space<vmem>>, vector<16xf32>,
        tpu.vector_store %arg8[%swap3A_3223, %swap3A_3224, %swap3A_3225, %swap3A_3226], %gather3A {strides = array<i32>} : memref<4x16x8x128xf32, #tpu.memory_space<vmem>>, vector<16xf32>,
        %swap3A_3228 = arith.constant 2 : i32
        %swap3A_3229 = arith.index_cast %rem3A_173 : i32 to index
        %swap3A_3230 = arith.index_cast %while3A_3101 : i32 to index
        %swap3A_3231 = arith.index_cast %swap3A_3228 : i32 to index
        %swap3A_3232 = arith.constant 80 : index
        %swap3A_3233 = tpu.vector_load %arg8[%swap3A_3229, %swap3A_3230, %swap3A_3231, %swap3A_3232] {strides = array<i32>} : memref<4x16x8x128xf32, #tpu.memory_space<vmem>>, vector<16xf32>,
        tpu.vector_store %arg8[%swap3A_3229, %swap3A_3230, %swap3A_3231, %swap3A_3232], %gather3A {strides = array<i32>} : memref<4x16x8x128xf32, #tpu.memory_space<vmem>>, vector<16xf32>,
        %swap3A_3234 = arith.constant 2 : i32
        %swap3A_3235 = arith.index_cast %rem3A_173 : i32 to index
        %swap3A_3236 = arith.index_cast %while3A_3101 : i32 to index
        %swap3A_3237 = arith.index_cast %swap3A_3234 : i32 to index
        %swap3A_3238 = arith.constant 96 : index
        %swap3A_3239 = tpu.vector_load %arg8[%swap3A_3235, %swap3A_3236, %swap3A_3237, %swap3A_3238] {strides = array<i32>} : memref<4x16x8x128xf32, #tpu.memory_space<vmem>>, vector<16xf32>,
        tpu.vector_store %arg8[%swap3A_3235, %swap3A_3236, %swap3A_3237, %swap3A_3238], %gather3A {strides = array<i32>} : memref<4x16x8x128xf32, #tpu.memory_space<vmem>>, vector<16xf32>,
        %swap3A_3240 = arith.constant 2 : i32
        %swap3A_3241 = arith.index_cast %rem3A_173 : i32 to index
        %swap3A_3242 = arith.index_cast %while3A_3101 : i32 to index
        %swap3A_3243 = arith.index_cast %swap3A_3240 : i32 to index
        %swap3A_3244 = arith.constant 112 : index
        %swap3A_3245 = tpu.vector_load %arg8[%swap3A_3241, %swap3A_3242, %swap3A_3243, %swap3A_3244] {strides = array<i32>} : memref<4x16x8x128xf32, #tpu.memory_space<vmem>>, vector<16xf32>,
        tpu.vector_store %arg8[%swap3A_3241, %swap3A_3242, %swap3A_3243, %swap3A_3244], %gather3A {strides = array<i32>} : memref<4x16x8x128xf32, #tpu.memory_space<vmem>>, vector<16xf32>,
        %swap3A_3246 = arith.constant 3 : i32
        %swap3A_3247 = arith.index_cast %rem3A_173 : i32 to index
        %swap3A_3248 = arith.index_cast %while3A_3101 : i32 to index
        %swap3A_3249 = arith.index_cast %swap3A_3246 : i32 to index
        %swap3A_3250 = arith.constant 0 : index
        %swap3A_3251 = tpu.vector_load %arg8[%swap3A_3247, %swap3A_3248, %swap3A_3249, %swap3A_3250] {strides = array<i32>} : memref<4x16x8x128xf32, #tpu.memory_space<vmem>>, vector<16xf32>,
        tpu.vector_store %arg8[%swap3A_3247, %swap3A_3248, %swap3A_3249, %swap3A_3250], %gather3A {strides = array<i32>} : memref<4x16x8x128xf32, #tpu.memory_space<vmem>>, vector<16xf32>,
        %swap3A_3252 = arith.constant 3 : i32
        %swap3A_3253 = arith.index_cast %rem3A_173 : i32 to index
        %swap3A_3254 = arith.index_cast %while3A_3101 : i32 to index
        %swap3A_3255 = arith.index_cast %swap3A_3252 : i32 to index
        %swap3A_3256 = arith.constant 16 : index
        %swap3A_3257 = tpu.vector_load %arg8[%swap3A_3253, %swap3A_3254, %swap3A_3255, %swap3A_3256] {strides = array<i32>} : memref<4x16x8x128xf32, #tpu.memory_space<vmem>>, vector<16xf32>,
        tpu.vector_store %arg8[%swap3A_3253, %swap3A_3254, %swap3A_3255, %swap3A_3256], %gather3A {strides = array<i32>} : memref<4x16x8x128xf32, #tpu.memory_space<vmem>>, vector<16xf32>,
        %swap3A_3258 = arith.constant 3 : i32
        %swap3A_3259 = arith.index_cast %rem3A_173 : i32 to index
        %swap3A_3260 = arith.index_cast %while3A_3101 : i32 to index
        %swap3A_3261 = arith.index_cast %swap3A_3258 : i32 to index
        %swap3A_3262 = arith.constant 32 : index
        %swap3A_3263 = tpu.vector_load %arg8[%swap3A_3259, %swap3A_3260, %swap3A_3261, %swap3A_3262] {strides = array<i32>} : memref<4x16x8x128xf32, #tpu.memory_space<vmem>>, vector<16xf32>,
        tpu.vector_store %arg8[%swap3A_3259, %swap3A_3260, %swap3A_3261, %swap3A_3262], %gather3A {strides = array<i32>} : memref<4x16x8x128xf32, #tpu.memory_space<vmem>>, vector<16xf32>,
        %swap3A_3264 = arith.constant 3 : i32
        %swap3A_3265 = arith.index_cast %rem3A_173 : i32 to index
        %swap3A_3266 = arith.index_cast %while3A_3101 : i32 to index
        %swap3A_3267 = arith.index_cast %swap3A_3264 : i32 to index
        %swap3A_3268 = arith.constant 48 : index
        %swap3A_3269 = tpu.vector_load %arg8[%swap3A_3265, %swap3A_3266, %swap3A_3267, %swap3A_3268] {strides = array<i32>} : memref<4x16x8x128xf32, #tpu.memory_space<vmem>>, vector<16xf32>,
        tpu.vector_store %arg8[%swap3A_3265, %swap3A_3266, %swap3A_3267, %swap3A_3268], %gather3A {strides = array<i32>} : memref<4x16x8x128xf32, #tpu.memory_space<vmem>>, vector<16xf32>,
        %swap3A_3270 = arith.constant 3 : i32
        %swap3A_3271 = arith.index_cast %rem3A_173 : i32 to index
        %swap3A_3272 = arith.index_cast %while3A_3101 : i32 to index
        %swap3A_3273 = arith.index_cast %swap3A_3270 : i32 to index
        %swap3A_3274 = arith.constant 64 : index
        %swap3A_3275 = tpu.vector_load %arg8[%swap3A_3271, %swap3A_3272, %swap3A_3273, %swap3A_3274] {strides = array<i32>} : memref<4x16x8x128xf32, #tpu.memory_space<vmem>>, vector<16xf32>,
        tpu.vector_store %arg8[%swap3A_3271, %swap3A_3272, %swap3A_3273, %swap3A_3274], %gather3A {strides = array<i32>} : memref<4x16x8x128xf32, #tpu.memory_space<vmem>>, vector<16xf32>,
        %swap3A_3276 = arith.constant 3 : i32
        %swap3A_3277 = arith.index_cast %rem3A_173 : i32 to index
        %swap3A_3278 = arith.index_cast %while3A_3101 : i32 to index
        %swap3A_3279 = arith.index_cast %swap3A_3276 : i32 to index
        %swap3A_3280 = arith.constant 80 : index
        %swap3A_3281 = tpu.vector_load %arg8[%swap3A_3277, %swap3A_3278, %swap3A_3279, %swap3A_3280] {strides = array<i32>} : memref<4x16x8x128xf32, #tpu.memory_space<vmem>>, vector<16xf32>,
        tpu.vector_store %arg8[%swap3A_3277, %swap3A_3278, %swap3A_3279, %swap3A_3280], %gather3A {strides = array<i32>} : memref<4x16x8x128xf32, #tpu.memory_space<vmem>>, vector<16xf32>,
        %swap3A_3282 = arith.constant 3 : i32
        %swap3A_3283 = arith.index_cast %rem3A_173 : i32 to index
        %swap3A_3284 = arith.index_cast %while3A_3101 : i32 to index
        %swap3A_3285 = arith.index_cast %swap3A_3282 : i32 to index
        %swap3A_3286 = arith.constant 96 : index
        %swap3A_3287 = tpu.vector_load %arg8[%swap3A_3283, %swap3A_3284, %swap3A_3285, %swap3A_3286] {strides = array<i32>} : memref<4x16x8x128xf32, #tpu.memory_space<vmem>>, vector<16xf32>,
        tpu.vector_store %arg8[%swap3A_3283, %swap3A_3284, %swap3A_3285, %swap3A_3286], %gather3A {strides = array<i32>} : memref<4x16x8x128xf32, #tpu.memory_space<vmem>>, vector<16xf32>,
        %swap3A_3288 = arith.constant 3 : i32
        %swap3A_3289 = arith.index_cast %rem3A_173 : i32 to index
        %swap3A_3290 = arith.index_cast %while3A_3101 : i32 to index
        %swap3A_3291 = arith.index_cast %swap3A_3288 : i32 to index
        %swap3A_3292 = arith.constant 112 : index
        %swap3A_3293 = tpu.vector_load %arg8[%swap3A_3289, %swap3A_3290, %swap3A_3291, %swap3A_3292] {strides = array<i32>} : memref<4x16x8x128xf32, #tpu.memory_space<vmem>>, vector<16xf32>,
        tpu.vector_store %arg8[%swap3A_3289, %swap3A_3290, %swap3A_3291, %swap3A_3292], %gather3A {strides = array<i32>} : memref<4x16x8x128xf32, #tpu.memory_space<vmem>>, vector<16xf32>,
        %swap3A_3294 = arith.constant 4 : i32
        %swap3A_3295 = arith.index_cast %rem3A_173 : i32 to index
        %swap3A_3296 = arith.index_cast %while3A_3101 : i32 to index
        %swap3A_3297 = arith.index_cast %swap3A_3294 : i32 to index
        %swap3A_3298 = arith.constant 0 : index
        %swap3A_3299 = tpu.vector_load %arg8[%swap3A_3295, %swap3A_3296, %swap3A_3297, %swap3A_3298] {strides = array<i32>} : memref<4x16x8x128xf32, #tpu.memory_space<vmem>>, vector<16xf32>,
        tpu.vector_store %arg8[%swap3A_3295, %swap3A_3296, %swap3A_3297, %swap3A_3298], %gather3A {strides = array<i32>} : memref<4x16x8x128xf32, #tpu.memory_space<vmem>>, vector<16xf32>,
        %swap3A_3300 = arith.constant 4 : i32
        %swap3A_3301 = arith.index_cast %rem3A_173 : i32 to index
        %swap3A_3302 = arith.index_cast %while3A_3101 : i32 to index
        %swap3A_3303 = arith.index_cast %swap3A_3300 : i32 to index
        %swap3A_3304 = arith.constant 16 : index
        %swap3A_3305 = tpu.vector_load %arg8[%swap3A_3301, %swap3A_3302, %swap3A_3303, %swap3A_3304] {strides = array<i32>} : memref<4x16x8x128xf32, #tpu.memory_space<vmem>>, vector<16xf32>,
        tpu.vector_store %arg8[%swap3A_3301, %swap3A_3302, %swap3A_3303, %swap3A_3304], %gather3A {strides = array<i32>} : memref<4x16x8x128xf32, #tpu.memory_space<vmem>>, vector<16xf32>,
        %swap3A_3306 = arith.constant 4 : i32
        %swap3A_3307 = arith.index_cast %rem3A_173 : i32 to index
        %swap3A_3308 = arith.index_cast %while3A_3101 : i32 to index
        %swap3A_3309 = arith.index_cast %swap3A_3306 : i32 to index
        %swap3A_3310 = arith.constant 32 : index
        %swap3A_3311 = tpu.vector_load %arg8[%swap3A_3307, %swap3A_3308, %swap3A_3309, %swap3A_3310] {strides = array<i32>} : memref<4x16x8x128xf32, #tpu.memory_space<vmem>>, vector<16xf32>,
        tpu.vector_store %arg8[%swap3A_3307, %swap3A_3308, %swap3A_3309, %swap3A_3310], %gather3A {strides = array<i32>} : memref<4x16x8x128xf32, #tpu.memory_space<vmem>>, vector<16xf32>,
        %swap3A_3312 = arith.constant 4 : i32
        %swap3A_3313 = arith.index_cast %rem3A_173 : i32 to index
        %swap3A_3314 = arith.index_cast %while3A_3101 : i32 to index
        %swap3A_3315 = arith.index_cast %swap3A_3312 : i32 to index
        %swap3A_3316 = arith.constant 48 : index
        %swap3A_3317 = tpu.vector_load %arg8[%swap3A_3313, %swap3A_3314, %swap3A_3315, %swap3A_3316] {strides = array<i32>} : memref<4x16x8x128xf32, #tpu.memory_space<vmem>>, vector<16xf32>,
        tpu.vector_store %arg8[%swap3A_3313, %swap3A_3314, %swap3A_3315, %swap3A_3316], %gather3A {strides = array<i32>} : memref<4x16x8x128xf32, #tpu.memory_space<vmem>>, vector<16xf32>,
        %swap3A_3318 = arith.constant 4 : i32
        %swap3A_3319 = arith.index_cast %rem3A_173 : i32 to index
        %swap3A_3320 = arith.index_cast %while3A_3101 : i32 to index
        %swap3A_3321 = arith.index_cast %swap3A_3318 : i32 to index
        %swap3A_3322 = arith.constant 64 : index
        %swap3A_3323 = tpu.vector_load %arg8[%swap3A_3319, %swap3A_3320, %swap3A_3321, %swap3A_3322] {strides = array<i32>} : memref<4x16x8x128xf32, #tpu.memory_space<vmem>>, vector<16xf32>,
        tpu.vector_store %arg8[%swap3A_3319, %swap3A_3320, %swap3A_3321, %swap3A_3322], %gather3A {strides = array<i32>} : memref<4x16x8x128xf32, #tpu.memory_space<vmem>>, vector<16xf32>,
        %swap3A_3324 = arith.constant 4 : i32
        %swap3A_3325 = arith.index_cast %rem3A_173 : i32 to index
        %swap3A_3326 = arith.index_cast %while3A_3101 : i32 to index
        %swap3A_3327 = arith.index_cast %swap3A_3324 : i32 to index
        %swap3A_3328 = arith.constant 80 : index
        %swap3A_3329 = tpu.vector_load %arg8[%swap3A_3325, %swap3A_3326, %swap3A_3327, %swap3A_3328] {strides = array<i32>} : memref<4x16x8x128xf32, #tpu.memory_space<vmem>>, vector<16xf32>,
        tpu.vector_store %arg8[%swap3A_3325, %swap3A_3326, %swap3A_3327, %swap3A_3328], %gather3A {strides = array<i32>} : memref<4x16x8x128xf32, #tpu.memory_space<vmem>>, vector<16xf32>,
        %swap3A_3330 = arith.constant 4 : i32
        %swap3A_3331 = arith.index_cast %rem3A_173 : i32 to index
        %swap3A_3332 = arith.index_cast %while3A_3101 : i32 to index
        %swap3A_3333 = arith.index_cast %swap3A_3330 : i32 to index
        %swap3A_3334 = arith.constant 96 : index
        %swap3A_3335 = tpu.vector_load %arg8[%swap3A_3331, %swap3A_3332, %swap3A_3333, %swap3A_3334] {strides = array<i32>} : memref<4x16x8x128xf32, #tpu.memory_space<vmem>>, vector<16xf32>,
        tpu.vector_store %arg8[%swap3A_3331, %swap3A_3332, %swap3A_3333, %swap3A_3334], %gather3A {strides = array<i32>} : memref<4x16x8x128xf32, #tpu.memory_space<vmem>>, vector<16xf32>,
        %swap3A_3336 = arith.constant 4 : i32
        %swap3A_3337 = arith.index_cast %rem3A_173 : i32 to index
        %swap3A_3338 = arith.index_cast %while3A_3101 : i32 to index
        %swap3A_3339 = arith.index_cast %swap3A_3336 : i32 to index
        %swap3A_3340 = arith.constant 112 : index
        %swap3A_3341 = tpu.vector_load %arg8[%swap3A_3337, %swap3A_3338, %swap3A_3339, %swap3A_3340] {strides = array<i32>} : memref<4x16x8x128xf32, #tpu.memory_space<vmem>>, vector<16xf32>,
        tpu.vector_store %arg8[%swap3A_3337, %swap3A_3338, %swap3A_3339, %swap3A_3340], %gather3A {strides = array<i32>} : memref<4x16x8x128xf32, #tpu.memory_space<vmem>>, vector<16xf32>,
        %swap3A_3342 = arith.constant 5 : i32
        %swap3A_3343 = arith.index_cast %rem3A_173 : i32 to index
        %swap3A_3344 = arith.index_cast %while3A_3101 : i32 to index
        %swap3A_3345 = arith.index_cast %swap3A_3342 : i32 to index
        %swap3A_3346 = arith.constant 0 : index
        %swap3A_3347 = tpu.vector_load %arg8[%swap3A_3343, %swap3A_3344, %swap3A_3345, %swap3A_3346] {strides = array<i32>} : memref<4x16x8x128xf32, #tpu.memory_space<vmem>>, vector<16xf32>,
        tpu.vector_store %arg8[%swap3A_3343, %swap3A_3344, %swap3A_3345, %swap3A_3346], %gather3A {strides = array<i32>} : memref<4x16x8x128xf32, #tpu.memory_space<vmem>>, vector<16xf32>,
        %swap3A_3348 = arith.constant 5 : i32
        %swap3A_3349 = arith.index_cast %rem3A_173 : i32 to index
        %swap3A_3350 = arith.index_cast %while3A_3101 : i32 to index
        %swap3A_3351 = arith.index_cast %swap3A_3348 : i32 to index
        %swap3A_3352 = arith.constant 16 : index
        %swap3A_3353 = tpu.vector_load %arg8[%swap3A_3349, %swap3A_3350, %swap3A_3351, %swap3A_3352] {strides = array<i32>} : memref<4x16x8x128xf32, #tpu.memory_space<vmem>>, vector<16xf32>,
        tpu.vector_store %arg8[%swap3A_3349, %swap3A_3350, %swap3A_3351, %swap3A_3352], %gather3A {strides = array<i32>} : memref<4x16x8x128xf32, #tpu.memory_space<vmem>>, vector<16xf32>,
        %swap3A_3354 = arith.constant 5 : i32
        %swap3A_3355 = arith.index_cast %rem3A_173 : i32 to index
        %swap3A_3356 = arith.index_cast %while3A_3101 : i32 to index
        %swap3A_3357 = arith.index_cast %swap3A_3354 : i32 to index
        %swap3A_3358 = arith.constant 32 : index
        %swap3A_3359 = tpu.vector_load %arg8[%swap3A_3355, %swap3A_3356, %swap3A_3357, %swap3A_3358] {strides = array<i32>} : memref<4x16x8x128xf32, #tpu.memory_space<vmem>>, vector<16xf32>,
        tpu.vector_store %arg8[%swap3A_3355, %swap3A_3356, %swap3A_3357, %swap3A_3358], %gather3A {strides = array<i32>} : memref<4x16x8x128xf32, #tpu.memory_space<vmem>>, vector<16xf32>,
        %swap3A_3360 = arith.constant 5 : i32
        %swap3A_3361 = arith.index_cast %rem3A_173 : i32 to index
        %swap3A_3362 = arith.index_cast %while3A_3101 : i32 to index
        %swap3A_3363 = arith.index_cast %swap3A_3360 : i32 to index
        %swap3A_3364 = arith.constant 48 : index
        %swap3A_3365 = tpu.vector_load %arg8[%swap3A_3361, %swap3A_3362, %swap3A_3363, %swap3A_3364] {strides = array<i32>} : memref<4x16x8x128xf32, #tpu.memory_space<vmem>>, vector<16xf32>,
        tpu.vector_store %arg8[%swap3A_3361, %swap3A_3362, %swap3A_3363, %swap3A_3364], %gather3A {strides = array<i32>} : memref<4x16x8x128xf32, #tpu.memory_space<vmem>>, vector<16xf32>,
        %swap3A_3366 = arith.constant 5 : i32
        %swap3A_3367 = arith.index_cast %rem3A_173 : i32 to index
        %swap3A_3368 = arith.index_cast %while3A_3101 : i32 to index
        %swap3A_3369 = arith.index_cast %swap3A_3366 : i32 to index
        %swap3A_3370 = arith.constant 64 : index
        %swap3A_3371 = tpu.vector_load %arg8[%swap3A_3367, %swap3A_3368, %swap3A_3369, %swap3A_3370] {strides = array<i32>} : memref<4x16x8x128xf32, #tpu.memory_space<vmem>>, vector<16xf32>,
        tpu.vector_store %arg8[%swap3A_3367, %swap3A_3368, %swap3A_3369, %swap3A_3370], %gather3A {strides = array<i32>} : memref<4x16x8x128xf32, #tpu.memory_space<vmem>>, vector<16xf32>,
        %swap3A_3372 = arith.constant 5 : i32
        %swap3A_3373 = arith.index_cast %rem3A_173 : i32 to index
        %swap3A_3374 = arith.index_cast %while3A_3101 : i32 to index
        %swap3A_3375 = arith.index_cast %swap3A_3372 : i32 to index
        %swap3A_3376 = arith.constant 80 : index
        %swap3A_3377 = tpu.vector_load %arg8[%swap3A_3373, %swap3A_3374, %swap3A_3375, %swap3A_3376] {strides = array<i32>} : memref<4x16x8x128xf32, #tpu.memory_space<vmem>>, vector<16xf32>,
        tpu.vector_store %arg8[%swap3A_3373, %swap3A_3374, %swap3A_3375, %swap3A_3376], %gather3A {strides = array<i32>} : memref<4x16x8x128xf32, #tpu.memory_space<vmem>>, vector<16xf32>,
        %swap3A_3378 = arith.constant 5 : i32
        %swap3A_3379 = arith.index_cast %rem3A_173 : i32 to index
        %swap3A_3380 = arith.index_cast %while3A_3101 : i32 to index
        %swap3A_3381 = arith.index_cast %swap3A_3378 : i32 to index
        %swap3A_3382 = arith.constant 96 : index
        %swap3A_3383 = tpu.vector_load %arg8[%swap3A_3379, %swap3A_3380, %swap3A_3381, %swap3A_3382] {strides = array<i32>} : memref<4x16x8x128xf32, #tpu.memory_space<vmem>>, vector<16xf32>,
        tpu.vector_store %arg8[%swap3A_3379, %swap3A_3380, %swap3A_3381, %swap3A_3382], %gather3A {strides = array<i32>} : memref<4x16x8x128xf32, #tpu.memory_space<vmem>>, vector<16xf32>,
        %swap3A_3384 = arith.constant 5 : i32
        %swap3A_3385 = arith.index_cast %rem3A_173 : i32 to index
        %swap3A_3386 = arith.index_cast %while3A_3101 : i32 to index
        %swap3A_3387 = arith.index_cast %swap3A_3384 : i32 to index
        %swap3A_3388 = arith.constant 112 : index
        %swap3A_3389 = tpu.vector_load %arg8[%swap3A_3385, %swap3A_3386, %swap3A_3387, %swap3A_3388] {strides = array<i32>} : memref<4x16x8x128xf32, #tpu.memory_space<vmem>>, vector<16xf32>,
        tpu.vector_store %arg8[%swap3A_3385, %swap3A_3386, %swap3A_3387, %swap3A_3388], %gather3A {strides = array<i32>} : memref<4x16x8x128xf32, #tpu.memory_space<vmem>>, vector<16xf32>,
        %swap3A_3390 = arith.constant 6 : i32
        %swap3A_3391 = arith.index_cast %rem3A_173 : i32 to index
        %swap3A_3392 = arith.index_cast %while3A_3101 : i32 to index
        %swap3A_3393 = arith.index_cast %swap3A_3390 : i32 to index
        %swap3A_3394 = arith.constant 0 : index
        %swap3A_3395 = tpu.vector_load %arg8[%swap3A_3391, %swap3A_3392, %swap3A_3393, %swap3A_3394] {strides = array<i32>} : memref<4x16x8x128xf32, #tpu.memory_space<vmem>>, vector<16xf32>,
        tpu.vector_store %arg8[%swap3A_3391, %swap3A_3392, %swap3A_3393, %swap3A_3394], %gather3A {strides = array<i32>} : memref<4x16x8x128xf32, #tpu.memory_space<vmem>>, vector<16xf32>,
        %swap3A_3396 = arith.constant 6 : i32
        %swap3A_3397 = arith.index_cast %rem3A_173 : i32 to index
        %swap3A_3398 = arith.index_cast %while3A_3101 : i32 to index
        %swap3A_3399 = arith.index_cast %swap3A_3396 : i32 to index
        %swap3A_3400 = arith.constant 16 : index
        %swap3A_3401 = tpu.vector_load %arg8[%swap3A_3397, %swap3A_3398, %swap3A_3399, %swap3A_3400] {strides = array<i32>} : memref<4x16x8x128xf32, #tpu.memory_space<vmem>>, vector<16xf32>,
        tpu.vector_store %arg8[%swap3A_3397, %swap3A_3398, %swap3A_3399, %swap3A_3400], %gather3A {strides = array<i32>} : memref<4x16x8x128xf32, #tpu.memory_space<vmem>>, vector<16xf32>,
        %swap3A_3402 = arith.constant 6 : i32
        %swap3A_3403 = arith.index_cast %rem3A_173 : i32 to index
        %swap3A_3404 = arith.index_cast %while3A_3101 : i32 to index
        %swap3A_3405 = arith.index_cast %swap3A_3402 : i32 to index
        %swap3A_3406 = arith.constant 32 : index
        %swap3A_3407 = tpu.vector_load %arg8[%swap3A_3403, %swap3A_3404, %swap3A_3405, %swap3A_3406] {strides = array<i32>} : memref<4x16x8x128xf32, #tpu.memory_space<vmem>>, vector<16xf32>,
        tpu.vector_store %arg8[%swap3A_3403, %swap3A_3404, %swap3A_3405, %swap3A_3406], %gather3A {strides = array<i32>} : memref<4x16x8x128xf32, #tpu.memory_space<vmem>>, vector<16xf32>,
        %swap3A_3408 = arith.constant 6 : i32
        %swap3A_3409 = arith.index_cast %rem3A_173 : i32 to index
        %swap3A_3410 = arith.index_cast %while3A_3101 : i32 to index
        %swap3A_3411 = arith.index_cast %swap3A_3408 : i32 to index
        %swap3A_3412 = arith.constant 48 : index
        %swap3A_3413 = tpu.vector_load %arg8[%swap3A_3409, %swap3A_3410, %swap3A_3411, %swap3A_3412] {strides = array<i32>} : memref<4x16x8x128xf32, #tpu.memory_space<vmem>>, vector<16xf32>,
        tpu.vector_store %arg8[%swap3A_3409, %swap3A_3410, %swap3A_3411, %swap3A_3412], %gather3A {strides = array<i32>} : memref<4x16x8x128xf32, #tpu.memory_space<vmem>>, vector<16xf32>,
        %swap3A_3414 = arith.constant 6 : i32
        %swap3A_3415 = arith.index_cast %rem3A_173 : i32 to index
        %swap3A_3416 = arith.index_cast %while3A_3101 : i32 to index
        %swap3A_3417 = arith.index_cast %swap3A_3414 : i32 to index
        %swap3A_3418 = arith.constant 64 : index
        %swap3A_3419 = tpu.vector_load %arg8[%swap3A_3415, %swap3A_3416, %swap3A_3417, %swap3A_3418] {strides = array<i32>} : memref<4x16x8x128xf32, #tpu.memory_space<vmem>>, vector<16xf32>,
        tpu.vector_store %arg8[%swap3A_3415, %swap3A_3416, %swap3A_3417, %swap3A_3418], %gather3A {strides = array<i32>} : memref<4x16x8x128xf32, #tpu.memory_space<vmem>>, vector<16xf32>,
        %swap3A_3420 = arith.constant 6 : i32
        %swap3A_3421 = arith.index_cast %rem3A_173 : i32 to index
        %swap3A_3422 = arith.index_cast %while3A_3101 : i32 to index
        %swap3A_3423 = arith.index_cast %swap3A_3420 : i32 to index
        %swap3A_3424 = arith.constant 80 : index
        %swap3A_3425 = tpu.vector_load %arg8[%swap3A_3421, %swap3A_3422, %swap3A_3423, %swap3A_3424] {strides = array<i32>} : memref<4x16x8x128xf32, #tpu.memory_space<vmem>>, vector<16xf32>,
        tpu.vector_store %arg8[%swap3A_3421, %swap3A_3422, %swap3A_3423, %swap3A_3424], %gather3A {strides = array<i32>} : memref<4x16x8x128xf32, #tpu.memory_space<vmem>>, vector<16xf32>,
        %swap3A_3426 = arith.constant 6 : i32
        %swap3A_3427 = arith.index_cast %rem3A_173 : i32 to index
        %swap3A_3428 = arith.index_cast %while3A_3101 : i32 to index
        %swap3A_3429 = arith.index_cast %swap3A_3426 : i32 to index
        %swap3A_3430 = arith.constant 96 : index
        %swap3A_3431 = tpu.vector_load %arg8[%swap3A_3427, %swap3A_3428, %swap3A_3429, %swap3A_3430] {strides = array<i32>} : memref<4x16x8x128xf32, #tpu.memory_space<vmem>>, vector<16xf32>,
        tpu.vector_store %arg8[%swap3A_3427, %swap3A_3428, %swap3A_3429, %swap3A_3430], %gather3A {strides = array<i32>} : memref<4x16x8x128xf32, #tpu.memory_space<vmem>>, vector<16xf32>,
        %swap3A_3432 = arith.constant 6 : i32
        %swap3A_3433 = arith.index_cast %rem3A_173 : i32 to index
        %swap3A_3434 = arith.index_cast %while3A_3101 : i32 to index
        %swap3A_3435 = arith.index_cast %swap3A_3432 : i32 to index
        %swap3A_3436 = arith.constant 112 : index
        %swap3A_3437 = tpu.vector_load %arg8[%swap3A_3433, %swap3A_3434, %swap3A_3435, %swap3A_3436] {strides = array<i32>} : memref<4x16x8x128xf32, #tpu.memory_space<vmem>>, vector<16xf32>,
        tpu.vector_store %arg8[%swap3A_3433, %swap3A_3434, %swap3A_3435, %swap3A_3436], %gather3A {strides = array<i32>} : memref<4x16x8x128xf32, #tpu.memory_space<vmem>>, vector<16xf32>,
        %swap3A_3438 = arith.constant 7 : i32
        %swap3A_3439 = arith.index_cast %rem3A_173 : i32 to index
        %swap3A_3440 = arith.index_cast %while3A_3101 : i32 to index
        %swap3A_3441 = arith.index_cast %swap3A_3438 : i32 to index
        %swap3A_3442 = arith.constant 0 : index
        %swap3A_3443 = tpu.vector_load %arg8[%swap3A_3439, %swap3A_3440, %swap3A_3441, %swap3A_3442] {strides = array<i32>} : memref<4x16x8x128xf32, #tpu.memory_space<vmem>>, vector<16xf32>,
        tpu.vector_store %arg8[%swap3A_3439, %swap3A_3440, %swap3A_3441, %swap3A_3442], %gather3A {strides = array<i32>} : memref<4x16x8x128xf32, #tpu.memory_space<vmem>>, vector<16xf32>,
        %swap3A_3444 = arith.constant 7 : i32
        %swap3A_3445 = arith.index_cast %rem3A_173 : i32 to index
        %swap3A_3446 = arith.index_cast %while3A_3101 : i32 to index
        %swap3A_3447 = arith.index_cast %swap3A_3444 : i32 to index
        %swap3A_3448 = arith.constant 16 : index
        %swap3A_3449 = tpu.vector_load %arg8[%swap3A_3445, %swap3A_3446, %swap3A_3447, %swap3A_3448] {strides = array<i32>} : memref<4x16x8x128xf32, #tpu.memory_space<vmem>>, vector<16xf32>,
        tpu.vector_store %arg8[%swap3A_3445, %swap3A_3446, %swap3A_3447, %swap3A_3448], %gather3A {strides = array<i32>} : memref<4x16x8x128xf32, #tpu.memory_space<vmem>>, vector<16xf32>,
        %swap3A_3450 = arith.constant 7 : i32
        %swap3A_3451 = arith.index_cast %rem3A_173 : i32 to index
        %swap3A_3452 = arith.index_cast %while3A_3101 : i32 to index
        %swap3A_3453 = arith.index_cast %swap3A_3450 : i32 to index
        %swap3A_3454 = arith.constant 32 : index
        %swap3A_3455 = tpu.vector_load %arg8[%swap3A_3451, %swap3A_3452, %swap3A_3453, %swap3A_3454] {strides = array<i32>} : memref<4x16x8x128xf32, #tpu.memory_space<vmem>>, vector<16xf32>,
        tpu.vector_store %arg8[%swap3A_3451, %swap3A_3452, %swap3A_3453, %swap3A_3454], %gather3A {strides = array<i32>} : memref<4x16x8x128xf32, #tpu.memory_space<vmem>>, vector<16xf32>,
        %swap3A_3456 = arith.constant 7 : i32
        %swap3A_3457 = arith.index_cast %rem3A_173 : i32 to index
        %swap3A_3458 = arith.index_cast %while3A_3101 : i32 to index
        %swap3A_3459 = arith.index_cast %swap3A_3456 : i32 to index
        %swap3A_3460 = arith.constant 48 : index
        %swap3A_3461 = tpu.vector_load %arg8[%swap3A_3457, %swap3A_3458, %swap3A_3459, %swap3A_3460] {strides = array<i32>} : memref<4x16x8x128xf32, #tpu.memory_space<vmem>>, vector<16xf32>,
        tpu.vector_store %arg8[%swap3A_3457, %swap3A_3458, %swap3A_3459, %swap3A_3460], %gather3A {strides = array<i32>} : memref<4x16x8x128xf32, #tpu.memory_space<vmem>>, vector<16xf32>,
        %swap3A_3462 = arith.constant 7 : i32
        %swap3A_3463 = arith.index_cast %rem3A_173 : i32 to index
        %swap3A_3464 = arith.index_cast %while3A_3101 : i32 to index
        %swap3A_3465 = arith.index_cast %swap3A_3462 : i32 to index
        %swap3A_3466 = arith.constant 64 : index
        %swap3A_3467 = tpu.vector_load %arg8[%swap3A_3463, %swap3A_3464, %swap3A_3465, %swap3A_3466] {strides = array<i32>} : memref<4x16x8x128xf32, #tpu.memory_space<vmem>>, vector<16xf32>,
        tpu.vector_store %arg8[%swap3A_3463, %swap3A_3464, %swap3A_3465, %swap3A_3466], %gather3A {strides = array<i32>} : memref<4x16x8x128xf32, #tpu.memory_space<vmem>>, vector<16xf32>,
        %swap3A_3468 = arith.constant 7 : i32
        %swap3A_3469 = arith.index_cast %rem3A_173 : i32 to index
        %swap3A_3470 = arith.index_cast %while3A_3101 : i32 to index
        %swap3A_3471 = arith.index_cast %swap3A_3468 : i32 to index
        %swap3A_3472 = arith.constant 80 : index
        %swap3A_3473 = tpu.vector_load %arg8[%swap3A_3469, %swap3A_3470, %swap3A_3471, %swap3A_3472] {strides = array<i32>} : memref<4x16x8x128xf32, #tpu.memory_space<vmem>>, vector<16xf32>,
        tpu.vector_store %arg8[%swap3A_3469, %swap3A_3470, %swap3A_3471, %swap3A_3472], %gather3A {strides = array<i32>} : memref<4x16x8x128xf32, #tpu.memory_space<vmem>>, vector<16xf32>,
        %swap3A_3474 = arith.constant 7 : i32
        %swap3A_3475 = arith.index_cast %rem3A_173 : i32 to index
        %swap3A_3476 = arith.index_cast %while3A_3101 : i32 to index
        %swap3A_3477 = arith.index_cast %swap3A_3474 : i32 to index
        %swap3A_3478 = arith.constant 96 : index
        %swap3A_3479 = tpu.vector_load %arg8[%swap3A_3475, %swap3A_3476, %swap3A_3477, %swap3A_3478] {strides = array<i32>} : memref<4x16x8x128xf32, #tpu.memory_space<vmem>>, vector<16xf32>,
        tpu.vector_store %arg8[%swap3A_3475, %swap3A_3476, %swap3A_3477, %swap3A_3478], %gather3A {strides = array<i32>} : memref<4x16x8x128xf32, #tpu.memory_space<vmem>>, vector<16xf32>,
        %swap3A_3480 = arith.constant 7 : i32
        %swap3A_3481 = arith.index_cast %rem3A_173 : i32 to index
        %swap3A_3482 = arith.index_cast %while3A_3101 : i32 to index
        %swap3A_3483 = arith.index_cast %swap3A_3480 : i32 to index
        %swap3A_3484 = arith.constant 112 : index
        %swap3A_3485 = tpu.vector_load %arg8[%swap3A_3481, %swap3A_3482, %swap3A_3483, %swap3A_3484] {strides = array<i32>} : memref<4x16x8x128xf32, #tpu.memory_space<vmem>>, vector<16xf32>,
        tpu.vector_store %arg8[%swap3A_3481, %swap3A_3482, %swap3A_3483, %swap3A_3484], %gather3A {strides = array<i32>} : memref<4x16x8x128xf32, #tpu.memory_space<vmem>>, vector<16xf32>,
      }
      %while3A_209 = arith.constant 1 : i32
      scf.for %while3A_3101 = %while3A_207 to %while3A_203 step %while3A_209  : i32 {
        %swap3A_3102 = arith.constant 0 : i32
        %swap3A_3103 = arith.index_cast %rem3A_173 : i32 to index
        %swap3A_3104 = arith.index_cast %while3A_3101 : i32 to index
        %swap3A_3105 = arith.index_cast %swap3A_3102 : i32 to index
        %swap3A_3106 = arith.constant 0 : index
        %swap3A_3107 = tpu.vector_load %arg8[%swap3A_3103, %swap3A_3104, %swap3A_3105, %swap3A_3106] {strides = array<i32>} : memref<4x16x8x128xf32, #tpu.memory_space<vmem>>, vector<16xf32>,
        tpu.vector_store %arg8[%swap3A_3103, %swap3A_3104, %swap3A_3105, %swap3A_3106], %gather3A {strides = array<i32>} : memref<4x16x8x128xf32, #tpu.memory_space<vmem>>, vector<16xf32>,
        %swap3A_3108 = arith.constant 0 : i32
        %swap3A_3109 = arith.index_cast %rem3A_173 : i32 to index
        %swap3A_3110 = arith.index_cast %while3A_3101 : i32 to index
        %swap3A_3111 = arith.index_cast %swap3A_3108 : i32 to index
        %swap3A_3112 = arith.constant 16 : index
        %swap3A_3113 = tpu.vector_load %arg8[%swap3A_3109, %swap3A_3110, %swap3A_3111, %swap3A_3112] {strides = array<i32>} : memref<4x16x8x128xf32, #tpu.memory_space<vmem>>, vector<16xf32>,
        tpu.vector_store %arg8[%swap3A_3109, %swap3A_3110, %swap3A_3111, %swap3A_3112], %gather3A {strides = array<i32>} : memref<4x16x8x128xf32, #tpu.memory_space<vmem>>, vector<16xf32>,
        %swap3A_3114 = arith.constant 0 : i32
        %swap3A_3115 = arith.index_cast %rem3A_173 : i32 to index
        %swap3A_3116 = arith.index_cast %while3A_3101 : i32 to index
        %swap3A_3117 = arith.index_cast %swap3A_3114 : i32 to index
        %swap3A_3118 = arith.constant 32 : index
        %swap3A_3119 = tpu.vector_load %arg8[%swap3A_3115, %swap3A_3116, %swap3A_3117, %swap3A_3118] {strides = array<i32>} : memref<4x16x8x128xf32, #tpu.memory_space<vmem>>, vector<16xf32>,
        tpu.vector_store %arg8[%swap3A_3115, %swap3A_3116, %swap3A_3117, %swap3A_3118], %gather3A {strides = array<i32>} : memref<4x16x8x128xf32, #tpu.memory_space<vmem>>, vector<16xf32>,
        %swap3A_3120 = arith.constant 0 : i32
        %swap3A_3121 = arith.index_cast %rem3A_173 : i32 to index
        %swap3A_3122 = arith.index_cast %while3A_3101 : i32 to index
        %swap3A_3123 = arith.index_cast %swap3A_3120 : i32 to index
        %swap3A_3124 = arith.constant 48 : index
        %swap3A_3125 = tpu.vector_load %arg8[%swap3A_3121, %swap3A_3122, %swap3A_3123, %swap3A_3124] {strides = array<i32>} : memref<4x16x8x128xf32, #tpu.memory_space<vmem>>, vector<16xf32>,
        tpu.vector_store %arg8[%swap3A_3121, %swap3A_3122, %swap3A_3123, %swap3A_3124], %gather3A {strides = array<i32>} : memref<4x16x8x128xf32, #tpu.memory_space<vmem>>, vector<16xf32>,
        %swap3A_3126 = arith.constant 0 : i32
        %swap3A_3127 = arith.index_cast %rem3A_173 : i32 to index
        %swap3A_3128 = arith.index_cast %while3A_3101 : i32 to index
        %swap3A_3129 = arith.index_cast %swap3A_3126 : i32 to index
        %swap3A_3130 = arith.constant 64 : index
        %swap3A_3131 = tpu.vector_load %arg8[%swap3A_3127, %swap3A_3128, %swap3A_3129, %swap3A_3130] {strides = array<i32>} : memref<4x16x8x128xf32, #tpu.memory_space<vmem>>, vector<16xf32>,
        tpu.vector_store %arg8[%swap3A_3127, %swap3A_3128, %swap3A_3129, %swap3A_3130], %gather3A {strides = array<i32>} : memref<4x16x8x128xf32, #tpu.memory_space<vmem>>, vector<16xf32>,
        %swap3A_3132 = arith.constant 0 : i32
        %swap3A_3133 = arith.index_cast %rem3A_173 : i32 to index
        %swap3A_3134 = arith.index_cast %while3A_3101 : i32 to index
        %swap3A_3135 = arith.index_cast %swap3A_3132 : i32 to index
        %swap3A_3136 = arith.constant 80 : index
        %swap3A_3137 = tpu.vector_load %arg8[%swap3A_3133, %swap3A_3134, %swap3A_3135, %swap3A_3136] {strides = array<i32>} : memref<4x16x8x128xf32, #tpu.memory_space<vmem>>, vector<16xf32>,
        tpu.vector_store %arg8[%swap3A_3133, %swap3A_3134, %swap3A_3135, %swap3A_3136], %gather3A {strides = array<i32>} : memref<4x16x8x128xf32, #tpu.memory_space<vmem>>, vector<16xf32>,
        %swap3A_3138 = arith.constant 0 : i32
        %swap3A_3139 = arith.index_cast %rem3A_173 : i32 to index
        %swap3A_3140 = arith.index_cast %while3A_3101 : i32 to index
        %swap3A_3141 = arith.index_cast %swap3A_3138 : i32 to index
        %swap3A_3142 = arith.constant 96 : index
        %swap3A_3143 = tpu.vector_load %arg8[%swap3A_3139, %swap3A_3140, %swap3A_3141, %swap3A_3142] {strides = array<i32>} : memref<4x16x8x128xf32, #tpu.memory_space<vmem>>, vector<16xf32>,
        tpu.vector_store %arg8[%swap3A_3139, %swap3A_3140, %swap3A_3141, %swap3A_3142], %gather3A {strides = array<i32>} : memref<4x16x8x128xf32, #tpu.memory_space<vmem>>, vector<16xf32>,
        %swap3A_3144 = arith.constant 0 : i32
        %swap3A_3145 = arith.index_cast %rem3A_173 : i32 to index
        %swap3A_3146 = arith.index_cast %while3A_3101 : i32 to index
        %swap3A_3147 = arith.index_cast %swap3A_3144 : i32 to index
        %swap3A_3148 = arith.constant 112 : index
        %swap3A_3149 = tpu.vector_load %arg8[%swap3A_3145, %swap3A_3146, %swap3A_3147, %swap3A_3148] {strides = array<i32>} : memref<4x16x8x128xf32, #tpu.memory_space<vmem>>, vector<16xf32>,
        tpu.vector_store %arg8[%swap3A_3145, %swap3A_3146, %swap3A_3147, %swap3A_3148], %gather3A {strides = array<i32>} : memref<4x16x8x128xf32, #tpu.memory_space<vmem>>, vector<16xf32>,
        %swap3A_3150 = arith.constant 1 : i32
        %swap3A_3151 = arith.index_cast %rem3A_173 : i32 to index
        %swap3A_3152 = arith.index_cast %while3A_3101 : i32 to index
        %swap3A_3153 = arith.index_cast %swap3A_3150 : i32 to index
        %swap3A_3154 = arith.constant 0 : index
        %swap3A_3155 = tpu.vector_load %arg8[%swap3A_3151, %swap3A_3152, %swap3A_3153, %swap3A_3154] {strides = array<i32>} : memref<4x16x8x128xf32, #tpu.memory_space<vmem>>, vector<16xf32>,
        tpu.vector_store %arg8[%swap3A_3151, %swap3A_3152, %swap3A_3153, %swap3A_3154], %gather3A {strides = array<i32>} : memref<4x16x8x128xf32, #tpu.memory_space<vmem>>, vector<16xf32>,
        %swap3A_3156 = arith.constant 1 : i32
        %swap3A_3157 = arith.index_cast %rem3A_173 : i32 to index
        %swap3A_3158 = arith.index_cast %while3A_3101 : i32 to index
        %swap3A_3159 = arith.index_cast %swap3A_3156 : i32 to index
        %swap3A_3160 = arith.constant 16 : index
        %swap3A_3161 = tpu.vector_load %arg8[%swap3A_3157, %swap3A_3158, %swap3A_3159, %swap3A_3160] {strides = array<i32>} : memref<4x16x8x128xf32, #tpu.memory_space<vmem>>, vector<16xf32>,
        tpu.vector_store %arg8[%swap3A_3157, %swap3A_3158, %swap3A_3159, %swap3A_3160], %gather3A {strides = array<i32>} : memref<4x16x8x128xf32, #tpu.memory_space<vmem>>, vector<16xf32>,
        %swap3A_3162 = arith.constant 1 : i32
        %swap3A_3163 = arith.index_cast %rem3A_173 : i32 to index
        %swap3A_3164 = arith.index_cast %while3A_3101 : i32 to index
        %swap3A_3165 = arith.index_cast %swap3A_3162 : i32 to index
        %swap3A_3166 = arith.constant 32 : index
        %swap3A_3167 = tpu.vector_load %arg8[%swap3A_3163, %swap3A_3164, %swap3A_3165, %swap3A_3166] {strides = array<i32>} : memref<4x16x8x128xf32, #tpu.memory_space<vmem>>, vector<16xf32>,
        tpu.vector_store %arg8[%swap3A_3163, %swap3A_3164, %swap3A_3165, %swap3A_3166], %gather3A {strides = array<i32>} : memref<4x16x8x128xf32, #tpu.memory_space<vmem>>, vector<16xf32>,
        %swap3A_3168 = arith.constant 1 : i32
        %swap3A_3169 = arith.index_cast %rem3A_173 : i32 to index
        %swap3A_3170 = arith.index_cast %while3A_3101 : i32 to index
        %swap3A_3171 = arith.index_cast %swap3A_3168 : i32 to index
        %swap3A_3172 = arith.constant 48 : index
        %swap3A_3173 = tpu.vector_load %arg8[%swap3A_3169, %swap3A_3170, %swap3A_3171, %swap3A_3172] {strides = array<i32>} : memref<4x16x8x128xf32, #tpu.memory_space<vmem>>, vector<16xf32>,
        tpu.vector_store %arg8[%swap3A_3169, %swap3A_3170, %swap3A_3171, %swap3A_3172], %gather3A {strides = array<i32>} : memref<4x16x8x128xf32, #tpu.memory_space<vmem>>, vector<16xf32>,
        %swap3A_3174 = arith.constant 1 : i32
        %swap3A_3175 = arith.index_cast %rem3A_173 : i32 to index
        %swap3A_3176 = arith.index_cast %while3A_3101 : i32 to index
        %swap3A_3177 = arith.index_cast %swap3A_3174 : i32 to index
        %swap3A_3178 = arith.constant 64 : index
        %swap3A_3179 = tpu.vector_load %arg8[%swap3A_3175, %swap3A_3176, %swap3A_3177, %swap3A_3178] {strides = array<i32>} : memref<4x16x8x128xf32, #tpu.memory_space<vmem>>, vector<16xf32>,
        tpu.vector_store %arg8[%swap3A_3175, %swap3A_3176, %swap3A_3177, %swap3A_3178], %gather3A {strides = array<i32>} : memref<4x16x8x128xf32, #tpu.memory_space<vmem>>, vector<16xf32>,
        %swap3A_3180 = arith.constant 1 : i32
        %swap3A_3181 = arith.index_cast %rem3A_173 : i32 to index
        %swap3A_3182 = arith.index_cast %while3A_3101 : i32 to index
        %swap3A_3183 = arith.index_cast %swap3A_3180 : i32 to index
        %swap3A_3184 = arith.constant 80 : index
        %swap3A_3185 = tpu.vector_load %arg8[%swap3A_3181, %swap3A_3182, %swap3A_3183, %swap3A_3184] {strides = array<i32>} : memref<4x16x8x128xf32, #tpu.memory_space<vmem>>, vector<16xf32>,
        tpu.vector_store %arg8[%swap3A_3181, %swap3A_3182, %swap3A_3183, %swap3A_3184], %gather3A {strides = array<i32>} : memref<4x16x8x128xf32, #tpu.memory_space<vmem>>, vector<16xf32>,
        %swap3A_3186 = arith.constant 1 : i32
        %swap3A_3187 = arith.index_cast %rem3A_173 : i32 to index
        %swap3A_3188 = arith.index_cast %while3A_3101 : i32 to index
        %swap3A_3189 = arith.index_cast %swap3A_3186 : i32 to index
        %swap3A_3190 = arith.constant 96 : index
        %swap3A_3191 = tpu.vector_load %arg8[%swap3A_3187, %swap3A_3188, %swap3A_3189, %swap3A_3190] {strides = array<i32>} : memref<4x16x8x128xf32, #tpu.memory_space<vmem>>, vector<16xf32>,
        tpu.vector_store %arg8[%swap3A_3187, %swap3A_3188, %swap3A_3189, %swap3A_3190], %gather3A {strides = array<i32>} : memref<4x16x8x128xf32, #tpu.memory_space<vmem>>, vector<16xf32>,
        %swap3A_3192 = arith.constant 1 : i32
        %swap3A_3193 = arith.index_cast %rem3A_173 : i32 to index
        %swap3A_3194 = arith.index_cast %while3A_3101 : i32 to index
        %swap3A_3195 = arith.index_cast %swap3A_3192 : i32 to index
        %swap3A_3196 = arith.constant 112 : index
        %swap3A_3197 = tpu.vector_load %arg8[%swap3A_3193, %swap3A_3194, %swap3A_3195, %swap3A_3196] {strides = array<i32>} : memref<4x16x8x128xf32, #tpu.memory_space<vmem>>, vector<16xf32>,
        tpu.vector_store %arg8[%swap3A_3193, %swap3A_3194, %swap3A_3195, %swap3A_3196], %gather3A {strides = array<i32>} : memref<4x16x8x128xf32, #tpu.memory_space<vmem>>, vector<16xf32>,
        %swap3A_3198 = arith.constant 2 : i32
        %swap3A_3199 = arith.index_cast %rem3A_173 : i32 to index
        %swap3A_3200 = arith.index_cast %while3A_3101 : i32 to index
        %swap3A_3201 = arith.index_cast %swap3A_3198 : i32 to index
        %swap3A_3202 = arith.constant 0 : index
        %swap3A_3203 = tpu.vector_load %arg8[%swap3A_3199, %swap3A_3200, %swap3A_3201, %swap3A_3202] {strides = array<i32>} : memref<4x16x8x128xf32, #tpu.memory_space<vmem>>, vector<16xf32>,
        tpu.vector_store %arg8[%swap3A_3199, %swap3A_3200, %swap3A_3201, %swap3A_3202], %gather3A {strides = array<i32>} : memref<4x16x8x128xf32, #tpu.memory_space<vmem>>, vector<16xf32>,
        %swap3A_3204 = arith.constant 2 : i32
        %swap3A_3205 = arith.index_cast %rem3A_173 : i32 to index
        %swap3A_3206 = arith.index_cast %while3A_3101 : i32 to index
        %swap3A_3207 = arith.index_cast %swap3A_3204 : i32 to index
        %swap3A_3208 = arith.constant 16 : index
        %swap3A_3209 = tpu.vector_load %arg8[%swap3A_3205, %swap3A_3206, %swap3A_3207, %swap3A_3208] {strides = array<i32>} : memref<4x16x8x128xf32, #tpu.memory_space<vmem>>, vector<16xf32>,
        tpu.vector_store %arg8[%swap3A_3205, %swap3A_3206, %swap3A_3207, %swap3A_3208], %gather3A {strides = array<i32>} : memref<4x16x8x128xf32, #tpu.memory_space<vmem>>, vector<16xf32>,
        %swap3A_3210 = arith.constant 2 : i32
        %swap3A_3211 = arith.index_cast %rem3A_173 : i32 to index
        %swap3A_3212 = arith.index_cast %while3A_3101 : i32 to index
        %swap3A_3213 = arith.index_cast %swap3A_3210 : i32 to index
        %swap3A_3214 = arith.constant 32 : index
        %swap3A_3215 = tpu.vector_load %arg8[%swap3A_3211, %swap3A_3212, %swap3A_3213, %swap3A_3214] {strides = array<i32>} : memref<4x16x8x128xf32, #tpu.memory_space<vmem>>, vector<16xf32>,
        tpu.vector_store %arg8[%swap3A_3211, %swap3A_3212, %swap3A_3213, %swap3A_3214], %gather3A {strides = array<i32>} : memref<4x16x8x128xf32, #tpu.memory_space<vmem>>, vector<16xf32>,
        %swap3A_3216 = arith.constant 2 : i32
        %swap3A_3217 = arith.index_cast %rem3A_173 : i32 to index
        %swap3A_3218 = arith.index_cast %while3A_3101 : i32 to index
        %swap3A_3219 = arith.index_cast %swap3A_3216 : i32 to index
        %swap3A_3220 = arith.constant 48 : index
        %swap3A_3221 = tpu.vector_load %arg8[%swap3A_3217, %swap3A_3218, %swap3A_3219, %swap3A_3220] {strides = array<i32>} : memref<4x16x8x128xf32, #tpu.memory_space<vmem>>, vector<16xf32>,
        tpu.vector_store %arg8[%swap3A_3217, %swap3A_3218, %swap3A_3219, %swap3A_3220], %gather3A {strides = array<i32>} : memref<4x16x8x128xf32, #tpu.memory_space<vmem>>, vector<16xf32>,
        %swap3A_3222 = arith.constant 2 : i32
        %swap3A_3223 = arith.index_cast %rem3A_173 : i32 to index
        %swap3A_3224 = arith.index_cast %while3A_3101 : i32 to index
        %swap3A_3225 = arith.index_cast %swap3A_3222 : i32 to index
        %swap3A_3226 = arith.constant 64 : index
        %swap3A_3227 = tpu.vector_load %arg8[%swap3A_3223, %swap3A_3224, %swap3A_3225, %swap3A_3226] {strides = array<i32>} : memref<4x16x8x128xf32, #tpu.memory_space<vmem>>, vector<16xf32>,
        tpu.vector_store %arg8[%swap3A_3223, %swap3A_3224, %swap3A_3225, %swap3A_3226], %gather3A {strides = array<i32>} : memref<4x16x8x128xf32, #tpu.memory_space<vmem>>, vector<16xf32>,
        %swap3A_3228 = arith.constant 2 : i32
        %swap3A_3229 = arith.index_cast %rem3A_173 : i32 to index
        %swap3A_3230 = arith.index_cast %while3A_3101 : i32 to index
        %swap3A_3231 = arith.index_cast %swap3A_3228 : i32 to index
        %swap3A_3232 = arith.constant 80 : index
        %swap3A_3233 = tpu.vector_load %arg8[%swap3A_3229, %swap3A_3230, %swap3A_3231, %swap3A_3232] {strides = array<i32>} : memref<4x16x8x128xf32, #tpu.memory_space<vmem>>, vector<16xf32>,
        tpu.vector_store %arg8[%swap3A_3229, %swap3A_3230, %swap3A_3231, %swap3A_3232], %gather3A {strides = array<i32>} : memref<4x16x8x128xf32, #tpu.memory_space<vmem>>, vector<16xf32>,
        %swap3A_3234 = arith.constant 2 : i32
        %swap3A_3235 = arith.index_cast %rem3A_173 : i32 to index
        %swap3A_3236 = arith.index_cast %while3A_3101 : i32 to index
        %swap3A_3237 = arith.index_cast %swap3A_3234 : i32 to index
        %swap3A_3238 = arith.constant 96 : index
        %swap3A_3239 = tpu.vector_load %arg8[%swap3A_3235, %swap3A_3236, %swap3A_3237, %swap3A_3238] {strides = array<i32>} : memref<4x16x8x128xf32, #tpu.memory_space<vmem>>, vector<16xf32>,
        tpu.vector_store %arg8[%swap3A_3235, %swap3A_3236, %swap3A_3237, %swap3A_3238], %gather3A {strides = array<i32>} : memref<4x16x8x128xf32, #tpu.memory_space<vmem>>, vector<16xf32>,
        %swap3A_3240 = arith.constant 2 : i32
        %swap3A_3241 = arith.index_cast %rem3A_173 : i32 to index
        %swap3A_3242 = arith.index_cast %while3A_3101 : i32 to index
        %swap3A_3243 = arith.index_cast %swap3A_3240 : i32 to index
        %swap3A_3244 = arith.constant 112 : index
        %swap3A_3245 = tpu.vector_load %arg8[%swap3A_3241, %swap3A_3242, %swap3A_3243, %swap3A_3244] {strides = array<i32>} : memref<4x16x8x128xf32, #tpu.memory_space<vmem>>, vector<16xf32>,
        tpu.vector_store %arg8[%swap3A_3241, %swap3A_3242, %swap3A_3243, %swap3A_3244], %gather3A {strides = array<i32>} : memref<4x16x8x128xf32, #tpu.memory_space<vmem>>, vector<16xf32>,
        %swap3A_3246 = arith.constant 3 : i32
        %swap3A_3247 = arith.index_cast %rem3A_173 : i32 to index
        %swap3A_3248 = arith.index_cast %while3A_3101 : i32 to index
        %swap3A_3249 = arith.index_cast %swap3A_3246 : i32 to index
        %swap3A_3250 = arith.constant 0 : index
        %swap3A_3251 = tpu.vector_load %arg8[%swap3A_3247, %swap3A_3248, %swap3A_3249, %swap3A_3250] {strides = array<i32>} : memref<4x16x8x128xf32, #tpu.memory_space<vmem>>, vector<16xf32>,
        tpu.vector_store %arg8[%swap3A_3247, %swap3A_3248, %swap3A_3249, %swap3A_3250], %gather3A {strides = array<i32>} : memref<4x16x8x128xf32, #tpu.memory_space<vmem>>, vector<16xf32>,
        %swap3A_3252 = arith.constant 3 : i32
        %swap3A_3253 = arith.index_cast %rem3A_173 : i32 to index
        %swap3A_3254 = arith.index_cast %while3A_3101 : i32 to index
        %swap3A_3255 = arith.index_cast %swap3A_3252 : i32 to index
        %swap3A_3256 = arith.constant 16 : index
        %swap3A_3257 = tpu.vector_load %arg8[%swap3A_3253, %swap3A_3254, %swap3A_3255, %swap3A_3256] {strides = array<i32>} : memref<4x16x8x128xf32, #tpu.memory_space<vmem>>, vector<16xf32>,
        tpu.vector_store %arg8[%swap3A_3253, %swap3A_3254, %swap3A_3255, %swap3A_3256], %gather3A {strides = array<i32>} : memref<4x16x8x128xf32, #tpu.memory_space<vmem>>, vector<16xf32>,
        %swap3A_3258 = arith.constant 3 : i32
        %swap3A_3259 = arith.index_cast %rem3A_173 : i32 to index
        %swap3A_3260 = arith.index_cast %while3A_3101 : i32 to index
        %swap3A_3261 = arith.index_cast %swap3A_3258 : i32 to index
        %swap3A_3262 = arith.constant 32 : index
        %swap3A_3263 = tpu.vector_load %arg8[%swap3A_3259, %swap3A_3260, %swap3A_3261, %swap3A_3262] {strides = array<i32>} : memref<4x16x8x128xf32, #tpu.memory_space<vmem>>, vector<16xf32>,
        tpu.vector_store %arg8[%swap3A_3259, %swap3A_3260, %swap3A_3261, %swap3A_3262], %gather3A {strides = array<i32>} : memref<4x16x8x128xf32, #tpu.memory_space<vmem>>, vector<16xf32>,
        %swap3A_3264 = arith.constant 3 : i32
        %swap3A_3265 = arith.index_cast %rem3A_173 : i32 to index
        %swap3A_3266 = arith.index_cast %while3A_3101 : i32 to index
        %swap3A_3267 = arith.index_cast %swap3A_3264 : i32 to index
        %swap3A_3268 = arith.constant 48 : index
        %swap3A_3269 = tpu.vector_load %arg8[%swap3A_3265, %swap3A_3266, %swap3A_3267, %swap3A_3268] {strides = array<i32>} : memref<4x16x8x128xf32, #tpu.memory_space<vmem>>, vector<16xf32>,
        tpu.vector_store %arg8[%swap3A_3265, %swap3A_3266, %swap3A_3267, %swap3A_3268], %gather3A {strides = array<i32>} : memref<4x16x8x128xf32, #tpu.memory_space<vmem>>, vector<16xf32>,
        %swap3A_3270 = arith.constant 3 : i32
        %swap3A_3271 = arith.index_cast %rem3A_173 : i32 to index
        %swap3A_3272 = arith.index_cast %while3A_3101 : i32 to index
        %swap3A_3273 = arith.index_cast %swap3A_3270 : i32 to index
        %swap3A_3274 = arith.constant 64 : index
        %swap3A_3275 = tpu.vector_load %arg8[%swap3A_3271, %swap3A_3272, %swap3A_3273, %swap3A_3274] {strides = array<i32>} : memref<4x16x8x128xf32, #tpu.memory_space<vmem>>, vector<16xf32>,
        tpu.vector_store %arg8[%swap3A_3271, %swap3A_3272, %swap3A_3273, %swap3A_3274], %gather3A {strides = array<i32>} : memref<4x16x8x128xf32, #tpu.memory_space<vmem>>, vector<16xf32>,
        %swap3A_3276 = arith.constant 3 : i32
        %swap3A_3277 = arith.index_cast %rem3A_173 : i32 to index
        %swap3A_3278 = arith.index_cast %while3A_3101 : i32 to index
        %swap3A_3279 = arith.index_cast %swap3A_3276 : i32 to index
        %swap3A_3280 = arith.constant 80 : index
        %swap3A_3281 = tpu.vector_load %arg8[%swap3A_3277, %swap3A_3278, %swap3A_3279, %swap3A_3280] {strides = array<i32>} : memref<4x16x8x128xf32, #tpu.memory_space<vmem>>, vector<16xf32>,
        tpu.vector_store %arg8[%swap3A_3277, %swap3A_3278, %swap3A_3279, %swap3A_3280], %gather3A {strides = array<i32>} : memref<4x16x8x128xf32, #tpu.memory_space<vmem>>, vector<16xf32>,
        %swap3A_3282 = arith.constant 3 : i32
        %swap3A_3283 = arith.index_cast %rem3A_173 : i32 to index
        %swap3A_3284 = arith.index_cast %while3A_3101 : i32 to index
        %swap3A_3285 = arith.index_cast %swap3A_3282 : i32 to index
        %swap3A_3286 = arith.constant 96 : index
        %swap3A_3287 = tpu.vector_load %arg8[%swap3A_3283, %swap3A_3284, %swap3A_3285, %swap3A_3286] {strides = array<i32>} : memref<4x16x8x128xf32, #tpu.memory_space<vmem>>, vector<16xf32>,
        tpu.vector_store %arg8[%swap3A_3283, %swap3A_3284, %swap3A_3285, %swap3A_3286], %gather3A {strides = array<i32>} : memref<4x16x8x128xf32, #tpu.memory_space<vmem>>, vector<16xf32>,
        %swap3A_3288 = arith.constant 3 : i32
        %swap3A_3289 = arith.index_cast %rem3A_173 : i32 to index
        %swap3A_3290 = arith.index_cast %while3A_3101 : i32 to index
        %swap3A_3291 = arith.index_cast %swap3A_3288 : i32 to index
        %swap3A_3292 = arith.constant 112 : index
        %swap3A_3293 = tpu.vector_load %arg8[%swap3A_3289, %swap3A_3290, %swap3A_3291, %swap3A_3292] {strides = array<i32>} : memref<4x16x8x128xf32, #tpu.memory_space<vmem>>, vector<16xf32>,
        tpu.vector_store %arg8[%swap3A_3289, %swap3A_3290, %swap3A_3291, %swap3A_3292], %gather3A {strides = array<i32>} : memref<4x16x8x128xf32, #tpu.memory_space<vmem>>, vector<16xf32>,
        %swap3A_3294 = arith.constant 4 : i32
        %swap3A_3295 = arith.index_cast %rem3A_173 : i32 to index
        %swap3A_3296 = arith.index_cast %while3A_3101 : i32 to index
        %swap3A_3297 = arith.index_cast %swap3A_3294 : i32 to index
        %swap3A_3298 = arith.constant 0 : index
        %swap3A_3299 = tpu.vector_load %arg8[%swap3A_3295, %swap3A_3296, %swap3A_3297, %swap3A_3298] {strides = array<i32>} : memref<4x16x8x128xf32, #tpu.memory_space<vmem>>, vector<16xf32>,
        tpu.vector_store %arg8[%swap3A_3295, %swap3A_3296, %swap3A_3297, %swap3A_3298], %gather3A {strides = array<i32>} : memref<4x16x8x128xf32, #tpu.memory_space<vmem>>, vector<16xf32>,
        %swap3A_3300 = arith.constant 4 : i32
        %swap3A_3301 = arith.index_cast %rem3A_173 : i32 to index
        %swap3A_3302 = arith.index_cast %while3A_3101 : i32 to index
        %swap3A_3303 = arith.index_cast %swap3A_3300 : i32 to index
        %swap3A_3304 = arith.constant 16 : index
        %swap3A_3305 = tpu.vector_load %arg8[%swap3A_3301, %swap3A_3302, %swap3A_3303, %swap3A_3304] {strides = array<i32>} : memref<4x16x8x128xf32, #tpu.memory_space<vmem>>, vector<16xf32>,
        tpu.vector_store %arg8[%swap3A_3301, %swap3A_3302, %swap3A_3303, %swap3A_3304], %gather3A {strides = array<i32>} : memref<4x16x8x128xf32, #tpu.memory_space<vmem>>, vector<16xf32>,
        %swap3A_3306 = arith.constant 4 : i32
        %swap3A_3307 = arith.index_cast %rem3A_173 : i32 to index
        %swap3A_3308 = arith.index_cast %while3A_3101 : i32 to index
        %swap3A_3309 = arith.index_cast %swap3A_3306 : i32 to index
        %swap3A_3310 = arith.constant 32 : index
        %swap3A_3311 = tpu.vector_load %arg8[%swap3A_3307, %swap3A_3308, %swap3A_3309, %swap3A_3310] {strides = array<i32>} : memref<4x16x8x128xf32, #tpu.memory_space<vmem>>, vector<16xf32>,
        tpu.vector_store %arg8[%swap3A_3307, %swap3A_3308, %swap3A_3309, %swap3A_3310], %gather3A {strides = array<i32>} : memref<4x16x8x128xf32, #tpu.memory_space<vmem>>, vector<16xf32>,
        %swap3A_3312 = arith.constant 4 : i32
        %swap3A_3313 = arith.index_cast %rem3A_173 : i32 to index
        %swap3A_3314 = arith.index_cast %while3A_3101 : i32 to index
        %swap3A_3315 = arith.index_cast %swap3A_3312 : i32 to index
        %swap3A_3316 = arith.constant 48 : index
        %swap3A_3317 = tpu.vector_load %arg8[%swap3A_3313, %swap3A_3314, %swap3A_3315, %swap3A_3316] {strides = array<i32>} : memref<4x16x8x128xf32, #tpu.memory_space<vmem>>, vector<16xf32>,
        tpu.vector_store %arg8[%swap3A_3313, %swap3A_3314, %swap3A_3315, %swap3A_3316], %gather3A {strides = array<i32>} : memref<4x16x8x128xf32, #tpu.memory_space<vmem>>, vector<16xf32>,
        %swap3A_3318 = arith.constant 4 : i32
        %swap3A_3319 = arith.index_cast %rem3A_173 : i32 to index
        %swap3A_3320 = arith.index_cast %while3A_3101 : i32 to index
        %swap3A_3321 = arith.index_cast %swap3A_3318 : i32 to index
        %swap3A_3322 = arith.constant 64 : index
        %swap3A_3323 = tpu.vector_load %arg8[%swap3A_3319, %swap3A_3320, %swap3A_3321, %swap3A_3322] {strides = array<i32>} : memref<4x16x8x128xf32, #tpu.memory_space<vmem>>, vector<16xf32>,
        tpu.vector_store %arg8[%swap3A_3319, %swap3A_3320, %swap3A_3321, %swap3A_3322], %gather3A {strides = array<i32>} : memref<4x16x8x128xf32, #tpu.memory_space<vmem>>, vector<16xf32>,
        %swap3A_3324 = arith.constant 4 : i32
        %swap3A_3325 = arith.index_cast %rem3A_173 : i32 to index
        %swap3A_3326 = arith.index_cast %while3A_3101 : i32 to index
        %swap3A_3327 = arith.index_cast %swap3A_3324 : i32 to index
        %swap3A_3328 = arith.constant 80 : index
        %swap3A_3329 = tpu.vector_load %arg8[%swap3A_3325, %swap3A_3326, %swap3A_3327, %swap3A_3328] {strides = array<i32>} : memref<4x16x8x128xf32, #tpu.memory_space<vmem>>, vector<16xf32>,
        tpu.vector_store %arg8[%swap3A_3325, %swap3A_3326, %swap3A_3327, %swap3A_3328], %gather3A {strides = array<i32>} : memref<4x16x8x128xf32, #tpu.memory_space<vmem>>, vector<16xf32>,
        %swap3A_3330 = arith.constant 4 : i32
        %swap3A_3331 = arith.index_cast %rem3A_173 : i32 to index
        %swap3A_3332 = arith.index_cast %while3A_3101 : i32 to index
        %swap3A_3333 = arith.index_cast %swap3A_3330 : i32 to index
        %swap3A_3334 = arith.constant 96 : index
        %swap3A_3335 = tpu.vector_load %arg8[%swap3A_3331, %swap3A_3332, %swap3A_3333, %swap3A_3334] {strides = array<i32>} : memref<4x16x8x128xf32, #tpu.memory_space<vmem>>, vector<16xf32>,
        tpu.vector_store %arg8[%swap3A_3331, %swap3A_3332, %swap3A_3333, %swap3A_3334], %gather3A {strides = array<i32>} : memref<4x16x8x128xf32, #tpu.memory_space<vmem>>, vector<16xf32>,
        %swap3A_3336 = arith.constant 4 : i32
        %swap3A_3337 = arith.index_cast %rem3A_173 : i32 to index
        %swap3A_3338 = arith.index_cast %while3A_3101 : i32 to index
        %swap3A_3339 = arith.index_cast %swap3A_3336 : i32 to index
        %swap3A_3340 = arith.constant 112 : index
        %swap3A_3341 = tpu.vector_load %arg8[%swap3A_3337, %swap3A_3338, %swap3A_3339, %swap3A_3340] {strides = array<i32>} : memref<4x16x8x128xf32, #tpu.memory_space<vmem>>, vector<16xf32>,
        tpu.vector_store %arg8[%swap3A_3337, %swap3A_3338, %swap3A_3339, %swap3A_3340], %gather3A {strides = array<i32>} : memref<4x16x8x128xf32, #tpu.memory_space<vmem>>, vector<16xf32>,
        %swap3A_3342 = arith.constant 5 : i32
        %swap3A_3343 = arith.index_cast %rem3A_173 : i32 to index
        %swap3A_3344 = arith.index_cast %while3A_3101 : i32 to index
        %swap3A_3345 = arith.index_cast %swap3A_3342 : i32 to index
        %swap3A_3346 = arith.constant 0 : index
        %swap3A_3347 = tpu.vector_load %arg8[%swap3A_3343, %swap3A_3344, %swap3A_3345, %swap3A_3346] {strides = array<i32>} : memref<4x16x8x128xf32, #tpu.memory_space<vmem>>, vector<16xf32>,
        tpu.vector_store %arg8[%swap3A_3343, %swap3A_3344, %swap3A_3345, %swap3A_3346], %gather3A {strides = array<i32>} : memref<4x16x8x128xf32, #tpu.memory_space<vmem>>, vector<16xf32>,
        %swap3A_3348 = arith.constant 5 : i32
        %swap3A_3349 = arith.index_cast %rem3A_173 : i32 to index
        %swap3A_3350 = arith.index_cast %while3A_3101 : i32 to index
        %swap3A_3351 = arith.index_cast %swap3A_3348 : i32 to index
        %swap3A_3352 = arith.constant 16 : index
        %swap3A_3353 = tpu.vector_load %arg8[%swap3A_3349, %swap3A_3350, %swap3A_3351, %swap3A_3352] {strides = array<i32>} : memref<4x16x8x128xf32, #tpu.memory_space<vmem>>, vector<16xf32>,
        tpu.vector_store %arg8[%swap3A_3349, %swap3A_3350, %swap3A_3351, %swap3A_3352], %gather3A {strides = array<i32>} : memref<4x16x8x128xf32, #tpu.memory_space<vmem>>, vector<16xf32>,
        %swap3A_3354 = arith.constant 5 : i32
        %swap3A_3355 = arith.index_cast %rem3A_173 : i32 to index
        %swap3A_3356 = arith.index_cast %while3A_3101 : i32 to index
        %swap3A_3357 = arith.index_cast %swap3A_3354 : i32 to index
        %swap3A_3358 = arith.constant 32 : index
        %swap3A_3359 = tpu.vector_load %arg8[%swap3A_3355, %swap3A_3356, %swap3A_3357, %swap3A_3358] {strides = array<i32>} : memref<4x16x8x128xf32, #tpu.memory_space<vmem>>, vector<16xf32>,
        tpu.vector_store %arg8[%swap3A_3355, %swap3A_3356, %swap3A_3357, %swap3A_3358], %gather3A {strides = array<i32>} : memref<4x16x8x128xf32, #tpu.memory_space<vmem>>, vector<16xf32>,
        %swap3A_3360 = arith.constant 5 : i32
        %swap3A_3361 = arith.index_cast %rem3A_173 : i32 to index
        %swap3A_3362 = arith.index_cast %while3A_3101 : i32 to index
        %swap3A_3363 = arith.index_cast %swap3A_3360 : i32 to index
        %swap3A_3364 = arith.constant 48 : index
        %swap3A_3365 = tpu.vector_load %arg8[%swap3A_3361, %swap3A_3362, %swap3A_3363, %swap3A_3364] {strides = array<i32>} : memref<4x16x8x128xf32, #tpu.memory_space<vmem>>, vector<16xf32>,
        tpu.vector_store %arg8[%swap3A_3361, %swap3A_3362, %swap3A_3363, %swap3A_3364], %gather3A {strides = array<i32>} : memref<4x16x8x128xf32, #tpu.memory_space<vmem>>, vector<16xf32>,
        %swap3A_3366 = arith.constant 5 : i32
        %swap3A_3367 = arith.index_cast %rem3A_173 : i32 to index
        %swap3A_3368 = arith.index_cast %while3A_3101 : i32 to index
        %swap3A_3369 = arith.index_cast %swap3A_3366 : i32 to index
        %swap3A_3370 = arith.constant 64 : index
        %swap3A_3371 = tpu.vector_load %arg8[%swap3A_3367, %swap3A_3368, %swap3A_3369, %swap3A_3370] {strides = array<i32>} : memref<4x16x8x128xf32, #tpu.memory_space<vmem>>, vector<16xf32>,
        tpu.vector_store %arg8[%swap3A_3367, %swap3A_3368, %swap3A_3369, %swap3A_3370], %gather3A {strides = array<i32>} : memref<4x16x8x128xf32, #tpu.memory_space<vmem>>, vector<16xf32>,
        %swap3A_3372 = arith.constant 5 : i32
        %swap3A_3373 = arith.index_cast %rem3A_173 : i32 to index
        %swap3A_3374 = arith.index_cast %while3A_3101 : i32 to index
        %swap3A_3375 = arith.index_cast %swap3A_3372 : i32 to index
        %swap3A_3376 = arith.constant 80 : index
        %swap3A_3377 = tpu.vector_load %arg8[%swap3A_3373, %swap3A_3374, %swap3A_3375, %swap3A_3376] {strides = array<i32>} : memref<4x16x8x128xf32, #tpu.memory_space<vmem>>, vector<16xf32>,
        tpu.vector_store %arg8[%swap3A_3373, %swap3A_3374, %swap3A_3375, %swap3A_3376], %gather3A {strides = array<i32>} : memref<4x16x8x128xf32, #tpu.memory_space<vmem>>, vector<16xf32>,
        %swap3A_3378 = arith.constant 5 : i32
        %swap3A_3379 = arith.index_cast %rem3A_173 : i32 to index
        %swap3A_3380 = arith.index_cast %while3A_3101 : i32 to index
        %swap3A_3381 = arith.index_cast %swap3A_3378 : i32 to index
        %swap3A_3382 = arith.constant 96 : index
        %swap3A_3383 = tpu.vector_load %arg8[%swap3A_3379, %swap3A_3380, %swap3A_3381, %swap3A_3382] {strides = array<i32>} : memref<4x16x8x128xf32, #tpu.memory_space<vmem>>, vector<16xf32>,
        tpu.vector_store %arg8[%swap3A_3379, %swap3A_3380, %swap3A_3381, %swap3A_3382], %gather3A {strides = array<i32>} : memref<4x16x8x128xf32, #tpu.memory_space<vmem>>, vector<16xf32>,
        %swap3A_3384 = arith.constant 5 : i32
        %swap3A_3385 = arith.index_cast %rem3A_173 : i32 to index
        %swap3A_3386 = arith.index_cast %while3A_3101 : i32 to index
        %swap3A_3387 = arith.index_cast %swap3A_3384 : i32 to index
        %swap3A_3388 = arith.constant 112 : index
        %swap3A_3389 = tpu.vector_load %arg8[%swap3A_3385, %swap3A_3386, %swap3A_3387, %swap3A_3388] {strides = array<i32>} : memref<4x16x8x128xf32, #tpu.memory_space<vmem>>, vector<16xf32>,
        tpu.vector_store %arg8[%swap3A_3385, %swap3A_3386, %swap3A_3387, %swap3A_3388], %gather3A {strides = array<i32>} : memref<4x16x8x128xf32, #tpu.memory_space<vmem>>, vector<16xf32>,
        %swap3A_3390 = arith.constant 6 : i32
        %swap3A_3391 = arith.index_cast %rem3A_173 : i32 to index
        %swap3A_3392 = arith.index_cast %while3A_3101 : i32 to index
        %swap3A_3393 = arith.index_cast %swap3A_3390 : i32 to index
        %swap3A_3394 = arith.constant 0 : index
        %swap3A_3395 = tpu.vector_load %arg8[%swap3A_3391, %swap3A_3392, %swap3A_3393, %swap3A_3394] {strides = array<i32>} : memref<4x16x8x128xf32, #tpu.memory_space<vmem>>, vector<16xf32>,
        tpu.vector_store %arg8[%swap3A_3391, %swap3A_3392, %swap3A_3393, %swap3A_3394], %gather3A {strides = array<i32>} : memref<4x16x8x128xf32, #tpu.memory_space<vmem>>, vector<16xf32>,
        %swap3A_3396 = arith.constant 6 : i32
        %swap3A_3397 = arith.index_cast %rem3A_173 : i32 to index
        %swap3A_3398 = arith.index_cast %while3A_3101 : i32 to index
        %swap3A_3399 = arith.index_cast %swap3A_3396 : i32 to index
        %swap3A_3400 = arith.constant 16 : index
        %swap3A_3401 = tpu.vector_load %arg8[%swap3A_3397, %swap3A_3398, %swap3A_3399, %swap3A_3400] {strides = array<i32>} : memref<4x16x8x128xf32, #tpu.memory_space<vmem>>, vector<16xf32>,
        tpu.vector_store %arg8[%swap3A_3397, %swap3A_3398, %swap3A_3399, %swap3A_3400], %gather3A {strides = array<i32>} : memref<4x16x8x128xf32, #tpu.memory_space<vmem>>, vector<16xf32>,
        %swap3A_3402 = arith.constant 6 : i32
        %swap3A_3403 = arith.index_cast %rem3A_173 : i32 to index
        %swap3A_3404 = arith.index_cast %while3A_3101 : i32 to index
        %swap3A_3405 = arith.index_cast %swap3A_3402 : i32 to index
        %swap3A_3406 = arith.constant 32 : index
        %swap3A_3407 = tpu.vector_load %arg8[%swap3A_3403, %swap3A_3404, %swap3A_3405, %swap3A_3406] {strides = array<i32>} : memref<4x16x8x128xf32, #tpu.memory_space<vmem>>, vector<16xf32>,
        tpu.vector_store %arg8[%swap3A_3403, %swap3A_3404, %swap3A_3405, %swap3A_3406], %gather3A {strides = array<i32>} : memref<4x16x8x128xf32, #tpu.memory_space<vmem>>, vector<16xf32>,
        %swap3A_3408 = arith.constant 6 : i32
        %swap3A_3409 = arith.index_cast %rem3A_173 : i32 to index
        %swap3A_3410 = arith.index_cast %while3A_3101 : i32 to index
        %swap3A_3411 = arith.index_cast %swap3A_3408 : i32 to index
        %swap3A_3412 = arith.constant 48 : index
        %swap3A_3413 = tpu.vector_load %arg8[%swap3A_3409, %swap3A_3410, %swap3A_3411, %swap3A_3412] {strides = array<i32>} : memref<4x16x8x128xf32, #tpu.memory_space<vmem>>, vector<16xf32>,
        tpu.vector_store %arg8[%swap3A_3409, %swap3A_3410, %swap3A_3411, %swap3A_3412], %gather3A {strides = array<i32>} : memref<4x16x8x128xf32, #tpu.memory_space<vmem>>, vector<16xf32>,
        %swap3A_3414 = arith.constant 6 : i32
        %swap3A_3415 = arith.index_cast %rem3A_173 : i32 to index
        %swap3A_3416 = arith.index_cast %while3A_3101 : i32 to index
        %swap3A_3417 = arith.index_cast %swap3A_3414 : i32 to index
        %swap3A_3418 = arith.constant 64 : index
        %swap3A_3419 = tpu.vector_load %arg8[%swap3A_3415, %swap3A_3416, %swap3A_3417, %swap3A_3418] {strides = array<i32>} : memref<4x16x8x128xf32, #tpu.memory_space<vmem>>, vector<16xf32>,
        tpu.vector_store %arg8[%swap3A_3415, %swap3A_3416, %swap3A_3417, %swap3A_3418], %gather3A {strides = array<i32>} : memref<4x16x8x128xf32, #tpu.memory_space<vmem>>, vector<16xf32>,
        %swap3A_3420 = arith.constant 6 : i32
        %swap3A_3421 = arith.index_cast %rem3A_173 : i32 to index
        %swap3A_3422 = arith.index_cast %while3A_3101 : i32 to index
        %swap3A_3423 = arith.index_cast %swap3A_3420 : i32 to index
        %swap3A_3424 = arith.constant 80 : index
        %swap3A_3425 = tpu.vector_load %arg8[%swap3A_3421, %swap3A_3422, %swap3A_3423, %swap3A_3424] {strides = array<i32>} : memref<4x16x8x128xf32, #tpu.memory_space<vmem>>, vector<16xf32>,
        tpu.vector_store %arg8[%swap3A_3421, %swap3A_3422, %swap3A_3423, %swap3A_3424], %gather3A {strides = array<i32>} : memref<4x16x8x128xf32, #tpu.memory_space<vmem>>, vector<16xf32>,
        %swap3A_3426 = arith.constant 6 : i32
        %swap3A_3427 = arith.index_cast %rem3A_173 : i32 to index
        %swap3A_3428 = arith.index_cast %while3A_3101 : i32 to index
        %swap3A_3429 = arith.index_cast %swap3A_3426 : i32 to index
        %swap3A_3430 = arith.constant 96 : index
        %swap3A_3431 = tpu.vector_load %arg8[%swap3A_3427, %swap3A_3428, %swap3A_3429, %swap3A_3430] {strides = array<i32>} : memref<4x16x8x128xf32, #tpu.memory_space<vmem>>, vector<16xf32>,
        tpu.vector_store %arg8[%swap3A_3427, %swap3A_3428, %swap3A_3429, %swap3A_3430], %gather3A {strides = array<i32>} : memref<4x16x8x128xf32, #tpu.memory_space<vmem>>, vector<16xf32>,
        %swap3A_3432 = arith.constant 6 : i32
        %swap3A_3433 = arith.index_cast %rem3A_173 : i32 to index
        %swap3A_3434 = arith.index_cast %while3A_3101 : i32 to index
        %swap3A_3435 = arith.index_cast %swap3A_3432 : i32 to index
        %swap3A_3436 = arith.constant 112 : index
        %swap3A_3437 = tpu.vector_load %arg8[%swap3A_3433, %swap3A_3434, %swap3A_3435, %swap3A_3436] {strides = array<i32>} : memref<4x16x8x128xf32, #tpu.memory_space<vmem>>, vector<16xf32>,
        tpu.vector_store %arg8[%swap3A_3433, %swap3A_3434, %swap3A_3435, %swap3A_3436], %gather3A {strides = array<i32>} : memref<4x16x8x128xf32, #tpu.memory_space<vmem>>, vector<16xf32>,
        %swap3A_3438 = arith.constant 7 : i32
        %swap3A_3439 = arith.index_cast %rem3A_173 : i32 to index
        %swap3A_3440 = arith.index_cast %while3A_3101 : i32 to index
        %swap3A_3441 = arith.index_cast %swap3A_3438 : i32 to index
        %swap3A_3442 = arith.constant 0 : index
        %swap3A_3443 = tpu.vector_load %arg8[%swap3A_3439, %swap3A_3440, %swap3A_3441, %swap3A_3442] {strides = array<i32>} : memref<4x16x8x128xf32, #tpu.memory_space<vmem>>, vector<16xf32>,
        tpu.vector_store %arg8[%swap3A_3439, %swap3A_3440, %swap3A_3441, %swap3A_3442], %gather3A {strides = array<i32>} : memref<4x16x8x128xf32, #tpu.memory_space<vmem>>, vector<16xf32>,
        %swap3A_3444 = arith.constant 7 : i32
        %swap3A_3445 = arith.index_cast %rem3A_173 : i32 to index
        %swap3A_3446 = arith.index_cast %while3A_3101 : i32 to index
        %swap3A_3447 = arith.index_cast %swap3A_3444 : i32 to index
        %swap3A_3448 = arith.constant 16 : index
        %swap3A_3449 = tpu.vector_load %arg8[%swap3A_3445, %swap3A_3446, %swap3A_3447, %swap3A_3448] {strides = array<i32>} : memref<4x16x8x128xf32, #tpu.memory_space<vmem>>, vector<16xf32>,
        tpu.vector_store %arg8[%swap3A_3445, %swap3A_3446, %swap3A_3447, %swap3A_3448], %gather3A {strides = array<i32>} : memref<4x16x8x128xf32, #tpu.memory_space<vmem>>, vector<16xf32>,
        %swap3A_3450 = arith.constant 7 : i32
        %swap3A_3451 = arith.index_cast %rem3A_173 : i32 to index
        %swap3A_3452 = arith.index_cast %while3A_3101 : i32 to index
        %swap3A_3453 = arith.index_cast %swap3A_3450 : i32 to index
        %swap3A_3454 = arith.constant 32 : index
        %swap3A_3455 = tpu.vector_load %arg8[%swap3A_3451, %swap3A_3452, %swap3A_3453, %swap3A_3454] {strides = array<i32>} : memref<4x16x8x128xf32, #tpu.memory_space<vmem>>, vector<16xf32>,
        tpu.vector_store %arg8[%swap3A_3451, %swap3A_3452, %swap3A_3453, %swap3A_3454], %gather3A {strides = array<i32>} : memref<4x16x8x128xf32, #tpu.memory_space<vmem>>, vector<16xf32>,
        %swap3A_3456 = arith.constant 7 : i32
        %swap3A_3457 = arith.index_cast %rem3A_173 : i32 to index
        %swap3A_3458 = arith.index_cast %while3A_3101 : i32 to index
        %swap3A_3459 = arith.index_cast %swap3A_3456 : i32 to index
        %swap3A_3460 = arith.constant 48 : index
        %swap3A_3461 = tpu.vector_load %arg8[%swap3A_3457, %swap3A_3458, %swap3A_3459, %swap3A_3460] {strides = array<i32>} : memref<4x16x8x128xf32, #tpu.memory_space<vmem>>, vector<16xf32>,
        tpu.vector_store %arg8[%swap3A_3457, %swap3A_3458, %swap3A_3459, %swap3A_3460], %gather3A {strides = array<i32>} : memref<4x16x8x128xf32, #tpu.memory_space<vmem>>, vector<16xf32>,
        %swap3A_3462 = arith.constant 7 : i32
        %swap3A_3463 = arith.index_cast %rem3A_173 : i32 to index
        %swap3A_3464 = arith.index_cast %while3A_3101 : i32 to index
        %swap3A_3465 = arith.index_cast %swap3A_3462 : i32 to index
        %swap3A_3466 = arith.constant 64 : index
        %swap3A_3467 = tpu.vector_load %arg8[%swap3A_3463, %swap3A_3464, %swap3A_3465, %swap3A_3466] {strides = array<i32>} : memref<4x16x8x128xf32, #tpu.memory_space<vmem>>, vector<16xf32>,
        tpu.vector_store %arg8[%swap3A_3463, %swap3A_3464, %swap3A_3465, %swap3A_3466], %gather3A {strides = array<i32>} : memref<4x16x8x128xf32, #tpu.memory_space<vmem>>, vector<16xf32>,
        %swap3A_3468 = arith.constant 7 : i32
        %swap3A_3469 = arith.index_cast %rem3A_173 : i32 to index
        %swap3A_3470 = arith.index_cast %while3A_3101 : i32 to index
        %swap3A_3471 = arith.index_cast %swap3A_3468 : i32 to index
        %swap3A_3472 = arith.constant 80 : index
        %swap3A_3473 = tpu.vector_load %arg8[%swap3A_3469, %swap3A_3470, %swap3A_3471, %swap3A_3472] {strides = array<i32>} : memref<4x16x8x128xf32, #tpu.memory_space<vmem>>, vector<16xf32>,
        tpu.vector_store %arg8[%swap3A_3469, %swap3A_3470, %swap3A_3471, %swap3A_3472], %gather3A {strides = array<i32>} : memref<4x16x8x128xf32, #tpu.memory_space<vmem>>, vector<16xf32>,
        %swap3A_3474 = arith.constant 7 : i32
        %swap3A_3475 = arith.index_cast %rem3A_173 : i32 to index
        %swap3A_3476 = arith.index_cast %while3A_3101 : i32 to index
        %swap3A_3477 = arith.index_cast %swap3A_3474 : i32 to index
        %swap3A_3478 = arith.constant 96 : index
        %swap3A_3479 = tpu.vector_load %arg8[%swap3A_3475, %swap3A_3476, %swap3A_3477, %swap3A_3478] {strides = array<i32>} : memref<4x16x8x128xf32, #tpu.memory_space<vmem>>, vector<16xf32>,
        tpu.vector_store %arg8[%swap3A_3475, %swap3A_3476, %swap3A_3477, %swap3A_3478], %gather3A {strides = array<i32>} : memref<4x16x8x128xf32, #tpu.memory_space<vmem>>, vector<16xf32>,
        %swap3A_3480 = arith.constant 7 : i32
        %swap3A_3481 = arith.index_cast %rem3A_173 : i32 to index
        %swap3A_3482 = arith.index_cast %while3A_3101 : i32 to index
        %swap3A_3483 = arith.index_cast %swap3A_3480 : i32 to index
        %swap3A_3484 = arith.constant 112 : index
        %swap3A_3485 = tpu.vector_load %arg8[%swap3A_3481, %swap3A_3482, %swap3A_3483, %swap3A_3484] {strides = array<i32>} : memref<4x16x8x128xf32, #tpu.memory_space<vmem>>, vector<16xf32>,
        tpu.vector_store %arg8[%swap3A_3481, %swap3A_3482, %swap3A_3483, %swap3A_3484], %gather3A {strides = array<i32>} : memref<4x16x8x128xf32, #tpu.memory_space<vmem>>, vector<16xf32>,
      }
      %lt3A_210 = arith.constant 4 : i32
      %lt3A_211 = arith.cmpi slt, %scan3A_171, %lt3A_210 : i32
      %add3A_212 = arith.constant 4 : i32
      %add3A_213 = arith.addi %min3A, %add3A_212 : i32
      %jit3A_214 = arith.constant 16 : i32
      %select_n3A_215 = arith.select %lt3A_211, %jit3A_214, %add3A_213 : i32
      %add3A_216 = arith.constant 4 : i32
      %add3A_217 = arith.addi %min3A, %add3A_216 : i32
      %while3A_218 = arith.constant 0 : i32
      %while3A_219 = arith.subi %select_n3A_215, %add3A_217 : i32
      %while3A_220 = arith.addi %add3A_217, %while3A_219 : i32
      %while3A_221 = arith.constant 1 : i32
      %while3A_222 = arith.divsi %while3A_219, %while3A_221 : i32
      %while3A_223 = arith.muli %while3A_222, %while3A_221 : i32
      %while3A_224 = arith.addi %add3A_217, %while3A_223 : i32
      %while3A_225 = arith.constant 1 : i32
      scf.for %while3A_3101 = %add3A_217 to %while3A_224 step %while3A_225  : i32 {
        %swap3A_3102 = arith.constant 0 : i32
        %swap3A_3103 = arith.index_cast %rem3A_173 : i32 to index
        %swap3A_3104 = arith.index_cast %while3A_3101 : i32 to index
        %swap3A_3105 = arith.index_cast %swap3A_3102 : i32 to index
        %swap3A_3106 = arith.constant 0 : index
        %swap3A_3107 = tpu.vector_load %arg8[%swap3A_3103, %swap3A_3104, %swap3A_3105, %swap3A_3106] {strides = array<i32>} : memref<4x16x8x128xf32, #tpu.memory_space<vmem>>, vector<16xf32>,
        tpu.vector_store %arg8[%swap3A_3103, %swap3A_3104, %swap3A_3105, %swap3A_3106], %gather3A_73 {strides = array<i32>} : memref<4x16x8x128xf32, #tpu.memory_space<vmem>>, vector<16xf32>,
        %swap3A_3108 = arith.constant 0 : i32
        %swap3A_3109 = arith.index_cast %rem3A_173 : i32 to index
        %swap3A_3110 = arith.index_cast %while3A_3101 : i32 to index
        %swap3A_3111 = arith.index_cast %swap3A_3108 : i32 to index
        %swap3A_3112 = arith.constant 16 : index
        %swap3A_3113 = tpu.vector_load %arg8[%swap3A_3109, %swap3A_3110, %swap3A_3111, %swap3A_3112] {strides = array<i32>} : memref<4x16x8x128xf32, #tpu.memory_space<vmem>>, vector<16xf32>,
        tpu.vector_store %arg8[%swap3A_3109, %swap3A_3110, %swap3A_3111, %swap3A_3112], %gather3A_73 {strides = array<i32>} : memref<4x16x8x128xf32, #tpu.memory_space<vmem>>, vector<16xf32>,
        %swap3A_3114 = arith.constant 0 : i32
        %swap3A_3115 = arith.index_cast %rem3A_173 : i32 to index
        %swap3A_3116 = arith.index_cast %while3A_3101 : i32 to index
        %swap3A_3117 = arith.index_cast %swap3A_3114 : i32 to index
        %swap3A_3118 = arith.constant 32 : index
        %swap3A_3119 = tpu.vector_load %arg8[%swap3A_3115, %swap3A_3116, %swap3A_3117, %swap3A_3118] {strides = array<i32>} : memref<4x16x8x128xf32, #tpu.memory_space<vmem>>, vector<16xf32>,
        tpu.vector_store %arg8[%swap3A_3115, %swap3A_3116, %swap3A_3117, %swap3A_3118], %gather3A_73 {strides = array<i32>} : memref<4x16x8x128xf32, #tpu.memory_space<vmem>>, vector<16xf32>,
        %swap3A_3120 = arith.constant 0 : i32
        %swap3A_3121 = arith.index_cast %rem3A_173 : i32 to index
        %swap3A_3122 = arith.index_cast %while3A_3101 : i32 to index
        %swap3A_3123 = arith.index_cast %swap3A_3120 : i32 to index
        %swap3A_3124 = arith.constant 48 : index
        %swap3A_3125 = tpu.vector_load %arg8[%swap3A_3121, %swap3A_3122, %swap3A_3123, %swap3A_3124] {strides = array<i32>} : memref<4x16x8x128xf32, #tpu.memory_space<vmem>>, vector<16xf32>,
        tpu.vector_store %arg8[%swap3A_3121, %swap3A_3122, %swap3A_3123, %swap3A_3124], %gather3A_73 {strides = array<i32>} : memref<4x16x8x128xf32, #tpu.memory_space<vmem>>, vector<16xf32>,
        %swap3A_3126 = arith.constant 0 : i32
        %swap3A_3127 = arith.index_cast %rem3A_173 : i32 to index
        %swap3A_3128 = arith.index_cast %while3A_3101 : i32 to index
        %swap3A_3129 = arith.index_cast %swap3A_3126 : i32 to index
        %swap3A_3130 = arith.constant 64 : index
        %swap3A_3131 = tpu.vector_load %arg8[%swap3A_3127, %swap3A_3128, %swap3A_3129, %swap3A_3130] {strides = array<i32>} : memref<4x16x8x128xf32, #tpu.memory_space<vmem>>, vector<16xf32>,
        tpu.vector_store %arg8[%swap3A_3127, %swap3A_3128, %swap3A_3129, %swap3A_3130], %gather3A_73 {strides = array<i32>} : memref<4x16x8x128xf32, #tpu.memory_space<vmem>>, vector<16xf32>,
        %swap3A_3132 = arith.constant 0 : i32
        %swap3A_3133 = arith.index_cast %rem3A_173 : i32 to index
        %swap3A_3134 = arith.index_cast %while3A_3101 : i32 to index
        %swap3A_3135 = arith.index_cast %swap3A_3132 : i32 to index
        %swap3A_3136 = arith.constant 80 : index
        %swap3A_3137 = tpu.vector_load %arg8[%swap3A_3133, %swap3A_3134, %swap3A_3135, %swap3A_3136] {strides = array<i32>} : memref<4x16x8x128xf32, #tpu.memory_space<vmem>>, vector<16xf32>,
        tpu.vector_store %arg8[%swap3A_3133, %swap3A_3134, %swap3A_3135, %swap3A_3136], %gather3A_73 {strides = array<i32>} : memref<4x16x8x128xf32, #tpu.memory_space<vmem>>, vector<16xf32>,
        %swap3A_3138 = arith.constant 0 : i32
        %swap3A_3139 = arith.index_cast %rem3A_173 : i32 to index
        %swap3A_3140 = arith.index_cast %while3A_3101 : i32 to index
        %swap3A_3141 = arith.index_cast %swap3A_3138 : i32 to index
        %swap3A_3142 = arith.constant 96 : index
        %swap3A_3143 = tpu.vector_load %arg8[%swap3A_3139, %swap3A_3140, %swap3A_3141, %swap3A_3142] {strides = array<i32>} : memref<4x16x8x128xf32, #tpu.memory_space<vmem>>, vector<16xf32>,
        tpu.vector_store %arg8[%swap3A_3139, %swap3A_3140, %swap3A_3141, %swap3A_3142], %gather3A_73 {strides = array<i32>} : memref<4x16x8x128xf32, #tpu.memory_space<vmem>>, vector<16xf32>,
        %swap3A_3144 = arith.constant 0 : i32
        %swap3A_3145 = arith.index_cast %rem3A_173 : i32 to index
        %swap3A_3146 = arith.index_cast %while3A_3101 : i32 to index
        %swap3A_3147 = arith.index_cast %swap3A_3144 : i32 to index
        %swap3A_3148 = arith.constant 112 : index
        %swap3A_3149 = tpu.vector_load %arg8[%swap3A_3145, %swap3A_3146, %swap3A_3147, %swap3A_3148] {strides = array<i32>} : memref<4x16x8x128xf32, #tpu.memory_space<vmem>>, vector<16xf32>,
        tpu.vector_store %arg8[%swap3A_3145, %swap3A_3146, %swap3A_3147, %swap3A_3148], %gather3A_73 {strides = array<i32>} : memref<4x16x8x128xf32, #tpu.memory_space<vmem>>, vector<16xf32>,
        %swap3A_3150 = arith.constant 1 : i32
        %swap3A_3151 = arith.index_cast %rem3A_173 : i32 to index
        %swap3A_3152 = arith.index_cast %while3A_3101 : i32 to index
        %swap3A_3153 = arith.index_cast %swap3A_3150 : i32 to index
        %swap3A_3154 = arith.constant 0 : index
        %swap3A_3155 = tpu.vector_load %arg8[%swap3A_3151, %swap3A_3152, %swap3A_3153, %swap3A_3154] {strides = array<i32>} : memref<4x16x8x128xf32, #tpu.memory_space<vmem>>, vector<16xf32>,
        tpu.vector_store %arg8[%swap3A_3151, %swap3A_3152, %swap3A_3153, %swap3A_3154], %gather3A_73 {strides = array<i32>} : memref<4x16x8x128xf32, #tpu.memory_space<vmem>>, vector<16xf32>,
        %swap3A_3156 = arith.constant 1 : i32
        %swap3A_3157 = arith.index_cast %rem3A_173 : i32 to index
        %swap3A_3158 = arith.index_cast %while3A_3101 : i32 to index
        %swap3A_3159 = arith.index_cast %swap3A_3156 : i32 to index
        %swap3A_3160 = arith.constant 16 : index
        %swap3A_3161 = tpu.vector_load %arg8[%swap3A_3157, %swap3A_3158, %swap3A_3159, %swap3A_3160] {strides = array<i32>} : memref<4x16x8x128xf32, #tpu.memory_space<vmem>>, vector<16xf32>,
        tpu.vector_store %arg8[%swap3A_3157, %swap3A_3158, %swap3A_3159, %swap3A_3160], %gather3A_73 {strides = array<i32>} : memref<4x16x8x128xf32, #tpu.memory_space<vmem>>, vector<16xf32>,
        %swap3A_3162 = arith.constant 1 : i32
        %swap3A_3163 = arith.index_cast %rem3A_173 : i32 to index
        %swap3A_3164 = arith.index_cast %while3A_3101 : i32 to index
        %swap3A_3165 = arith.index_cast %swap3A_3162 : i32 to index
        %swap3A_3166 = arith.constant 32 : index
        %swap3A_3167 = tpu.vector_load %arg8[%swap3A_3163, %swap3A_3164, %swap3A_3165, %swap3A_3166] {strides = array<i32>} : memref<4x16x8x128xf32, #tpu.memory_space<vmem>>, vector<16xf32>,
        tpu.vector_store %arg8[%swap3A_3163, %swap3A_3164, %swap3A_3165, %swap3A_3166], %gather3A_73 {strides = array<i32>} : memref<4x16x8x128xf32, #tpu.memory_space<vmem>>, vector<16xf32>,
        %swap3A_3168 = arith.constant 1 : i32
        %swap3A_3169 = arith.index_cast %rem3A_173 : i32 to index
        %swap3A_3170 = arith.index_cast %while3A_3101 : i32 to index
        %swap3A_3171 = arith.index_cast %swap3A_3168 : i32 to index
        %swap3A_3172 = arith.constant 48 : index
        %swap3A_3173 = tpu.vector_load %arg8[%swap3A_3169, %swap3A_3170, %swap3A_3171, %swap3A_3172] {strides = array<i32>} : memref<4x16x8x128xf32, #tpu.memory_space<vmem>>, vector<16xf32>,
        tpu.vector_store %arg8[%swap3A_3169, %swap3A_3170, %swap3A_3171, %swap3A_3172], %gather3A_73 {strides = array<i32>} : memref<4x16x8x128xf32, #tpu.memory_space<vmem>>, vector<16xf32>,
        %swap3A_3174 = arith.constant 1 : i32
        %swap3A_3175 = arith.index_cast %rem3A_173 : i32 to index
        %swap3A_3176 = arith.index_cast %while3A_3101 : i32 to index
        %swap3A_3177 = arith.index_cast %swap3A_3174 : i32 to index
        %swap3A_3178 = arith.constant 64 : index
        %swap3A_3179 = tpu.vector_load %arg8[%swap3A_3175, %swap3A_3176, %swap3A_3177, %swap3A_3178] {strides = array<i32>} : memref<4x16x8x128xf32, #tpu.memory_space<vmem>>, vector<16xf32>,
        tpu.vector_store %arg8[%swap3A_3175, %swap3A_3176, %swap3A_3177, %swap3A_3178], %gather3A_73 {strides = array<i32>} : memref<4x16x8x128xf32, #tpu.memory_space<vmem>>, vector<16xf32>,
        %swap3A_3180 = arith.constant 1 : i32
        %swap3A_3181 = arith.index_cast %rem3A_173 : i32 to index
        %swap3A_3182 = arith.index_cast %while3A_3101 : i32 to index
        %swap3A_3183 = arith.index_cast %swap3A_3180 : i32 to index
        %swap3A_3184 = arith.constant 80 : index
        %swap3A_3185 = tpu.vector_load %arg8[%swap3A_3181, %swap3A_3182, %swap3A_3183, %swap3A_3184] {strides = array<i32>} : memref<4x16x8x128xf32, #tpu.memory_space<vmem>>, vector<16xf32>,
        tpu.vector_store %arg8[%swap3A_3181, %swap3A_3182, %swap3A_3183, %swap3A_3184], %gather3A_73 {strides = array<i32>} : memref<4x16x8x128xf32, #tpu.memory_space<vmem>>, vector<16xf32>,
        %swap3A_3186 = arith.constant 1 : i32
        %swap3A_3187 = arith.index_cast %rem3A_173 : i32 to index
        %swap3A_3188 = arith.index_cast %while3A_3101 : i32 to index
        %swap3A_3189 = arith.index_cast %swap3A_3186 : i32 to index
        %swap3A_3190 = arith.constant 96 : index
        %swap3A_3191 = tpu.vector_load %arg8[%swap3A_3187, %swap3A_3188, %swap3A_3189, %swap3A_3190] {strides = array<i32>} : memref<4x16x8x128xf32, #tpu.memory_space<vmem>>, vector<16xf32>,
        tpu.vector_store %arg8[%swap3A_3187, %swap3A_3188, %swap3A_3189, %swap3A_3190], %gather3A_73 {strides = array<i32>} : memref<4x16x8x128xf32, #tpu.memory_space<vmem>>, vector<16xf32>,
        %swap3A_3192 = arith.constant 1 : i32
        %swap3A_3193 = arith.index_cast %rem3A_173 : i32 to index
        %swap3A_3194 = arith.index_cast %while3A_3101 : i32 to index
        %swap3A_3195 = arith.index_cast %swap3A_3192 : i32 to index
        %swap3A_3196 = arith.constant 112 : index
        %swap3A_3197 = tpu.vector_load %arg8[%swap3A_3193, %swap3A_3194, %swap3A_3195, %swap3A_3196] {strides = array<i32>} : memref<4x16x8x128xf32, #tpu.memory_space<vmem>>, vector<16xf32>,
        tpu.vector_store %arg8[%swap3A_3193, %swap3A_3194, %swap3A_3195, %swap3A_3196], %gather3A_73 {strides = array<i32>} : memref<4x16x8x128xf32, #tpu.memory_space<vmem>>, vector<16xf32>,
        %swap3A_3198 = arith.constant 2 : i32
        %swap3A_3199 = arith.index_cast %rem3A_173 : i32 to index
        %swap3A_3200 = arith.index_cast %while3A_3101 : i32 to index
        %swap3A_3201 = arith.index_cast %swap3A_3198 : i32 to index
        %swap3A_3202 = arith.constant 0 : index
        %swap3A_3203 = tpu.vector_load %arg8[%swap3A_3199, %swap3A_3200, %swap3A_3201, %swap3A_3202] {strides = array<i32>} : memref<4x16x8x128xf32, #tpu.memory_space<vmem>>, vector<16xf32>,
        tpu.vector_store %arg8[%swap3A_3199, %swap3A_3200, %swap3A_3201, %swap3A_3202], %gather3A_73 {strides = array<i32>} : memref<4x16x8x128xf32, #tpu.memory_space<vmem>>, vector<16xf32>,
        %swap3A_3204 = arith.constant 2 : i32
        %swap3A_3205 = arith.index_cast %rem3A_173 : i32 to index
        %swap3A_3206 = arith.index_cast %while3A_3101 : i32 to index
        %swap3A_3207 = arith.index_cast %swap3A_3204 : i32 to index
        %swap3A_3208 = arith.constant 16 : index
        %swap3A_3209 = tpu.vector_load %arg8[%swap3A_3205, %swap3A_3206, %swap3A_3207, %swap3A_3208] {strides = array<i32>} : memref<4x16x8x128xf32, #tpu.memory_space<vmem>>, vector<16xf32>,
        tpu.vector_store %arg8[%swap3A_3205, %swap3A_3206, %swap3A_3207, %swap3A_3208], %gather3A_73 {strides = array<i32>} : memref<4x16x8x128xf32, #tpu.memory_space<vmem>>, vector<16xf32>,
        %swap3A_3210 = arith.constant 2 : i32
        %swap3A_3211 = arith.index_cast %rem3A_173 : i32 to index
        %swap3A_3212 = arith.index_cast %while3A_3101 : i32 to index
        %swap3A_3213 = arith.index_cast %swap3A_3210 : i32 to index
        %swap3A_3214 = arith.constant 32 : index
        %swap3A_3215 = tpu.vector_load %arg8[%swap3A_3211, %swap3A_3212, %swap3A_3213, %swap3A_3214] {strides = array<i32>} : memref<4x16x8x128xf32, #tpu.memory_space<vmem>>, vector<16xf32>,
        tpu.vector_store %arg8[%swap3A_3211, %swap3A_3212, %swap3A_3213, %swap3A_3214], %gather3A_73 {strides = array<i32>} : memref<4x16x8x128xf32, #tpu.memory_space<vmem>>, vector<16xf32>,
        %swap3A_3216 = arith.constant 2 : i32
        %swap3A_3217 = arith.index_cast %rem3A_173 : i32 to index
        %swap3A_3218 = arith.index_cast %while3A_3101 : i32 to index
        %swap3A_3219 = arith.index_cast %swap3A_3216 : i32 to index
        %swap3A_3220 = arith.constant 48 : index
        %swap3A_3221 = tpu.vector_load %arg8[%swap3A_3217, %swap3A_3218, %swap3A_3219, %swap3A_3220] {strides = array<i32>} : memref<4x16x8x128xf32, #tpu.memory_space<vmem>>, vector<16xf32>,
        tpu.vector_store %arg8[%swap3A_3217, %swap3A_3218, %swap3A_3219, %swap3A_3220], %gather3A_73 {strides = array<i32>} : memref<4x16x8x128xf32, #tpu.memory_space<vmem>>, vector<16xf32>,
        %swap3A_3222 = arith.constant 2 : i32
        %swap3A_3223 = arith.index_cast %rem3A_173 : i32 to index
        %swap3A_3224 = arith.index_cast %while3A_3101 : i32 to index
        %swap3A_3225 = arith.index_cast %swap3A_3222 : i32 to index
        %swap3A_3226 = arith.constant 64 : index
        %swap3A_3227 = tpu.vector_load %arg8[%swap3A_3223, %swap3A_3224, %swap3A_3225, %swap3A_3226] {strides = array<i32>} : memref<4x16x8x128xf32, #tpu.memory_space<vmem>>, vector<16xf32>,
        tpu.vector_store %arg8[%swap3A_3223, %swap3A_3224, %swap3A_3225, %swap3A_3226], %gather3A_73 {strides = array<i32>} : memref<4x16x8x128xf32, #tpu.memory_space<vmem>>, vector<16xf32>,
        %swap3A_3228 = arith.constant 2 : i32
        %swap3A_3229 = arith.index_cast %rem3A_173 : i32 to index
        %swap3A_3230 = arith.index_cast %while3A_3101 : i32 to index
        %swap3A_3231 = arith.index_cast %swap3A_3228 : i32 to index
        %swap3A_3232 = arith.constant 80 : index
        %swap3A_3233 = tpu.vector_load %arg8[%swap3A_3229, %swap3A_3230, %swap3A_3231, %swap3A_3232] {strides = array<i32>} : memref<4x16x8x128xf32, #tpu.memory_space<vmem>>, vector<16xf32>,
        tpu.vector_store %arg8[%swap3A_3229, %swap3A_3230, %swap3A_3231, %swap3A_3232], %gather3A_73 {strides = array<i32>} : memref<4x16x8x128xf32, #tpu.memory_space<vmem>>, vector<16xf32>,
        %swap3A_3234 = arith.constant 2 : i32
        %swap3A_3235 = arith.index_cast %rem3A_173 : i32 to index
        %swap3A_3236 = arith.index_cast %while3A_3101 : i32 to index
        %swap3A_3237 = arith.index_cast %swap3A_3234 : i32 to index
        %swap3A_3238 = arith.constant 96 : index
        %swap3A_3239 = tpu.vector_load %arg8[%swap3A_3235, %swap3A_3236, %swap3A_3237, %swap3A_3238] {strides = array<i32>} : memref<4x16x8x128xf32, #tpu.memory_space<vmem>>, vector<16xf32>,
        tpu.vector_store %arg8[%swap3A_3235, %swap3A_3236, %swap3A_3237, %swap3A_3238], %gather3A_73 {strides = array<i32>} : memref<4x16x8x128xf32, #tpu.memory_space<vmem>>, vector<16xf32>,
        %swap3A_3240 = arith.constant 2 : i32
        %swap3A_3241 = arith.index_cast %rem3A_173 : i32 to index
        %swap3A_3242 = arith.index_cast %while3A_3101 : i32 to index
        %swap3A_3243 = arith.index_cast %swap3A_3240 : i32 to index
        %swap3A_3244 = arith.constant 112 : index
        %swap3A_3245 = tpu.vector_load %arg8[%swap3A_3241, %swap3A_3242, %swap3A_3243, %swap3A_3244] {strides = array<i32>} : memref<4x16x8x128xf32, #tpu.memory_space<vmem>>, vector<16xf32>,
        tpu.vector_store %arg8[%swap3A_3241, %swap3A_3242, %swap3A_3243, %swap3A_3244], %gather3A_73 {strides = array<i32>} : memref<4x16x8x128xf32, #tpu.memory_space<vmem>>, vector<16xf32>,
        %swap3A_3246 = arith.constant 3 : i32
        %swap3A_3247 = arith.index_cast %rem3A_173 : i32 to index
        %swap3A_3248 = arith.index_cast %while3A_3101 : i32 to index
        %swap3A_3249 = arith.index_cast %swap3A_3246 : i32 to index
        %swap3A_3250 = arith.constant 0 : index
        %swap3A_3251 = tpu.vector_load %arg8[%swap3A_3247, %swap3A_3248, %swap3A_3249, %swap3A_3250] {strides = array<i32>} : memref<4x16x8x128xf32, #tpu.memory_space<vmem>>, vector<16xf32>,
        tpu.vector_store %arg8[%swap3A_3247, %swap3A_3248, %swap3A_3249, %swap3A_3250], %gather3A_73 {strides = array<i32>} : memref<4x16x8x128xf32, #tpu.memory_space<vmem>>, vector<16xf32>,
        %swap3A_3252 = arith.constant 3 : i32
        %swap3A_3253 = arith.index_cast %rem3A_173 : i32 to index
        %swap3A_3254 = arith.index_cast %while3A_3101 : i32 to index
        %swap3A_3255 = arith.index_cast %swap3A_3252 : i32 to index
        %swap3A_3256 = arith.constant 16 : index
        %swap3A_3257 = tpu.vector_load %arg8[%swap3A_3253, %swap3A_3254, %swap3A_3255, %swap3A_3256] {strides = array<i32>} : memref<4x16x8x128xf32, #tpu.memory_space<vmem>>, vector<16xf32>,
        tpu.vector_store %arg8[%swap3A_3253, %swap3A_3254, %swap3A_3255, %swap3A_3256], %gather3A_73 {strides = array<i32>} : memref<4x16x8x128xf32, #tpu.memory_space<vmem>>, vector<16xf32>,
        %swap3A_3258 = arith.constant 3 : i32
        %swap3A_3259 = arith.index_cast %rem3A_173 : i32 to index
        %swap3A_3260 = arith.index_cast %while3A_3101 : i32 to index
        %swap3A_3261 = arith.index_cast %swap3A_3258 : i32 to index
        %swap3A_3262 = arith.constant 32 : index
        %swap3A_3263 = tpu.vector_load %arg8[%swap3A_3259, %swap3A_3260, %swap3A_3261, %swap3A_3262] {strides = array<i32>} : memref<4x16x8x128xf32, #tpu.memory_space<vmem>>, vector<16xf32>,
        tpu.vector_store %arg8[%swap3A_3259, %swap3A_3260, %swap3A_3261, %swap3A_3262], %gather3A_73 {strides = array<i32>} : memref<4x16x8x128xf32, #tpu.memory_space<vmem>>, vector<16xf32>,
        %swap3A_3264 = arith.constant 3 : i32
        %swap3A_3265 = arith.index_cast %rem3A_173 : i32 to index
        %swap3A_3266 = arith.index_cast %while3A_3101 : i32 to index
        %swap3A_3267 = arith.index_cast %swap3A_3264 : i32 to index
        %swap3A_3268 = arith.constant 48 : index
        %swap3A_3269 = tpu.vector_load %arg8[%swap3A_3265, %swap3A_3266, %swap3A_3267, %swap3A_3268] {strides = array<i32>} : memref<4x16x8x128xf32, #tpu.memory_space<vmem>>, vector<16xf32>,
        tpu.vector_store %arg8[%swap3A_3265, %swap3A_3266, %swap3A_3267, %swap3A_3268], %gather3A_73 {strides = array<i32>} : memref<4x16x8x128xf32, #tpu.memory_space<vmem>>, vector<16xf32>,
        %swap3A_3270 = arith.constant 3 : i32
        %swap3A_3271 = arith.index_cast %rem3A_173 : i32 to index
        %swap3A_3272 = arith.index_cast %while3A_3101 : i32 to index
        %swap3A_3273 = arith.index_cast %swap3A_3270 : i32 to index
        %swap3A_3274 = arith.constant 64 : index
        %swap3A_3275 = tpu.vector_load %arg8[%swap3A_3271, %swap3A_3272, %swap3A_3273, %swap3A_3274] {strides = array<i32>} : memref<4x16x8x128xf32, #tpu.memory_space<vmem>>, vector<16xf32>,
        tpu.vector_store %arg8[%swap3A_3271, %swap3A_3272, %swap3A_3273, %swap3A_3274], %gather3A_73 {strides = array<i32>} : memref<4x16x8x128xf32, #tpu.memory_space<vmem>>, vector<16xf32>,
        %swap3A_3276 = arith.constant 3 : i32
        %swap3A_3277 = arith.index_cast %rem3A_173 : i32 to index
        %swap3A_3278 = arith.index_cast %while3A_3101 : i32 to index
        %swap3A_3279 = arith.index_cast %swap3A_3276 : i32 to index
        %swap3A_3280 = arith.constant 80 : index
        %swap3A_3281 = tpu.vector_load %arg8[%swap3A_3277, %swap3A_3278, %swap3A_3279, %swap3A_3280] {strides = array<i32>} : memref<4x16x8x128xf32, #tpu.memory_space<vmem>>, vector<16xf32>,
        tpu.vector_store %arg8[%swap3A_3277, %swap3A_3278, %swap3A_3279, %swap3A_3280], %gather3A_73 {strides = array<i32>} : memref<4x16x8x128xf32, #tpu.memory_space<vmem>>, vector<16xf32>,
        %swap3A_3282 = arith.constant 3 : i32
        %swap3A_3283 = arith.index_cast %rem3A_173 : i32 to index
        %swap3A_3284 = arith.index_cast %while3A_3101 : i32 to index
        %swap3A_3285 = arith.index_cast %swap3A_3282 : i32 to index
        %swap3A_3286 = arith.constant 96 : index
        %swap3A_3287 = tpu.vector_load %arg8[%swap3A_3283, %swap3A_3284, %swap3A_3285, %swap3A_3286] {strides = array<i32>} : memref<4x16x8x128xf32, #tpu.memory_space<vmem>>, vector<16xf32>,
        tpu.vector_store %arg8[%swap3A_3283, %swap3A_3284, %swap3A_3285, %swap3A_3286], %gather3A_73 {strides = array<i32>} : memref<4x16x8x128xf32, #tpu.memory_space<vmem>>, vector<16xf32>,
        %swap3A_3288 = arith.constant 3 : i32
        %swap3A_3289 = arith.index_cast %rem3A_173 : i32 to index
        %swap3A_3290 = arith.index_cast %while3A_3101 : i32 to index
        %swap3A_3291 = arith.index_cast %swap3A_3288 : i32 to index
        %swap3A_3292 = arith.constant 112 : index
        %swap3A_3293 = tpu.vector_load %arg8[%swap3A_3289, %swap3A_3290, %swap3A_3291, %swap3A_3292] {strides = array<i32>} : memref<4x16x8x128xf32, #tpu.memory_space<vmem>>, vector<16xf32>,
        tpu.vector_store %arg8[%swap3A_3289, %swap3A_3290, %swap3A_3291, %swap3A_3292], %gather3A_73 {strides = array<i32>} : memref<4x16x8x128xf32, #tpu.memory_space<vmem>>, vector<16xf32>,
        %swap3A_3294 = arith.constant 4 : i32
        %swap3A_3295 = arith.index_cast %rem3A_173 : i32 to index
        %swap3A_3296 = arith.index_cast %while3A_3101 : i32 to index
        %swap3A_3297 = arith.index_cast %swap3A_3294 : i32 to index
        %swap3A_3298 = arith.constant 0 : index
        %swap3A_3299 = tpu.vector_load %arg8[%swap3A_3295, %swap3A_3296, %swap3A_3297, %swap3A_3298] {strides = array<i32>} : memref<4x16x8x128xf32, #tpu.memory_space<vmem>>, vector<16xf32>,
        tpu.vector_store %arg8[%swap3A_3295, %swap3A_3296, %swap3A_3297, %swap3A_3298], %gather3A_73 {strides = array<i32>} : memref<4x16x8x128xf32, #tpu.memory_space<vmem>>, vector<16xf32>,
        %swap3A_3300 = arith.constant 4 : i32
        %swap3A_3301 = arith.index_cast %rem3A_173 : i32 to index
        %swap3A_3302 = arith.index_cast %while3A_3101 : i32 to index
        %swap3A_3303 = arith.index_cast %swap3A_3300 : i32 to index
        %swap3A_3304 = arith.constant 16 : index
        %swap3A_3305 = tpu.vector_load %arg8[%swap3A_3301, %swap3A_3302, %swap3A_3303, %swap3A_3304] {strides = array<i32>} : memref<4x16x8x128xf32, #tpu.memory_space<vmem>>, vector<16xf32>,
        tpu.vector_store %arg8[%swap3A_3301, %swap3A_3302, %swap3A_3303, %swap3A_3304], %gather3A_73 {strides = array<i32>} : memref<4x16x8x128xf32, #tpu.memory_space<vmem>>, vector<16xf32>,
        %swap3A_3306 = arith.constant 4 : i32
        %swap3A_3307 = arith.index_cast %rem3A_173 : i32 to index
        %swap3A_3308 = arith.index_cast %while3A_3101 : i32 to index
        %swap3A_3309 = arith.index_cast %swap3A_3306 : i32 to index
        %swap3A_3310 = arith.constant 32 : index
        %swap3A_3311 = tpu.vector_load %arg8[%swap3A_3307, %swap3A_3308, %swap3A_3309, %swap3A_3310] {strides = array<i32>} : memref<4x16x8x128xf32, #tpu.memory_space<vmem>>, vector<16xf32>,
        tpu.vector_store %arg8[%swap3A_3307, %swap3A_3308, %swap3A_3309, %swap3A_3310], %gather3A_73 {strides = array<i32>} : memref<4x16x8x128xf32, #tpu.memory_space<vmem>>, vector<16xf32>,
        %swap3A_3312 = arith.constant 4 : i32
        %swap3A_3313 = arith.index_cast %rem3A_173 : i32 to index
        %swap3A_3314 = arith.index_cast %while3A_3101 : i32 to index
        %swap3A_3315 = arith.index_cast %swap3A_3312 : i32 to index
        %swap3A_3316 = arith.constant 48 : index
        %swap3A_3317 = tpu.vector_load %arg8[%swap3A_3313, %swap3A_3314, %swap3A_3315, %swap3A_3316] {strides = array<i32>} : memref<4x16x8x128xf32, #tpu.memory_space<vmem>>, vector<16xf32>,
        tpu.vector_store %arg8[%swap3A_3313, %swap3A_3314, %swap3A_3315, %swap3A_3316], %gather3A_73 {strides = array<i32>} : memref<4x16x8x128xf32, #tpu.memory_space<vmem>>, vector<16xf32>,
        %swap3A_3318 = arith.constant 4 : i32
        %swap3A_3319 = arith.index_cast %rem3A_173 : i32 to index
        %swap3A_3320 = arith.index_cast %while3A_3101 : i32 to index
        %swap3A_3321 = arith.index_cast %swap3A_3318 : i32 to index
        %swap3A_3322 = arith.constant 64 : index
        %swap3A_3323 = tpu.vector_load %arg8[%swap3A_3319, %swap3A_3320, %swap3A_3321, %swap3A_3322] {strides = array<i32>} : memref<4x16x8x128xf32, #tpu.memory_space<vmem>>, vector<16xf32>,
        tpu.vector_store %arg8[%swap3A_3319, %swap3A_3320, %swap3A_3321, %swap3A_3322], %gather3A_73 {strides = array<i32>} : memref<4x16x8x128xf32, #tpu.memory_space<vmem>>, vector<16xf32>,
        %swap3A_3324 = arith.constant 4 : i32
        %swap3A_3325 = arith.index_cast %rem3A_173 : i32 to index
        %swap3A_3326 = arith.index_cast %while3A_3101 : i32 to index
        %swap3A_3327 = arith.index_cast %swap3A_3324 : i32 to index
        %swap3A_3328 = arith.constant 80 : index
        %swap3A_3329 = tpu.vector_load %arg8[%swap3A_3325, %swap3A_3326, %swap3A_3327, %swap3A_3328] {strides = array<i32>} : memref<4x16x8x128xf32, #tpu.memory_space<vmem>>, vector<16xf32>,
        tpu.vector_store %arg8[%swap3A_3325, %swap3A_3326, %swap3A_3327, %swap3A_3328], %gather3A_73 {strides = array<i32>} : memref<4x16x8x128xf32, #tpu.memory_space<vmem>>, vector<16xf32>,
        %swap3A_3330 = arith.constant 4 : i32
        %swap3A_3331 = arith.index_cast %rem3A_173 : i32 to index
        %swap3A_3332 = arith.index_cast %while3A_3101 : i32 to index
        %swap3A_3333 = arith.index_cast %swap3A_3330 : i32 to index
        %swap3A_3334 = arith.constant 96 : index
        %swap3A_3335 = tpu.vector_load %arg8[%swap3A_3331, %swap3A_3332, %swap3A_3333, %swap3A_3334] {strides = array<i32>} : memref<4x16x8x128xf32, #tpu.memory_space<vmem>>, vector<16xf32>,
        tpu.vector_store %arg8[%swap3A_3331, %swap3A_3332, %swap3A_3333, %swap3A_3334], %gather3A_73 {strides = array<i32>} : memref<4x16x8x128xf32, #tpu.memory_space<vmem>>, vector<16xf32>,
        %swap3A_3336 = arith.constant 4 : i32
        %swap3A_3337 = arith.index_cast %rem3A_173 : i32 to index
        %swap3A_3338 = arith.index_cast %while3A_3101 : i32 to index
        %swap3A_3339 = arith.index_cast %swap3A_3336 : i32 to index
        %swap3A_3340 = arith.constant 112 : index
        %swap3A_3341 = tpu.vector_load %arg8[%swap3A_3337, %swap3A_3338, %swap3A_3339, %swap3A_3340] {strides = array<i32>} : memref<4x16x8x128xf32, #tpu.memory_space<vmem>>, vector<16xf32>,
        tpu.vector_store %arg8[%swap3A_3337, %swap3A_3338, %swap3A_3339, %swap3A_3340], %gather3A_73 {strides = array<i32>} : memref<4x16x8x128xf32, #tpu.memory_space<vmem>>, vector<16xf32>,
        %swap3A_3342 = arith.constant 5 : i32
        %swap3A_3343 = arith.index_cast %rem3A_173 : i32 to index
        %swap3A_3344 = arith.index_cast %while3A_3101 : i32 to index
        %swap3A_3345 = arith.index_cast %swap3A_3342 : i32 to index
        %swap3A_3346 = arith.constant 0 : index
        %swap3A_3347 = tpu.vector_load %arg8[%swap3A_3343, %swap3A_3344, %swap3A_3345, %swap3A_3346] {strides = array<i32>} : memref<4x16x8x128xf32, #tpu.memory_space<vmem>>, vector<16xf32>,
        tpu.vector_store %arg8[%swap3A_3343, %swap3A_3344, %swap3A_3345, %swap3A_3346], %gather3A_73 {strides = array<i32>} : memref<4x16x8x128xf32, #tpu.memory_space<vmem>>, vector<16xf32>,
        %swap3A_3348 = arith.constant 5 : i32
        %swap3A_3349 = arith.index_cast %rem3A_173 : i32 to index
        %swap3A_3350 = arith.index_cast %while3A_3101 : i32 to index
        %swap3A_3351 = arith.index_cast %swap3A_3348 : i32 to index
        %swap3A_3352 = arith.constant 16 : index
        %swap3A_3353 = tpu.vector_load %arg8[%swap3A_3349, %swap3A_3350, %swap3A_3351, %swap3A_3352] {strides = array<i32>} : memref<4x16x8x128xf32, #tpu.memory_space<vmem>>, vector<16xf32>,
        tpu.vector_store %arg8[%swap3A_3349, %swap3A_3350, %swap3A_3351, %swap3A_3352], %gather3A_73 {strides = array<i32>} : memref<4x16x8x128xf32, #tpu.memory_space<vmem>>, vector<16xf32>,
        %swap3A_3354 = arith.constant 5 : i32
        %swap3A_3355 = arith.index_cast %rem3A_173 : i32 to index
        %swap3A_3356 = arith.index_cast %while3A_3101 : i32 to index
        %swap3A_3357 = arith.index_cast %swap3A_3354 : i32 to index
        %swap3A_3358 = arith.constant 32 : index
        %swap3A_3359 = tpu.vector_load %arg8[%swap3A_3355, %swap3A_3356, %swap3A_3357, %swap3A_3358] {strides = array<i32>} : memref<4x16x8x128xf32, #tpu.memory_space<vmem>>, vector<16xf32>,
        tpu.vector_store %arg8[%swap3A_3355, %swap3A_3356, %swap3A_3357, %swap3A_3358], %gather3A_73 {strides = array<i32>} : memref<4x16x8x128xf32, #tpu.memory_space<vmem>>, vector<16xf32>,
        %swap3A_3360 = arith.constant 5 : i32
        %swap3A_3361 = arith.index_cast %rem3A_173 : i32 to index
        %swap3A_3362 = arith.index_cast %while3A_3101 : i32 to index
        %swap3A_3363 = arith.index_cast %swap3A_3360 : i32 to index
        %swap3A_3364 = arith.constant 48 : index
        %swap3A_3365 = tpu.vector_load %arg8[%swap3A_3361, %swap3A_3362, %swap3A_3363, %swap3A_3364] {strides = array<i32>} : memref<4x16x8x128xf32, #tpu.memory_space<vmem>>, vector<16xf32>,
        tpu.vector_store %arg8[%swap3A_3361, %swap3A_3362, %swap3A_3363, %swap3A_3364], %gather3A_73 {strides = array<i32>} : memref<4x16x8x128xf32, #tpu.memory_space<vmem>>, vector<16xf32>,
        %swap3A_3366 = arith.constant 5 : i32
        %swap3A_3367 = arith.index_cast %rem3A_173 : i32 to index
        %swap3A_3368 = arith.index_cast %while3A_3101 : i32 to index
        %swap3A_3369 = arith.index_cast %swap3A_3366 : i32 to index
        %swap3A_3370 = arith.constant 64 : index
        %swap3A_3371 = tpu.vector_load %arg8[%swap3A_3367, %swap3A_3368, %swap3A_3369, %swap3A_3370] {strides = array<i32>} : memref<4x16x8x128xf32, #tpu.memory_space<vmem>>, vector<16xf32>,
        tpu.vector_store %arg8[%swap3A_3367, %swap3A_3368, %swap3A_3369, %swap3A_3370], %gather3A_73 {strides = array<i32>} : memref<4x16x8x128xf32, #tpu.memory_space<vmem>>, vector<16xf32>,
        %swap3A_3372 = arith.constant 5 : i32
        %swap3A_3373 = arith.index_cast %rem3A_173 : i32 to index
        %swap3A_3374 = arith.index_cast %while3A_3101 : i32 to index
        %swap3A_3375 = arith.index_cast %swap3A_3372 : i32 to index
        %swap3A_3376 = arith.constant 80 : index
        %swap3A_3377 = tpu.vector_load %arg8[%swap3A_3373, %swap3A_3374, %swap3A_3375, %swap3A_3376] {strides = array<i32>} : memref<4x16x8x128xf32, #tpu.memory_space<vmem>>, vector<16xf32>,
        tpu.vector_store %arg8[%swap3A_3373, %swap3A_3374, %swap3A_3375, %swap3A_3376], %gather3A_73 {strides = array<i32>} : memref<4x16x8x128xf32, #tpu.memory_space<vmem>>, vector<16xf32>,
        %swap3A_3378 = arith.constant 5 : i32
        %swap3A_3379 = arith.index_cast %rem3A_173 : i32 to index
        %swap3A_3380 = arith.index_cast %while3A_3101 : i32 to index
        %swap3A_3381 = arith.index_cast %swap3A_3378 : i32 to index
        %swap3A_3382 = arith.constant 96 : index
        %swap3A_3383 = tpu.vector_load %arg8[%swap3A_3379, %swap3A_3380, %swap3A_3381, %swap3A_3382] {strides = array<i32>} : memref<4x16x8x128xf32, #tpu.memory_space<vmem>>, vector<16xf32>,
        tpu.vector_store %arg8[%swap3A_3379, %swap3A_3380, %swap3A_3381, %swap3A_3382], %gather3A_73 {strides = array<i32>} : memref<4x16x8x128xf32, #tpu.memory_space<vmem>>, vector<16xf32>,
        %swap3A_3384 = arith.constant 5 : i32
        %swap3A_3385 = arith.index_cast %rem3A_173 : i32 to index
        %swap3A_3386 = arith.index_cast %while3A_3101 : i32 to index
        %swap3A_3387 = arith.index_cast %swap3A_3384 : i32 to index
        %swap3A_3388 = arith.constant 112 : index
        %swap3A_3389 = tpu.vector_load %arg8[%swap3A_3385, %swap3A_3386, %swap3A_3387, %swap3A_3388] {strides = array<i32>} : memref<4x16x8x128xf32, #tpu.memory_space<vmem>>, vector<16xf32>,
        tpu.vector_store %arg8[%swap3A_3385, %swap3A_3386, %swap3A_3387, %swap3A_3388], %gather3A_73 {strides = array<i32>} : memref<4x16x8x128xf32, #tpu.memory_space<vmem>>, vector<16xf32>,
        %swap3A_3390 = arith.constant 6 : i32
        %swap3A_3391 = arith.index_cast %rem3A_173 : i32 to index
        %swap3A_3392 = arith.index_cast %while3A_3101 : i32 to index
        %swap3A_3393 = arith.index_cast %swap3A_3390 : i32 to index
        %swap3A_3394 = arith.constant 0 : index
        %swap3A_3395 = tpu.vector_load %arg8[%swap3A_3391, %swap3A_3392, %swap3A_3393, %swap3A_3394] {strides = array<i32>} : memref<4x16x8x128xf32, #tpu.memory_space<vmem>>, vector<16xf32>,
        tpu.vector_store %arg8[%swap3A_3391, %swap3A_3392, %swap3A_3393, %swap3A_3394], %gather3A_73 {strides = array<i32>} : memref<4x16x8x128xf32, #tpu.memory_space<vmem>>, vector<16xf32>,
        %swap3A_3396 = arith.constant 6 : i32
        %swap3A_3397 = arith.index_cast %rem3A_173 : i32 to index
        %swap3A_3398 = arith.index_cast %while3A_3101 : i32 to index
        %swap3A_3399 = arith.index_cast %swap3A_3396 : i32 to index
        %swap3A_3400 = arith.constant 16 : index
        %swap3A_3401 = tpu.vector_load %arg8[%swap3A_3397, %swap3A_3398, %swap3A_3399, %swap3A_3400] {strides = array<i32>} : memref<4x16x8x128xf32, #tpu.memory_space<vmem>>, vector<16xf32>,
        tpu.vector_store %arg8[%swap3A_3397, %swap3A_3398, %swap3A_3399, %swap3A_3400], %gather3A_73 {strides = array<i32>} : memref<4x16x8x128xf32, #tpu.memory_space<vmem>>, vector<16xf32>,
        %swap3A_3402 = arith.constant 6 : i32
        %swap3A_3403 = arith.index_cast %rem3A_173 : i32 to index
        %swap3A_3404 = arith.index_cast %while3A_3101 : i32 to index
        %swap3A_3405 = arith.index_cast %swap3A_3402 : i32 to index
        %swap3A_3406 = arith.constant 32 : index
        %swap3A_3407 = tpu.vector_load %arg8[%swap3A_3403, %swap3A_3404, %swap3A_3405, %swap3A_3406] {strides = array<i32>} : memref<4x16x8x128xf32, #tpu.memory_space<vmem>>, vector<16xf32>,
        tpu.vector_store %arg8[%swap3A_3403, %swap3A_3404, %swap3A_3405, %swap3A_3406], %gather3A_73 {strides = array<i32>} : memref<4x16x8x128xf32, #tpu.memory_space<vmem>>, vector<16xf32>,
        %swap3A_3408 = arith.constant 6 : i32
        %swap3A_3409 = arith.index_cast %rem3A_173 : i32 to index
        %swap3A_3410 = arith.index_cast %while3A_3101 : i32 to index
        %swap3A_3411 = arith.index_cast %swap3A_3408 : i32 to index
        %swap3A_3412 = arith.constant 48 : index
        %swap3A_3413 = tpu.vector_load %arg8[%swap3A_3409, %swap3A_3410, %swap3A_3411, %swap3A_3412] {strides = array<i32>} : memref<4x16x8x128xf32, #tpu.memory_space<vmem>>, vector<16xf32>,
        tpu.vector_store %arg8[%swap3A_3409, %swap3A_3410, %swap3A_3411, %swap3A_3412], %gather3A_73 {strides = array<i32>} : memref<4x16x8x128xf32, #tpu.memory_space<vmem>>, vector<16xf32>,
        %swap3A_3414 = arith.constant 6 : i32
        %swap3A_3415 = arith.index_cast %rem3A_173 : i32 to index
        %swap3A_3416 = arith.index_cast %while3A_3101 : i32 to index
        %swap3A_3417 = arith.index_cast %swap3A_3414 : i32 to index
        %swap3A_3418 = arith.constant 64 : index
        %swap3A_3419 = tpu.vector_load %arg8[%swap3A_3415, %swap3A_3416, %swap3A_3417, %swap3A_3418] {strides = array<i32>} : memref<4x16x8x128xf32, #tpu.memory_space<vmem>>, vector<16xf32>,
        tpu.vector_store %arg8[%swap3A_3415, %swap3A_3416, %swap3A_3417, %swap3A_3418], %gather3A_73 {strides = array<i32>} : memref<4x16x8x128xf32, #tpu.memory_space<vmem>>, vector<16xf32>,
        %swap3A_3420 = arith.constant 6 : i32
        %swap3A_3421 = arith.index_cast %rem3A_173 : i32 to index
        %swap3A_3422 = arith.index_cast %while3A_3101 : i32 to index
        %swap3A_3423 = arith.index_cast %swap3A_3420 : i32 to index
        %swap3A_3424 = arith.constant 80 : index
        %swap3A_3425 = tpu.vector_load %arg8[%swap3A_3421, %swap3A_3422, %swap3A_3423, %swap3A_3424] {strides = array<i32>} : memref<4x16x8x128xf32, #tpu.memory_space<vmem>>, vector<16xf32>,
        tpu.vector_store %arg8[%swap3A_3421, %swap3A_3422, %swap3A_3423, %swap3A_3424], %gather3A_73 {strides = array<i32>} : memref<4x16x8x128xf32, #tpu.memory_space<vmem>>, vector<16xf32>,
        %swap3A_3426 = arith.constant 6 : i32
        %swap3A_3427 = arith.index_cast %rem3A_173 : i32 to index
        %swap3A_3428 = arith.index_cast %while3A_3101 : i32 to index
        %swap3A_3429 = arith.index_cast %swap3A_3426 : i32 to index
        %swap3A_3430 = arith.constant 96 : index
        %swap3A_3431 = tpu.vector_load %arg8[%swap3A_3427, %swap3A_3428, %swap3A_3429, %swap3A_3430] {strides = array<i32>} : memref<4x16x8x128xf32, #tpu.memory_space<vmem>>, vector<16xf32>,
        tpu.vector_store %arg8[%swap3A_3427, %swap3A_3428, %swap3A_3429, %swap3A_3430], %gather3A_73 {strides = array<i32>} : memref<4x16x8x128xf32, #tpu.memory_space<vmem>>, vector<16xf32>,
        %swap3A_3432 = arith.constant 6 : i32
        %swap3A_3433 = arith.index_cast %rem3A_173 : i32 to index
        %swap3A_3434 = arith.index_cast %while3A_3101 : i32 to index
        %swap3A_3435 = arith.index_cast %swap3A_3432 : i32 to index
        %swap3A_3436 = arith.constant 112 : index
        %swap3A_3437 = tpu.vector_load %arg8[%swap3A_3433, %swap3A_3434, %swap3A_3435, %swap3A_3436] {strides = array<i32>} : memref<4x16x8x128xf32, #tpu.memory_space<vmem>>, vector<16xf32>,
        tpu.vector_store %arg8[%swap3A_3433, %swap3A_3434, %swap3A_3435, %swap3A_3436], %gather3A_73 {strides = array<i32>} : memref<4x16x8x128xf32, #tpu.memory_space<vmem>>, vector<16xf32>,
        %swap3A_3438 = arith.constant 7 : i32
        %swap3A_3439 = arith.index_cast %rem3A_173 : i32 to index
        %swap3A_3440 = arith.index_cast %while3A_3101 : i32 to index
        %swap3A_3441 = arith.index_cast %swap3A_3438 : i32 to index
        %swap3A_3442 = arith.constant 0 : index
        %swap3A_3443 = tpu.vector_load %arg8[%swap3A_3439, %swap3A_3440, %swap3A_3441, %swap3A_3442] {strides = array<i32>} : memref<4x16x8x128xf32, #tpu.memory_space<vmem>>, vector<16xf32>,
        tpu.vector_store %arg8[%swap3A_3439, %swap3A_3440, %swap3A_3441, %swap3A_3442], %gather3A_73 {strides = array<i32>} : memref<4x16x8x128xf32, #tpu.memory_space<vmem>>, vector<16xf32>,
        %swap3A_3444 = arith.constant 7 : i32
        %swap3A_3445 = arith.index_cast %rem3A_173 : i32 to index
        %swap3A_3446 = arith.index_cast %while3A_3101 : i32 to index
        %swap3A_3447 = arith.index_cast %swap3A_3444 : i32 to index
        %swap3A_3448 = arith.constant 16 : index
        %swap3A_3449 = tpu.vector_load %arg8[%swap3A_3445, %swap3A_3446, %swap3A_3447, %swap3A_3448] {strides = array<i32>} : memref<4x16x8x128xf32, #tpu.memory_space<vmem>>, vector<16xf32>,
        tpu.vector_store %arg8[%swap3A_3445, %swap3A_3446, %swap3A_3447, %swap3A_3448], %gather3A_73 {strides = array<i32>} : memref<4x16x8x128xf32, #tpu.memory_space<vmem>>, vector<16xf32>,
        %swap3A_3450 = arith.constant 7 : i32
        %swap3A_3451 = arith.index_cast %rem3A_173 : i32 to index
        %swap3A_3452 = arith.index_cast %while3A_3101 : i32 to index
        %swap3A_3453 = arith.index_cast %swap3A_3450 : i32 to index
        %swap3A_3454 = arith.constant 32 : index
        %swap3A_3455 = tpu.vector_load %arg8[%swap3A_3451, %swap3A_3452, %swap3A_3453, %swap3A_3454] {strides = array<i32>} : memref<4x16x8x128xf32, #tpu.memory_space<vmem>>, vector<16xf32>,
        tpu.vector_store %arg8[%swap3A_3451, %swap3A_3452, %swap3A_3453, %swap3A_3454], %gather3A_73 {strides = array<i32>} : memref<4x16x8x128xf32, #tpu.memory_space<vmem>>, vector<16xf32>,
        %swap3A_3456 = arith.constant 7 : i32
        %swap3A_3457 = arith.index_cast %rem3A_173 : i32 to index
        %swap3A_3458 = arith.index_cast %while3A_3101 : i32 to index
        %swap3A_3459 = arith.index_cast %swap3A_3456 : i32 to index
        %swap3A_3460 = arith.constant 48 : index
        %swap3A_3461 = tpu.vector_load %arg8[%swap3A_3457, %swap3A_3458, %swap3A_3459, %swap3A_3460] {strides = array<i32>} : memref<4x16x8x128xf32, #tpu.memory_space<vmem>>, vector<16xf32>,
        tpu.vector_store %arg8[%swap3A_3457, %swap3A_3458, %swap3A_3459, %swap3A_3460], %gather3A_73 {strides = array<i32>} : memref<4x16x8x128xf32, #tpu.memory_space<vmem>>, vector<16xf32>,
        %swap3A_3462 = arith.constant 7 : i32
        %swap3A_3463 = arith.index_cast %rem3A_173 : i32 to index
        %swap3A_3464 = arith.index_cast %while3A_3101 : i32 to index
        %swap3A_3465 = arith.index_cast %swap3A_3462 : i32 to index
        %swap3A_3466 = arith.constant 64 : index
        %swap3A_3467 = tpu.vector_load %arg8[%swap3A_3463, %swap3A_3464, %swap3A_3465, %swap3A_3466] {strides = array<i32>} : memref<4x16x8x128xf32, #tpu.memory_space<vmem>>, vector<16xf32>,
        tpu.vector_store %arg8[%swap3A_3463, %swap3A_3464, %swap3A_3465, %swap3A_3466], %gather3A_73 {strides = array<i32>} : memref<4x16x8x128xf32, #tpu.memory_space<vmem>>, vector<16xf32>,
        %swap3A_3468 = arith.constant 7 : i32
        %swap3A_3469 = arith.index_cast %rem3A_173 : i32 to index
        %swap3A_3470 = arith.index_cast %while3A_3101 : i32 to index
        %swap3A_3471 = arith.index_cast %swap3A_3468 : i32 to index
        %swap3A_3472 = arith.constant 80 : index
        %swap3A_3473 = tpu.vector_load %arg8[%swap3A_3469, %swap3A_3470, %swap3A_3471, %swap3A_3472] {strides = array<i32>} : memref<4x16x8x128xf32, #tpu.memory_space<vmem>>, vector<16xf32>,
        tpu.vector_store %arg8[%swap3A_3469, %swap3A_3470, %swap3A_3471, %swap3A_3472], %gather3A_73 {strides = array<i32>} : memref<4x16x8x128xf32, #tpu.memory_space<vmem>>, vector<16xf32>,
        %swap3A_3474 = arith.constant 7 : i32
        %swap3A_3475 = arith.index_cast %rem3A_173 : i32 to index
        %swap3A_3476 = arith.index_cast %while3A_3101 : i32 to index
        %swap3A_3477 = arith.index_cast %swap3A_3474 : i32 to index
        %swap3A_3478 = arith.constant 96 : index
        %swap3A_3479 = tpu.vector_load %arg8[%swap3A_3475, %swap3A_3476, %swap3A_3477, %swap3A_3478] {strides = array<i32>} : memref<4x16x8x128xf32, #tpu.memory_space<vmem>>, vector<16xf32>,
        tpu.vector_store %arg8[%swap3A_3475, %swap3A_3476, %swap3A_3477, %swap3A_3478], %gather3A_73 {strides = array<i32>} : memref<4x16x8x128xf32, #tpu.memory_space<vmem>>, vector<16xf32>,
        %swap3A_3480 = arith.constant 7 : i32
        %swap3A_3481 = arith.index_cast %rem3A_173 : i32 to index
        %swap3A_3482 = arith.index_cast %while3A_3101 : i32 to index
        %swap3A_3483 = arith.index_cast %swap3A_3480 : i32 to index
        %swap3A_3484 = arith.constant 112 : index
        %swap3A_3485 = tpu.vector_load %arg8[%swap3A_3481, %swap3A_3482, %swap3A_3483, %swap3A_3484] {strides = array<i32>} : memref<4x16x8x128xf32, #tpu.memory_space<vmem>>, vector<16xf32>,
        tpu.vector_store %arg8[%swap3A_3481, %swap3A_3482, %swap3A_3483, %swap3A_3484], %gather3A_73 {strides = array<i32>} : memref<4x16x8x128xf32, #tpu.memory_space<vmem>>, vector<16xf32>,
      }
      %while3A_226 = arith.constant 1 : i32
      scf.for %while3A_3101 = %while3A_224 to %while3A_220 step %while3A_226  : i32 {
        %swap3A_3102 = arith.constant 0 : i32
        %swap3A_3103 = arith.index_cast %rem3A_173 : i32 to index
        %swap3A_3104 = arith.index_cast %while3A_3101 : i32 to index
        %swap3A_3105 = arith.index_cast %swap3A_3102 : i32 to index
        %swap3A_3106 = arith.constant 0 : index
        %swap3A_3107 = tpu.vector_load %arg8[%swap3A_3103, %swap3A_3104, %swap3A_3105, %swap3A_3106] {strides = array<i32>} : memref<4x16x8x128xf32, #tpu.memory_space<vmem>>, vector<16xf32>,
        tpu.vector_store %arg8[%swap3A_3103, %swap3A_3104, %swap3A_3105, %swap3A_3106], %gather3A_73 {strides = array<i32>} : memref<4x16x8x128xf32, #tpu.memory_space<vmem>>, vector<16xf32>,
        %swap3A_3108 = arith.constant 0 : i32
        %swap3A_3109 = arith.index_cast %rem3A_173 : i32 to index
        %swap3A_3110 = arith.index_cast %while3A_3101 : i32 to index
        %swap3A_3111 = arith.index_cast %swap3A_3108 : i32 to index
        %swap3A_3112 = arith.constant 16 : index
        %swap3A_3113 = tpu.vector_load %arg8[%swap3A_3109, %swap3A_3110, %swap3A_3111, %swap3A_3112] {strides = array<i32>} : memref<4x16x8x128xf32, #tpu.memory_space<vmem>>, vector<16xf32>,
        tpu.vector_store %arg8[%swap3A_3109, %swap3A_3110, %swap3A_3111, %swap3A_3112], %gather3A_73 {strides = array<i32>} : memref<4x16x8x128xf32, #tpu.memory_space<vmem>>, vector<16xf32>,
        %swap3A_3114 = arith.constant 0 : i32
        %swap3A_3115 = arith.index_cast %rem3A_173 : i32 to index
        %swap3A_3116 = arith.index_cast %while3A_3101 : i32 to index
        %swap3A_3117 = arith.index_cast %swap3A_3114 : i32 to index
        %swap3A_3118 = arith.constant 32 : index
        %swap3A_3119 = tpu.vector_load %arg8[%swap3A_3115, %swap3A_3116, %swap3A_3117, %swap3A_3118] {strides = array<i32>} : memref<4x16x8x128xf32, #tpu.memory_space<vmem>>, vector<16xf32>,
        tpu.vector_store %arg8[%swap3A_3115, %swap3A_3116, %swap3A_3117, %swap3A_3118], %gather3A_73 {strides = array<i32>} : memref<4x16x8x128xf32, #tpu.memory_space<vmem>>, vector<16xf32>,
        %swap3A_3120 = arith.constant 0 : i32
        %swap3A_3121 = arith.index_cast %rem3A_173 : i32 to index
        %swap3A_3122 = arith.index_cast %while3A_3101 : i32 to index
        %swap3A_3123 = arith.index_cast %swap3A_3120 : i32 to index
        %swap3A_3124 = arith.constant 48 : index
        %swap3A_3125 = tpu.vector_load %arg8[%swap3A_3121, %swap3A_3122, %swap3A_3123, %swap3A_3124] {strides = array<i32>} : memref<4x16x8x128xf32, #tpu.memory_space<vmem>>, vector<16xf32>,
        tpu.vector_store %arg8[%swap3A_3121, %swap3A_3122, %swap3A_3123, %swap3A_3124], %gather3A_73 {strides = array<i32>} : memref<4x16x8x128xf32, #tpu.memory_space<vmem>>, vector<16xf32>,
        %swap3A_3126 = arith.constant 0 : i32
        %swap3A_3127 = arith.index_cast %rem3A_173 : i32 to index
        %swap3A_3128 = arith.index_cast %while3A_3101 : i32 to index
        %swap3A_3129 = arith.index_cast %swap3A_3126 : i32 to index
        %swap3A_3130 = arith.constant 64 : index
        %swap3A_3131 = tpu.vector_load %arg8[%swap3A_3127, %swap3A_3128, %swap3A_3129, %swap3A_3130] {strides = array<i32>} : memref<4x16x8x128xf32, #tpu.memory_space<vmem>>, vector<16xf32>,
        tpu.vector_store %arg8[%swap3A_3127, %swap3A_3128, %swap3A_3129, %swap3A_3130], %gather3A_73 {strides = array<i32>} : memref<4x16x8x128xf32, #tpu.memory_space<vmem>>, vector<16xf32>,
        %swap3A_3132 = arith.constant 0 : i32
        %swap3A_3133 = arith.index_cast %rem3A_173 : i32 to index
        %swap3A_3134 = arith.index_cast %while3A_3101 : i32 to index
        %swap3A_3135 = arith.index_cast %swap3A_3132 : i32 to index
        %swap3A_3136 = arith.constant 80 : index
        %swap3A_3137 = tpu.vector_load %arg8[%swap3A_3133, %swap3A_3134, %swap3A_3135, %swap3A_3136] {strides = array<i32>} : memref<4x16x8x128xf32, #tpu.memory_space<vmem>>, vector<16xf32>,
        tpu.vector_store %arg8[%swap3A_3133, %swap3A_3134, %swap3A_3135, %swap3A_3136], %gather3A_73 {strides = array<i32>} : memref<4x16x8x128xf32, #tpu.memory_space<vmem>>, vector<16xf32>,
        %swap3A_3138 = arith.constant 0 : i32
        %swap3A_3139 = arith.index_cast %rem3A_173 : i32 to index
        %swap3A_3140 = arith.index_cast %while3A_3101 : i32 to index
        %swap3A_3141 = arith.index_cast %swap3A_3138 : i32 to index
        %swap3A_3142 = arith.constant 96 : index
        %swap3A_3143 = tpu.vector_load %arg8[%swap3A_3139, %swap3A_3140, %swap3A_3141, %swap3A_3142] {strides = array<i32>} : memref<4x16x8x128xf32, #tpu.memory_space<vmem>>, vector<16xf32>,
        tpu.vector_store %arg8[%swap3A_3139, %swap3A_3140, %swap3A_3141, %swap3A_3142], %gather3A_73 {strides = array<i32>} : memref<4x16x8x128xf32, #tpu.memory_space<vmem>>, vector<16xf32>,
        %swap3A_3144 = arith.constant 0 : i32
        %swap3A_3145 = arith.index_cast %rem3A_173 : i32 to index
        %swap3A_3146 = arith.index_cast %while3A_3101 : i32 to index
        %swap3A_3147 = arith.index_cast %swap3A_3144 : i32 to index
        %swap3A_3148 = arith.constant 112 : index
        %swap3A_3149 = tpu.vector_load %arg8[%swap3A_3145, %swap3A_3146, %swap3A_3147, %swap3A_3148] {strides = array<i32>} : memref<4x16x8x128xf32, #tpu.memory_space<vmem>>, vector<16xf32>,
        tpu.vector_store %arg8[%swap3A_3145, %swap3A_3146, %swap3A_3147, %swap3A_3148], %gather3A_73 {strides = array<i32>} : memref<4x16x8x128xf32, #tpu.memory_space<vmem>>, vector<16xf32>,
        %swap3A_3150 = arith.constant 1 : i32
        %swap3A_3151 = arith.index_cast %rem3A_173 : i32 to index
        %swap3A_3152 = arith.index_cast %while3A_3101 : i32 to index
        %swap3A_3153 = arith.index_cast %swap3A_3150 : i32 to index
        %swap3A_3154 = arith.constant 0 : index
        %swap3A_3155 = tpu.vector_load %arg8[%swap3A_3151, %swap3A_3152, %swap3A_3153, %swap3A_3154] {strides = array<i32>} : memref<4x16x8x128xf32, #tpu.memory_space<vmem>>, vector<16xf32>,
        tpu.vector_store %arg8[%swap3A_3151, %swap3A_3152, %swap3A_3153, %swap3A_3154], %gather3A_73 {strides = array<i32>} : memref<4x16x8x128xf32, #tpu.memory_space<vmem>>, vector<16xf32>,
        %swap3A_3156 = arith.constant 1 : i32
        %swap3A_3157 = arith.index_cast %rem3A_173 : i32 to index
        %swap3A_3158 = arith.index_cast %while3A_3101 : i32 to index
        %swap3A_3159 = arith.index_cast %swap3A_3156 : i32 to index
        %swap3A_3160 = arith.constant 16 : index
        %swap3A_3161 = tpu.vector_load %arg8[%swap3A_3157, %swap3A_3158, %swap3A_3159, %swap3A_3160] {strides = array<i32>} : memref<4x16x8x128xf32, #tpu.memory_space<vmem>>, vector<16xf32>,
        tpu.vector_store %arg8[%swap3A_3157, %swap3A_3158, %swap3A_3159, %swap3A_3160], %gather3A_73 {strides = array<i32>} : memref<4x16x8x128xf32, #tpu.memory_space<vmem>>, vector<16xf32>,
        %swap3A_3162 = arith.constant 1 : i32
        %swap3A_3163 = arith.index_cast %rem3A_173 : i32 to index
        %swap3A_3164 = arith.index_cast %while3A_3101 : i32 to index
        %swap3A_3165 = arith.index_cast %swap3A_3162 : i32 to index
        %swap3A_3166 = arith.constant 32 : index
        %swap3A_3167 = tpu.vector_load %arg8[%swap3A_3163, %swap3A_3164, %swap3A_3165, %swap3A_3166] {strides = array<i32>} : memref<4x16x8x128xf32, #tpu.memory_space<vmem>>, vector<16xf32>,
        tpu.vector_store %arg8[%swap3A_3163, %swap3A_3164, %swap3A_3165, %swap3A_3166], %gather3A_73 {strides = array<i32>} : memref<4x16x8x128xf32, #tpu.memory_space<vmem>>, vector<16xf32>,
        %swap3A_3168 = arith.constant 1 : i32
        %swap3A_3169 = arith.index_cast %rem3A_173 : i32 to index
        %swap3A_3170 = arith.index_cast %while3A_3101 : i32 to index
        %swap3A_3171 = arith.index_cast %swap3A_3168 : i32 to index
        %swap3A_3172 = arith.constant 48 : index
        %swap3A_3173 = tpu.vector_load %arg8[%swap3A_3169, %swap3A_3170, %swap3A_3171, %swap3A_3172] {strides = array<i32>} : memref<4x16x8x128xf32, #tpu.memory_space<vmem>>, vector<16xf32>,
        tpu.vector_store %arg8[%swap3A_3169, %swap3A_3170, %swap3A_3171, %swap3A_3172], %gather3A_73 {strides = array<i32>} : memref<4x16x8x128xf32, #tpu.memory_space<vmem>>, vector<16xf32>,
        %swap3A_3174 = arith.constant 1 : i32
        %swap3A_3175 = arith.index_cast %rem3A_173 : i32 to index
        %swap3A_3176 = arith.index_cast %while3A_3101 : i32 to index
        %swap3A_3177 = arith.index_cast %swap3A_3174 : i32 to index
        %swap3A_3178 = arith.constant 64 : index
        %swap3A_3179 = tpu.vector_load %arg8[%swap3A_3175, %swap3A_3176, %swap3A_3177, %swap3A_3178] {strides = array<i32>} : memref<4x16x8x128xf32, #tpu.memory_space<vmem>>, vector<16xf32>,
        tpu.vector_store %arg8[%swap3A_3175, %swap3A_3176, %swap3A_3177, %swap3A_3178], %gather3A_73 {strides = array<i32>} : memref<4x16x8x128xf32, #tpu.memory_space<vmem>>, vector<16xf32>,
        %swap3A_3180 = arith.constant 1 : i32
        %swap3A_3181 = arith.index_cast %rem3A_173 : i32 to index
        %swap3A_3182 = arith.index_cast %while3A_3101 : i32 to index
        %swap3A_3183 = arith.index_cast %swap3A_3180 : i32 to index
        %swap3A_3184 = arith.constant 80 : index
        %swap3A_3185 = tpu.vector_load %arg8[%swap3A_3181, %swap3A_3182, %swap3A_3183, %swap3A_3184] {strides = array<i32>} : memref<4x16x8x128xf32, #tpu.memory_space<vmem>>, vector<16xf32>,
        tpu.vector_store %arg8[%swap3A_3181, %swap3A_3182, %swap3A_3183, %swap3A_3184], %gather3A_73 {strides = array<i32>} : memref<4x16x8x128xf32, #tpu.memory_space<vmem>>, vector<16xf32>,
        %swap3A_3186 = arith.constant 1 : i32
        %swap3A_3187 = arith.index_cast %rem3A_173 : i32 to index
        %swap3A_3188 = arith.index_cast %while3A_3101 : i32 to index
        %swap3A_3189 = arith.index_cast %swap3A_3186 : i32 to index
        %swap3A_3190 = arith.constant 96 : index
        %swap3A_3191 = tpu.vector_load %arg8[%swap3A_3187, %swap3A_3188, %swap3A_3189, %swap3A_3190] {strides = array<i32>} : memref<4x16x8x128xf32, #tpu.memory_space<vmem>>, vector<16xf32>,
        tpu.vector_store %arg8[%swap3A_3187, %swap3A_3188, %swap3A_3189, %swap3A_3190], %gather3A_73 {strides = array<i32>} : memref<4x16x8x128xf32, #tpu.memory_space<vmem>>, vector<16xf32>,
        %swap3A_3192 = arith.constant 1 : i32
        %swap3A_3193 = arith.index_cast %rem3A_173 : i32 to index
        %swap3A_3194 = arith.index_cast %while3A_3101 : i32 to index
        %swap3A_3195 = arith.index_cast %swap3A_3192 : i32 to index
        %swap3A_3196 = arith.constant 112 : index
        %swap3A_3197 = tpu.vector_load %arg8[%swap3A_3193, %swap3A_3194, %swap3A_3195, %swap3A_3196] {strides = array<i32>} : memref<4x16x8x128xf32, #tpu.memory_space<vmem>>, vector<16xf32>,
        tpu.vector_store %arg8[%swap3A_3193, %swap3A_3194, %swap3A_3195, %swap3A_3196], %gather3A_73 {strides = array<i32>} : memref<4x16x8x128xf32, #tpu.memory_space<vmem>>, vector<16xf32>,
        %swap3A_3198 = arith.constant 2 : i32
        %swap3A_3199 = arith.index_cast %rem3A_173 : i32 to index
        %swap3A_3200 = arith.index_cast %while3A_3101 : i32 to index
        %swap3A_3201 = arith.index_cast %swap3A_3198 : i32 to index
        %swap3A_3202 = arith.constant 0 : index
        %swap3A_3203 = tpu.vector_load %arg8[%swap3A_3199, %swap3A_3200, %swap3A_3201, %swap3A_3202] {strides = array<i32>} : memref<4x16x8x128xf32, #tpu.memory_space<vmem>>, vector<16xf32>,
        tpu.vector_store %arg8[%swap3A_3199, %swap3A_3200, %swap3A_3201, %swap3A_3202], %gather3A_73 {strides = array<i32>} : memref<4x16x8x128xf32, #tpu.memory_space<vmem>>, vector<16xf32>,
        %swap3A_3204 = arith.constant 2 : i32
        %swap3A_3205 = arith.index_cast %rem3A_173 : i32 to index
        %swap3A_3206 = arith.index_cast %while3A_3101 : i32 to index
        %swap3A_3207 = arith.index_cast %swap3A_3204 : i32 to index
        %swap3A_3208 = arith.constant 16 : index
        %swap3A_3209 = tpu.vector_load %arg8[%swap3A_3205, %swap3A_3206, %swap3A_3207, %swap3A_3208] {strides = array<i32>} : memref<4x16x8x128xf32, #tpu.memory_space<vmem>>, vector<16xf32>,
        tpu.vector_store %arg8[%swap3A_3205, %swap3A_3206, %swap3A_3207, %swap3A_3208], %gather3A_73 {strides = array<i32>} : memref<4x16x8x128xf32, #tpu.memory_space<vmem>>, vector<16xf32>,
        %swap3A_3210 = arith.constant 2 : i32
        %swap3A_3211 = arith.index_cast %rem3A_173 : i32 to index
        %swap3A_3212 = arith.index_cast %while3A_3101 : i32 to index
        %swap3A_3213 = arith.index_cast %swap3A_3210 : i32 to index
        %swap3A_3214 = arith.constant 32 : index
        %swap3A_3215 = tpu.vector_load %arg8[%swap3A_3211, %swap3A_3212, %swap3A_3213, %swap3A_3214] {strides = array<i32>} : memref<4x16x8x128xf32, #tpu.memory_space<vmem>>, vector<16xf32>,
        tpu.vector_store %arg8[%swap3A_3211, %swap3A_3212, %swap3A_3213, %swap3A_3214], %gather3A_73 {strides = array<i32>} : memref<4x16x8x128xf32, #tpu.memory_space<vmem>>, vector<16xf32>,
        %swap3A_3216 = arith.constant 2 : i32
        %swap3A_3217 = arith.index_cast %rem3A_173 : i32 to index
        %swap3A_3218 = arith.index_cast %while3A_3101 : i32 to index
        %swap3A_3219 = arith.index_cast %swap3A_3216 : i32 to index
        %swap3A_3220 = arith.constant 48 : index
        %swap3A_3221 = tpu.vector_load %arg8[%swap3A_3217, %swap3A_3218, %swap3A_3219, %swap3A_3220] {strides = array<i32>} : memref<4x16x8x128xf32, #tpu.memory_space<vmem>>, vector<16xf32>,
        tpu.vector_store %arg8[%swap3A_3217, %swap3A_3218, %swap3A_3219, %swap3A_3220], %gather3A_73 {strides = array<i32>} : memref<4x16x8x128xf32, #tpu.memory_space<vmem>>, vector<16xf32>,
        %swap3A_3222 = arith.constant 2 : i32
        %swap3A_3223 = arith.index_cast %rem3A_173 : i32 to index
        %swap3A_3224 = arith.index_cast %while3A_3101 : i32 to index
        %swap3A_3225 = arith.index_cast %swap3A_3222 : i32 to index
        %swap3A_3226 = arith.constant 64 : index
        %swap3A_3227 = tpu.vector_load %arg8[%swap3A_3223, %swap3A_3224, %swap3A_3225, %swap3A_3226] {strides = array<i32>} : memref<4x16x8x128xf32, #tpu.memory_space<vmem>>, vector<16xf32>,
        tpu.vector_store %arg8[%swap3A_3223, %swap3A_3224, %swap3A_3225, %swap3A_3226], %gather3A_73 {strides = array<i32>} : memref<4x16x8x128xf32, #tpu.memory_space<vmem>>, vector<16xf32>,
        %swap3A_3228 = arith.constant 2 : i32
        %swap3A_3229 = arith.index_cast %rem3A_173 : i32 to index
        %swap3A_3230 = arith.index_cast %while3A_3101 : i32 to index
        %swap3A_3231 = arith.index_cast %swap3A_3228 : i32 to index
        %swap3A_3232 = arith.constant 80 : index
        %swap3A_3233 = tpu.vector_load %arg8[%swap3A_3229, %swap3A_3230, %swap3A_3231, %swap3A_3232] {strides = array<i32>} : memref<4x16x8x128xf32, #tpu.memory_space<vmem>>, vector<16xf32>,
        tpu.vector_store %arg8[%swap3A_3229, %swap3A_3230, %swap3A_3231, %swap3A_3232], %gather3A_73 {strides = array<i32>} : memref<4x16x8x128xf32, #tpu.memory_space<vmem>>, vector<16xf32>,
        %swap3A_3234 = arith.constant 2 : i32
        %swap3A_3235 = arith.index_cast %rem3A_173 : i32 to index
        %swap3A_3236 = arith.index_cast %while3A_3101 : i32 to index
        %swap3A_3237 = arith.index_cast %swap3A_3234 : i32 to index
        %swap3A_3238 = arith.constant 96 : index
        %swap3A_3239 = tpu.vector_load %arg8[%swap3A_3235, %swap3A_3236, %swap3A_3237, %swap3A_3238] {strides = array<i32>} : memref<4x16x8x128xf32, #tpu.memory_space<vmem>>, vector<16xf32>,
        tpu.vector_store %arg8[%swap3A_3235, %swap3A_3236, %swap3A_3237, %swap3A_3238], %gather3A_73 {strides = array<i32>} : memref<4x16x8x128xf32, #tpu.memory_space<vmem>>, vector<16xf32>,
        %swap3A_3240 = arith.constant 2 : i32
        %swap3A_3241 = arith.index_cast %rem3A_173 : i32 to index
        %swap3A_3242 = arith.index_cast %while3A_3101 : i32 to index
        %swap3A_3243 = arith.index_cast %swap3A_3240 : i32 to index
        %swap3A_3244 = arith.constant 112 : index
        %swap3A_3245 = tpu.vector_load %arg8[%swap3A_3241, %swap3A_3242, %swap3A_3243, %swap3A_3244] {strides = array<i32>} : memref<4x16x8x128xf32, #tpu.memory_space<vmem>>, vector<16xf32>,
        tpu.vector_store %arg8[%swap3A_3241, %swap3A_3242, %swap3A_3243, %swap3A_3244], %gather3A_73 {strides = array<i32>} : memref<4x16x8x128xf32, #tpu.memory_space<vmem>>, vector<16xf32>,
        %swap3A_3246 = arith.constant 3 : i32
        %swap3A_3247 = arith.index_cast %rem3A_173 : i32 to index
        %swap3A_3248 = arith.index_cast %while3A_3101 : i32 to index
        %swap3A_3249 = arith.index_cast %swap3A_3246 : i32 to index
        %swap3A_3250 = arith.constant 0 : index
        %swap3A_3251 = tpu.vector_load %arg8[%swap3A_3247, %swap3A_3248, %swap3A_3249, %swap3A_3250] {strides = array<i32>} : memref<4x16x8x128xf32, #tpu.memory_space<vmem>>, vector<16xf32>,
        tpu.vector_store %arg8[%swap3A_3247, %swap3A_3248, %swap3A_3249, %swap3A_3250], %gather3A_73 {strides = array<i32>} : memref<4x16x8x128xf32, #tpu.memory_space<vmem>>, vector<16xf32>,
        %swap3A_3252 = arith.constant 3 : i32
        %swap3A_3253 = arith.index_cast %rem3A_173 : i32 to index
        %swap3A_3254 = arith.index_cast %while3A_3101 : i32 to index
        %swap3A_3255 = arith.index_cast %swap3A_3252 : i32 to index
        %swap3A_3256 = arith.constant 16 : index
        %swap3A_3257 = tpu.vector_load %arg8[%swap3A_3253, %swap3A_3254, %swap3A_3255, %swap3A_3256] {strides = array<i32>} : memref<4x16x8x128xf32, #tpu.memory_space<vmem>>, vector<16xf32>,
        tpu.vector_store %arg8[%swap3A_3253, %swap3A_3254, %swap3A_3255, %swap3A_3256], %gather3A_73 {strides = array<i32>} : memref<4x16x8x128xf32, #tpu.memory_space<vmem>>, vector<16xf32>,
        %swap3A_3258 = arith.constant 3 : i32
        %swap3A_3259 = arith.index_cast %rem3A_173 : i32 to index
        %swap3A_3260 = arith.index_cast %while3A_3101 : i32 to index
        %swap3A_3261 = arith.index_cast %swap3A_3258 : i32 to index
        %swap3A_3262 = arith.constant 32 : index
        %swap3A_3263 = tpu.vector_load %arg8[%swap3A_3259, %swap3A_3260, %swap3A_3261, %swap3A_3262] {strides = array<i32>} : memref<4x16x8x128xf32, #tpu.memory_space<vmem>>, vector<16xf32>,
        tpu.vector_store %arg8[%swap3A_3259, %swap3A_3260, %swap3A_3261, %swap3A_3262], %gather3A_73 {strides = array<i32>} : memref<4x16x8x128xf32, #tpu.memory_space<vmem>>, vector<16xf32>,
        %swap3A_3264 = arith.constant 3 : i32
        %swap3A_3265 = arith.index_cast %rem3A_173 : i32 to index
        %swap3A_3266 = arith.index_cast %while3A_3101 : i32 to index
        %swap3A_3267 = arith.index_cast %swap3A_3264 : i32 to index
        %swap3A_3268 = arith.constant 48 : index
        %swap3A_3269 = tpu.vector_load %arg8[%swap3A_3265, %swap3A_3266, %swap3A_3267, %swap3A_3268] {strides = array<i32>} : memref<4x16x8x128xf32, #tpu.memory_space<vmem>>, vector<16xf32>,
        tpu.vector_store %arg8[%swap3A_3265, %swap3A_3266, %swap3A_3267, %swap3A_3268], %gather3A_73 {strides = array<i32>} : memref<4x16x8x128xf32, #tpu.memory_space<vmem>>, vector<16xf32>,
        %swap3A_3270 = arith.constant 3 : i32
        %swap3A_3271 = arith.index_cast %rem3A_173 : i32 to index
        %swap3A_3272 = arith.index_cast %while3A_3101 : i32 to index
        %swap3A_3273 = arith.index_cast %swap3A_3270 : i32 to index
        %swap3A_3274 = arith.constant 64 : index
        %swap3A_3275 = tpu.vector_load %arg8[%swap3A_3271, %swap3A_3272, %swap3A_3273, %swap3A_3274] {strides = array<i32>} : memref<4x16x8x128xf32, #tpu.memory_space<vmem>>, vector<16xf32>,
        tpu.vector_store %arg8[%swap3A_3271, %swap3A_3272, %swap3A_3273, %swap3A_3274], %gather3A_73 {strides = array<i32>} : memref<4x16x8x128xf32, #tpu.memory_space<vmem>>, vector<16xf32>,
        %swap3A_3276 = arith.constant 3 : i32
        %swap3A_3277 = arith.index_cast %rem3A_173 : i32 to index
        %swap3A_3278 = arith.index_cast %while3A_3101 : i32 to index
        %swap3A_3279 = arith.index_cast %swap3A_3276 : i32 to index
        %swap3A_3280 = arith.constant 80 : index
        %swap3A_3281 = tpu.vector_load %arg8[%swap3A_3277, %swap3A_3278, %swap3A_3279, %swap3A_3280] {strides = array<i32>} : memref<4x16x8x128xf32, #tpu.memory_space<vmem>>, vector<16xf32>,
        tpu.vector_store %arg8[%swap3A_3277, %swap3A_3278, %swap3A_3279, %swap3A_3280], %gather3A_73 {strides = array<i32>} : memref<4x16x8x128xf32, #tpu.memory_space<vmem>>, vector<16xf32>,
        %swap3A_3282 = arith.constant 3 : i32
        %swap3A_3283 = arith.index_cast %rem3A_173 : i32 to index
        %swap3A_3284 = arith.index_cast %while3A_3101 : i32 to index
        %swap3A_3285 = arith.index_cast %swap3A_3282 : i32 to index
        %swap3A_3286 = arith.constant 96 : index
        %swap3A_3287 = tpu.vector_load %arg8[%swap3A_3283, %swap3A_3284, %swap3A_3285, %swap3A_3286] {strides = array<i32>} : memref<4x16x8x128xf32, #tpu.memory_space<vmem>>, vector<16xf32>,
        tpu.vector_store %arg8[%swap3A_3283, %swap3A_3284, %swap3A_3285, %swap3A_3286], %gather3A_73 {strides = array<i32>} : memref<4x16x8x128xf32, #tpu.memory_space<vmem>>, vector<16xf32>,
        %swap3A_3288 = arith.constant 3 : i32
        %swap3A_3289 = arith.index_cast %rem3A_173 : i32 to index
        %swap3A_3290 = arith.index_cast %while3A_3101 : i32 to index
        %swap3A_3291 = arith.index_cast %swap3A_3288 : i32 to index
        %swap3A_3292 = arith.constant 112 : index
        %swap3A_3293 = tpu.vector_load %arg8[%swap3A_3289, %swap3A_3290, %swap3A_3291, %swap3A_3292] {strides = array<i32>} : memref<4x16x8x128xf32, #tpu.memory_space<vmem>>, vector<16xf32>,
        tpu.vector_store %arg8[%swap3A_3289, %swap3A_3290, %swap3A_3291, %swap3A_3292], %gather3A_73 {strides = array<i32>} : memref<4x16x8x128xf32, #tpu.memory_space<vmem>>, vector<16xf32>,
        %swap3A_3294 = arith.constant 4 : i32
        %swap3A_3295 = arith.index_cast %rem3A_173 : i32 to index
        %swap3A_3296 = arith.index_cast %while3A_3101 : i32 to index
        %swap3A_3297 = arith.index_cast %swap3A_3294 : i32 to index
        %swap3A_3298 = arith.constant 0 : index
        %swap3A_3299 = tpu.vector_load %arg8[%swap3A_3295, %swap3A_3296, %swap3A_3297, %swap3A_3298] {strides = array<i32>} : memref<4x16x8x128xf32, #tpu.memory_space<vmem>>, vector<16xf32>,
        tpu.vector_store %arg8[%swap3A_3295, %swap3A_3296, %swap3A_3297, %swap3A_3298], %gather3A_73 {strides = array<i32>} : memref<4x16x8x128xf32, #tpu.memory_space<vmem>>, vector<16xf32>,
        %swap3A_3300 = arith.constant 4 : i32
        %swap3A_3301 = arith.index_cast %rem3A_173 : i32 to index
        %swap3A_3302 = arith.index_cast %while3A_3101 : i32 to index
        %swap3A_3303 = arith.index_cast %swap3A_3300 : i32 to index
        %swap3A_3304 = arith.constant 16 : index
        %swap3A_3305 = tpu.vector_load %arg8[%swap3A_3301, %swap3A_3302, %swap3A_3303, %swap3A_3304] {strides = array<i32>} : memref<4x16x8x128xf32, #tpu.memory_space<vmem>>, vector<16xf32>,
        tpu.vector_store %arg8[%swap3A_3301, %swap3A_3302, %swap3A_3303, %swap3A_3304], %gather3A_73 {strides = array<i32>} : memref<4x16x8x128xf32, #tpu.memory_space<vmem>>, vector<16xf32>,
        %swap3A_3306 = arith.constant 4 : i32
        %swap3A_3307 = arith.index_cast %rem3A_173 : i32 to index
        %swap3A_3308 = arith.index_cast %while3A_3101 : i32 to index
        %swap3A_3309 = arith.index_cast %swap3A_3306 : i32 to index
        %swap3A_3310 = arith.constant 32 : index
        %swap3A_3311 = tpu.vector_load %arg8[%swap3A_3307, %swap3A_3308, %swap3A_3309, %swap3A_3310] {strides = array<i32>} : memref<4x16x8x128xf32, #tpu.memory_space<vmem>>, vector<16xf32>,
        tpu.vector_store %arg8[%swap3A_3307, %swap3A_3308, %swap3A_3309, %swap3A_3310], %gather3A_73 {strides = array<i32>} : memref<4x16x8x128xf32, #tpu.memory_space<vmem>>, vector<16xf32>,
        %swap3A_3312 = arith.constant 4 : i32
        %swap3A_3313 = arith.index_cast %rem3A_173 : i32 to index
        %swap3A_3314 = arith.index_cast %while3A_3101 : i32 to index
        %swap3A_3315 = arith.index_cast %swap3A_3312 : i32 to index
        %swap3A_3316 = arith.constant 48 : index
        %swap3A_3317 = tpu.vector_load %arg8[%swap3A_3313, %swap3A_3314, %swap3A_3315, %swap3A_3316] {strides = array<i32>} : memref<4x16x8x128xf32, #tpu.memory_space<vmem>>, vector<16xf32>,
        tpu.vector_store %arg8[%swap3A_3313, %swap3A_3314, %swap3A_3315, %swap3A_3316], %gather3A_73 {strides = array<i32>} : memref<4x16x8x128xf32, #tpu.memory_space<vmem>>, vector<16xf32>,
        %swap3A_3318 = arith.constant 4 : i32
        %swap3A_3319 = arith.index_cast %rem3A_173 : i32 to index
        %swap3A_3320 = arith.index_cast %while3A_3101 : i32 to index
        %swap3A_3321 = arith.index_cast %swap3A_3318 : i32 to index
        %swap3A_3322 = arith.constant 64 : index
        %swap3A_3323 = tpu.vector_load %arg8[%swap3A_3319, %swap3A_3320, %swap3A_3321, %swap3A_3322] {strides = array<i32>} : memref<4x16x8x128xf32, #tpu.memory_space<vmem>>, vector<16xf32>,
        tpu.vector_store %arg8[%swap3A_3319, %swap3A_3320, %swap3A_3321, %swap3A_3322], %gather3A_73 {strides = array<i32>} : memref<4x16x8x128xf32, #tpu.memory_space<vmem>>, vector<16xf32>,
        %swap3A_3324 = arith.constant 4 : i32
        %swap3A_3325 = arith.index_cast %rem3A_173 : i32 to index
        %swap3A_3326 = arith.index_cast %while3A_3101 : i32 to index
        %swap3A_3327 = arith.index_cast %swap3A_3324 : i32 to index
        %swap3A_3328 = arith.constant 80 : index
        %swap3A_3329 = tpu.vector_load %arg8[%swap3A_3325, %swap3A_3326, %swap3A_3327, %swap3A_3328] {strides = array<i32>} : memref<4x16x8x128xf32, #tpu.memory_space<vmem>>, vector<16xf32>,
        tpu.vector_store %arg8[%swap3A_3325, %swap3A_3326, %swap3A_3327, %swap3A_3328], %gather3A_73 {strides = array<i32>} : memref<4x16x8x128xf32, #tpu.memory_space<vmem>>, vector<16xf32>,
        %swap3A_3330 = arith.constant 4 : i32
        %swap3A_3331 = arith.index_cast %rem3A_173 : i32 to index
        %swap3A_3332 = arith.index_cast %while3A_3101 : i32 to index
        %swap3A_3333 = arith.index_cast %swap3A_3330 : i32 to index
        %swap3A_3334 = arith.constant 96 : index
        %swap3A_3335 = tpu.vector_load %arg8[%swap3A_3331, %swap3A_3332, %swap3A_3333, %swap3A_3334] {strides = array<i32>} : memref<4x16x8x128xf32, #tpu.memory_space<vmem>>, vector<16xf32>,
        tpu.vector_store %arg8[%swap3A_3331, %swap3A_3332, %swap3A_3333, %swap3A_3334], %gather3A_73 {strides = array<i32>} : memref<4x16x8x128xf32, #tpu.memory_space<vmem>>, vector<16xf32>,
        %swap3A_3336 = arith.constant 4 : i32
        %swap3A_3337 = arith.index_cast %rem3A_173 : i32 to index
        %swap3A_3338 = arith.index_cast %while3A_3101 : i32 to index
        %swap3A_3339 = arith.index_cast %swap3A_3336 : i32 to index
        %swap3A_3340 = arith.constant 112 : index
        %swap3A_3341 = tpu.vector_load %arg8[%swap3A_3337, %swap3A_3338, %swap3A_3339, %swap3A_3340] {strides = array<i32>} : memref<4x16x8x128xf32, #tpu.memory_space<vmem>>, vector<16xf32>,
        tpu.vector_store %arg8[%swap3A_3337, %swap3A_3338, %swap3A_3339, %swap3A_3340], %gather3A_73 {strides = array<i32>} : memref<4x16x8x128xf32, #tpu.memory_space<vmem>>, vector<16xf32>,
        %swap3A_3342 = arith.constant 5 : i32
        %swap3A_3343 = arith.index_cast %rem3A_173 : i32 to index
        %swap3A_3344 = arith.index_cast %while3A_3101 : i32 to index
        %swap3A_3345 = arith.index_cast %swap3A_3342 : i32 to index
        %swap3A_3346 = arith.constant 0 : index
        %swap3A_3347 = tpu.vector_load %arg8[%swap3A_3343, %swap3A_3344, %swap3A_3345, %swap3A_3346] {strides = array<i32>} : memref<4x16x8x128xf32, #tpu.memory_space<vmem>>, vector<16xf32>,
        tpu.vector_store %arg8[%swap3A_3343, %swap3A_3344, %swap3A_3345, %swap3A_3346], %gather3A_73 {strides = array<i32>} : memref<4x16x8x128xf32, #tpu.memory_space<vmem>>, vector<16xf32>,
        %swap3A_3348 = arith.constant 5 : i32
        %swap3A_3349 = arith.index_cast %rem3A_173 : i32 to index
        %swap3A_3350 = arith.index_cast %while3A_3101 : i32 to index
        %swap3A_3351 = arith.index_cast %swap3A_3348 : i32 to index
        %swap3A_3352 = arith.constant 16 : index
        %swap3A_3353 = tpu.vector_load %arg8[%swap3A_3349, %swap3A_3350, %swap3A_3351, %swap3A_3352] {strides = array<i32>} : memref<4x16x8x128xf32, #tpu.memory_space<vmem>>, vector<16xf32>,
        tpu.vector_store %arg8[%swap3A_3349, %swap3A_3350, %swap3A_3351, %swap3A_3352], %gather3A_73 {strides = array<i32>} : memref<4x16x8x128xf32, #tpu.memory_space<vmem>>, vector<16xf32>,
        %swap3A_3354 = arith.constant 5 : i32
        %swap3A_3355 = arith.index_cast %rem3A_173 : i32 to index
        %swap3A_3356 = arith.index_cast %while3A_3101 : i32 to index
        %swap3A_3357 = arith.index_cast %swap3A_3354 : i32 to index
        %swap3A_3358 = arith.constant 32 : index
        %swap3A_3359 = tpu.vector_load %arg8[%swap3A_3355, %swap3A_3356, %swap3A_3357, %swap3A_3358] {strides = array<i32>} : memref<4x16x8x128xf32, #tpu.memory_space<vmem>>, vector<16xf32>,
        tpu.vector_store %arg8[%swap3A_3355, %swap3A_3356, %swap3A_3357, %swap3A_3358], %gather3A_73 {strides = array<i32>} : memref<4x16x8x128xf32, #tpu.memory_space<vmem>>, vector<16xf32>,
        %swap3A_3360 = arith.constant 5 : i32
        %swap3A_3361 = arith.index_cast %rem3A_173 : i32 to index
        %swap3A_3362 = arith.index_cast %while3A_3101 : i32 to index
        %swap3A_3363 = arith.index_cast %swap3A_3360 : i32 to index
        %swap3A_3364 = arith.constant 48 : index
        %swap3A_3365 = tpu.vector_load %arg8[%swap3A_3361, %swap3A_3362, %swap3A_3363, %swap3A_3364] {strides = array<i32>} : memref<4x16x8x128xf32, #tpu.memory_space<vmem>>, vector<16xf32>,
        tpu.vector_store %arg8[%swap3A_3361, %swap3A_3362, %swap3A_3363, %swap3A_3364], %gather3A_73 {strides = array<i32>} : memref<4x16x8x128xf32, #tpu.memory_space<vmem>>, vector<16xf32>,
        %swap3A_3366 = arith.constant 5 : i32
        %swap3A_3367 = arith.index_cast %rem3A_173 : i32 to index
        %swap3A_3368 = arith.index_cast %while3A_3101 : i32 to index
        %swap3A_3369 = arith.index_cast %swap3A_3366 : i32 to index
        %swap3A_3370 = arith.constant 64 : index
        %swap3A_3371 = tpu.vector_load %arg8[%swap3A_3367, %swap3A_3368, %swap3A_3369, %swap3A_3370] {strides = array<i32>} : memref<4x16x8x128xf32, #tpu.memory_space<vmem>>, vector<16xf32>,
        tpu.vector_store %arg8[%swap3A_3367, %swap3A_3368, %swap3A_3369, %swap3A_3370], %gather3A_73 {strides = array<i32>} : memref<4x16x8x128xf32, #tpu.memory_space<vmem>>, vector<16xf32>,
        %swap3A_3372 = arith.constant 5 : i32
        %swap3A_3373 = arith.index_cast %rem3A_173 : i32 to index
        %swap3A_3374 = arith.index_cast %while3A_3101 : i32 to index
        %swap3A_3375 = arith.index_cast %swap3A_3372 : i32 to index
        %swap3A_3376 = arith.constant 80 : index
        %swap3A_3377 = tpu.vector_load %arg8[%swap3A_3373, %swap3A_3374, %swap3A_3375, %swap3A_3376] {strides = array<i32>} : memref<4x16x8x128xf32, #tpu.memory_space<vmem>>, vector<16xf32>,
        tpu.vector_store %arg8[%swap3A_3373, %swap3A_3374, %swap3A_3375, %swap3A_3376], %gather3A_73 {strides = array<i32>} : memref<4x16x8x128xf32, #tpu.memory_space<vmem>>, vector<16xf32>,
        %swap3A_3378 = arith.constant 5 : i32
        %swap3A_3379 = arith.index_cast %rem3A_173 : i32 to index
        %swap3A_3380 = arith.index_cast %while3A_3101 : i32 to index
        %swap3A_3381 = arith.index_cast %swap3A_3378 : i32 to index
        %swap3A_3382 = arith.constant 96 : index
        %swap3A_3383 = tpu.vector_load %arg8[%swap3A_3379, %swap3A_3380, %swap3A_3381, %swap3A_3382] {strides = array<i32>} : memref<4x16x8x128xf32, #tpu.memory_space<vmem>>, vector<16xf32>,
        tpu.vector_store %arg8[%swap3A_3379, %swap3A_3380, %swap3A_3381, %swap3A_3382], %gather3A_73 {strides = array<i32>} : memref<4x16x8x128xf32, #tpu.memory_space<vmem>>, vector<16xf32>,
        %swap3A_3384 = arith.constant 5 : i32
        %swap3A_3385 = arith.index_cast %rem3A_173 : i32 to index
        %swap3A_3386 = arith.index_cast %while3A_3101 : i32 to index
        %swap3A_3387 = arith.index_cast %swap3A_3384 : i32 to index
        %swap3A_3388 = arith.constant 112 : index
        %swap3A_3389 = tpu.vector_load %arg8[%swap3A_3385, %swap3A_3386, %swap3A_3387, %swap3A_3388] {strides = array<i32>} : memref<4x16x8x128xf32, #tpu.memory_space<vmem>>, vector<16xf32>,
        tpu.vector_store %arg8[%swap3A_3385, %swap3A_3386, %swap3A_3387, %swap3A_3388], %gather3A_73 {strides = array<i32>} : memref<4x16x8x128xf32, #tpu.memory_space<vmem>>, vector<16xf32>,
        %swap3A_3390 = arith.constant 6 : i32
        %swap3A_3391 = arith.index_cast %rem3A_173 : i32 to index
        %swap3A_3392 = arith.index_cast %while3A_3101 : i32 to index
        %swap3A_3393 = arith.index_cast %swap3A_3390 : i32 to index
        %swap3A_3394 = arith.constant 0 : index
        %swap3A_3395 = tpu.vector_load %arg8[%swap3A_3391, %swap3A_3392, %swap3A_3393, %swap3A_3394] {strides = array<i32>} : memref<4x16x8x128xf32, #tpu.memory_space<vmem>>, vector<16xf32>,
        tpu.vector_store %arg8[%swap3A_3391, %swap3A_3392, %swap3A_3393, %swap3A_3394], %gather3A_73 {strides = array<i32>} : memref<4x16x8x128xf32, #tpu.memory_space<vmem>>, vector<16xf32>,
        %swap3A_3396 = arith.constant 6 : i32
        %swap3A_3397 = arith.index_cast %rem3A_173 : i32 to index
        %swap3A_3398 = arith.index_cast %while3A_3101 : i32 to index
        %swap3A_3399 = arith.index_cast %swap3A_3396 : i32 to index
        %swap3A_3400 = arith.constant 16 : index
        %swap3A_3401 = tpu.vector_load %arg8[%swap3A_3397, %swap3A_3398, %swap3A_3399, %swap3A_3400] {strides = array<i32>} : memref<4x16x8x128xf32, #tpu.memory_space<vmem>>, vector<16xf32>,
        tpu.vector_store %arg8[%swap3A_3397, %swap3A_3398, %swap3A_3399, %swap3A_3400], %gather3A_73 {strides = array<i32>} : memref<4x16x8x128xf32, #tpu.memory_space<vmem>>, vector<16xf32>,
        %swap3A_3402 = arith.constant 6 : i32
        %swap3A_3403 = arith.index_cast %rem3A_173 : i32 to index
        %swap3A_3404 = arith.index_cast %while3A_3101 : i32 to index
        %swap3A_3405 = arith.index_cast %swap3A_3402 : i32 to index
        %swap3A_3406 = arith.constant 32 : index
        %swap3A_3407 = tpu.vector_load %arg8[%swap3A_3403, %swap3A_3404, %swap3A_3405, %swap3A_3406] {strides = array<i32>} : memref<4x16x8x128xf32, #tpu.memory_space<vmem>>, vector<16xf32>,
        tpu.vector_store %arg8[%swap3A_3403, %swap3A_3404, %swap3A_3405, %swap3A_3406], %gather3A_73 {strides = array<i32>} : memref<4x16x8x128xf32, #tpu.memory_space<vmem>>, vector<16xf32>,
        %swap3A_3408 = arith.constant 6 : i32
        %swap3A_3409 = arith.index_cast %rem3A_173 : i32 to index
        %swap3A_3410 = arith.index_cast %while3A_3101 : i32 to index
        %swap3A_3411 = arith.index_cast %swap3A_3408 : i32 to index
        %swap3A_3412 = arith.constant 48 : index
        %swap3A_3413 = tpu.vector_load %arg8[%swap3A_3409, %swap3A_3410, %swap3A_3411, %swap3A_3412] {strides = array<i32>} : memref<4x16x8x128xf32, #tpu.memory_space<vmem>>, vector<16xf32>,
        tpu.vector_store %arg8[%swap3A_3409, %swap3A_3410, %swap3A_3411, %swap3A_3412], %gather3A_73 {strides = array<i32>} : memref<4x16x8x128xf32, #tpu.memory_space<vmem>>, vector<16xf32>,
        %swap3A_3414 = arith.constant 6 : i32
        %swap3A_3415 = arith.index_cast %rem3A_173 : i32 to index
        %swap3A_3416 = arith.index_cast %while3A_3101 : i32 to index
        %swap3A_3417 = arith.index_cast %swap3A_3414 : i32 to index
        %swap3A_3418 = arith.constant 64 : index
        %swap3A_3419 = tpu.vector_load %arg8[%swap3A_3415, %swap3A_3416, %swap3A_3417, %swap3A_3418] {strides = array<i32>} : memref<4x16x8x128xf32, #tpu.memory_space<vmem>>, vector<16xf32>,
        tpu.vector_store %arg8[%swap3A_3415, %swap3A_3416, %swap3A_3417, %swap3A_3418], %gather3A_73 {strides = array<i32>} : memref<4x16x8x128xf32, #tpu.memory_space<vmem>>, vector<16xf32>,
        %swap3A_3420 = arith.constant 6 : i32
        %swap3A_3421 = arith.index_cast %rem3A_173 : i32 to index
        %swap3A_3422 = arith.index_cast %while3A_3101 : i32 to index
        %swap3A_3423 = arith.index_cast %swap3A_3420 : i32 to index
        %swap3A_3424 = arith.constant 80 : index
        %swap3A_3425 = tpu.vector_load %arg8[%swap3A_3421, %swap3A_3422, %swap3A_3423, %swap3A_3424] {strides = array<i32>} : memref<4x16x8x128xf32, #tpu.memory_space<vmem>>, vector<16xf32>,
        tpu.vector_store %arg8[%swap3A_3421, %swap3A_3422, %swap3A_3423, %swap3A_3424], %gather3A_73 {strides = array<i32>} : memref<4x16x8x128xf32, #tpu.memory_space<vmem>>, vector<16xf32>,
        %swap3A_3426 = arith.constant 6 : i32
        %swap3A_3427 = arith.index_cast %rem3A_173 : i32 to index
        %swap3A_3428 = arith.index_cast %while3A_3101 : i32 to index
        %swap3A_3429 = arith.index_cast %swap3A_3426 : i32 to index
        %swap3A_3430 = arith.constant 96 : index
        %swap3A_3431 = tpu.vector_load %arg8[%swap3A_3427, %swap3A_3428, %swap3A_3429, %swap3A_3430] {strides = array<i32>} : memref<4x16x8x128xf32, #tpu.memory_space<vmem>>, vector<16xf32>,
        tpu.vector_store %arg8[%swap3A_3427, %swap3A_3428, %swap3A_3429, %swap3A_3430], %gather3A_73 {strides = array<i32>} : memref<4x16x8x128xf32, #tpu.memory_space<vmem>>, vector<16xf32>,
        %swap3A_3432 = arith.constant 6 : i32
        %swap3A_3433 = arith.index_cast %rem3A_173 : i32 to index
        %swap3A_3434 = arith.index_cast %while3A_3101 : i32 to index
        %swap3A_3435 = arith.index_cast %swap3A_3432 : i32 to index
        %swap3A_3436 = arith.constant 112 : index
        %swap3A_3437 = tpu.vector_load %arg8[%swap3A_3433, %swap3A_3434, %swap3A_3435, %swap3A_3436] {strides = array<i32>} : memref<4x16x8x128xf32, #tpu.memory_space<vmem>>, vector<16xf32>,
        tpu.vector_store %arg8[%swap3A_3433, %swap3A_3434, %swap3A_3435, %swap3A_3436], %gather3A_73 {strides = array<i32>} : memref<4x16x8x128xf32, #tpu.memory_space<vmem>>, vector<16xf32>,
        %swap3A_3438 = arith.constant 7 : i32
        %swap3A_3439 = arith.index_cast %rem3A_173 : i32 to index
        %swap3A_3440 = arith.index_cast %while3A_3101 : i32 to index
        %swap3A_3441 = arith.index_cast %swap3A_3438 : i32 to index
        %swap3A_3442 = arith.constant 0 : index
        %swap3A_3443 = tpu.vector_load %arg8[%swap3A_3439, %swap3A_3440, %swap3A_3441, %swap3A_3442] {strides = array<i32>} : memref<4x16x8x128xf32, #tpu.memory_space<vmem>>, vector<16xf32>,
        tpu.vector_store %arg8[%swap3A_3439, %swap3A_3440, %swap3A_3441, %swap3A_3442], %gather3A_73 {strides = array<i32>} : memref<4x16x8x128xf32, #tpu.memory_space<vmem>>, vector<16xf32>,
        %swap3A_3444 = arith.constant 7 : i32
        %swap3A_3445 = arith.index_cast %rem3A_173 : i32 to index
        %swap3A_3446 = arith.index_cast %while3A_3101 : i32 to index
        %swap3A_3447 = arith.index_cast %swap3A_3444 : i32 to index
        %swap3A_3448 = arith.constant 16 : index
        %swap3A_3449 = tpu.vector_load %arg8[%swap3A_3445, %swap3A_3446, %swap3A_3447, %swap3A_3448] {strides = array<i32>} : memref<4x16x8x128xf32, #tpu.memory_space<vmem>>, vector<16xf32>,
        tpu.vector_store %arg8[%swap3A_3445, %swap3A_3446, %swap3A_3447, %swap3A_3448], %gather3A_73 {strides = array<i32>} : memref<4x16x8x128xf32, #tpu.memory_space<vmem>>, vector<16xf32>,
        %swap3A_3450 = arith.constant 7 : i32
        %swap3A_3451 = arith.index_cast %rem3A_173 : i32 to index
        %swap3A_3452 = arith.index_cast %while3A_3101 : i32 to index
        %swap3A_3453 = arith.index_cast %swap3A_3450 : i32 to index
        %swap3A_3454 = arith.constant 32 : index
        %swap3A_3455 = tpu.vector_load %arg8[%swap3A_3451, %swap3A_3452, %swap3A_3453, %swap3A_3454] {strides = array<i32>} : memref<4x16x8x128xf32, #tpu.memory_space<vmem>>, vector<16xf32>,
        tpu.vector_store %arg8[%swap3A_3451, %swap3A_3452, %swap3A_3453, %swap3A_3454], %gather3A_73 {strides = array<i32>} : memref<4x16x8x128xf32, #tpu.memory_space<vmem>>, vector<16xf32>,
        %swap3A_3456 = arith.constant 7 : i32
        %swap3A_3457 = arith.index_cast %rem3A_173 : i32 to index
        %swap3A_3458 = arith.index_cast %while3A_3101 : i32 to index
        %swap3A_3459 = arith.index_cast %swap3A_3456 : i32 to index
        %swap3A_3460 = arith.constant 48 : index
        %swap3A_3461 = tpu.vector_load %arg8[%swap3A_3457, %swap3A_3458, %swap3A_3459, %swap3A_3460] {strides = array<i32>} : memref<4x16x8x128xf32, #tpu.memory_space<vmem>>, vector<16xf32>,
        tpu.vector_store %arg8[%swap3A_3457, %swap3A_3458, %swap3A_3459, %swap3A_3460], %gather3A_73 {strides = array<i32>} : memref<4x16x8x128xf32, #tpu.memory_space<vmem>>, vector<16xf32>,
        %swap3A_3462 = arith.constant 7 : i32
        %swap3A_3463 = arith.index_cast %rem3A_173 : i32 to index
        %swap3A_3464 = arith.index_cast %while3A_3101 : i32 to index
        %swap3A_3465 = arith.index_cast %swap3A_3462 : i32 to index
        %swap3A_3466 = arith.constant 64 : index
        %swap3A_3467 = tpu.vector_load %arg8[%swap3A_3463, %swap3A_3464, %swap3A_3465, %swap3A_3466] {strides = array<i32>} : memref<4x16x8x128xf32, #tpu.memory_space<vmem>>, vector<16xf32>,
        tpu.vector_store %arg8[%swap3A_3463, %swap3A_3464, %swap3A_3465, %swap3A_3466], %gather3A_73 {strides = array<i32>} : memref<4x16x8x128xf32, #tpu.memory_space<vmem>>, vector<16xf32>,
        %swap3A_3468 = arith.constant 7 : i32
        %swap3A_3469 = arith.index_cast %rem3A_173 : i32 to index
        %swap3A_3470 = arith.index_cast %while3A_3101 : i32 to index
        %swap3A_3471 = arith.index_cast %swap3A_3468 : i32 to index
        %swap3A_3472 = arith.constant 80 : index
        %swap3A_3473 = tpu.vector_load %arg8[%swap3A_3469, %swap3A_3470, %swap3A_3471, %swap3A_3472] {strides = array<i32>} : memref<4x16x8x128xf32, #tpu.memory_space<vmem>>, vector<16xf32>,
        tpu.vector_store %arg8[%swap3A_3469, %swap3A_3470, %swap3A_3471, %swap3A_3472], %gather3A_73 {strides = array<i32>} : memref<4x16x8x128xf32, #tpu.memory_space<vmem>>, vector<16xf32>,
        %swap3A_3474 = arith.constant 7 : i32
        %swap3A_3475 = arith.index_cast %rem3A_173 : i32 to index
        %swap3A_3476 = arith.index_cast %while3A_3101 : i32 to index
        %swap3A_3477 = arith.index_cast %swap3A_3474 : i32 to index
        %swap3A_3478 = arith.constant 96 : index
        %swap3A_3479 = tpu.vector_load %arg8[%swap3A_3475, %swap3A_3476, %swap3A_3477, %swap3A_3478] {strides = array<i32>} : memref<4x16x8x128xf32, #tpu.memory_space<vmem>>, vector<16xf32>,
        tpu.vector_store %arg8[%swap3A_3475, %swap3A_3476, %swap3A_3477, %swap3A_3478], %gather3A_73 {strides = array<i32>} : memref<4x16x8x128xf32, #tpu.memory_space<vmem>>, vector<16xf32>,
        %swap3A_3480 = arith.constant 7 : i32
        %swap3A_3481 = arith.index_cast %rem3A_173 : i32 to index
        %swap3A_3482 = arith.index_cast %while3A_3101 : i32 to index
        %swap3A_3483 = arith.index_cast %swap3A_3480 : i32 to index
        %swap3A_3484 = arith.constant 112 : index
        %swap3A_3485 = tpu.vector_load %arg8[%swap3A_3481, %swap3A_3482, %swap3A_3483, %swap3A_3484] {strides = array<i32>} : memref<4x16x8x128xf32, #tpu.memory_space<vmem>>, vector<16xf32>,
        tpu.vector_store %arg8[%swap3A_3481, %swap3A_3482, %swap3A_3483, %swap3A_3484], %gather3A_73 {strides = array<i32>} : memref<4x16x8x128xf32, #tpu.memory_space<vmem>>, vector<16xf32>,
      }
      %add3A_227 = arith.constant 0 : i32
      %add3A_228 = arith.addi %min3A, %add3A_227 : i32
      %mul3A_229 = arith.constant 8 : i32
      %mul3A_230 = arith.muli %mul3A_229, %add3A_174 : i32
      %add3A_231 = arith.constant 0 : i32
      %add3A_232 = arith.addi %mul3A_230, %add3A_231 : i32
      %sub3A_233 = arith.constant 2047 : i32
      %sub3A_234 = arith.subi %sub3A_233, %add3A_232 : i32
      %mul3A_235 = arith.constant 128 : i32
      %mul3A_236 = arith.muli %mul3A_235, %add3A_228 : i32
      %add3A_237 = arith.addi %sub3A_234, %mul3A_236 : i32
      %add3A_238 = arith.constant 0 : i32
      %add3A_239 = arith.addi %add3A_237, %add3A_238 : i32
      %get3A_240 = arith.index_cast %add3A_239 : i32 to index
      %get3A_241 = tpu.vector_load %arg7[%get3A_240] {strides = array<i32>} : memref<4096xf32, #tpu.memory_space<vmem>>, vector<16xf32>,
      %swap3A = arith.constant 0 : i32
      %swap3A_242 = arith.index_cast %rem3A_173 : i32 to index
      %swap3A_243 = arith.index_cast %add3A_228 : i32 to index
      %swap3A_244 = arith.index_cast %swap3A : i32 to index
      %swap3A_245 = arith.constant 0 : index
      %swap3A_246 = tpu.vector_load %arg8[%swap3A_242, %swap3A_243, %swap3A_244, %swap3A_245] {strides = array<i32>} : memref<4x16x8x128xf32, #tpu.memory_space<vmem>>, vector<16xf32>,
      tpu.vector_store %arg8[%swap3A_242, %swap3A_243, %swap3A_244, %swap3A_245], %get3A_241 {strides = array<i32>} : memref<4x16x8x128xf32, #tpu.memory_space<vmem>>, vector<16xf32>,
      %add3A_247 = arith.constant 16 : i32
      %add3A_248 = arith.addi %add3A_237, %add3A_247 : i32
      %get3A_249 = arith.index_cast %add3A_248 : i32 to index
      %get3A_250 = tpu.vector_load %arg7[%get3A_249] {strides = array<i32>} : memref<4096xf32, #tpu.memory_space<vmem>>, vector<16xf32>,
      %swap3A_251 = arith.constant 0 : i32
      %swap3A_252 = arith.index_cast %rem3A_173 : i32 to index
      %swap3A_253 = arith.index_cast %add3A_228 : i32 to index
      %swap3A_254 = arith.index_cast %swap3A_251 : i32 to index
      %swap3A_255 = arith.constant 16 : index
      %swap3A_256 = tpu.vector_load %arg8[%swap3A_252, %swap3A_253, %swap3A_254, %swap3A_255] {strides = array<i32>} : memref<4x16x8x128xf32, #tpu.memory_space<vmem>>, vector<16xf32>,
      tpu.vector_store %arg8[%swap3A_252, %swap3A_253, %swap3A_254, %swap3A_255], %get3A_250 {strides = array<i32>} : memref<4x16x8x128xf32, #tpu.memory_space<vmem>>, vector<16xf32>,
      %add3A_257 = arith.constant 32 : i32
      %add3A_258 = arith.addi %add3A_237, %add3A_257 : i32
      %get3A_259 = arith.index_cast %add3A_258 : i32 to index
      %get3A_260 = tpu.vector_load %arg7[%get3A_259] {strides = array<i32>} : memref<4096xf32, #tpu.memory_space<vmem>>, vector<16xf32>,
      %swap3A_261 = arith.constant 0 : i32
      %swap3A_262 = arith.index_cast %rem3A_173 : i32 to index
      %swap3A_263 = arith.index_cast %add3A_228 : i32 to index
      %swap3A_264 = arith.index_cast %swap3A_261 : i32 to index
      %swap3A_265 = arith.constant 32 : index
      %swap3A_266 = tpu.vector_load %arg8[%swap3A_262, %swap3A_263, %swap3A_264, %swap3A_265] {strides = array<i32>} : memref<4x16x8x128xf32, #tpu.memory_space<vmem>>, vector<16xf32>,
      tpu.vector_store %arg8[%swap3A_262, %swap3A_263, %swap3A_264, %swap3A_265], %get3A_260 {strides = array<i32>} : memref<4x16x8x128xf32, #tpu.memory_space<vmem>>, vector<16xf32>,
      %add3A_267 = arith.constant 48 : i32
      %add3A_268 = arith.addi %add3A_237, %add3A_267 : i32
      %get3A_269 = arith.index_cast %add3A_268 : i32 to index
      %get3A_270 = tpu.vector_load %arg7[%get3A_269] {strides = array<i32>} : memref<4096xf32, #tpu.memory_space<vmem>>, vector<16xf32>,
      %swap3A_271 = arith.constant 0 : i32
      %swap3A_272 = arith.index_cast %rem3A_173 : i32 to index
      %swap3A_273 = arith.index_cast %add3A_228 : i32 to index
      %swap3A_274 = arith.index_cast %swap3A_271 : i32 to index
      %swap3A_275 = arith.constant 48 : index
      %swap3A_276 = tpu.vector_load %arg8[%swap3A_272, %swap3A_273, %swap3A_274, %swap3A_275] {strides = array<i32>} : memref<4x16x8x128xf32, #tpu.memory_space<vmem>>, vector<16xf32>,
      tpu.vector_store %arg8[%swap3A_272, %swap3A_273, %swap3A_274, %swap3A_275], %get3A_270 {strides = array<i32>} : memref<4x16x8x128xf32, #tpu.memory_space<vmem>>, vector<16xf32>,
      %add3A_277 = arith.constant 64 : i32
      %add3A_278 = arith.addi %add3A_237, %add3A_277 : i32
      %get3A_279 = arith.index_cast %add3A_278 : i32 to index
      %get3A_280 = tpu.vector_load %arg7[%get3A_279] {strides = array<i32>} : memref<4096xf32, #tpu.memory_space<vmem>>, vector<16xf32>,
      %swap3A_281 = arith.constant 0 : i32
      %swap3A_282 = arith.index_cast %rem3A_173 : i32 to index
      %swap3A_283 = arith.index_cast %add3A_228 : i32 to index
      %swap3A_284 = arith.index_cast %swap3A_281 : i32 to index
      %swap3A_285 = arith.constant 64 : index
      %swap3A_286 = tpu.vector_load %arg8[%swap3A_282, %swap3A_283, %swap3A_284, %swap3A_285] {strides = array<i32>} : memref<4x16x8x128xf32, #tpu.memory_space<vmem>>, vector<16xf32>,
      tpu.vector_store %arg8[%swap3A_282, %swap3A_283, %swap3A_284, %swap3A_285], %get3A_280 {strides = array<i32>} : memref<4x16x8x128xf32, #tpu.memory_space<vmem>>, vector<16xf32>,
      %add3A_287 = arith.constant 80 : i32
      %add3A_288 = arith.addi %add3A_237, %add3A_287 : i32
      %get3A_289 = arith.index_cast %add3A_288 : i32 to index
      %get3A_290 = tpu.vector_load %arg7[%get3A_289] {strides = array<i32>} : memref<4096xf32, #tpu.memory_space<vmem>>, vector<16xf32>,
      %swap3A_291 = arith.constant 0 : i32
      %swap3A_292 = arith.index_cast %rem3A_173 : i32 to index
      %swap3A_293 = arith.index_cast %add3A_228 : i32 to index
      %swap3A_294 = arith.index_cast %swap3A_291 : i32 to index
      %swap3A_295 = arith.constant 80 : index
      %swap3A_296 = tpu.vector_load %arg8[%swap3A_292, %swap3A_293, %swap3A_294, %swap3A_295] {strides = array<i32>} : memref<4x16x8x128xf32, #tpu.memory_space<vmem>>, vector<16xf32>,
      tpu.vector_store %arg8[%swap3A_292, %swap3A_293, %swap3A_294, %swap3A_295], %get3A_290 {strides = array<i32>} : memref<4x16x8x128xf32, #tpu.memory_space<vmem>>, vector<16xf32>,
      %add3A_297 = arith.constant 96 : i32
      %add3A_298 = arith.addi %add3A_237, %add3A_297 : i32
      %get3A_299 = arith.index_cast %add3A_298 : i32 to index
      %get3A_300 = tpu.vector_load %arg7[%get3A_299] {strides = array<i32>} : memref<4096xf32, #tpu.memory_space<vmem>>, vector<16xf32>,
      %swap3A_301 = arith.constant 0 : i32
      %swap3A_302 = arith.index_cast %rem3A_173 : i32 to index
      %swap3A_303 = arith.index_cast %add3A_228 : i32 to index
      %swap3A_304 = arith.index_cast %swap3A_301 : i32 to index
      %swap3A_305 = arith.constant 96 : index
      %swap3A_306 = tpu.vector_load %arg8[%swap3A_302, %swap3A_303, %swap3A_304, %swap3A_305] {strides = array<i32>} : memref<4x16x8x128xf32, #tpu.memory_space<vmem>>, vector<16xf32>,
      tpu.vector_store %arg8[%swap3A_302, %swap3A_303, %swap3A_304, %swap3A_305], %get3A_300 {strides = array<i32>} : memref<4x16x8x128xf32, #tpu.memory_space<vmem>>, vector<16xf32>,
      %add3A_307 = arith.constant 112 : i32
      %add3A_308 = arith.addi %add3A_237, %add3A_307 : i32
      %get3A_309 = arith.index_cast %add3A_308 : i32 to index
      %get3A_310 = tpu.vector_load %arg7[%get3A_309] {strides = array<i32>} : memref<4096xf32, #tpu.memory_space<vmem>>, vector<16xf32>,
      %swap3A_311 = arith.constant 0 : i32
      %swap3A_312 = arith.index_cast %rem3A_173 : i32 to index
      %swap3A_313 = arith.index_cast %add3A_228 : i32 to index
      %swap3A_314 = arith.index_cast %swap3A_311 : i32 to index
      %swap3A_315 = arith.constant 112 : index
      %swap3A_316 = tpu.vector_load %arg8[%swap3A_312, %swap3A_313, %swap3A_314, %swap3A_315] {strides = array<i32>} : memref<4x16x8x128xf32, #tpu.memory_space<vmem>>, vector<16xf32>,
      tpu.vector_store %arg8[%swap3A_312, %swap3A_313, %swap3A_314, %swap3A_315], %get3A_310 {strides = array<i32>} : memref<4x16x8x128xf32, #tpu.memory_space<vmem>>, vector<16xf32>,
      %mul3A_317 = arith.constant 8 : i32
      %mul3A_318 = arith.muli %mul3A_317, %add3A_174 : i32
      %add3A_319 = arith.constant 1 : i32
      %add3A_320 = arith.addi %mul3A_318, %add3A_319 : i32
      %sub3A_321 = arith.constant 2047 : i32
      %sub3A_322 = arith.subi %sub3A_321, %add3A_320 : i32
      %mul3A_323 = arith.constant 128 : i32
      %mul3A_324 = arith.muli %mul3A_323, %add3A_228 : i32
      %add3A_325 = arith.addi %sub3A_322, %mul3A_324 : i32
      %add3A_326 = arith.constant 0 : i32
      %add3A_327 = arith.addi %add3A_325, %add3A_326 : i32
      %get3A_328 = arith.index_cast %add3A_327 : i32 to index
      %get3A_329 = tpu.vector_load %arg7[%get3A_328] {strides = array<i32>} : memref<4096xf32, #tpu.memory_space<vmem>>, vector<16xf32>,
      %swap3A_330 = arith.constant 1 : i32
      %swap3A_331 = arith.index_cast %rem3A_173 : i32 to index
      %swap3A_332 = arith.index_cast %add3A_228 : i32 to index
      %swap3A_333 = arith.index_cast %swap3A_330 : i32 to index
      %swap3A_334 = arith.constant 0 : index
      %swap3A_335 = tpu.vector_load %arg8[%swap3A_331, %swap3A_332, %swap3A_333, %swap3A_334] {strides = array<i32>} : memref<4x16x8x128xf32, #tpu.memory_space<vmem>>, vector<16xf32>,
      tpu.vector_store %arg8[%swap3A_331, %swap3A_332, %swap3A_333, %swap3A_334], %get3A_329 {strides = array<i32>} : memref<4x16x8x128xf32, #tpu.memory_space<vmem>>, vector<16xf32>,
      %add3A_336 = arith.constant 16 : i32
      %add3A_337 = arith.addi %add3A_325, %add3A_336 : i32
      %get3A_338 = arith.index_cast %add3A_337 : i32 to index
      %get3A_339 = tpu.vector_load %arg7[%get3A_338] {strides = array<i32>} : memref<4096xf32, #tpu.memory_space<vmem>>, vector<16xf32>,
      %swap3A_340 = arith.constant 1 : i32
      %swap3A_341 = arith.index_cast %rem3A_173 : i32 to index
      %swap3A_342 = arith.index_cast %add3A_228 : i32 to index
      %swap3A_343 = arith.index_cast %swap3A_340 : i32 to index
      %swap3A_344 = arith.constant 16 : index
      %swap3A_345 = tpu.vector_load %arg8[%swap3A_341, %swap3A_342, %swap3A_343, %swap3A_344] {strides = array<i32>} : memref<4x16x8x128xf32, #tpu.memory_space<vmem>>, vector<16xf32>,
      tpu.vector_store %arg8[%swap3A_341, %swap3A_342, %swap3A_343, %swap3A_344], %get3A_339 {strides = array<i32>} : memref<4x16x8x128xf32, #tpu.memory_space<vmem>>, vector<16xf32>,
      %add3A_346 = arith.constant 32 : i32
      %add3A_347 = arith.addi %add3A_325, %add3A_346 : i32
      %get3A_348 = arith.index_cast %add3A_347 : i32 to index
      %get3A_349 = tpu.vector_load %arg7[%get3A_348] {strides = array<i32>} : memref<4096xf32, #tpu.memory_space<vmem>>, vector<16xf32>,
      %swap3A_350 = arith.constant 1 : i32
      %swap3A_351 = arith.index_cast %rem3A_173 : i32 to index
      %swap3A_352 = arith.index_cast %add3A_228 : i32 to index
      %swap3A_353 = arith.index_cast %swap3A_350 : i32 to index
      %swap3A_354 = arith.constant 32 : index
      %swap3A_355 = tpu.vector_load %arg8[%swap3A_351, %swap3A_352, %swap3A_353, %swap3A_354] {strides = array<i32>} : memref<4x16x8x128xf32, #tpu.memory_space<vmem>>, vector<16xf32>,
      tpu.vector_store %arg8[%swap3A_351, %swap3A_352, %swap3A_353, %swap3A_354], %get3A_349 {strides = array<i32>} : memref<4x16x8x128xf32, #tpu.memory_space<vmem>>, vector<16xf32>,
      %add3A_356 = arith.constant 48 : i32
      %add3A_357 = arith.addi %add3A_325, %add3A_356 : i32
      %get3A_358 = arith.index_cast %add3A_357 : i32 to index
      %get3A_359 = tpu.vector_load %arg7[%get3A_358] {strides = array<i32>} : memref<4096xf32, #tpu.memory_space<vmem>>, vector<16xf32>,
      %swap3A_360 = arith.constant 1 : i32
      %swap3A_361 = arith.index_cast %rem3A_173 : i32 to index
      %swap3A_362 = arith.index_cast %add3A_228 : i32 to index
      %swap3A_363 = arith.index_cast %swap3A_360 : i32 to index
      %swap3A_364 = arith.constant 48 : index
      %swap3A_365 = tpu.vector_load %arg8[%swap3A_361, %swap3A_362, %swap3A_363, %swap3A_364] {strides = array<i32>} : memref<4x16x8x128xf32, #tpu.memory_space<vmem>>, vector<16xf32>,
      tpu.vector_store %arg8[%swap3A_361, %swap3A_362, %swap3A_363, %swap3A_364], %get3A_359 {strides = array<i32>} : memref<4x16x8x128xf32, #tpu.memory_space<vmem>>, vector<16xf32>,
      %add3A_366 = arith.constant 64 : i32
      %add3A_367 = arith.addi %add3A_325, %add3A_366 : i32
      %get3A_368 = arith.index_cast %add3A_367 : i32 to index
      %get3A_369 = tpu.vector_load %arg7[%get3A_368] {strides = array<i32>} : memref<4096xf32, #tpu.memory_space<vmem>>, vector<16xf32>,
      %swap3A_370 = arith.constant 1 : i32
      %swap3A_371 = arith.index_cast %rem3A_173 : i32 to index
      %swap3A_372 = arith.index_cast %add3A_228 : i32 to index
      %swap3A_373 = arith.index_cast %swap3A_370 : i32 to index
      %swap3A_374 = arith.constant 64 : index
      %swap3A_375 = tpu.vector_load %arg8[%swap3A_371, %swap3A_372, %swap3A_373, %swap3A_374] {strides = array<i32>} : memref<4x16x8x128xf32, #tpu.memory_space<vmem>>, vector<16xf32>,
      tpu.vector_store %arg8[%swap3A_371, %swap3A_372, %swap3A_373, %swap3A_374], %get3A_369 {strides = array<i32>} : memref<4x16x8x128xf32, #tpu.memory_space<vmem>>, vector<16xf32>,
      %add3A_376 = arith.constant 80 : i32
      %add3A_377 = arith.addi %add3A_325, %add3A_376 : i32
      %get3A_378 = arith.index_cast %add3A_377 : i32 to index
      %get3A_379 = tpu.vector_load %arg7[%get3A_378] {strides = array<i32>} : memref<4096xf32, #tpu.memory_space<vmem>>, vector<16xf32>,
      %swap3A_380 = arith.constant 1 : i32
      %swap3A_381 = arith.index_cast %rem3A_173 : i32 to index
      %swap3A_382 = arith.index_cast %add3A_228 : i32 to index
      %swap3A_383 = arith.index_cast %swap3A_380 : i32 to index
      %swap3A_384 = arith.constant 80 : index
      %swap3A_385 = tpu.vector_load %arg8[%swap3A_381, %swap3A_382, %swap3A_383, %swap3A_384] {strides = array<i32>} : memref<4x16x8x128xf32, #tpu.memory_space<vmem>>, vector<16xf32>,
      tpu.vector_store %arg8[%swap3A_381, %swap3A_382, %swap3A_383, %swap3A_384], %get3A_379 {strides = array<i32>} : memref<4x16x8x128xf32, #tpu.memory_space<vmem>>, vector<16xf32>,
      %add3A_386 = arith.constant 96 : i32
      %add3A_387 = arith.addi %add3A_325, %add3A_386 : i32
      %get3A_388 = arith.index_cast %add3A_387 : i32 to index
      %get3A_389 = tpu.vector_load %arg7[%get3A_388] {strides = array<i32>} : memref<4096xf32, #tpu.memory_space<vmem>>, vector<16xf32>,
      %swap3A_390 = arith.constant 1 : i32
      %swap3A_391 = arith.index_cast %rem3A_173 : i32 to index
      %swap3A_392 = arith.index_cast %add3A_228 : i32 to index
      %swap3A_393 = arith.index_cast %swap3A_390 : i32 to index
      %swap3A_394 = arith.constant 96 : index
      %swap3A_395 = tpu.vector_load %arg8[%swap3A_391, %swap3A_392, %swap3A_393, %swap3A_394] {strides = array<i32>} : memref<4x16x8x128xf32, #tpu.memory_space<vmem>>, vector<16xf32>,
      tpu.vector_store %arg8[%swap3A_391, %swap3A_392, %swap3A_393, %swap3A_394], %get3A_389 {strides = array<i32>} : memref<4x16x8x128xf32, #tpu.memory_space<vmem>>, vector<16xf32>,
      %add3A_396 = arith.constant 112 : i32
      %add3A_397 = arith.addi %add3A_325, %add3A_396 : i32
      %get3A_398 = arith.index_cast %add3A_397 : i32 to index
      %get3A_399 = tpu.vector_load %arg7[%get3A_398] {strides = array<i32>} : memref<4096xf32, #tpu.memory_space<vmem>>, vector<16xf32>,
      %swap3A_400 = arith.constant 1 : i32
      %swap3A_401 = arith.index_cast %rem3A_173 : i32 to index
      %swap3A_402 = arith.index_cast %add3A_228 : i32 to index
      %swap3A_403 = arith.index_cast %swap3A_400 : i32 to index
      %swap3A_404 = arith.constant 112 : index
      %swap3A_405 = tpu.vector_load %arg8[%swap3A_401, %swap3A_402, %swap3A_403, %swap3A_404] {strides = array<i32>} : memref<4x16x8x128xf32, #tpu.memory_space<vmem>>, vector<16xf32>,
      tpu.vector_store %arg8[%swap3A_401, %swap3A_402, %swap3A_403, %swap3A_404], %get3A_399 {strides = array<i32>} : memref<4x16x8x128xf32, #tpu.memory_space<vmem>>, vector<16xf32>,
      %mul3A_406 = arith.constant 8 : i32
      %mul3A_407 = arith.muli %mul3A_406, %add3A_174 : i32
      %add3A_408 = arith.constant 2 : i32
      %add3A_409 = arith.addi %mul3A_407, %add3A_408 : i32
      %sub3A_410 = arith.constant 2047 : i32
      %sub3A_411 = arith.subi %sub3A_410, %add3A_409 : i32
      %mul3A_412 = arith.constant 128 : i32
      %mul3A_413 = arith.muli %mul3A_412, %add3A_228 : i32
      %add3A_414 = arith.addi %sub3A_411, %mul3A_413 : i32
      %add3A_415 = arith.constant 0 : i32
      %add3A_416 = arith.addi %add3A_414, %add3A_415 : i32
      %get3A_417 = arith.index_cast %add3A_416 : i32 to index
      %get3A_418 = tpu.vector_load %arg7[%get3A_417] {strides = array<i32>} : memref<4096xf32, #tpu.memory_space<vmem>>, vector<16xf32>,
      %swap3A_419 = arith.constant 2 : i32
      %swap3A_420 = arith.index_cast %rem3A_173 : i32 to index
      %swap3A_421 = arith.index_cast %add3A_228 : i32 to index
      %swap3A_422 = arith.index_cast %swap3A_419 : i32 to index
      %swap3A_423 = arith.constant 0 : index
      %swap3A_424 = tpu.vector_load %arg8[%swap3A_420, %swap3A_421, %swap3A_422, %swap3A_423] {strides = array<i32>} : memref<4x16x8x128xf32, #tpu.memory_space<vmem>>, vector<16xf32>,
      tpu.vector_store %arg8[%swap3A_420, %swap3A_421, %swap3A_422, %swap3A_423], %get3A_418 {strides = array<i32>} : memref<4x16x8x128xf32, #tpu.memory_space<vmem>>, vector<16xf32>,
      %add3A_425 = arith.constant 16 : i32
      %add3A_426 = arith.addi %add3A_414, %add3A_425 : i32
      %get3A_427 = arith.index_cast %add3A_426 : i32 to index
      %get3A_428 = tpu.vector_load %arg7[%get3A_427] {strides = array<i32>} : memref<4096xf32, #tpu.memory_space<vmem>>, vector<16xf32>,
      %swap3A_429 = arith.constant 2 : i32
      %swap3A_430 = arith.index_cast %rem3A_173 : i32 to index
      %swap3A_431 = arith.index_cast %add3A_228 : i32 to index
      %swap3A_432 = arith.index_cast %swap3A_429 : i32 to index
      %swap3A_433 = arith.constant 16 : index
      %swap3A_434 = tpu.vector_load %arg8[%swap3A_430, %swap3A_431, %swap3A_432, %swap3A_433] {strides = array<i32>} : memref<4x16x8x128xf32, #tpu.memory_space<vmem>>, vector<16xf32>,
      tpu.vector_store %arg8[%swap3A_430, %swap3A_431, %swap3A_432, %swap3A_433], %get3A_428 {strides = array<i32>} : memref<4x16x8x128xf32, #tpu.memory_space<vmem>>, vector<16xf32>,
      %add3A_435 = arith.constant 32 : i32
      %add3A_436 = arith.addi %add3A_414, %add3A_435 : i32
      %get3A_437 = arith.index_cast %add3A_436 : i32 to index
      %get3A_438 = tpu.vector_load %arg7[%get3A_437] {strides = array<i32>} : memref<4096xf32, #tpu.memory_space<vmem>>, vector<16xf32>,
      %swap3A_439 = arith.constant 2 : i32
      %swap3A_440 = arith.index_cast %rem3A_173 : i32 to index
      %swap3A_441 = arith.index_cast %add3A_228 : i32 to index
      %swap3A_442 = arith.index_cast %swap3A_439 : i32 to index
      %swap3A_443 = arith.constant 32 : index
      %swap3A_444 = tpu.vector_load %arg8[%swap3A_440, %swap3A_441, %swap3A_442, %swap3A_443] {strides = array<i32>} : memref<4x16x8x128xf32, #tpu.memory_space<vmem>>, vector<16xf32>,
      tpu.vector_store %arg8[%swap3A_440, %swap3A_441, %swap3A_442, %swap3A_443], %get3A_438 {strides = array<i32>} : memref<4x16x8x128xf32, #tpu.memory_space<vmem>>, vector<16xf32>,
      %add3A_445 = arith.constant 48 : i32
      %add3A_446 = arith.addi %add3A_414, %add3A_445 : i32
      %get3A_447 = arith.index_cast %add3A_446 : i32 to index
      %get3A_448 = tpu.vector_load %arg7[%get3A_447] {strides = array<i32>} : memref<4096xf32, #tpu.memory_space<vmem>>, vector<16xf32>,
      %swap3A_449 = arith.constant 2 : i32
      %swap3A_450 = arith.index_cast %rem3A_173 : i32 to index
      %swap3A_451 = arith.index_cast %add3A_228 : i32 to index
      %swap3A_452 = arith.index_cast %swap3A_449 : i32 to index
      %swap3A_453 = arith.constant 48 : index
      %swap3A_454 = tpu.vector_load %arg8[%swap3A_450, %swap3A_451, %swap3A_452, %swap3A_453] {strides = array<i32>} : memref<4x16x8x128xf32, #tpu.memory_space<vmem>>, vector<16xf32>,
      tpu.vector_store %arg8[%swap3A_450, %swap3A_451, %swap3A_452, %swap3A_453], %get3A_448 {strides = array<i32>} : memref<4x16x8x128xf32, #tpu.memory_space<vmem>>, vector<16xf32>,
      %add3A_455 = arith.constant 64 : i32
      %add3A_456 = arith.addi %add3A_414, %add3A_455 : i32
      %get3A_457 = arith.index_cast %add3A_456 : i32 to index
      %get3A_458 = tpu.vector_load %arg7[%get3A_457] {strides = array<i32>} : memref<4096xf32, #tpu.memory_space<vmem>>, vector<16xf32>,
      %swap3A_459 = arith.constant 2 : i32
      %swap3A_460 = arith.index_cast %rem3A_173 : i32 to index
      %swap3A_461 = arith.index_cast %add3A_228 : i32 to index
      %swap3A_462 = arith.index_cast %swap3A_459 : i32 to index
      %swap3A_463 = arith.constant 64 : index
      %swap3A_464 = tpu.vector_load %arg8[%swap3A_460, %swap3A_461, %swap3A_462, %swap3A_463] {strides = array<i32>} : memref<4x16x8x128xf32, #tpu.memory_space<vmem>>, vector<16xf32>,
      tpu.vector_store %arg8[%swap3A_460, %swap3A_461, %swap3A_462, %swap3A_463], %get3A_458 {strides = array<i32>} : memref<4x16x8x128xf32, #tpu.memory_space<vmem>>, vector<16xf32>,
      %add3A_465 = arith.constant 80 : i32
      %add3A_466 = arith.addi %add3A_414, %add3A_465 : i32
      %get3A_467 = arith.index_cast %add3A_466 : i32 to index
      %get3A_468 = tpu.vector_load %arg7[%get3A_467] {strides = array<i32>} : memref<4096xf32, #tpu.memory_space<vmem>>, vector<16xf32>,
      %swap3A_469 = arith.constant 2 : i32
      %swap3A_470 = arith.index_cast %rem3A_173 : i32 to index
      %swap3A_471 = arith.index_cast %add3A_228 : i32 to index
      %swap3A_472 = arith.index_cast %swap3A_469 : i32 to index
      %swap3A_473 = arith.constant 80 : index
      %swap3A_474 = tpu.vector_load %arg8[%swap3A_470, %swap3A_471, %swap3A_472, %swap3A_473] {strides = array<i32>} : memref<4x16x8x128xf32, #tpu.memory_space<vmem>>, vector<16xf32>,
      tpu.vector_store %arg8[%swap3A_470, %swap3A_471, %swap3A_472, %swap3A_473], %get3A_468 {strides = array<i32>} : memref<4x16x8x128xf32, #tpu.memory_space<vmem>>, vector<16xf32>,
      %add3A_475 = arith.constant 96 : i32
      %add3A_476 = arith.addi %add3A_414, %add3A_475 : i32
      %get3A_477 = arith.index_cast %add3A_476 : i32 to index
      %get3A_478 = tpu.vector_load %arg7[%get3A_477] {strides = array<i32>} : memref<4096xf32, #tpu.memory_space<vmem>>, vector<16xf32>,
      %swap3A_479 = arith.constant 2 : i32
      %swap3A_480 = arith.index_cast %rem3A_173 : i32 to index
      %swap3A_481 = arith.index_cast %add3A_228 : i32 to index
      %swap3A_482 = arith.index_cast %swap3A_479 : i32 to index
      %swap3A_483 = arith.constant 96 : index
      %swap3A_484 = tpu.vector_load %arg8[%swap3A_480, %swap3A_481, %swap3A_482, %swap3A_483] {strides = array<i32>} : memref<4x16x8x128xf32, #tpu.memory_space<vmem>>, vector<16xf32>,
      tpu.vector_store %arg8[%swap3A_480, %swap3A_481, %swap3A_482, %swap3A_483], %get3A_478 {strides = array<i32>} : memref<4x16x8x128xf32, #tpu.memory_space<vmem>>, vector<16xf32>,
      %add3A_485 = arith.constant 112 : i32
      %add3A_486 = arith.addi %add3A_414, %add3A_485 : i32
      %get3A_487 = arith.index_cast %add3A_486 : i32 to index
      %get3A_488 = tpu.vector_load %arg7[%get3A_487] {strides = array<i32>} : memref<4096xf32, #tpu.memory_space<vmem>>, vector<16xf32>,
      %swap3A_489 = arith.constant 2 : i32
      %swap3A_490 = arith.index_cast %rem3A_173 : i32 to index
      %swap3A_491 = arith.index_cast %add3A_228 : i32 to index
      %swap3A_492 = arith.index_cast %swap3A_489 : i32 to index
      %swap3A_493 = arith.constant 112 : index
      %swap3A_494 = tpu.vector_load %arg8[%swap3A_490, %swap3A_491, %swap3A_492, %swap3A_493] {strides = array<i32>} : memref<4x16x8x128xf32, #tpu.memory_space<vmem>>, vector<16xf32>,
      tpu.vector_store %arg8[%swap3A_490, %swap3A_491, %swap3A_492, %swap3A_493], %get3A_488 {strides = array<i32>} : memref<4x16x8x128xf32, #tpu.memory_space<vmem>>, vector<16xf32>,
      %mul3A_495 = arith.constant 8 : i32
      %mul3A_496 = arith.muli %mul3A_495, %add3A_174 : i32
      %add3A_497 = arith.constant 3 : i32
      %add3A_498 = arith.addi %mul3A_496, %add3A_497 : i32
      %sub3A_499 = arith.constant 2047 : i32
      %sub3A_500 = arith.subi %sub3A_499, %add3A_498 : i32
      %mul3A_501 = arith.constant 128 : i32
      %mul3A_502 = arith.muli %mul3A_501, %add3A_228 : i32
      %add3A_503 = arith.addi %sub3A_500, %mul3A_502 : i32
      %add3A_504 = arith.constant 0 : i32
      %add3A_505 = arith.addi %add3A_503, %add3A_504 : i32
      %get3A_506 = arith.index_cast %add3A_505 : i32 to index
      %get3A_507 = tpu.vector_load %arg7[%get3A_506] {strides = array<i32>} : memref<4096xf32, #tpu.memory_space<vmem>>, vector<16xf32>,
      %swap3A_508 = arith.constant 3 : i32
      %swap3A_509 = arith.index_cast %rem3A_173 : i32 to index
      %swap3A_510 = arith.index_cast %add3A_228 : i32 to index
      %swap3A_511 = arith.index_cast %swap3A_508 : i32 to index
      %swap3A_512 = arith.constant 0 : index
      %swap3A_513 = tpu.vector_load %arg8[%swap3A_509, %swap3A_510, %swap3A_511, %swap3A_512] {strides = array<i32>} : memref<4x16x8x128xf32, #tpu.memory_space<vmem>>, vector<16xf32>,
      tpu.vector_store %arg8[%swap3A_509, %swap3A_510, %swap3A_511, %swap3A_512], %get3A_507 {strides = array<i32>} : memref<4x16x8x128xf32, #tpu.memory_space<vmem>>, vector<16xf32>,
      %add3A_514 = arith.constant 16 : i32
      %add3A_515 = arith.addi %add3A_503, %add3A_514 : i32
      %get3A_516 = arith.index_cast %add3A_515 : i32 to index
      %get3A_517 = tpu.vector_load %arg7[%get3A_516] {strides = array<i32>} : memref<4096xf32, #tpu.memory_space<vmem>>, vector<16xf32>,
      %swap3A_518 = arith.constant 3 : i32
      %swap3A_519 = arith.index_cast %rem3A_173 : i32 to index
      %swap3A_520 = arith.index_cast %add3A_228 : i32 to index
      %swap3A_521 = arith.index_cast %swap3A_518 : i32 to index
      %swap3A_522 = arith.constant 16 : index
      %swap3A_523 = tpu.vector_load %arg8[%swap3A_519, %swap3A_520, %swap3A_521, %swap3A_522] {strides = array<i32>} : memref<4x16x8x128xf32, #tpu.memory_space<vmem>>, vector<16xf32>,
      tpu.vector_store %arg8[%swap3A_519, %swap3A_520, %swap3A_521, %swap3A_522], %get3A_517 {strides = array<i32>} : memref<4x16x8x128xf32, #tpu.memory_space<vmem>>, vector<16xf32>,
      %add3A_524 = arith.constant 32 : i32
      %add3A_525 = arith.addi %add3A_503, %add3A_524 : i32
      %get3A_526 = arith.index_cast %add3A_525 : i32 to index
      %get3A_527 = tpu.vector_load %arg7[%get3A_526] {strides = array<i32>} : memref<4096xf32, #tpu.memory_space<vmem>>, vector<16xf32>,
      %swap3A_528 = arith.constant 3 : i32
      %swap3A_529 = arith.index_cast %rem3A_173 : i32 to index
      %swap3A_530 = arith.index_cast %add3A_228 : i32 to index
      %swap3A_531 = arith.index_cast %swap3A_528 : i32 to index
      %swap3A_532 = arith.constant 32 : index
      %swap3A_533 = tpu.vector_load %arg8[%swap3A_529, %swap3A_530, %swap3A_531, %swap3A_532] {strides = array<i32>} : memref<4x16x8x128xf32, #tpu.memory_space<vmem>>, vector<16xf32>,
      tpu.vector_store %arg8[%swap3A_529, %swap3A_530, %swap3A_531, %swap3A_532], %get3A_527 {strides = array<i32>} : memref<4x16x8x128xf32, #tpu.memory_space<vmem>>, vector<16xf32>,
      %add3A_534 = arith.constant 48 : i32
      %add3A_535 = arith.addi %add3A_503, %add3A_534 : i32
      %get3A_536 = arith.index_cast %add3A_535 : i32 to index
      %get3A_537 = tpu.vector_load %arg7[%get3A_536] {strides = array<i32>} : memref<4096xf32, #tpu.memory_space<vmem>>, vector<16xf32>,
      %swap3A_538 = arith.constant 3 : i32
      %swap3A_539 = arith.index_cast %rem3A_173 : i32 to index
      %swap3A_540 = arith.index_cast %add3A_228 : i32 to index
      %swap3A_541 = arith.index_cast %swap3A_538 : i32 to index
      %swap3A_542 = arith.constant 48 : index
      %swap3A_543 = tpu.vector_load %arg8[%swap3A_539, %swap3A_540, %swap3A_541, %swap3A_542] {strides = array<i32>} : memref<4x16x8x128xf32, #tpu.memory_space<vmem>>, vector<16xf32>,
      tpu.vector_store %arg8[%swap3A_539, %swap3A_540, %swap3A_541, %swap3A_542], %get3A_537 {strides = array<i32>} : memref<4x16x8x128xf32, #tpu.memory_space<vmem>>, vector<16xf32>,
      %add3A_544 = arith.constant 64 : i32
      %add3A_545 = arith.addi %add3A_503, %add3A_544 : i32
      %get3A_546 = arith.index_cast %add3A_545 : i32 to index
      %get3A_547 = tpu.vector_load %arg7[%get3A_546] {strides = array<i32>} : memref<4096xf32, #tpu.memory_space<vmem>>, vector<16xf32>,
      %swap3A_548 = arith.constant 3 : i32
      %swap3A_549 = arith.index_cast %rem3A_173 : i32 to index
      %swap3A_550 = arith.index_cast %add3A_228 : i32 to index
      %swap3A_551 = arith.index_cast %swap3A_548 : i32 to index
      %swap3A_552 = arith.constant 64 : index
      %swap3A_553 = tpu.vector_load %arg8[%swap3A_549, %swap3A_550, %swap3A_551, %swap3A_552] {strides = array<i32>} : memref<4x16x8x128xf32, #tpu.memory_space<vmem>>, vector<16xf32>,
      tpu.vector_store %arg8[%swap3A_549, %swap3A_550, %swap3A_551, %swap3A_552], %get3A_547 {strides = array<i32>} : memref<4x16x8x128xf32, #tpu.memory_space<vmem>>, vector<16xf32>,
      %add3A_554 = arith.constant 80 : i32
      %add3A_555 = arith.addi %add3A_503, %add3A_554 : i32
      %get3A_556 = arith.index_cast %add3A_555 : i32 to index
      %get3A_557 = tpu.vector_load %arg7[%get3A_556] {strides = array<i32>} : memref<4096xf32, #tpu.memory_space<vmem>>, vector<16xf32>,
      %swap3A_558 = arith.constant 3 : i32
      %swap3A_559 = arith.index_cast %rem3A_173 : i32 to index
      %swap3A_560 = arith.index_cast %add3A_228 : i32 to index
      %swap3A_561 = arith.index_cast %swap3A_558 : i32 to index
      %swap3A_562 = arith.constant 80 : index
      %swap3A_563 = tpu.vector_load %arg8[%swap3A_559, %swap3A_560, %swap3A_561, %swap3A_562] {strides = array<i32>} : memref<4x16x8x128xf32, #tpu.memory_space<vmem>>, vector<16xf32>,
      tpu.vector_store %arg8[%swap3A_559, %swap3A_560, %swap3A_561, %swap3A_562], %get3A_557 {strides = array<i32>} : memref<4x16x8x128xf32, #tpu.memory_space<vmem>>, vector<16xf32>,
      %add3A_564 = arith.constant 96 : i32
      %add3A_565 = arith.addi %add3A_503, %add3A_564 : i32
      %get3A_566 = arith.index_cast %add3A_565 : i32 to index
      %get3A_567 = tpu.vector_load %arg7[%get3A_566] {strides = array<i32>} : memref<4096xf32, #tpu.memory_space<vmem>>, vector<16xf32>,
      %swap3A_568 = arith.constant 3 : i32
      %swap3A_569 = arith.index_cast %rem3A_173 : i32 to index
      %swap3A_570 = arith.index_cast %add3A_228 : i32 to index
      %swap3A_571 = arith.index_cast %swap3A_568 : i32 to index
      %swap3A_572 = arith.constant 96 : index
      %swap3A_573 = tpu.vector_load %arg8[%swap3A_569, %swap3A_570, %swap3A_571, %swap3A_572] {strides = array<i32>} : memref<4x16x8x128xf32, #tpu.memory_space<vmem>>, vector<16xf32>,
      tpu.vector_store %arg8[%swap3A_569, %swap3A_570, %swap3A_571, %swap3A_572], %get3A_567 {strides = array<i32>} : memref<4x16x8x128xf32, #tpu.memory_space<vmem>>, vector<16xf32>,
      %add3A_574 = arith.constant 112 : i32
      %add3A_575 = arith.addi %add3A_503, %add3A_574 : i32
      %get3A_576 = arith.index_cast %add3A_575 : i32 to index
      %get3A_577 = tpu.vector_load %arg7[%get3A_576] {strides = array<i32>} : memref<4096xf32, #tpu.memory_space<vmem>>, vector<16xf32>,
      %swap3A_578 = arith.constant 3 : i32
      %swap3A_579 = arith.index_cast %rem3A_173 : i32 to index
      %swap3A_580 = arith.index_cast %add3A_228 : i32 to index
      %swap3A_581 = arith.index_cast %swap3A_578 : i32 to index
      %swap3A_582 = arith.constant 112 : index
      %swap3A_583 = tpu.vector_load %arg8[%swap3A_579, %swap3A_580, %swap3A_581, %swap3A_582] {strides = array<i32>} : memref<4x16x8x128xf32, #tpu.memory_space<vmem>>, vector<16xf32>,
      tpu.vector_store %arg8[%swap3A_579, %swap3A_580, %swap3A_581, %swap3A_582], %get3A_577 {strides = array<i32>} : memref<4x16x8x128xf32, #tpu.memory_space<vmem>>, vector<16xf32>,
      %mul3A_584 = arith.constant 8 : i32
      %mul3A_585 = arith.muli %mul3A_584, %add3A_174 : i32
      %add3A_586 = arith.constant 4 : i32
      %add3A_587 = arith.addi %mul3A_585, %add3A_586 : i32
      %sub3A_588 = arith.constant 2047 : i32
      %sub3A_589 = arith.subi %sub3A_588, %add3A_587 : i32
      %mul3A_590 = arith.constant 128 : i32
      %mul3A_591 = arith.muli %mul3A_590, %add3A_228 : i32
      %add3A_592 = arith.addi %sub3A_589, %mul3A_591 : i32
      %add3A_593 = arith.constant 0 : i32
      %add3A_594 = arith.addi %add3A_592, %add3A_593 : i32
      %get3A_595 = arith.index_cast %add3A_594 : i32 to index
      %get3A_596 = tpu.vector_load %arg7[%get3A_595] {strides = array<i32>} : memref<4096xf32, #tpu.memory_space<vmem>>, vector<16xf32>,
      %swap3A_597 = arith.constant 4 : i32
      %swap3A_598 = arith.index_cast %rem3A_173 : i32 to index
      %swap3A_599 = arith.index_cast %add3A_228 : i32 to index
      %swap3A_600 = arith.index_cast %swap3A_597 : i32 to index
      %swap3A_601 = arith.constant 0 : index
      %swap3A_602 = tpu.vector_load %arg8[%swap3A_598, %swap3A_599, %swap3A_600, %swap3A_601] {strides = array<i32>} : memref<4x16x8x128xf32, #tpu.memory_space<vmem>>, vector<16xf32>,
      tpu.vector_store %arg8[%swap3A_598, %swap3A_599, %swap3A_600, %swap3A_601], %get3A_596 {strides = array<i32>} : memref<4x16x8x128xf32, #tpu.memory_space<vmem>>, vector<16xf32>,
      %add3A_603 = arith.constant 16 : i32
      %add3A_604 = arith.addi %add3A_592, %add3A_603 : i32
      %get3A_605 = arith.index_cast %add3A_604 : i32 to index
      %get3A_606 = tpu.vector_load %arg7[%get3A_605] {strides = array<i32>} : memref<4096xf32, #tpu.memory_space<vmem>>, vector<16xf32>,
      %swap3A_607 = arith.constant 4 : i32
      %swap3A_608 = arith.index_cast %rem3A_173 : i32 to index
      %swap3A_609 = arith.index_cast %add3A_228 : i32 to index
      %swap3A_610 = arith.index_cast %swap3A_607 : i32 to index
      %swap3A_611 = arith.constant 16 : index
      %swap3A_612 = tpu.vector_load %arg8[%swap3A_608, %swap3A_609, %swap3A_610, %swap3A_611] {strides = array<i32>} : memref<4x16x8x128xf32, #tpu.memory_space<vmem>>, vector<16xf32>,
      tpu.vector_store %arg8[%swap3A_608, %swap3A_609, %swap3A_610, %swap3A_611], %get3A_606 {strides = array<i32>} : memref<4x16x8x128xf32, #tpu.memory_space<vmem>>, vector<16xf32>,
      %add3A_613 = arith.constant 32 : i32
      %add3A_614 = arith.addi %add3A_592, %add3A_613 : i32
      %get3A_615 = arith.index_cast %add3A_614 : i32 to index
      %get3A_616 = tpu.vector_load %arg7[%get3A_615] {strides = array<i32>} : memref<4096xf32, #tpu.memory_space<vmem>>, vector<16xf32>,
      %swap3A_617 = arith.constant 4 : i32
      %swap3A_618 = arith.index_cast %rem3A_173 : i32 to index
      %swap3A_619 = arith.index_cast %add3A_228 : i32 to index
      %swap3A_620 = arith.index_cast %swap3A_617 : i32 to index
      %swap3A_621 = arith.constant 32 : index
      %swap3A_622 = tpu.vector_load %arg8[%swap3A_618, %swap3A_619, %swap3A_620, %swap3A_621] {strides = array<i32>} : memref<4x16x8x128xf32, #tpu.memory_space<vmem>>, vector<16xf32>,
      tpu.vector_store %arg8[%swap3A_618, %swap3A_619, %swap3A_620, %swap3A_621], %get3A_616 {strides = array<i32>} : memref<4x16x8x128xf32, #tpu.memory_space<vmem>>, vector<16xf32>,
      %add3A_623 = arith.constant 48 : i32
      %add3A_624 = arith.addi %add3A_592, %add3A_623 : i32
      %get3A_625 = arith.index_cast %add3A_624 : i32 to index
      %get3A_626 = tpu.vector_load %arg7[%get3A_625] {strides = array<i32>} : memref<4096xf32, #tpu.memory_space<vmem>>, vector<16xf32>,
      %swap3A_627 = arith.constant 4 : i32
      %swap3A_628 = arith.index_cast %rem3A_173 : i32 to index
      %swap3A_629 = arith.index_cast %add3A_228 : i32 to index
      %swap3A_630 = arith.index_cast %swap3A_627 : i32 to index
      %swap3A_631 = arith.constant 48 : index
      %swap3A_632 = tpu.vector_load %arg8[%swap3A_628, %swap3A_629, %swap3A_630, %swap3A_631] {strides = array<i32>} : memref<4x16x8x128xf32, #tpu.memory_space<vmem>>, vector<16xf32>,
      tpu.vector_store %arg8[%swap3A_628, %swap3A_629, %swap3A_630, %swap3A_631], %get3A_626 {strides = array<i32>} : memref<4x16x8x128xf32, #tpu.memory_space<vmem>>, vector<16xf32>,
      %add3A_633 = arith.constant 64 : i32
      %add3A_634 = arith.addi %add3A_592, %add3A_633 : i32
      %get3A_635 = arith.index_cast %add3A_634 : i32 to index
      %get3A_636 = tpu.vector_load %arg7[%get3A_635] {strides = array<i32>} : memref<4096xf32, #tpu.memory_space<vmem>>, vector<16xf32>,
      %swap3A_637 = arith.constant 4 : i32
      %swap3A_638 = arith.index_cast %rem3A_173 : i32 to index
      %swap3A_639 = arith.index_cast %add3A_228 : i32 to index
      %swap3A_640 = arith.index_cast %swap3A_637 : i32 to index
      %swap3A_641 = arith.constant 64 : index
      %swap3A_642 = tpu.vector_load %arg8[%swap3A_638, %swap3A_639, %swap3A_640, %swap3A_641] {strides = array<i32>} : memref<4x16x8x128xf32, #tpu.memory_space<vmem>>, vector<16xf32>,
      tpu.vector_store %arg8[%swap3A_638, %swap3A_639, %swap3A_640, %swap3A_641], %get3A_636 {strides = array<i32>} : memref<4x16x8x128xf32, #tpu.memory_space<vmem>>, vector<16xf32>,
      %add3A_643 = arith.constant 80 : i32
      %add3A_644 = arith.addi %add3A_592, %add3A_643 : i32
      %get3A_645 = arith.index_cast %add3A_644 : i32 to index
      %get3A_646 = tpu.vector_load %arg7[%get3A_645] {strides = array<i32>} : memref<4096xf32, #tpu.memory_space<vmem>>, vector<16xf32>,
      %swap3A_647 = arith.constant 4 : i32
      %swap3A_648 = arith.index_cast %rem3A_173 : i32 to index
      %swap3A_649 = arith.index_cast %add3A_228 : i32 to index
      %swap3A_650 = arith.index_cast %swap3A_647 : i32 to index
      %swap3A_651 = arith.constant 80 : index
      %swap3A_652 = tpu.vector_load %arg8[%swap3A_648, %swap3A_649, %swap3A_650, %swap3A_651] {strides = array<i32>} : memref<4x16x8x128xf32, #tpu.memory_space<vmem>>, vector<16xf32>,
      tpu.vector_store %arg8[%swap3A_648, %swap3A_649, %swap3A_650, %swap3A_651], %get3A_646 {strides = array<i32>} : memref<4x16x8x128xf32, #tpu.memory_space<vmem>>, vector<16xf32>,
      %add3A_653 = arith.constant 96 : i32
      %add3A_654 = arith.addi %add3A_592, %add3A_653 : i32
      %get3A_655 = arith.index_cast %add3A_654 : i32 to index
      %get3A_656 = tpu.vector_load %arg7[%get3A_655] {strides = array<i32>} : memref<4096xf32, #tpu.memory_space<vmem>>, vector<16xf32>,
      %swap3A_657 = arith.constant 4 : i32
      %swap3A_658 = arith.index_cast %rem3A_173 : i32 to index
      %swap3A_659 = arith.index_cast %add3A_228 : i32 to index
      %swap3A_660 = arith.index_cast %swap3A_657 : i32 to index
      %swap3A_661 = arith.constant 96 : index
      %swap3A_662 = tpu.vector_load %arg8[%swap3A_658, %swap3A_659, %swap3A_660, %swap3A_661] {strides = array<i32>} : memref<4x16x8x128xf32, #tpu.memory_space<vmem>>, vector<16xf32>,
      tpu.vector_store %arg8[%swap3A_658, %swap3A_659, %swap3A_660, %swap3A_661], %get3A_656 {strides = array<i32>} : memref<4x16x8x128xf32, #tpu.memory_space<vmem>>, vector<16xf32>,
      %add3A_663 = arith.constant 112 : i32
      %add3A_664 = arith.addi %add3A_592, %add3A_663 : i32
      %get3A_665 = arith.index_cast %add3A_664 : i32 to index
      %get3A_666 = tpu.vector_load %arg7[%get3A_665] {strides = array<i32>} : memref<4096xf32, #tpu.memory_space<vmem>>, vector<16xf32>,
      %swap3A_667 = arith.constant 4 : i32
      %swap3A_668 = arith.index_cast %rem3A_173 : i32 to index
      %swap3A_669 = arith.index_cast %add3A_228 : i32 to index
      %swap3A_670 = arith.index_cast %swap3A_667 : i32 to index
      %swap3A_671 = arith.constant 112 : index
      %swap3A_672 = tpu.vector_load %arg8[%swap3A_668, %swap3A_669, %swap3A_670, %swap3A_671] {strides = array<i32>} : memref<4x16x8x128xf32, #tpu.memory_space<vmem>>, vector<16xf32>,
      tpu.vector_store %arg8[%swap3A_668, %swap3A_669, %swap3A_670, %swap3A_671], %get3A_666 {strides = array<i32>} : memref<4x16x8x128xf32, #tpu.memory_space<vmem>>, vector<16xf32>,
      %mul3A_673 = arith.constant 8 : i32
      %mul3A_674 = arith.muli %mul3A_673, %add3A_174 : i32
      %add3A_675 = arith.constant 5 : i32
      %add3A_676 = arith.addi %mul3A_674, %add3A_675 : i32
      %sub3A_677 = arith.constant 2047 : i32
      %sub3A_678 = arith.subi %sub3A_677, %add3A_676 : i32
      %mul3A_679 = arith.constant 128 : i32
      %mul3A_680 = arith.muli %mul3A_679, %add3A_228 : i32
      %add3A_681 = arith.addi %sub3A_678, %mul3A_680 : i32
      %add3A_682 = arith.constant 0 : i32
      %add3A_683 = arith.addi %add3A_681, %add3A_682 : i32
      %get3A_684 = arith.index_cast %add3A_683 : i32 to index
      %get3A_685 = tpu.vector_load %arg7[%get3A_684] {strides = array<i32>} : memref<4096xf32, #tpu.memory_space<vmem>>, vector<16xf32>,
      %swap3A_686 = arith.constant 5 : i32
      %swap3A_687 = arith.index_cast %rem3A_173 : i32 to index
      %swap3A_688 = arith.index_cast %add3A_228 : i32 to index
      %swap3A_689 = arith.index_cast %swap3A_686 : i32 to index
      %swap3A_690 = arith.constant 0 : index
      %swap3A_691 = tpu.vector_load %arg8[%swap3A_687, %swap3A_688, %swap3A_689, %swap3A_690] {strides = array<i32>} : memref<4x16x8x128xf32, #tpu.memory_space<vmem>>, vector<16xf32>,
      tpu.vector_store %arg8[%swap3A_687, %swap3A_688, %swap3A_689, %swap3A_690], %get3A_685 {strides = array<i32>} : memref<4x16x8x128xf32, #tpu.memory_space<vmem>>, vector<16xf32>,
      %add3A_692 = arith.constant 16 : i32
      %add3A_693 = arith.addi %add3A_681, %add3A_692 : i32
      %get3A_694 = arith.index_cast %add3A_693 : i32 to index
      %get3A_695 = tpu.vector_load %arg7[%get3A_694] {strides = array<i32>} : memref<4096xf32, #tpu.memory_space<vmem>>, vector<16xf32>,
      %swap3A_696 = arith.constant 5 : i32
      %swap3A_697 = arith.index_cast %rem3A_173 : i32 to index
      %swap3A_698 = arith.index_cast %add3A_228 : i32 to index
      %swap3A_699 = arith.index_cast %swap3A_696 : i32 to index
      %swap3A_700 = arith.constant 16 : index
      %swap3A_701 = tpu.vector_load %arg8[%swap3A_697, %swap3A_698, %swap3A_699, %swap3A_700] {strides = array<i32>} : memref<4x16x8x128xf32, #tpu.memory_space<vmem>>, vector<16xf32>,
      tpu.vector_store %arg8[%swap3A_697, %swap3A_698, %swap3A_699, %swap3A_700], %get3A_695 {strides = array<i32>} : memref<4x16x8x128xf32, #tpu.memory_space<vmem>>, vector<16xf32>,
      %add3A_702 = arith.constant 32 : i32
      %add3A_703 = arith.addi %add3A_681, %add3A_702 : i32
      %get3A_704 = arith.index_cast %add3A_703 : i32 to index
      %get3A_705 = tpu.vector_load %arg7[%get3A_704] {strides = array<i32>} : memref<4096xf32, #tpu.memory_space<vmem>>, vector<16xf32>,
      %swap3A_706 = arith.constant 5 : i32
      %swap3A_707 = arith.index_cast %rem3A_173 : i32 to index
      %swap3A_708 = arith.index_cast %add3A_228 : i32 to index
      %swap3A_709 = arith.index_cast %swap3A_706 : i32 to index
      %swap3A_710 = arith.constant 32 : index
      %swap3A_711 = tpu.vector_load %arg8[%swap3A_707, %swap3A_708, %swap3A_709, %swap3A_710] {strides = array<i32>} : memref<4x16x8x128xf32, #tpu.memory_space<vmem>>, vector<16xf32>,
      tpu.vector_store %arg8[%swap3A_707, %swap3A_708, %swap3A_709, %swap3A_710], %get3A_705 {strides = array<i32>} : memref<4x16x8x128xf32, #tpu.memory_space<vmem>>, vector<16xf32>,
      %add3A_712 = arith.constant 48 : i32
      %add3A_713 = arith.addi %add3A_681, %add3A_712 : i32
      %get3A_714 = arith.index_cast %add3A_713 : i32 to index
      %get3A_715 = tpu.vector_load %arg7[%get3A_714] {strides = array<i32>} : memref<4096xf32, #tpu.memory_space<vmem>>, vector<16xf32>,
      %swap3A_716 = arith.constant 5 : i32
      %swap3A_717 = arith.index_cast %rem3A_173 : i32 to index
      %swap3A_718 = arith.index_cast %add3A_228 : i32 to index
      %swap3A_719 = arith.index_cast %swap3A_716 : i32 to index
      %swap3A_720 = arith.constant 48 : index
      %swap3A_721 = tpu.vector_load %arg8[%swap3A_717, %swap3A_718, %swap3A_719, %swap3A_720] {strides = array<i32>} : memref<4x16x8x128xf32, #tpu.memory_space<vmem>>, vector<16xf32>,
      tpu.vector_store %arg8[%swap3A_717, %swap3A_718, %swap3A_719, %swap3A_720], %get3A_715 {strides = array<i32>} : memref<4x16x8x128xf32, #tpu.memory_space<vmem>>, vector<16xf32>,
      %add3A_722 = arith.constant 64 : i32
      %add3A_723 = arith.addi %add3A_681, %add3A_722 : i32
      %get3A_724 = arith.index_cast %add3A_723 : i32 to index
      %get3A_725 = tpu.vector_load %arg7[%get3A_724] {strides = array<i32>} : memref<4096xf32, #tpu.memory_space<vmem>>, vector<16xf32>,
      %swap3A_726 = arith.constant 5 : i32
      %swap3A_727 = arith.index_cast %rem3A_173 : i32 to index
      %swap3A_728 = arith.index_cast %add3A_228 : i32 to index
      %swap3A_729 = arith.index_cast %swap3A_726 : i32 to index
      %swap3A_730 = arith.constant 64 : index
      %swap3A_731 = tpu.vector_load %arg8[%swap3A_727, %swap3A_728, %swap3A_729, %swap3A_730] {strides = array<i32>} : memref<4x16x8x128xf32, #tpu.memory_space<vmem>>, vector<16xf32>,
      tpu.vector_store %arg8[%swap3A_727, %swap3A_728, %swap3A_729, %swap3A_730], %get3A_725 {strides = array<i32>} : memref<4x16x8x128xf32, #tpu.memory_space<vmem>>, vector<16xf32>,
      %add3A_732 = arith.constant 80 : i32
      %add3A_733 = arith.addi %add3A_681, %add3A_732 : i32
      %get3A_734 = arith.index_cast %add3A_733 : i32 to index
      %get3A_735 = tpu.vector_load %arg7[%get3A_734] {strides = array<i32>} : memref<4096xf32, #tpu.memory_space<vmem>>, vector<16xf32>,
      %swap3A_736 = arith.constant 5 : i32
      %swap3A_737 = arith.index_cast %rem3A_173 : i32 to index
      %swap3A_738 = arith.index_cast %add3A_228 : i32 to index
      %swap3A_739 = arith.index_cast %swap3A_736 : i32 to index
      %swap3A_740 = arith.constant 80 : index
      %swap3A_741 = tpu.vector_load %arg8[%swap3A_737, %swap3A_738, %swap3A_739, %swap3A_740] {strides = array<i32>} : memref<4x16x8x128xf32, #tpu.memory_space<vmem>>, vector<16xf32>,
      tpu.vector_store %arg8[%swap3A_737, %swap3A_738, %swap3A_739, %swap3A_740], %get3A_735 {strides = array<i32>} : memref<4x16x8x128xf32, #tpu.memory_space<vmem>>, vector<16xf32>,
      %add3A_742 = arith.constant 96 : i32
      %add3A_743 = arith.addi %add3A_681, %add3A_742 : i32
      %get3A_744 = arith.index_cast %add3A_743 : i32 to index
      %get3A_745 = tpu.vector_load %arg7[%get3A_744] {strides = array<i32>} : memref<4096xf32, #tpu.memory_space<vmem>>, vector<16xf32>,
      %swap3A_746 = arith.constant 5 : i32
      %swap3A_747 = arith.index_cast %rem3A_173 : i32 to index
      %swap3A_748 = arith.index_cast %add3A_228 : i32 to index
      %swap3A_749 = arith.index_cast %swap3A_746 : i32 to index
      %swap3A_750 = arith.constant 96 : index
      %swap3A_751 = tpu.vector_load %arg8[%swap3A_747, %swap3A_748, %swap3A_749, %swap3A_750] {strides = array<i32>} : memref<4x16x8x128xf32, #tpu.memory_space<vmem>>, vector<16xf32>,
      tpu.vector_store %arg8[%swap3A_747, %swap3A_748, %swap3A_749, %swap3A_750], %get3A_745 {strides = array<i32>} : memref<4x16x8x128xf32, #tpu.memory_space<vmem>>, vector<16xf32>,
      %add3A_752 = arith.constant 112 : i32
      %add3A_753 = arith.addi %add3A_681, %add3A_752 : i32
      %get3A_754 = arith.index_cast %add3A_753 : i32 to index
      %get3A_755 = tpu.vector_load %arg7[%get3A_754] {strides = array<i32>} : memref<4096xf32, #tpu.memory_space<vmem>>, vector<16xf32>,
      %swap3A_756 = arith.constant 5 : i32
      %swap3A_757 = arith.index_cast %rem3A_173 : i32 to index
      %swap3A_758 = arith.index_cast %add3A_228 : i32 to index
      %swap3A_759 = arith.index_cast %swap3A_756 : i32 to index
      %swap3A_760 = arith.constant 112 : index
      %swap3A_761 = tpu.vector_load %arg8[%swap3A_757, %swap3A_758, %swap3A_759, %swap3A_760] {strides = array<i32>} : memref<4x16x8x128xf32, #tpu.memory_space<vmem>>, vector<16xf32>,
      tpu.vector_store %arg8[%swap3A_757, %swap3A_758, %swap3A_759, %swap3A_760], %get3A_755 {strides = array<i32>} : memref<4x16x8x128xf32, #tpu.memory_space<vmem>>, vector<16xf32>,
      %mul3A_762 = arith.constant 8 : i32
      %mul3A_763 = arith.muli %mul3A_762, %add3A_174 : i32
      %add3A_764 = arith.constant 6 : i32
      %add3A_765 = arith.addi %mul3A_763, %add3A_764 : i32
      %sub3A_766 = arith.constant 2047 : i32
      %sub3A_767 = arith.subi %sub3A_766, %add3A_765 : i32
      %mul3A_768 = arith.constant 128 : i32
      %mul3A_769 = arith.muli %mul3A_768, %add3A_228 : i32
      %add3A_770 = arith.addi %sub3A_767, %mul3A_769 : i32
      %add3A_771 = arith.constant 0 : i32
      %add3A_772 = arith.addi %add3A_770, %add3A_771 : i32
      %get3A_773 = arith.index_cast %add3A_772 : i32 to index
      %get3A_774 = tpu.vector_load %arg7[%get3A_773] {strides = array<i32>} : memref<4096xf32, #tpu.memory_space<vmem>>, vector<16xf32>,
      %swap3A_775 = arith.constant 6 : i32
      %swap3A_776 = arith.index_cast %rem3A_173 : i32 to index
      %swap3A_777 = arith.index_cast %add3A_228 : i32 to index
      %swap3A_778 = arith.index_cast %swap3A_775 : i32 to index
      %swap3A_779 = arith.constant 0 : index
      %swap3A_780 = tpu.vector_load %arg8[%swap3A_776, %swap3A_777, %swap3A_778, %swap3A_779] {strides = array<i32>} : memref<4x16x8x128xf32, #tpu.memory_space<vmem>>, vector<16xf32>,
      tpu.vector_store %arg8[%swap3A_776, %swap3A_777, %swap3A_778, %swap3A_779], %get3A_774 {strides = array<i32>} : memref<4x16x8x128xf32, #tpu.memory_space<vmem>>, vector<16xf32>,
      %add3A_781 = arith.constant 16 : i32
      %add3A_782 = arith.addi %add3A_770, %add3A_781 : i32
      %get3A_783 = arith.index_cast %add3A_782 : i32 to index
      %get3A_784 = tpu.vector_load %arg7[%get3A_783] {strides = array<i32>} : memref<4096xf32, #tpu.memory_space<vmem>>, vector<16xf32>,
      %swap3A_785 = arith.constant 6 : i32
      %swap3A_786 = arith.index_cast %rem3A_173 : i32 to index
      %swap3A_787 = arith.index_cast %add3A_228 : i32 to index
      %swap3A_788 = arith.index_cast %swap3A_785 : i32 to index
      %swap3A_789 = arith.constant 16 : index
      %swap3A_790 = tpu.vector_load %arg8[%swap3A_786, %swap3A_787, %swap3A_788, %swap3A_789] {strides = array<i32>} : memref<4x16x8x128xf32, #tpu.memory_space<vmem>>, vector<16xf32>,
      tpu.vector_store %arg8[%swap3A_786, %swap3A_787, %swap3A_788, %swap3A_789], %get3A_784 {strides = array<i32>} : memref<4x16x8x128xf32, #tpu.memory_space<vmem>>, vector<16xf32>,
      %add3A_791 = arith.constant 32 : i32
      %add3A_792 = arith.addi %add3A_770, %add3A_791 : i32
      %get3A_793 = arith.index_cast %add3A_792 : i32 to index
      %get3A_794 = tpu.vector_load %arg7[%get3A_793] {strides = array<i32>} : memref<4096xf32, #tpu.memory_space<vmem>>, vector<16xf32>,
      %swap3A_795 = arith.constant 6 : i32
      %swap3A_796 = arith.index_cast %rem3A_173 : i32 to index
      %swap3A_797 = arith.index_cast %add3A_228 : i32 to index
      %swap3A_798 = arith.index_cast %swap3A_795 : i32 to index
      %swap3A_799 = arith.constant 32 : index
      %swap3A_800 = tpu.vector_load %arg8[%swap3A_796, %swap3A_797, %swap3A_798, %swap3A_799] {strides = array<i32>} : memref<4x16x8x128xf32, #tpu.memory_space<vmem>>, vector<16xf32>,
      tpu.vector_store %arg8[%swap3A_796, %swap3A_797, %swap3A_798, %swap3A_799], %get3A_794 {strides = array<i32>} : memref<4x16x8x128xf32, #tpu.memory_space<vmem>>, vector<16xf32>,
      %add3A_801 = arith.constant 48 : i32
      %add3A_802 = arith.addi %add3A_770, %add3A_801 : i32
      %get3A_803 = arith.index_cast %add3A_802 : i32 to index
      %get3A_804 = tpu.vector_load %arg7[%get3A_803] {strides = array<i32>} : memref<4096xf32, #tpu.memory_space<vmem>>, vector<16xf32>,
      %swap3A_805 = arith.constant 6 : i32
      %swap3A_806 = arith.index_cast %rem3A_173 : i32 to index
      %swap3A_807 = arith.index_cast %add3A_228 : i32 to index
      %swap3A_808 = arith.index_cast %swap3A_805 : i32 to index
      %swap3A_809 = arith.constant 48 : index
      %swap3A_810 = tpu.vector_load %arg8[%swap3A_806, %swap3A_807, %swap3A_808, %swap3A_809] {strides = array<i32>} : memref<4x16x8x128xf32, #tpu.memory_space<vmem>>, vector<16xf32>,
      tpu.vector_store %arg8[%swap3A_806, %swap3A_807, %swap3A_808, %swap3A_809], %get3A_804 {strides = array<i32>} : memref<4x16x8x128xf32, #tpu.memory_space<vmem>>, vector<16xf32>,
      %add3A_811 = arith.constant 64 : i32
      %add3A_812 = arith.addi %add3A_770, %add3A_811 : i32
      %get3A_813 = arith.index_cast %add3A_812 : i32 to index
      %get3A_814 = tpu.vector_load %arg7[%get3A_813] {strides = array<i32>} : memref<4096xf32, #tpu.memory_space<vmem>>, vector<16xf32>,
      %swap3A_815 = arith.constant 6 : i32
      %swap3A_816 = arith.index_cast %rem3A_173 : i32 to index
      %swap3A_817 = arith.index_cast %add3A_228 : i32 to index
      %swap3A_818 = arith.index_cast %swap3A_815 : i32 to index
      %swap3A_819 = arith.constant 64 : index
      %swap3A_820 = tpu.vector_load %arg8[%swap3A_816, %swap3A_817, %swap3A_818, %swap3A_819] {strides = array<i32>} : memref<4x16x8x128xf32, #tpu.memory_space<vmem>>, vector<16xf32>,
      tpu.vector_store %arg8[%swap3A_816, %swap3A_817, %swap3A_818, %swap3A_819], %get3A_814 {strides = array<i32>} : memref<4x16x8x128xf32, #tpu.memory_space<vmem>>, vector<16xf32>,
      %add3A_821 = arith.constant 80 : i32
      %add3A_822 = arith.addi %add3A_770, %add3A_821 : i32
      %get3A_823 = arith.index_cast %add3A_822 : i32 to index
      %get3A_824 = tpu.vector_load %arg7[%get3A_823] {strides = array<i32>} : memref<4096xf32, #tpu.memory_space<vmem>>, vector<16xf32>,
      %swap3A_825 = arith.constant 6 : i32
      %swap3A_826 = arith.index_cast %rem3A_173 : i32 to index
      %swap3A_827 = arith.index_cast %add3A_228 : i32 to index
      %swap3A_828 = arith.index_cast %swap3A_825 : i32 to index
      %swap3A_829 = arith.constant 80 : index
      %swap3A_830 = tpu.vector_load %arg8[%swap3A_826, %swap3A_827, %swap3A_828, %swap3A_829] {strides = array<i32>} : memref<4x16x8x128xf32, #tpu.memory_space<vmem>>, vector<16xf32>,
      tpu.vector_store %arg8[%swap3A_826, %swap3A_827, %swap3A_828, %swap3A_829], %get3A_824 {strides = array<i32>} : memref<4x16x8x128xf32, #tpu.memory_space<vmem>>, vector<16xf32>,
      %add3A_831 = arith.constant 96 : i32
      %add3A_832 = arith.addi %add3A_770, %add3A_831 : i32
      %get3A_833 = arith.index_cast %add3A_832 : i32 to index
      %get3A_834 = tpu.vector_load %arg7[%get3A_833] {strides = array<i32>} : memref<4096xf32, #tpu.memory_space<vmem>>, vector<16xf32>,
      %swap3A_835 = arith.constant 6 : i32
      %swap3A_836 = arith.index_cast %rem3A_173 : i32 to index
      %swap3A_837 = arith.index_cast %add3A_228 : i32 to index
      %swap3A_838 = arith.index_cast %swap3A_835 : i32 to index
      %swap3A_839 = arith.constant 96 : index
      %swap3A_840 = tpu.vector_load %arg8[%swap3A_836, %swap3A_837, %swap3A_838, %swap3A_839] {strides = array<i32>} : memref<4x16x8x128xf32, #tpu.memory_space<vmem>>, vector<16xf32>,
      tpu.vector_store %arg8[%swap3A_836, %swap3A_837, %swap3A_838, %swap3A_839], %get3A_834 {strides = array<i32>} : memref<4x16x8x128xf32, #tpu.memory_space<vmem>>, vector<16xf32>,
      %add3A_841 = arith.constant 112 : i32
      %add3A_842 = arith.addi %add3A_770, %add3A_841 : i32
      %get3A_843 = arith.index_cast %add3A_842 : i32 to index
      %get3A_844 = tpu.vector_load %arg7[%get3A_843] {strides = array<i32>} : memref<4096xf32, #tpu.memory_space<vmem>>, vector<16xf32>,
      %swap3A_845 = arith.constant 6 : i32
      %swap3A_846 = arith.index_cast %rem3A_173 : i32 to index
      %swap3A_847 = arith.index_cast %add3A_228 : i32 to index
      %swap3A_848 = arith.index_cast %swap3A_845 : i32 to index
      %swap3A_849 = arith.constant 112 : index
      %swap3A_850 = tpu.vector_load %arg8[%swap3A_846, %swap3A_847, %swap3A_848, %swap3A_849] {strides = array<i32>} : memref<4x16x8x128xf32, #tpu.memory_space<vmem>>, vector<16xf32>,
      tpu.vector_store %arg8[%swap3A_846, %swap3A_847, %swap3A_848, %swap3A_849], %get3A_844 {strides = array<i32>} : memref<4x16x8x128xf32, #tpu.memory_space<vmem>>, vector<16xf32>,
      %mul3A_851 = arith.constant 8 : i32
      %mul3A_852 = arith.muli %mul3A_851, %add3A_174 : i32
      %add3A_853 = arith.constant 7 : i32
      %add3A_854 = arith.addi %mul3A_852, %add3A_853 : i32
      %sub3A_855 = arith.constant 2047 : i32
      %sub3A_856 = arith.subi %sub3A_855, %add3A_854 : i32
      %mul3A_857 = arith.constant 128 : i32
      %mul3A_858 = arith.muli %mul3A_857, %add3A_228 : i32
      %add3A_859 = arith.addi %sub3A_856, %mul3A_858 : i32
      %add3A_860 = arith.constant 0 : i32
      %add3A_861 = arith.addi %add3A_859, %add3A_860 : i32
      %get3A_862 = arith.index_cast %add3A_861 : i32 to index
      %get3A_863 = tpu.vector_load %arg7[%get3A_862] {strides = array<i32>} : memref<4096xf32, #tpu.memory_space<vmem>>, vector<16xf32>,
      %swap3A_864 = arith.constant 7 : i32
      %swap3A_865 = arith.index_cast %rem3A_173 : i32 to index
      %swap3A_866 = arith.index_cast %add3A_228 : i32 to index
      %swap3A_867 = arith.index_cast %swap3A_864 : i32 to index
      %swap3A_868 = arith.constant 0 : index
      %swap3A_869 = tpu.vector_load %arg8[%swap3A_865, %swap3A_866, %swap3A_867, %swap3A_868] {strides = array<i32>} : memref<4x16x8x128xf32, #tpu.memory_space<vmem>>, vector<16xf32>,
      tpu.vector_store %arg8[%swap3A_865, %swap3A_866, %swap3A_867, %swap3A_868], %get3A_863 {strides = array<i32>} : memref<4x16x8x128xf32, #tpu.memory_space<vmem>>, vector<16xf32>,
      %add3A_870 = arith.constant 16 : i32
      %add3A_871 = arith.addi %add3A_859, %add3A_870 : i32
      %get3A_872 = arith.index_cast %add3A_871 : i32 to index
      %get3A_873 = tpu.vector_load %arg7[%get3A_872] {strides = array<i32>} : memref<4096xf32, #tpu.memory_space<vmem>>, vector<16xf32>,
      %swap3A_874 = arith.constant 7 : i32
      %swap3A_875 = arith.index_cast %rem3A_173 : i32 to index
      %swap3A_876 = arith.index_cast %add3A_228 : i32 to index
      %swap3A_877 = arith.index_cast %swap3A_874 : i32 to index
      %swap3A_878 = arith.constant 16 : index
      %swap3A_879 = tpu.vector_load %arg8[%swap3A_875, %swap3A_876, %swap3A_877, %swap3A_878] {strides = array<i32>} : memref<4x16x8x128xf32, #tpu.memory_space<vmem>>, vector<16xf32>,
      tpu.vector_store %arg8[%swap3A_875, %swap3A_876, %swap3A_877, %swap3A_878], %get3A_873 {strides = array<i32>} : memref<4x16x8x128xf32, #tpu.memory_space<vmem>>, vector<16xf32>,
      %add3A_880 = arith.constant 32 : i32
      %add3A_881 = arith.addi %add3A_859, %add3A_880 : i32
      %get3A_882 = arith.index_cast %add3A_881 : i32 to index
      %get3A_883 = tpu.vector_load %arg7[%get3A_882] {strides = array<i32>} : memref<4096xf32, #tpu.memory_space<vmem>>, vector<16xf32>,
      %swap3A_884 = arith.constant 7 : i32
      %swap3A_885 = arith.index_cast %rem3A_173 : i32 to index
      %swap3A_886 = arith.index_cast %add3A_228 : i32 to index
      %swap3A_887 = arith.index_cast %swap3A_884 : i32 to index
      %swap3A_888 = arith.constant 32 : index
      %swap3A_889 = tpu.vector_load %arg8[%swap3A_885, %swap3A_886, %swap3A_887, %swap3A_888] {strides = array<i32>} : memref<4x16x8x128xf32, #tpu.memory_space<vmem>>, vector<16xf32>,
      tpu.vector_store %arg8[%swap3A_885, %swap3A_886, %swap3A_887, %swap3A_888], %get3A_883 {strides = array<i32>} : memref<4x16x8x128xf32, #tpu.memory_space<vmem>>, vector<16xf32>,
      %add3A_890 = arith.constant 48 : i32
      %add3A_891 = arith.addi %add3A_859, %add3A_890 : i32
      %get3A_892 = arith.index_cast %add3A_891 : i32 to index
      %get3A_893 = tpu.vector_load %arg7[%get3A_892] {strides = array<i32>} : memref<4096xf32, #tpu.memory_space<vmem>>, vector<16xf32>,
      %swap3A_894 = arith.constant 7 : i32
      %swap3A_895 = arith.index_cast %rem3A_173 : i32 to index
      %swap3A_896 = arith.index_cast %add3A_228 : i32 to index
      %swap3A_897 = arith.index_cast %swap3A_894 : i32 to index
      %swap3A_898 = arith.constant 48 : index
      %swap3A_899 = tpu.vector_load %arg8[%swap3A_895, %swap3A_896, %swap3A_897, %swap3A_898] {strides = array<i32>} : memref<4x16x8x128xf32, #tpu.memory_space<vmem>>, vector<16xf32>,
      tpu.vector_store %arg8[%swap3A_895, %swap3A_896, %swap3A_897, %swap3A_898], %get3A_893 {strides = array<i32>} : memref<4x16x8x128xf32, #tpu.memory_space<vmem>>, vector<16xf32>,
      %add3A_900 = arith.constant 64 : i32
      %add3A_901 = arith.addi %add3A_859, %add3A_900 : i32
      %get3A_902 = arith.index_cast %add3A_901 : i32 to index
      %get3A_903 = tpu.vector_load %arg7[%get3A_902] {strides = array<i32>} : memref<4096xf32, #tpu.memory_space<vmem>>, vector<16xf32>,
      %swap3A_904 = arith.constant 7 : i32
      %swap3A_905 = arith.index_cast %rem3A_173 : i32 to index
      %swap3A_906 = arith.index_cast %add3A_228 : i32 to index
      %swap3A_907 = arith.index_cast %swap3A_904 : i32 to index
      %swap3A_908 = arith.constant 64 : index
      %swap3A_909 = tpu.vector_load %arg8[%swap3A_905, %swap3A_906, %swap3A_907, %swap3A_908] {strides = array<i32>} : memref<4x16x8x128xf32, #tpu.memory_space<vmem>>, vector<16xf32>,
      tpu.vector_store %arg8[%swap3A_905, %swap3A_906, %swap3A_907, %swap3A_908], %get3A_903 {strides = array<i32>} : memref<4x16x8x128xf32, #tpu.memory_space<vmem>>, vector<16xf32>,
      %add3A_910 = arith.constant 80 : i32
      %add3A_911 = arith.addi %add3A_859, %add3A_910 : i32
      %get3A_912 = arith.index_cast %add3A_911 : i32 to index
      %get3A_913 = tpu.vector_load %arg7[%get3A_912] {strides = array<i32>} : memref<4096xf32, #tpu.memory_space<vmem>>, vector<16xf32>,
      %swap3A_914 = arith.constant 7 : i32
      %swap3A_915 = arith.index_cast %rem3A_173 : i32 to index
      %swap3A_916 = arith.index_cast %add3A_228 : i32 to index
      %swap3A_917 = arith.index_cast %swap3A_914 : i32 to index
      %swap3A_918 = arith.constant 80 : index
      %swap3A_919 = tpu.vector_load %arg8[%swap3A_915, %swap3A_916, %swap3A_917, %swap3A_918] {strides = array<i32>} : memref<4x16x8x128xf32, #tpu.memory_space<vmem>>, vector<16xf32>,
      tpu.vector_store %arg8[%swap3A_915, %swap3A_916, %swap3A_917, %swap3A_918], %get3A_913 {strides = array<i32>} : memref<4x16x8x128xf32, #tpu.memory_space<vmem>>, vector<16xf32>,
      %add3A_920 = arith.constant 96 : i32
      %add3A_921 = arith.addi %add3A_859, %add3A_920 : i32
      %get3A_922 = arith.index_cast %add3A_921 : i32 to index
      %get3A_923 = tpu.vector_load %arg7[%get3A_922] {strides = array<i32>} : memref<4096xf32, #tpu.memory_space<vmem>>, vector<16xf32>,
      %swap3A_924 = arith.constant 7 : i32
      %swap3A_925 = arith.index_cast %rem3A_173 : i32 to index
      %swap3A_926 = arith.index_cast %add3A_228 : i32 to index
      %swap3A_927 = arith.index_cast %swap3A_924 : i32 to index
      %swap3A_928 = arith.constant 96 : index
      %swap3A_929 = tpu.vector_load %arg8[%swap3A_925, %swap3A_926, %swap3A_927, %swap3A_928] {strides = array<i32>} : memref<4x16x8x128xf32, #tpu.memory_space<vmem>>, vector<16xf32>,
      tpu.vector_store %arg8[%swap3A_925, %swap3A_926, %swap3A_927, %swap3A_928], %get3A_923 {strides = array<i32>} : memref<4x16x8x128xf32, #tpu.memory_space<vmem>>, vector<16xf32>,
      %add3A_930 = arith.constant 112 : i32
      %add3A_931 = arith.addi %add3A_859, %add3A_930 : i32
      %get3A_932 = arith.index_cast %add3A_931 : i32 to index
      %get3A_933 = tpu.vector_load %arg7[%get3A_932] {strides = array<i32>} : memref<4096xf32, #tpu.memory_space<vmem>>, vector<16xf32>,
      %swap3A_934 = arith.constant 7 : i32
      %swap3A_935 = arith.index_cast %rem3A_173 : i32 to index
      %swap3A_936 = arith.index_cast %add3A_228 : i32 to index
      %swap3A_937 = arith.index_cast %swap3A_934 : i32 to index
      %swap3A_938 = arith.constant 112 : index
      %swap3A_939 = tpu.vector_load %arg8[%swap3A_935, %swap3A_936, %swap3A_937, %swap3A_938] {strides = array<i32>} : memref<4x16x8x128xf32, #tpu.memory_space<vmem>>, vector<16xf32>,
      tpu.vector_store %arg8[%swap3A_935, %swap3A_936, %swap3A_937, %swap3A_938], %get3A_933 {strides = array<i32>} : memref<4x16x8x128xf32, #tpu.memory_space<vmem>>, vector<16xf32>,
      %add3A_940 = arith.constant 1 : i32
      %add3A_941 = arith.addi %min3A, %add3A_940 : i32
      %mul3A_942 = arith.constant 8 : i32
      %mul3A_943 = arith.muli %mul3A_942, %add3A_174 : i32
      %add3A_944 = arith.constant 0 : i32
      %add3A_945 = arith.addi %mul3A_943, %add3A_944 : i32
      %sub3A_946 = arith.constant 2047 : i32
      %sub3A_947 = arith.subi %sub3A_946, %add3A_945 : i32
      %mul3A_948 = arith.constant 128 : i32
      %mul3A_949 = arith.muli %mul3A_948, %add3A_941 : i32
      %add3A_950 = arith.addi %sub3A_947, %mul3A_949 : i32
      %add3A_951 = arith.constant 0 : i32
      %add3A_952 = arith.addi %add3A_950, %add3A_951 : i32
      %get3A_953 = arith.index_cast %add3A_952 : i32 to index
      %get3A_954 = tpu.vector_load %arg7[%get3A_953] {strides = array<i32>} : memref<4096xf32, #tpu.memory_space<vmem>>, vector<16xf32>,
      %swap3A_955 = arith.constant 0 : i32
      %swap3A_956 = arith.index_cast %rem3A_173 : i32 to index
      %swap3A_957 = arith.index_cast %add3A_941 : i32 to index
      %swap3A_958 = arith.index_cast %swap3A_955 : i32 to index
      %swap3A_959 = arith.constant 0 : index
      %swap3A_960 = tpu.vector_load %arg8[%swap3A_956, %swap3A_957, %swap3A_958, %swap3A_959] {strides = array<i32>} : memref<4x16x8x128xf32, #tpu.memory_space<vmem>>, vector<16xf32>,
      tpu.vector_store %arg8[%swap3A_956, %swap3A_957, %swap3A_958, %swap3A_959], %get3A_954 {strides = array<i32>} : memref<4x16x8x128xf32, #tpu.memory_space<vmem>>, vector<16xf32>,
      %add3A_961 = arith.constant 16 : i32
      %add3A_962 = arith.addi %add3A_950, %add3A_961 : i32
      %get3A_963 = arith.index_cast %add3A_962 : i32 to index
      %get3A_964 = tpu.vector_load %arg7[%get3A_963] {strides = array<i32>} : memref<4096xf32, #tpu.memory_space<vmem>>, vector<16xf32>,
      %swap3A_965 = arith.constant 0 : i32
      %swap3A_966 = arith.index_cast %rem3A_173 : i32 to index
      %swap3A_967 = arith.index_cast %add3A_941 : i32 to index
      %swap3A_968 = arith.index_cast %swap3A_965 : i32 to index
      %swap3A_969 = arith.constant 16 : index
      %swap3A_970 = tpu.vector_load %arg8[%swap3A_966, %swap3A_967, %swap3A_968, %swap3A_969] {strides = array<i32>} : memref<4x16x8x128xf32, #tpu.memory_space<vmem>>, vector<16xf32>,
      tpu.vector_store %arg8[%swap3A_966, %swap3A_967, %swap3A_968, %swap3A_969], %get3A_964 {strides = array<i32>} : memref<4x16x8x128xf32, #tpu.memory_space<vmem>>, vector<16xf32>,
      %add3A_971 = arith.constant 32 : i32
      %add3A_972 = arith.addi %add3A_950, %add3A_971 : i32
      %get3A_973 = arith.index_cast %add3A_972 : i32 to index
      %get3A_974 = tpu.vector_load %arg7[%get3A_973] {strides = array<i32>} : memref<4096xf32, #tpu.memory_space<vmem>>, vector<16xf32>,
      %swap3A_975 = arith.constant 0 : i32
      %swap3A_976 = arith.index_cast %rem3A_173 : i32 to index
      %swap3A_977 = arith.index_cast %add3A_941 : i32 to index
      %swap3A_978 = arith.index_cast %swap3A_975 : i32 to index
      %swap3A_979 = arith.constant 32 : index
      %swap3A_980 = tpu.vector_load %arg8[%swap3A_976, %swap3A_977, %swap3A_978, %swap3A_979] {strides = array<i32>} : memref<4x16x8x128xf32, #tpu.memory_space<vmem>>, vector<16xf32>,
      tpu.vector_store %arg8[%swap3A_976, %swap3A_977, %swap3A_978, %swap3A_979], %get3A_974 {strides = array<i32>} : memref<4x16x8x128xf32, #tpu.memory_space<vmem>>, vector<16xf32>,
      %add3A_981 = arith.constant 48 : i32
      %add3A_982 = arith.addi %add3A_950, %add3A_981 : i32
      %get3A_983 = arith.index_cast %add3A_982 : i32 to index
      %get3A_984 = tpu.vector_load %arg7[%get3A_983] {strides = array<i32>} : memref<4096xf32, #tpu.memory_space<vmem>>, vector<16xf32>,
      %swap3A_985 = arith.constant 0 : i32
      %swap3A_986 = arith.index_cast %rem3A_173 : i32 to index
      %swap3A_987 = arith.index_cast %add3A_941 : i32 to index
      %swap3A_988 = arith.index_cast %swap3A_985 : i32 to index
      %swap3A_989 = arith.constant 48 : index
      %swap3A_990 = tpu.vector_load %arg8[%swap3A_986, %swap3A_987, %swap3A_988, %swap3A_989] {strides = array<i32>} : memref<4x16x8x128xf32, #tpu.memory_space<vmem>>, vector<16xf32>,
      tpu.vector_store %arg8[%swap3A_986, %swap3A_987, %swap3A_988, %swap3A_989], %get3A_984 {strides = array<i32>} : memref<4x16x8x128xf32, #tpu.memory_space<vmem>>, vector<16xf32>,
      %add3A_991 = arith.constant 64 : i32
      %add3A_992 = arith.addi %add3A_950, %add3A_991 : i32
      %get3A_993 = arith.index_cast %add3A_992 : i32 to index
      %get3A_994 = tpu.vector_load %arg7[%get3A_993] {strides = array<i32>} : memref<4096xf32, #tpu.memory_space<vmem>>, vector<16xf32>,
      %swap3A_995 = arith.constant 0 : i32
      %swap3A_996 = arith.index_cast %rem3A_173 : i32 to index
      %swap3A_997 = arith.index_cast %add3A_941 : i32 to index
      %swap3A_998 = arith.index_cast %swap3A_995 : i32 to index
      %swap3A_999 = arith.constant 64 : index
      %swap3A_1000 = tpu.vector_load %arg8[%swap3A_996, %swap3A_997, %swap3A_998, %swap3A_999] {strides = array<i32>} : memref<4x16x8x128xf32, #tpu.memory_space<vmem>>, vector<16xf32>,
      tpu.vector_store %arg8[%swap3A_996, %swap3A_997, %swap3A_998, %swap3A_999], %get3A_994 {strides = array<i32>} : memref<4x16x8x128xf32, #tpu.memory_space<vmem>>, vector<16xf32>,
      %add3A_1001 = arith.constant 80 : i32
      %add3A_1002 = arith.addi %add3A_950, %add3A_1001 : i32
      %get3A_1003 = arith.index_cast %add3A_1002 : i32 to index
      %get3A_1004 = tpu.vector_load %arg7[%get3A_1003] {strides = array<i32>} : memref<4096xf32, #tpu.memory_space<vmem>>, vector<16xf32>,
      %swap3A_1005 = arith.constant 0 : i32
      %swap3A_1006 = arith.index_cast %rem3A_173 : i32 to index
      %swap3A_1007 = arith.index_cast %add3A_941 : i32 to index
      %swap3A_1008 = arith.index_cast %swap3A_1005 : i32 to index
      %swap3A_1009 = arith.constant 80 : index
      %swap3A_1010 = tpu.vector_load %arg8[%swap3A_1006, %swap3A_1007, %swap3A_1008, %swap3A_1009] {strides = array<i32>} : memref<4x16x8x128xf32, #tpu.memory_space<vmem>>, vector<16xf32>,
      tpu.vector_store %arg8[%swap3A_1006, %swap3A_1007, %swap3A_1008, %swap3A_1009], %get3A_1004 {strides = array<i32>} : memref<4x16x8x128xf32, #tpu.memory_space<vmem>>, vector<16xf32>,
      %add3A_1011 = arith.constant 96 : i32
      %add3A_1012 = arith.addi %add3A_950, %add3A_1011 : i32
      %get3A_1013 = arith.index_cast %add3A_1012 : i32 to index
      %get3A_1014 = tpu.vector_load %arg7[%get3A_1013] {strides = array<i32>} : memref<4096xf32, #tpu.memory_space<vmem>>, vector<16xf32>,
      %swap3A_1015 = arith.constant 0 : i32
      %swap3A_1016 = arith.index_cast %rem3A_173 : i32 to index
      %swap3A_1017 = arith.index_cast %add3A_941 : i32 to index
      %swap3A_1018 = arith.index_cast %swap3A_1015 : i32 to index
      %swap3A_1019 = arith.constant 96 : index
      %swap3A_1020 = tpu.vector_load %arg8[%swap3A_1016, %swap3A_1017, %swap3A_1018, %swap3A_1019] {strides = array<i32>} : memref<4x16x8x128xf32, #tpu.memory_space<vmem>>, vector<16xf32>,
      tpu.vector_store %arg8[%swap3A_1016, %swap3A_1017, %swap3A_1018, %swap3A_1019], %get3A_1014 {strides = array<i32>} : memref<4x16x8x128xf32, #tpu.memory_space<vmem>>, vector<16xf32>,
      %add3A_1021 = arith.constant 112 : i32
      %add3A_1022 = arith.addi %add3A_950, %add3A_1021 : i32
      %get3A_1023 = arith.index_cast %add3A_1022 : i32 to index
      %get3A_1024 = tpu.vector_load %arg7[%get3A_1023] {strides = array<i32>} : memref<4096xf32, #tpu.memory_space<vmem>>, vector<16xf32>,
      %swap3A_1025 = arith.constant 0 : i32
      %swap3A_1026 = arith.index_cast %rem3A_173 : i32 to index
      %swap3A_1027 = arith.index_cast %add3A_941 : i32 to index
      %swap3A_1028 = arith.index_cast %swap3A_1025 : i32 to index
      %swap3A_1029 = arith.constant 112 : index
      %swap3A_1030 = tpu.vector_load %arg8[%swap3A_1026, %swap3A_1027, %swap3A_1028, %swap3A_1029] {strides = array<i32>} : memref<4x16x8x128xf32, #tpu.memory_space<vmem>>, vector<16xf32>,
      tpu.vector_store %arg8[%swap3A_1026, %swap3A_1027, %swap3A_1028, %swap3A_1029], %get3A_1024 {strides = array<i32>} : memref<4x16x8x128xf32, #tpu.memory_space<vmem>>, vector<16xf32>,
      %mul3A_1031 = arith.constant 8 : i32
      %mul3A_1032 = arith.muli %mul3A_1031, %add3A_174 : i32
      %add3A_1033 = arith.constant 1 : i32
      %add3A_1034 = arith.addi %mul3A_1032, %add3A_1033 : i32
      %sub3A_1035 = arith.constant 2047 : i32
      %sub3A_1036 = arith.subi %sub3A_1035, %add3A_1034 : i32
      %mul3A_1037 = arith.constant 128 : i32
      %mul3A_1038 = arith.muli %mul3A_1037, %add3A_941 : i32
      %add3A_1039 = arith.addi %sub3A_1036, %mul3A_1038 : i32
      %add3A_1040 = arith.constant 0 : i32
      %add3A_1041 = arith.addi %add3A_1039, %add3A_1040 : i32
      %get3A_1042 = arith.index_cast %add3A_1041 : i32 to index
      %get3A_1043 = tpu.vector_load %arg7[%get3A_1042] {strides = array<i32>} : memref<4096xf32, #tpu.memory_space<vmem>>, vector<16xf32>,
      %swap3A_1044 = arith.constant 1 : i32
      %swap3A_1045 = arith.index_cast %rem3A_173 : i32 to index
      %swap3A_1046 = arith.index_cast %add3A_941 : i32 to index
      %swap3A_1047 = arith.index_cast %swap3A_1044 : i32 to index
      %swap3A_1048 = arith.constant 0 : index
      %swap3A_1049 = tpu.vector_load %arg8[%swap3A_1045, %swap3A_1046, %swap3A_1047, %swap3A_1048] {strides = array<i32>} : memref<4x16x8x128xf32, #tpu.memory_space<vmem>>, vector<16xf32>,
      tpu.vector_store %arg8[%swap3A_1045, %swap3A_1046, %swap3A_1047, %swap3A_1048], %get3A_1043 {strides = array<i32>} : memref<4x16x8x128xf32, #tpu.memory_space<vmem>>, vector<16xf32>,
      %add3A_1050 = arith.constant 16 : i32
      %add3A_1051 = arith.addi %add3A_1039, %add3A_1050 : i32
      %get3A_1052 = arith.index_cast %add3A_1051 : i32 to index
      %get3A_1053 = tpu.vector_load %arg7[%get3A_1052] {strides = array<i32>} : memref<4096xf32, #tpu.memory_space<vmem>>, vector<16xf32>,
      %swap3A_1054 = arith.constant 1 : i32
      %swap3A_1055 = arith.index_cast %rem3A_173 : i32 to index
      %swap3A_1056 = arith.index_cast %add3A_941 : i32 to index
      %swap3A_1057 = arith.index_cast %swap3A_1054 : i32 to index
      %swap3A_1058 = arith.constant 16 : index
      %swap3A_1059 = tpu.vector_load %arg8[%swap3A_1055, %swap3A_1056, %swap3A_1057, %swap3A_1058] {strides = array<i32>} : memref<4x16x8x128xf32, #tpu.memory_space<vmem>>, vector<16xf32>,
      tpu.vector_store %arg8[%swap3A_1055, %swap3A_1056, %swap3A_1057, %swap3A_1058], %get3A_1053 {strides = array<i32>} : memref<4x16x8x128xf32, #tpu.memory_space<vmem>>, vector<16xf32>,
      %add3A_1060 = arith.constant 32 : i32
      %add3A_1061 = arith.addi %add3A_1039, %add3A_1060 : i32
      %get3A_1062 = arith.index_cast %add3A_1061 : i32 to index
      %get3A_1063 = tpu.vector_load %arg7[%get3A_1062] {strides = array<i32>} : memref<4096xf32, #tpu.memory_space<vmem>>, vector<16xf32>,
      %swap3A_1064 = arith.constant 1 : i32
      %swap3A_1065 = arith.index_cast %rem3A_173 : i32 to index
      %swap3A_1066 = arith.index_cast %add3A_941 : i32 to index
      %swap3A_1067 = arith.index_cast %swap3A_1064 : i32 to index
      %swap3A_1068 = arith.constant 32 : index
      %swap3A_1069 = tpu.vector_load %arg8[%swap3A_1065, %swap3A_1066, %swap3A_1067, %swap3A_1068] {strides = array<i32>} : memref<4x16x8x128xf32, #tpu.memory_space<vmem>>, vector<16xf32>,
      tpu.vector_store %arg8[%swap3A_1065, %swap3A_1066, %swap3A_1067, %swap3A_1068], %get3A_1063 {strides = array<i32>} : memref<4x16x8x128xf32, #tpu.memory_space<vmem>>, vector<16xf32>,
      %add3A_1070 = arith.constant 48 : i32
      %add3A_1071 = arith.addi %add3A_1039, %add3A_1070 : i32
      %get3A_1072 = arith.index_cast %add3A_1071 : i32 to index
      %get3A_1073 = tpu.vector_load %arg7[%get3A_1072] {strides = array<i32>} : memref<4096xf32, #tpu.memory_space<vmem>>, vector<16xf32>,
      %swap3A_1074 = arith.constant 1 : i32
      %swap3A_1075 = arith.index_cast %rem3A_173 : i32 to index
      %swap3A_1076 = arith.index_cast %add3A_941 : i32 to index
      %swap3A_1077 = arith.index_cast %swap3A_1074 : i32 to index
      %swap3A_1078 = arith.constant 48 : index
      %swap3A_1079 = tpu.vector_load %arg8[%swap3A_1075, %swap3A_1076, %swap3A_1077, %swap3A_1078] {strides = array<i32>} : memref<4x16x8x128xf32, #tpu.memory_space<vmem>>, vector<16xf32>,
      tpu.vector_store %arg8[%swap3A_1075, %swap3A_1076, %swap3A_1077, %swap3A_1078], %get3A_1073 {strides = array<i32>} : memref<4x16x8x128xf32, #tpu.memory_space<vmem>>, vector<16xf32>,
      %add3A_1080 = arith.constant 64 : i32
      %add3A_1081 = arith.addi %add3A_1039, %add3A_1080 : i32
      %get3A_1082 = arith.index_cast %add3A_1081 : i32 to index
      %get3A_1083 = tpu.vector_load %arg7[%get3A_1082] {strides = array<i32>} : memref<4096xf32, #tpu.memory_space<vmem>>, vector<16xf32>,
      %swap3A_1084 = arith.constant 1 : i32
      %swap3A_1085 = arith.index_cast %rem3A_173 : i32 to index
      %swap3A_1086 = arith.index_cast %add3A_941 : i32 to index
      %swap3A_1087 = arith.index_cast %swap3A_1084 : i32 to index
      %swap3A_1088 = arith.constant 64 : index
      %swap3A_1089 = tpu.vector_load %arg8[%swap3A_1085, %swap3A_1086, %swap3A_1087, %swap3A_1088] {strides = array<i32>} : memref<4x16x8x128xf32, #tpu.memory_space<vmem>>, vector<16xf32>,
      tpu.vector_store %arg8[%swap3A_1085, %swap3A_1086, %swap3A_1087, %swap3A_1088], %get3A_1083 {strides = array<i32>} : memref<4x16x8x128xf32, #tpu.memory_space<vmem>>, vector<16xf32>,
      %add3A_1090 = arith.constant 80 : i32
      %add3A_1091 = arith.addi %add3A_1039, %add3A_1090 : i32
      %get3A_1092 = arith.index_cast %add3A_1091 : i32 to index
      %get3A_1093 = tpu.vector_load %arg7[%get3A_1092] {strides = array<i32>} : memref<4096xf32, #tpu.memory_space<vmem>>, vector<16xf32>,
      %swap3A_1094 = arith.constant 1 : i32
      %swap3A_1095 = arith.index_cast %rem3A_173 : i32 to index
      %swap3A_1096 = arith.index_cast %add3A_941 : i32 to index
      %swap3A_1097 = arith.index_cast %swap3A_1094 : i32 to index
      %swap3A_1098 = arith.constant 80 : index
      %swap3A_1099 = tpu.vector_load %arg8[%swap3A_1095, %swap3A_1096, %swap3A_1097, %swap3A_1098] {strides = array<i32>} : memref<4x16x8x128xf32, #tpu.memory_space<vmem>>, vector<16xf32>,
      tpu.vector_store %arg8[%swap3A_1095, %swap3A_1096, %swap3A_1097, %swap3A_1098], %get3A_1093 {strides = array<i32>} : memref<4x16x8x128xf32, #tpu.memory_space<vmem>>, vector<16xf32>,
      %add3A_1100 = arith.constant 96 : i32
      %add3A_1101 = arith.addi %add3A_1039, %add3A_1100 : i32
      %get3A_1102 = arith.index_cast %add3A_1101 : i32 to index
      %get3A_1103 = tpu.vector_load %arg7[%get3A_1102] {strides = array<i32>} : memref<4096xf32, #tpu.memory_space<vmem>>, vector<16xf32>,
      %swap3A_1104 = arith.constant 1 : i32
      %swap3A_1105 = arith.index_cast %rem3A_173 : i32 to index
      %swap3A_1106 = arith.index_cast %add3A_941 : i32 to index
      %swap3A_1107 = arith.index_cast %swap3A_1104 : i32 to index
      %swap3A_1108 = arith.constant 96 : index
      %swap3A_1109 = tpu.vector_load %arg8[%swap3A_1105, %swap3A_1106, %swap3A_1107, %swap3A_1108] {strides = array<i32>} : memref<4x16x8x128xf32, #tpu.memory_space<vmem>>, vector<16xf32>,
      tpu.vector_store %arg8[%swap3A_1105, %swap3A_1106, %swap3A_1107, %swap3A_1108], %get3A_1103 {strides = array<i32>} : memref<4x16x8x128xf32, #tpu.memory_space<vmem>>, vector<16xf32>,
      %add3A_1110 = arith.constant 112 : i32
      %add3A_1111 = arith.addi %add3A_1039, %add3A_1110 : i32
      %get3A_1112 = arith.index_cast %add3A_1111 : i32 to index
      %get3A_1113 = tpu.vector_load %arg7[%get3A_1112] {strides = array<i32>} : memref<4096xf32, #tpu.memory_space<vmem>>, vector<16xf32>,
      %swap3A_1114 = arith.constant 1 : i32
      %swap3A_1115 = arith.index_cast %rem3A_173 : i32 to index
      %swap3A_1116 = arith.index_cast %add3A_941 : i32 to index
      %swap3A_1117 = arith.index_cast %swap3A_1114 : i32 to index
      %swap3A_1118 = arith.constant 112 : index
      %swap3A_1119 = tpu.vector_load %arg8[%swap3A_1115, %swap3A_1116, %swap3A_1117, %swap3A_1118] {strides = array<i32>} : memref<4x16x8x128xf32, #tpu.memory_space<vmem>>, vector<16xf32>,
      tpu.vector_store %arg8[%swap3A_1115, %swap3A_1116, %swap3A_1117, %swap3A_1118], %get3A_1113 {strides = array<i32>} : memref<4x16x8x128xf32, #tpu.memory_space<vmem>>, vector<16xf32>,
      %mul3A_1120 = arith.constant 8 : i32
      %mul3A_1121 = arith.muli %mul3A_1120, %add3A_174 : i32
      %add3A_1122 = arith.constant 2 : i32
      %add3A_1123 = arith.addi %mul3A_1121, %add3A_1122 : i32
      %sub3A_1124 = arith.constant 2047 : i32
      %sub3A_1125 = arith.subi %sub3A_1124, %add3A_1123 : i32
      %mul3A_1126 = arith.constant 128 : i32
      %mul3A_1127 = arith.muli %mul3A_1126, %add3A_941 : i32
      %add3A_1128 = arith.addi %sub3A_1125, %mul3A_1127 : i32
      %add3A_1129 = arith.constant 0 : i32
      %add3A_1130 = arith.addi %add3A_1128, %add3A_1129 : i32
      %get3A_1131 = arith.index_cast %add3A_1130 : i32 to index
      %get3A_1132 = tpu.vector_load %arg7[%get3A_1131] {strides = array<i32>} : memref<4096xf32, #tpu.memory_space<vmem>>, vector<16xf32>,
      %swap3A_1133 = arith.constant 2 : i32
      %swap3A_1134 = arith.index_cast %rem3A_173 : i32 to index
      %swap3A_1135 = arith.index_cast %add3A_941 : i32 to index
      %swap3A_1136 = arith.index_cast %swap3A_1133 : i32 to index
      %swap3A_1137 = arith.constant 0 : index
      %swap3A_1138 = tpu.vector_load %arg8[%swap3A_1134, %swap3A_1135, %swap3A_1136, %swap3A_1137] {strides = array<i32>} : memref<4x16x8x128xf32, #tpu.memory_space<vmem>>, vector<16xf32>,
      tpu.vector_store %arg8[%swap3A_1134, %swap3A_1135, %swap3A_1136, %swap3A_1137], %get3A_1132 {strides = array<i32>} : memref<4x16x8x128xf32, #tpu.memory_space<vmem>>, vector<16xf32>,
      %add3A_1139 = arith.constant 16 : i32
      %add3A_1140 = arith.addi %add3A_1128, %add3A_1139 : i32
      %get3A_1141 = arith.index_cast %add3A_1140 : i32 to index
      %get3A_1142 = tpu.vector_load %arg7[%get3A_1141] {strides = array<i32>} : memref<4096xf32, #tpu.memory_space<vmem>>, vector<16xf32>,
      %swap3A_1143 = arith.constant 2 : i32
      %swap3A_1144 = arith.index_cast %rem3A_173 : i32 to index
      %swap3A_1145 = arith.index_cast %add3A_941 : i32 to index
      %swap3A_1146 = arith.index_cast %swap3A_1143 : i32 to index
      %swap3A_1147 = arith.constant 16 : index
      %swap3A_1148 = tpu.vector_load %arg8[%swap3A_1144, %swap3A_1145, %swap3A_1146, %swap3A_1147] {strides = array<i32>} : memref<4x16x8x128xf32, #tpu.memory_space<vmem>>, vector<16xf32>,
      tpu.vector_store %arg8[%swap3A_1144, %swap3A_1145, %swap3A_1146, %swap3A_1147], %get3A_1142 {strides = array<i32>} : memref<4x16x8x128xf32, #tpu.memory_space<vmem>>, vector<16xf32>,
      %add3A_1149 = arith.constant 32 : i32
      %add3A_1150 = arith.addi %add3A_1128, %add3A_1149 : i32
      %get3A_1151 = arith.index_cast %add3A_1150 : i32 to index
      %get3A_1152 = tpu.vector_load %arg7[%get3A_1151] {strides = array<i32>} : memref<4096xf32, #tpu.memory_space<vmem>>, vector<16xf32>,
      %swap3A_1153 = arith.constant 2 : i32
      %swap3A_1154 = arith.index_cast %rem3A_173 : i32 to index
      %swap3A_1155 = arith.index_cast %add3A_941 : i32 to index
      %swap3A_1156 = arith.index_cast %swap3A_1153 : i32 to index
      %swap3A_1157 = arith.constant 32 : index
      %swap3A_1158 = tpu.vector_load %arg8[%swap3A_1154, %swap3A_1155, %swap3A_1156, %swap3A_1157] {strides = array<i32>} : memref<4x16x8x128xf32, #tpu.memory_space<vmem>>, vector<16xf32>,
      tpu.vector_store %arg8[%swap3A_1154, %swap3A_1155, %swap3A_1156, %swap3A_1157], %get3A_1152 {strides = array<i32>} : memref<4x16x8x128xf32, #tpu.memory_space<vmem>>, vector<16xf32>,
      %add3A_1159 = arith.constant 48 : i32
      %add3A_1160 = arith.addi %add3A_1128, %add3A_1159 : i32
      %get3A_1161 = arith.index_cast %add3A_1160 : i32 to index
      %get3A_1162 = tpu.vector_load %arg7[%get3A_1161] {strides = array<i32>} : memref<4096xf32, #tpu.memory_space<vmem>>, vector<16xf32>,
      %swap3A_1163 = arith.constant 2 : i32
      %swap3A_1164 = arith.index_cast %rem3A_173 : i32 to index
      %swap3A_1165 = arith.index_cast %add3A_941 : i32 to index
      %swap3A_1166 = arith.index_cast %swap3A_1163 : i32 to index
      %swap3A_1167 = arith.constant 48 : index
      %swap3A_1168 = tpu.vector_load %arg8[%swap3A_1164, %swap3A_1165, %swap3A_1166, %swap3A_1167] {strides = array<i32>} : memref<4x16x8x128xf32, #tpu.memory_space<vmem>>, vector<16xf32>,
      tpu.vector_store %arg8[%swap3A_1164, %swap3A_1165, %swap3A_1166, %swap3A_1167], %get3A_1162 {strides = array<i32>} : memref<4x16x8x128xf32, #tpu.memory_space<vmem>>, vector<16xf32>,
      %add3A_1169 = arith.constant 64 : i32
      %add3A_1170 = arith.addi %add3A_1128, %add3A_1169 : i32
      %get3A_1171 = arith.index_cast %add3A_1170 : i32 to index
      %get3A_1172 = tpu.vector_load %arg7[%get3A_1171] {strides = array<i32>} : memref<4096xf32, #tpu.memory_space<vmem>>, vector<16xf32>,
      %swap3A_1173 = arith.constant 2 : i32
      %swap3A_1174 = arith.index_cast %rem3A_173 : i32 to index
      %swap3A_1175 = arith.index_cast %add3A_941 : i32 to index
      %swap3A_1176 = arith.index_cast %swap3A_1173 : i32 to index
      %swap3A_1177 = arith.constant 64 : index
      %swap3A_1178 = tpu.vector_load %arg8[%swap3A_1174, %swap3A_1175, %swap3A_1176, %swap3A_1177] {strides = array<i32>} : memref<4x16x8x128xf32, #tpu.memory_space<vmem>>, vector<16xf32>,
      tpu.vector_store %arg8[%swap3A_1174, %swap3A_1175, %swap3A_1176, %swap3A_1177], %get3A_1172 {strides = array<i32>} : memref<4x16x8x128xf32, #tpu.memory_space<vmem>>, vector<16xf32>,
      %add3A_1179 = arith.constant 80 : i32
      %add3A_1180 = arith.addi %add3A_1128, %add3A_1179 : i32
      %get3A_1181 = arith.index_cast %add3A_1180 : i32 to index
      %get3A_1182 = tpu.vector_load %arg7[%get3A_1181] {strides = array<i32>} : memref<4096xf32, #tpu.memory_space<vmem>>, vector<16xf32>,
      %swap3A_1183 = arith.constant 2 : i32
      %swap3A_1184 = arith.index_cast %rem3A_173 : i32 to index
      %swap3A_1185 = arith.index_cast %add3A_941 : i32 to index
      %swap3A_1186 = arith.index_cast %swap3A_1183 : i32 to index
      %swap3A_1187 = arith.constant 80 : index
      %swap3A_1188 = tpu.vector_load %arg8[%swap3A_1184, %swap3A_1185, %swap3A_1186, %swap3A_1187] {strides = array<i32>} : memref<4x16x8x128xf32, #tpu.memory_space<vmem>>, vector<16xf32>,
      tpu.vector_store %arg8[%swap3A_1184, %swap3A_1185, %swap3A_1186, %swap3A_1187], %get3A_1182 {strides = array<i32>} : memref<4x16x8x128xf32, #tpu.memory_space<vmem>>, vector<16xf32>,
      %add3A_1189 = arith.constant 96 : i32
      %add3A_1190 = arith.addi %add3A_1128, %add3A_1189 : i32
      %get3A_1191 = arith.index_cast %add3A_1190 : i32 to index
      %get3A_1192 = tpu.vector_load %arg7[%get3A_1191] {strides = array<i32>} : memref<4096xf32, #tpu.memory_space<vmem>>, vector<16xf32>,
      %swap3A_1193 = arith.constant 2 : i32
      %swap3A_1194 = arith.index_cast %rem3A_173 : i32 to index
      %swap3A_1195 = arith.index_cast %add3A_941 : i32 to index
      %swap3A_1196 = arith.index_cast %swap3A_1193 : i32 to index
      %swap3A_1197 = arith.constant 96 : index
      %swap3A_1198 = tpu.vector_load %arg8[%swap3A_1194, %swap3A_1195, %swap3A_1196, %swap3A_1197] {strides = array<i32>} : memref<4x16x8x128xf32, #tpu.memory_space<vmem>>, vector<16xf32>,
      tpu.vector_store %arg8[%swap3A_1194, %swap3A_1195, %swap3A_1196, %swap3A_1197], %get3A_1192 {strides = array<i32>} : memref<4x16x8x128xf32, #tpu.memory_space<vmem>>, vector<16xf32>,
      %add3A_1199 = arith.constant 112 : i32
      %add3A_1200 = arith.addi %add3A_1128, %add3A_1199 : i32
      %get3A_1201 = arith.index_cast %add3A_1200 : i32 to index
      %get3A_1202 = tpu.vector_load %arg7[%get3A_1201] {strides = array<i32>} : memref<4096xf32, #tpu.memory_space<vmem>>, vector<16xf32>,
      %swap3A_1203 = arith.constant 2 : i32
      %swap3A_1204 = arith.index_cast %rem3A_173 : i32 to index
      %swap3A_1205 = arith.index_cast %add3A_941 : i32 to index
      %swap3A_1206 = arith.index_cast %swap3A_1203 : i32 to index
      %swap3A_1207 = arith.constant 112 : index
      %swap3A_1208 = tpu.vector_load %arg8[%swap3A_1204, %swap3A_1205, %swap3A_1206, %swap3A_1207] {strides = array<i32>} : memref<4x16x8x128xf32, #tpu.memory_space<vmem>>, vector<16xf32>,
      tpu.vector_store %arg8[%swap3A_1204, %swap3A_1205, %swap3A_1206, %swap3A_1207], %get3A_1202 {strides = array<i32>} : memref<4x16x8x128xf32, #tpu.memory_space<vmem>>, vector<16xf32>,
      %mul3A_1209 = arith.constant 8 : i32
      %mul3A_1210 = arith.muli %mul3A_1209, %add3A_174 : i32
      %add3A_1211 = arith.constant 3 : i32
      %add3A_1212 = arith.addi %mul3A_1210, %add3A_1211 : i32
      %sub3A_1213 = arith.constant 2047 : i32
      %sub3A_1214 = arith.subi %sub3A_1213, %add3A_1212 : i32
      %mul3A_1215 = arith.constant 128 : i32
      %mul3A_1216 = arith.muli %mul3A_1215, %add3A_941 : i32
      %add3A_1217 = arith.addi %sub3A_1214, %mul3A_1216 : i32
      %add3A_1218 = arith.constant 0 : i32
      %add3A_1219 = arith.addi %add3A_1217, %add3A_1218 : i32
      %get3A_1220 = arith.index_cast %add3A_1219 : i32 to index
      %get3A_1221 = tpu.vector_load %arg7[%get3A_1220] {strides = array<i32>} : memref<4096xf32, #tpu.memory_space<vmem>>, vector<16xf32>,
      %swap3A_1222 = arith.constant 3 : i32
      %swap3A_1223 = arith.index_cast %rem3A_173 : i32 to index
      %swap3A_1224 = arith.index_cast %add3A_941 : i32 to index
      %swap3A_1225 = arith.index_cast %swap3A_1222 : i32 to index
      %swap3A_1226 = arith.constant 0 : index
      %swap3A_1227 = tpu.vector_load %arg8[%swap3A_1223, %swap3A_1224, %swap3A_1225, %swap3A_1226] {strides = array<i32>} : memref<4x16x8x128xf32, #tpu.memory_space<vmem>>, vector<16xf32>,
      tpu.vector_store %arg8[%swap3A_1223, %swap3A_1224, %swap3A_1225, %swap3A_1226], %get3A_1221 {strides = array<i32>} : memref<4x16x8x128xf32, #tpu.memory_space<vmem>>, vector<16xf32>,
      %add3A_1228 = arith.constant 16 : i32
      %add3A_1229 = arith.addi %add3A_1217, %add3A_1228 : i32
      %get3A_1230 = arith.index_cast %add3A_1229 : i32 to index
      %get3A_1231 = tpu.vector_load %arg7[%get3A_1230] {strides = array<i32>} : memref<4096xf32, #tpu.memory_space<vmem>>, vector<16xf32>,
      %swap3A_1232 = arith.constant 3 : i32
      %swap3A_1233 = arith.index_cast %rem3A_173 : i32 to index
      %swap3A_1234 = arith.index_cast %add3A_941 : i32 to index
      %swap3A_1235 = arith.index_cast %swap3A_1232 : i32 to index
      %swap3A_1236 = arith.constant 16 : index
      %swap3A_1237 = tpu.vector_load %arg8[%swap3A_1233, %swap3A_1234, %swap3A_1235, %swap3A_1236] {strides = array<i32>} : memref<4x16x8x128xf32, #tpu.memory_space<vmem>>, vector<16xf32>,
      tpu.vector_store %arg8[%swap3A_1233, %swap3A_1234, %swap3A_1235, %swap3A_1236], %get3A_1231 {strides = array<i32>} : memref<4x16x8x128xf32, #tpu.memory_space<vmem>>, vector<16xf32>,
      %add3A_1238 = arith.constant 32 : i32
      %add3A_1239 = arith.addi %add3A_1217, %add3A_1238 : i32
      %get3A_1240 = arith.index_cast %add3A_1239 : i32 to index
      %get3A_1241 = tpu.vector_load %arg7[%get3A_1240] {strides = array<i32>} : memref<4096xf32, #tpu.memory_space<vmem>>, vector<16xf32>,
      %swap3A_1242 = arith.constant 3 : i32
      %swap3A_1243 = arith.index_cast %rem3A_173 : i32 to index
      %swap3A_1244 = arith.index_cast %add3A_941 : i32 to index
      %swap3A_1245 = arith.index_cast %swap3A_1242 : i32 to index
      %swap3A_1246 = arith.constant 32 : index
      %swap3A_1247 = tpu.vector_load %arg8[%swap3A_1243, %swap3A_1244, %swap3A_1245, %swap3A_1246] {strides = array<i32>} : memref<4x16x8x128xf32, #tpu.memory_space<vmem>>, vector<16xf32>,
      tpu.vector_store %arg8[%swap3A_1243, %swap3A_1244, %swap3A_1245, %swap3A_1246], %get3A_1241 {strides = array<i32>} : memref<4x16x8x128xf32, #tpu.memory_space<vmem>>, vector<16xf32>,
      %add3A_1248 = arith.constant 48 : i32
      %add3A_1249 = arith.addi %add3A_1217, %add3A_1248 : i32
      %get3A_1250 = arith.index_cast %add3A_1249 : i32 to index
      %get3A_1251 = tpu.vector_load %arg7[%get3A_1250] {strides = array<i32>} : memref<4096xf32, #tpu.memory_space<vmem>>, vector<16xf32>,
      %swap3A_1252 = arith.constant 3 : i32
      %swap3A_1253 = arith.index_cast %rem3A_173 : i32 to index
      %swap3A_1254 = arith.index_cast %add3A_941 : i32 to index
      %swap3A_1255 = arith.index_cast %swap3A_1252 : i32 to index
      %swap3A_1256 = arith.constant 48 : index
      %swap3A_1257 = tpu.vector_load %arg8[%swap3A_1253, %swap3A_1254, %swap3A_1255, %swap3A_1256] {strides = array<i32>} : memref<4x16x8x128xf32, #tpu.memory_space<vmem>>, vector<16xf32>,
      tpu.vector_store %arg8[%swap3A_1253, %swap3A_1254, %swap3A_1255, %swap3A_1256], %get3A_1251 {strides = array<i32>} : memref<4x16x8x128xf32, #tpu.memory_space<vmem>>, vector<16xf32>,
      %add3A_1258 = arith.constant 64 : i32
      %add3A_1259 = arith.addi %add3A_1217, %add3A_1258 : i32
      %get3A_1260 = arith.index_cast %add3A_1259 : i32 to index
      %get3A_1261 = tpu.vector_load %arg7[%get3A_1260] {strides = array<i32>} : memref<4096xf32, #tpu.memory_space<vmem>>, vector<16xf32>,
      %swap3A_1262 = arith.constant 3 : i32
      %swap3A_1263 = arith.index_cast %rem3A_173 : i32 to index
      %swap3A_1264 = arith.index_cast %add3A_941 : i32 to index
      %swap3A_1265 = arith.index_cast %swap3A_1262 : i32 to index
      %swap3A_1266 = arith.constant 64 : index
      %swap3A_1267 = tpu.vector_load %arg8[%swap3A_1263, %swap3A_1264, %swap3A_1265, %swap3A_1266] {strides = array<i32>} : memref<4x16x8x128xf32, #tpu.memory_space<vmem>>, vector<16xf32>,
      tpu.vector_store %arg8[%swap3A_1263, %swap3A_1264, %swap3A_1265, %swap3A_1266], %get3A_1261 {strides = array<i32>} : memref<4x16x8x128xf32, #tpu.memory_space<vmem>>, vector<16xf32>,
      %add3A_1268 = arith.constant 80 : i32
      %add3A_1269 = arith.addi %add3A_1217, %add3A_1268 : i32
      %get3A_1270 = arith.index_cast %add3A_1269 : i32 to index
      %get3A_1271 = tpu.vector_load %arg7[%get3A_1270] {strides = array<i32>} : memref<4096xf32, #tpu.memory_space<vmem>>, vector<16xf32>,
      %swap3A_1272 = arith.constant 3 : i32
      %swap3A_1273 = arith.index_cast %rem3A_173 : i32 to index
      %swap3A_1274 = arith.index_cast %add3A_941 : i32 to index
      %swap3A_1275 = arith.index_cast %swap3A_1272 : i32 to index
      %swap3A_1276 = arith.constant 80 : index
      %swap3A_1277 = tpu.vector_load %arg8[%swap3A_1273, %swap3A_1274, %swap3A_1275, %swap3A_1276] {strides = array<i32>} : memref<4x16x8x128xf32, #tpu.memory_space<vmem>>, vector<16xf32>,
      tpu.vector_store %arg8[%swap3A_1273, %swap3A_1274, %swap3A_1275, %swap3A_1276], %get3A_1271 {strides = array<i32>} : memref<4x16x8x128xf32, #tpu.memory_space<vmem>>, vector<16xf32>,
      %add3A_1278 = arith.constant 96 : i32
      %add3A_1279 = arith.addi %add3A_1217, %add3A_1278 : i32
      %get3A_1280 = arith.index_cast %add3A_1279 : i32 to index
      %get3A_1281 = tpu.vector_load %arg7[%get3A_1280] {strides = array<i32>} : memref<4096xf32, #tpu.memory_space<vmem>>, vector<16xf32>,
      %swap3A_1282 = arith.constant 3 : i32
      %swap3A_1283 = arith.index_cast %rem3A_173 : i32 to index
      %swap3A_1284 = arith.index_cast %add3A_941 : i32 to index
      %swap3A_1285 = arith.index_cast %swap3A_1282 : i32 to index
      %swap3A_1286 = arith.constant 96 : index
      %swap3A_1287 = tpu.vector_load %arg8[%swap3A_1283, %swap3A_1284, %swap3A_1285, %swap3A_1286] {strides = array<i32>} : memref<4x16x8x128xf32, #tpu.memory_space<vmem>>, vector<16xf32>,
      tpu.vector_store %arg8[%swap3A_1283, %swap3A_1284, %swap3A_1285, %swap3A_1286], %get3A_1281 {strides = array<i32>} : memref<4x16x8x128xf32, #tpu.memory_space<vmem>>, vector<16xf32>,
      %add3A_1288 = arith.constant 112 : i32
      %add3A_1289 = arith.addi %add3A_1217, %add3A_1288 : i32
      %get3A_1290 = arith.index_cast %add3A_1289 : i32 to index
      %get3A_1291 = tpu.vector_load %arg7[%get3A_1290] {strides = array<i32>} : memref<4096xf32, #tpu.memory_space<vmem>>, vector<16xf32>,
      %swap3A_1292 = arith.constant 3 : i32
      %swap3A_1293 = arith.index_cast %rem3A_173 : i32 to index
      %swap3A_1294 = arith.index_cast %add3A_941 : i32 to index
      %swap3A_1295 = arith.index_cast %swap3A_1292 : i32 to index
      %swap3A_1296 = arith.constant 112 : index
      %swap3A_1297 = tpu.vector_load %arg8[%swap3A_1293, %swap3A_1294, %swap3A_1295, %swap3A_1296] {strides = array<i32>} : memref<4x16x8x128xf32, #tpu.memory_space<vmem>>, vector<16xf32>,
      tpu.vector_store %arg8[%swap3A_1293, %swap3A_1294, %swap3A_1295, %swap3A_1296], %get3A_1291 {strides = array<i32>} : memref<4x16x8x128xf32, #tpu.memory_space<vmem>>, vector<16xf32>,
      %mul3A_1298 = arith.constant 8 : i32
      %mul3A_1299 = arith.muli %mul3A_1298, %add3A_174 : i32
      %add3A_1300 = arith.constant 4 : i32
      %add3A_1301 = arith.addi %mul3A_1299, %add3A_1300 : i32
      %sub3A_1302 = arith.constant 2047 : i32
      %sub3A_1303 = arith.subi %sub3A_1302, %add3A_1301 : i32
      %mul3A_1304 = arith.constant 128 : i32
      %mul3A_1305 = arith.muli %mul3A_1304, %add3A_941 : i32
      %add3A_1306 = arith.addi %sub3A_1303, %mul3A_1305 : i32
      %add3A_1307 = arith.constant 0 : i32
      %add3A_1308 = arith.addi %add3A_1306, %add3A_1307 : i32
      %get3A_1309 = arith.index_cast %add3A_1308 : i32 to index
      %get3A_1310 = tpu.vector_load %arg7[%get3A_1309] {strides = array<i32>} : memref<4096xf32, #tpu.memory_space<vmem>>, vector<16xf32>,
      %swap3A_1311 = arith.constant 4 : i32
      %swap3A_1312 = arith.index_cast %rem3A_173 : i32 to index
      %swap3A_1313 = arith.index_cast %add3A_941 : i32 to index
      %swap3A_1314 = arith.index_cast %swap3A_1311 : i32 to index
      %swap3A_1315 = arith.constant 0 : index
      %swap3A_1316 = tpu.vector_load %arg8[%swap3A_1312, %swap3A_1313, %swap3A_1314, %swap3A_1315] {strides = array<i32>} : memref<4x16x8x128xf32, #tpu.memory_space<vmem>>, vector<16xf32>,
      tpu.vector_store %arg8[%swap3A_1312, %swap3A_1313, %swap3A_1314, %swap3A_1315], %get3A_1310 {strides = array<i32>} : memref<4x16x8x128xf32, #tpu.memory_space<vmem>>, vector<16xf32>,
      %add3A_1317 = arith.constant 16 : i32
      %add3A_1318 = arith.addi %add3A_1306, %add3A_1317 : i32
      %get3A_1319 = arith.index_cast %add3A_1318 : i32 to index
      %get3A_1320 = tpu.vector_load %arg7[%get3A_1319] {strides = array<i32>} : memref<4096xf32, #tpu.memory_space<vmem>>, vector<16xf32>,
      %swap3A_1321 = arith.constant 4 : i32
      %swap3A_1322 = arith.index_cast %rem3A_173 : i32 to index
      %swap3A_1323 = arith.index_cast %add3A_941 : i32 to index
      %swap3A_1324 = arith.index_cast %swap3A_1321 : i32 to index
      %swap3A_1325 = arith.constant 16 : index
      %swap3A_1326 = tpu.vector_load %arg8[%swap3A_1322, %swap3A_1323, %swap3A_1324, %swap3A_1325] {strides = array<i32>} : memref<4x16x8x128xf32, #tpu.memory_space<vmem>>, vector<16xf32>,
      tpu.vector_store %arg8[%swap3A_1322, %swap3A_1323, %swap3A_1324, %swap3A_1325], %get3A_1320 {strides = array<i32>} : memref<4x16x8x128xf32, #tpu.memory_space<vmem>>, vector<16xf32>,
      %add3A_1327 = arith.constant 32 : i32
      %add3A_1328 = arith.addi %add3A_1306, %add3A_1327 : i32
      %get3A_1329 = arith.index_cast %add3A_1328 : i32 to index
      %get3A_1330 = tpu.vector_load %arg7[%get3A_1329] {strides = array<i32>} : memref<4096xf32, #tpu.memory_space<vmem>>, vector<16xf32>,
      %swap3A_1331 = arith.constant 4 : i32
      %swap3A_1332 = arith.index_cast %rem3A_173 : i32 to index
      %swap3A_1333 = arith.index_cast %add3A_941 : i32 to index
      %swap3A_1334 = arith.index_cast %swap3A_1331 : i32 to index
      %swap3A_1335 = arith.constant 32 : index
      %swap3A_1336 = tpu.vector_load %arg8[%swap3A_1332, %swap3A_1333, %swap3A_1334, %swap3A_1335] {strides = array<i32>} : memref<4x16x8x128xf32, #tpu.memory_space<vmem>>, vector<16xf32>,
      tpu.vector_store %arg8[%swap3A_1332, %swap3A_1333, %swap3A_1334, %swap3A_1335], %get3A_1330 {strides = array<i32>} : memref<4x16x8x128xf32, #tpu.memory_space<vmem>>, vector<16xf32>,
      %add3A_1337 = arith.constant 48 : i32
      %add3A_1338 = arith.addi %add3A_1306, %add3A_1337 : i32
      %get3A_1339 = arith.index_cast %add3A_1338 : i32 to index
      %get3A_1340 = tpu.vector_load %arg7[%get3A_1339] {strides = array<i32>} : memref<4096xf32, #tpu.memory_space<vmem>>, vector<16xf32>,
      %swap3A_1341 = arith.constant 4 : i32
      %swap3A_1342 = arith.index_cast %rem3A_173 : i32 to index
      %swap3A_1343 = arith.index_cast %add3A_941 : i32 to index
      %swap3A_1344 = arith.index_cast %swap3A_1341 : i32 to index
      %swap3A_1345 = arith.constant 48 : index
      %swap3A_1346 = tpu.vector_load %arg8[%swap3A_1342, %swap3A_1343, %swap3A_1344, %swap3A_1345] {strides = array<i32>} : memref<4x16x8x128xf32, #tpu.memory_space<vmem>>, vector<16xf32>,
      tpu.vector_store %arg8[%swap3A_1342, %swap3A_1343, %swap3A_1344, %swap3A_1345], %get3A_1340 {strides = array<i32>} : memref<4x16x8x128xf32, #tpu.memory_space<vmem>>, vector<16xf32>,
      %add3A_1347 = arith.constant 64 : i32
      %add3A_1348 = arith.addi %add3A_1306, %add3A_1347 : i32
      %get3A_1349 = arith.index_cast %add3A_1348 : i32 to index
      %get3A_1350 = tpu.vector_load %arg7[%get3A_1349] {strides = array<i32>} : memref<4096xf32, #tpu.memory_space<vmem>>, vector<16xf32>,
      %swap3A_1351 = arith.constant 4 : i32
      %swap3A_1352 = arith.index_cast %rem3A_173 : i32 to index
      %swap3A_1353 = arith.index_cast %add3A_941 : i32 to index
      %swap3A_1354 = arith.index_cast %swap3A_1351 : i32 to index
      %swap3A_1355 = arith.constant 64 : index
      %swap3A_1356 = tpu.vector_load %arg8[%swap3A_1352, %swap3A_1353, %swap3A_1354, %swap3A_1355] {strides = array<i32>} : memref<4x16x8x128xf32, #tpu.memory_space<vmem>>, vector<16xf32>,
      tpu.vector_store %arg8[%swap3A_1352, %swap3A_1353, %swap3A_1354, %swap3A_1355], %get3A_1350 {strides = array<i32>} : memref<4x16x8x128xf32, #tpu.memory_space<vmem>>, vector<16xf32>,
      %add3A_1357 = arith.constant 80 : i32
      %add3A_1358 = arith.addi %add3A_1306, %add3A_1357 : i32
      %get3A_1359 = arith.index_cast %add3A_1358 : i32 to index
      %get3A_1360 = tpu.vector_load %arg7[%get3A_1359] {strides = array<i32>} : memref<4096xf32, #tpu.memory_space<vmem>>, vector<16xf32>,
      %swap3A_1361 = arith.constant 4 : i32
      %swap3A_1362 = arith.index_cast %rem3A_173 : i32 to index
      %swap3A_1363 = arith.index_cast %add3A_941 : i32 to index
      %swap3A_1364 = arith.index_cast %swap3A_1361 : i32 to index
      %swap3A_1365 = arith.constant 80 : index
      %swap3A_1366 = tpu.vector_load %arg8[%swap3A_1362, %swap3A_1363, %swap3A_1364, %swap3A_1365] {strides = array<i32>} : memref<4x16x8x128xf32, #tpu.memory_space<vmem>>, vector<16xf32>,
      tpu.vector_store %arg8[%swap3A_1362, %swap3A_1363, %swap3A_1364, %swap3A_1365], %get3A_1360 {strides = array<i32>} : memref<4x16x8x128xf32, #tpu.memory_space<vmem>>, vector<16xf32>,
      %add3A_1367 = arith.constant 96 : i32
      %add3A_1368 = arith.addi %add3A_1306, %add3A_1367 : i32
      %get3A_1369 = arith.index_cast %add3A_1368 : i32 to index
      %get3A_1370 = tpu.vector_load %arg7[%get3A_1369] {strides = array<i32>} : memref<4096xf32, #tpu.memory_space<vmem>>, vector<16xf32>,
      %swap3A_1371 = arith.constant 4 : i32
      %swap3A_1372 = arith.index_cast %rem3A_173 : i32 to index
      %swap3A_1373 = arith.index_cast %add3A_941 : i32 to index
      %swap3A_1374 = arith.index_cast %swap3A_1371 : i32 to index
      %swap3A_1375 = arith.constant 96 : index
      %swap3A_1376 = tpu.vector_load %arg8[%swap3A_1372, %swap3A_1373, %swap3A_1374, %swap3A_1375] {strides = array<i32>} : memref<4x16x8x128xf32, #tpu.memory_space<vmem>>, vector<16xf32>,
      tpu.vector_store %arg8[%swap3A_1372, %swap3A_1373, %swap3A_1374, %swap3A_1375], %get3A_1370 {strides = array<i32>} : memref<4x16x8x128xf32, #tpu.memory_space<vmem>>, vector<16xf32>,
      %add3A_1377 = arith.constant 112 : i32
      %add3A_1378 = arith.addi %add3A_1306, %add3A_1377 : i32
      %get3A_1379 = arith.index_cast %add3A_1378 : i32 to index
      %get3A_1380 = tpu.vector_load %arg7[%get3A_1379] {strides = array<i32>} : memref<4096xf32, #tpu.memory_space<vmem>>, vector<16xf32>,
      %swap3A_1381 = arith.constant 4 : i32
      %swap3A_1382 = arith.index_cast %rem3A_173 : i32 to index
      %swap3A_1383 = arith.index_cast %add3A_941 : i32 to index
      %swap3A_1384 = arith.index_cast %swap3A_1381 : i32 to index
      %swap3A_1385 = arith.constant 112 : index
      %swap3A_1386 = tpu.vector_load %arg8[%swap3A_1382, %swap3A_1383, %swap3A_1384, %swap3A_1385] {strides = array<i32>} : memref<4x16x8x128xf32, #tpu.memory_space<vmem>>, vector<16xf32>,
      tpu.vector_store %arg8[%swap3A_1382, %swap3A_1383, %swap3A_1384, %swap3A_1385], %get3A_1380 {strides = array<i32>} : memref<4x16x8x128xf32, #tpu.memory_space<vmem>>, vector<16xf32>,
      %mul3A_1387 = arith.constant 8 : i32
      %mul3A_1388 = arith.muli %mul3A_1387, %add3A_174 : i32
      %add3A_1389 = arith.constant 5 : i32
      %add3A_1390 = arith.addi %mul3A_1388, %add3A_1389 : i32
      %sub3A_1391 = arith.constant 2047 : i32
      %sub3A_1392 = arith.subi %sub3A_1391, %add3A_1390 : i32
      %mul3A_1393 = arith.constant 128 : i32
      %mul3A_1394 = arith.muli %mul3A_1393, %add3A_941 : i32
      %add3A_1395 = arith.addi %sub3A_1392, %mul3A_1394 : i32
      %add3A_1396 = arith.constant 0 : i32
      %add3A_1397 = arith.addi %add3A_1395, %add3A_1396 : i32
      %get3A_1398 = arith.index_cast %add3A_1397 : i32 to index
      %get3A_1399 = tpu.vector_load %arg7[%get3A_1398] {strides = array<i32>} : memref<4096xf32, #tpu.memory_space<vmem>>, vector<16xf32>,
      %swap3A_1400 = arith.constant 5 : i32
      %swap3A_1401 = arith.index_cast %rem3A_173 : i32 to index
      %swap3A_1402 = arith.index_cast %add3A_941 : i32 to index
      %swap3A_1403 = arith.index_cast %swap3A_1400 : i32 to index
      %swap3A_1404 = arith.constant 0 : index
      %swap3A_1405 = tpu.vector_load %arg8[%swap3A_1401, %swap3A_1402, %swap3A_1403, %swap3A_1404] {strides = array<i32>} : memref<4x16x8x128xf32, #tpu.memory_space<vmem>>, vector<16xf32>,
      tpu.vector_store %arg8[%swap3A_1401, %swap3A_1402, %swap3A_1403, %swap3A_1404], %get3A_1399 {strides = array<i32>} : memref<4x16x8x128xf32, #tpu.memory_space<vmem>>, vector<16xf32>,
      %add3A_1406 = arith.constant 16 : i32
      %add3A_1407 = arith.addi %add3A_1395, %add3A_1406 : i32
      %get3A_1408 = arith.index_cast %add3A_1407 : i32 to index
      %get3A_1409 = tpu.vector_load %arg7[%get3A_1408] {strides = array<i32>} : memref<4096xf32, #tpu.memory_space<vmem>>, vector<16xf32>,
      %swap3A_1410 = arith.constant 5 : i32
      %swap3A_1411 = arith.index_cast %rem3A_173 : i32 to index
      %swap3A_1412 = arith.index_cast %add3A_941 : i32 to index
      %swap3A_1413 = arith.index_cast %swap3A_1410 : i32 to index
      %swap3A_1414 = arith.constant 16 : index
      %swap3A_1415 = tpu.vector_load %arg8[%swap3A_1411, %swap3A_1412, %swap3A_1413, %swap3A_1414] {strides = array<i32>} : memref<4x16x8x128xf32, #tpu.memory_space<vmem>>, vector<16xf32>,
      tpu.vector_store %arg8[%swap3A_1411, %swap3A_1412, %swap3A_1413, %swap3A_1414], %get3A_1409 {strides = array<i32>} : memref<4x16x8x128xf32, #tpu.memory_space<vmem>>, vector<16xf32>,
      %add3A_1416 = arith.constant 32 : i32
      %add3A_1417 = arith.addi %add3A_1395, %add3A_1416 : i32
      %get3A_1418 = arith.index_cast %add3A_1417 : i32 to index
      %get3A_1419 = tpu.vector_load %arg7[%get3A_1418] {strides = array<i32>} : memref<4096xf32, #tpu.memory_space<vmem>>, vector<16xf32>,
      %swap3A_1420 = arith.constant 5 : i32
      %swap3A_1421 = arith.index_cast %rem3A_173 : i32 to index
      %swap3A_1422 = arith.index_cast %add3A_941 : i32 to index
      %swap3A_1423 = arith.index_cast %swap3A_1420 : i32 to index
      %swap3A_1424 = arith.constant 32 : index
      %swap3A_1425 = tpu.vector_load %arg8[%swap3A_1421, %swap3A_1422, %swap3A_1423, %swap3A_1424] {strides = array<i32>} : memref<4x16x8x128xf32, #tpu.memory_space<vmem>>, vector<16xf32>,
      tpu.vector_store %arg8[%swap3A_1421, %swap3A_1422, %swap3A_1423, %swap3A_1424], %get3A_1419 {strides = array<i32>} : memref<4x16x8x128xf32, #tpu.memory_space<vmem>>, vector<16xf32>,
      %add3A_1426 = arith.constant 48 : i32
      %add3A_1427 = arith.addi %add3A_1395, %add3A_1426 : i32
      %get3A_1428 = arith.index_cast %add3A_1427 : i32 to index
      %get3A_1429 = tpu.vector_load %arg7[%get3A_1428] {strides = array<i32>} : memref<4096xf32, #tpu.memory_space<vmem>>, vector<16xf32>,
      %swap3A_1430 = arith.constant 5 : i32
      %swap3A_1431 = arith.index_cast %rem3A_173 : i32 to index
      %swap3A_1432 = arith.index_cast %add3A_941 : i32 to index
      %swap3A_1433 = arith.index_cast %swap3A_1430 : i32 to index
      %swap3A_1434 = arith.constant 48 : index
      %swap3A_1435 = tpu.vector_load %arg8[%swap3A_1431, %swap3A_1432, %swap3A_1433, %swap3A_1434] {strides = array<i32>} : memref<4x16x8x128xf32, #tpu.memory_space<vmem>>, vector<16xf32>,
      tpu.vector_store %arg8[%swap3A_1431, %swap3A_1432, %swap3A_1433, %swap3A_1434], %get3A_1429 {strides = array<i32>} : memref<4x16x8x128xf32, #tpu.memory_space<vmem>>, vector<16xf32>,
      %add3A_1436 = arith.constant 64 : i32
      %add3A_1437 = arith.addi %add3A_1395, %add3A_1436 : i32
      %get3A_1438 = arith.index_cast %add3A_1437 : i32 to index
      %get3A_1439 = tpu.vector_load %arg7[%get3A_1438] {strides = array<i32>} : memref<4096xf32, #tpu.memory_space<vmem>>, vector<16xf32>,
      %swap3A_1440 = arith.constant 5 : i32
      %swap3A_1441 = arith.index_cast %rem3A_173 : i32 to index
      %swap3A_1442 = arith.index_cast %add3A_941 : i32 to index
      %swap3A_1443 = arith.index_cast %swap3A_1440 : i32 to index
      %swap3A_1444 = arith.constant 64 : index
      %swap3A_1445 = tpu.vector_load %arg8[%swap3A_1441, %swap3A_1442, %swap3A_1443, %swap3A_1444] {strides = array<i32>} : memref<4x16x8x128xf32, #tpu.memory_space<vmem>>, vector<16xf32>,
      tpu.vector_store %arg8[%swap3A_1441, %swap3A_1442, %swap3A_1443, %swap3A_1444], %get3A_1439 {strides = array<i32>} : memref<4x16x8x128xf32, #tpu.memory_space<vmem>>, vector<16xf32>,
      %add3A_1446 = arith.constant 80 : i32
      %add3A_1447 = arith.addi %add3A_1395, %add3A_1446 : i32
      %get3A_1448 = arith.index_cast %add3A_1447 : i32 to index
      %get3A_1449 = tpu.vector_load %arg7[%get3A_1448] {strides = array<i32>} : memref<4096xf32, #tpu.memory_space<vmem>>, vector<16xf32>,
      %swap3A_1450 = arith.constant 5 : i32
      %swap3A_1451 = arith.index_cast %rem3A_173 : i32 to index
      %swap3A_1452 = arith.index_cast %add3A_941 : i32 to index
      %swap3A_1453 = arith.index_cast %swap3A_1450 : i32 to index
      %swap3A_1454 = arith.constant 80 : index
      %swap3A_1455 = tpu.vector_load %arg8[%swap3A_1451, %swap3A_1452, %swap3A_1453, %swap3A_1454] {strides = array<i32>} : memref<4x16x8x128xf32, #tpu.memory_space<vmem>>, vector<16xf32>,
      tpu.vector_store %arg8[%swap3A_1451, %swap3A_1452, %swap3A_1453, %swap3A_1454], %get3A_1449 {strides = array<i32>} : memref<4x16x8x128xf32, #tpu.memory_space<vmem>>, vector<16xf32>,
      %add3A_1456 = arith.constant 96 : i32
      %add3A_1457 = arith.addi %add3A_1395, %add3A_1456 : i32
      %get3A_1458 = arith.index_cast %add3A_1457 : i32 to index
      %get3A_1459 = tpu.vector_load %arg7[%get3A_1458] {strides = array<i32>} : memref<4096xf32, #tpu.memory_space<vmem>>, vector<16xf32>,
      %swap3A_1460 = arith.constant 5 : i32
      %swap3A_1461 = arith.index_cast %rem3A_173 : i32 to index
      %swap3A_1462 = arith.index_cast %add3A_941 : i32 to index
      %swap3A_1463 = arith.index_cast %swap3A_1460 : i32 to index
      %swap3A_1464 = arith.constant 96 : index
      %swap3A_1465 = tpu.vector_load %arg8[%swap3A_1461, %swap3A_1462, %swap3A_1463, %swap3A_1464] {strides = array<i32>} : memref<4x16x8x128xf32, #tpu.memory_space<vmem>>, vector<16xf32>,
      tpu.vector_store %arg8[%swap3A_1461, %swap3A_1462, %swap3A_1463, %swap3A_1464], %get3A_1459 {strides = array<i32>} : memref<4x16x8x128xf32, #tpu.memory_space<vmem>>, vector<16xf32>,
      %add3A_1466 = arith.constant 112 : i32
      %add3A_1467 = arith.addi %add3A_1395, %add3A_1466 : i32
      %get3A_1468 = arith.index_cast %add3A_1467 : i32 to index
      %get3A_1469 = tpu.vector_load %arg7[%get3A_1468] {strides = array<i32>} : memref<4096xf32, #tpu.memory_space<vmem>>, vector<16xf32>,
      %swap3A_1470 = arith.constant 5 : i32
      %swap3A_1471 = arith.index_cast %rem3A_173 : i32 to index
      %swap3A_1472 = arith.index_cast %add3A_941 : i32 to index
      %swap3A_1473 = arith.index_cast %swap3A_1470 : i32 to index
      %swap3A_1474 = arith.constant 112 : index
      %swap3A_1475 = tpu.vector_load %arg8[%swap3A_1471, %swap3A_1472, %swap3A_1473, %swap3A_1474] {strides = array<i32>} : memref<4x16x8x128xf32, #tpu.memory_space<vmem>>, vector<16xf32>,
      tpu.vector_store %arg8[%swap3A_1471, %swap3A_1472, %swap3A_1473, %swap3A_1474], %get3A_1469 {strides = array<i32>} : memref<4x16x8x128xf32, #tpu.memory_space<vmem>>, vector<16xf32>,
      %mul3A_1476 = arith.constant 8 : i32
      %mul3A_1477 = arith.muli %mul3A_1476, %add3A_174 : i32
      %add3A_1478 = arith.constant 6 : i32
      %add3A_1479 = arith.addi %mul3A_1477, %add3A_1478 : i32
      %sub3A_1480 = arith.constant 2047 : i32
      %sub3A_1481 = arith.subi %sub3A_1480, %add3A_1479 : i32
      %mul3A_1482 = arith.constant 128 : i32
      %mul3A_1483 = arith.muli %mul3A_1482, %add3A_941 : i32
      %add3A_1484 = arith.addi %sub3A_1481, %mul3A_1483 : i32
      %add3A_1485 = arith.constant 0 : i32
      %add3A_1486 = arith.addi %add3A_1484, %add3A_1485 : i32
      %get3A_1487 = arith.index_cast %add3A_1486 : i32 to index
      %get3A_1488 = tpu.vector_load %arg7[%get3A_1487] {strides = array<i32>} : memref<4096xf32, #tpu.memory_space<vmem>>, vector<16xf32>,
      %swap3A_1489 = arith.constant 6 : i32
      %swap3A_1490 = arith.index_cast %rem3A_173 : i32 to index
      %swap3A_1491 = arith.index_cast %add3A_941 : i32 to index
      %swap3A_1492 = arith.index_cast %swap3A_1489 : i32 to index
      %swap3A_1493 = arith.constant 0 : index
      %swap3A_1494 = tpu.vector_load %arg8[%swap3A_1490, %swap3A_1491, %swap3A_1492, %swap3A_1493] {strides = array<i32>} : memref<4x16x8x128xf32, #tpu.memory_space<vmem>>, vector<16xf32>,
      tpu.vector_store %arg8[%swap3A_1490, %swap3A_1491, %swap3A_1492, %swap3A_1493], %get3A_1488 {strides = array<i32>} : memref<4x16x8x128xf32, #tpu.memory_space<vmem>>, vector<16xf32>,
      %add3A_1495 = arith.constant 16 : i32
      %add3A_1496 = arith.addi %add3A_1484, %add3A_1495 : i32
      %get3A_1497 = arith.index_cast %add3A_1496 : i32 to index
      %get3A_1498 = tpu.vector_load %arg7[%get3A_1497] {strides = array<i32>} : memref<4096xf32, #tpu.memory_space<vmem>>, vector<16xf32>,
      %swap3A_1499 = arith.constant 6 : i32
      %swap3A_1500 = arith.index_cast %rem3A_173 : i32 to index
      %swap3A_1501 = arith.index_cast %add3A_941 : i32 to index
      %swap3A_1502 = arith.index_cast %swap3A_1499 : i32 to index
      %swap3A_1503 = arith.constant 16 : index
      %swap3A_1504 = tpu.vector_load %arg8[%swap3A_1500, %swap3A_1501, %swap3A_1502, %swap3A_1503] {strides = array<i32>} : memref<4x16x8x128xf32, #tpu.memory_space<vmem>>, vector<16xf32>,
      tpu.vector_store %arg8[%swap3A_1500, %swap3A_1501, %swap3A_1502, %swap3A_1503], %get3A_1498 {strides = array<i32>} : memref<4x16x8x128xf32, #tpu.memory_space<vmem>>, vector<16xf32>,
      %add3A_1505 = arith.constant 32 : i32
      %add3A_1506 = arith.addi %add3A_1484, %add3A_1505 : i32
      %get3A_1507 = arith.index_cast %add3A_1506 : i32 to index
      %get3A_1508 = tpu.vector_load %arg7[%get3A_1507] {strides = array<i32>} : memref<4096xf32, #tpu.memory_space<vmem>>, vector<16xf32>,
      %swap3A_1509 = arith.constant 6 : i32
      %swap3A_1510 = arith.index_cast %rem3A_173 : i32 to index
      %swap3A_1511 = arith.index_cast %add3A_941 : i32 to index
      %swap3A_1512 = arith.index_cast %swap3A_1509 : i32 to index
      %swap3A_1513 = arith.constant 32 : index
      %swap3A_1514 = tpu.vector_load %arg8[%swap3A_1510, %swap3A_1511, %swap3A_1512, %swap3A_1513] {strides = array<i32>} : memref<4x16x8x128xf32, #tpu.memory_space<vmem>>, vector<16xf32>,
      tpu.vector_store %arg8[%swap3A_1510, %swap3A_1511, %swap3A_1512, %swap3A_1513], %get3A_1508 {strides = array<i32>} : memref<4x16x8x128xf32, #tpu.memory_space<vmem>>, vector<16xf32>,
      %add3A_1515 = arith.constant 48 : i32
      %add3A_1516 = arith.addi %add3A_1484, %add3A_1515 : i32
      %get3A_1517 = arith.index_cast %add3A_1516 : i32 to index
      %get3A_1518 = tpu.vector_load %arg7[%get3A_1517] {strides = array<i32>} : memref<4096xf32, #tpu.memory_space<vmem>>, vector<16xf32>,
      %swap3A_1519 = arith.constant 6 : i32
      %swap3A_1520 = arith.index_cast %rem3A_173 : i32 to index
      %swap3A_1521 = arith.index_cast %add3A_941 : i32 to index
      %swap3A_1522 = arith.index_cast %swap3A_1519 : i32 to index
      %swap3A_1523 = arith.constant 48 : index
      %swap3A_1524 = tpu.vector_load %arg8[%swap3A_1520, %swap3A_1521, %swap3A_1522, %swap3A_1523] {strides = array<i32>} : memref<4x16x8x128xf32, #tpu.memory_space<vmem>>, vector<16xf32>,
      tpu.vector_store %arg8[%swap3A_1520, %swap3A_1521, %swap3A_1522, %swap3A_1523], %get3A_1518 {strides = array<i32>} : memref<4x16x8x128xf32, #tpu.memory_space<vmem>>, vector<16xf32>,
      %add3A_1525 = arith.constant 64 : i32
      %add3A_1526 = arith.addi %add3A_1484, %add3A_1525 : i32
      %get3A_1527 = arith.index_cast %add3A_1526 : i32 to index
      %get3A_1528 = tpu.vector_load %arg7[%get3A_1527] {strides = array<i32>} : memref<4096xf32, #tpu.memory_space<vmem>>, vector<16xf32>,
      %swap3A_1529 = arith.constant 6 : i32
      %swap3A_1530 = arith.index_cast %rem3A_173 : i32 to index
      %swap3A_1531 = arith.index_cast %add3A_941 : i32 to index
      %swap3A_1532 = arith.index_cast %swap3A_1529 : i32 to index
      %swap3A_1533 = arith.constant 64 : index
      %swap3A_1534 = tpu.vector_load %arg8[%swap3A_1530, %swap3A_1531, %swap3A_1532, %swap3A_1533] {strides = array<i32>} : memref<4x16x8x128xf32, #tpu.memory_space<vmem>>, vector<16xf32>,
      tpu.vector_store %arg8[%swap3A_1530, %swap3A_1531, %swap3A_1532, %swap3A_1533], %get3A_1528 {strides = array<i32>} : memref<4x16x8x128xf32, #tpu.memory_space<vmem>>, vector<16xf32>,
      %add3A_1535 = arith.constant 80 : i32
      %add3A_1536 = arith.addi %add3A_1484, %add3A_1535 : i32
      %get3A_1537 = arith.index_cast %add3A_1536 : i32 to index
      %get3A_1538 = tpu.vector_load %arg7[%get3A_1537] {strides = array<i32>} : memref<4096xf32, #tpu.memory_space<vmem>>, vector<16xf32>,
      %swap3A_1539 = arith.constant 6 : i32
      %swap3A_1540 = arith.index_cast %rem3A_173 : i32 to index
      %swap3A_1541 = arith.index_cast %add3A_941 : i32 to index
      %swap3A_1542 = arith.index_cast %swap3A_1539 : i32 to index
      %swap3A_1543 = arith.constant 80 : index
      %swap3A_1544 = tpu.vector_load %arg8[%swap3A_1540, %swap3A_1541, %swap3A_1542, %swap3A_1543] {strides = array<i32>} : memref<4x16x8x128xf32, #tpu.memory_space<vmem>>, vector<16xf32>,
      tpu.vector_store %arg8[%swap3A_1540, %swap3A_1541, %swap3A_1542, %swap3A_1543], %get3A_1538 {strides = array<i32>} : memref<4x16x8x128xf32, #tpu.memory_space<vmem>>, vector<16xf32>,
      %add3A_1545 = arith.constant 96 : i32
      %add3A_1546 = arith.addi %add3A_1484, %add3A_1545 : i32
      %get3A_1547 = arith.index_cast %add3A_1546 : i32 to index
      %get3A_1548 = tpu.vector_load %arg7[%get3A_1547] {strides = array<i32>} : memref<4096xf32, #tpu.memory_space<vmem>>, vector<16xf32>,
      %swap3A_1549 = arith.constant 6 : i32
      %swap3A_1550 = arith.index_cast %rem3A_173 : i32 to index
      %swap3A_1551 = arith.index_cast %add3A_941 : i32 to index
      %swap3A_1552 = arith.index_cast %swap3A_1549 : i32 to index
      %swap3A_1553 = arith.constant 96 : index
      %swap3A_1554 = tpu.vector_load %arg8[%swap3A_1550, %swap3A_1551, %swap3A_1552, %swap3A_1553] {strides = array<i32>} : memref<4x16x8x128xf32, #tpu.memory_space<vmem>>, vector<16xf32>,
      tpu.vector_store %arg8[%swap3A_1550, %swap3A_1551, %swap3A_1552, %swap3A_1553], %get3A_1548 {strides = array<i32>} : memref<4x16x8x128xf32, #tpu.memory_space<vmem>>, vector<16xf32>,
      %add3A_1555 = arith.constant 112 : i32
      %add3A_1556 = arith.addi %add3A_1484, %add3A_1555 : i32
      %get3A_1557 = arith.index_cast %add3A_1556 : i32 to index
      %get3A_1558 = tpu.vector_load %arg7[%get3A_1557] {strides = array<i32>} : memref<4096xf32, #tpu.memory_space<vmem>>, vector<16xf32>,
      %swap3A_1559 = arith.constant 6 : i32
      %swap3A_1560 = arith.index_cast %rem3A_173 : i32 to index
      %swap3A_1561 = arith.index_cast %add3A_941 : i32 to index
      %swap3A_1562 = arith.index_cast %swap3A_1559 : i32 to index
      %swap3A_1563 = arith.constant 112 : index
      %swap3A_1564 = tpu.vector_load %arg8[%swap3A_1560, %swap3A_1561, %swap3A_1562, %swap3A_1563] {strides = array<i32>} : memref<4x16x8x128xf32, #tpu.memory_space<vmem>>, vector<16xf32>,
      tpu.vector_store %arg8[%swap3A_1560, %swap3A_1561, %swap3A_1562, %swap3A_1563], %get3A_1558 {strides = array<i32>} : memref<4x16x8x128xf32, #tpu.memory_space<vmem>>, vector<16xf32>,
      %mul3A_1565 = arith.constant 8 : i32
      %mul3A_1566 = arith.muli %mul3A_1565, %add3A_174 : i32
      %add3A_1567 = arith.constant 7 : i32
      %add3A_1568 = arith.addi %mul3A_1566, %add3A_1567 : i32
      %sub3A_1569 = arith.constant 2047 : i32
      %sub3A_1570 = arith.subi %sub3A_1569, %add3A_1568 : i32
      %mul3A_1571 = arith.constant 128 : i32
      %mul3A_1572 = arith.muli %mul3A_1571, %add3A_941 : i32
      %add3A_1573 = arith.addi %sub3A_1570, %mul3A_1572 : i32
      %add3A_1574 = arith.constant 0 : i32
      %add3A_1575 = arith.addi %add3A_1573, %add3A_1574 : i32
      %get3A_1576 = arith.index_cast %add3A_1575 : i32 to index
      %get3A_1577 = tpu.vector_load %arg7[%get3A_1576] {strides = array<i32>} : memref<4096xf32, #tpu.memory_space<vmem>>, vector<16xf32>,
      %swap3A_1578 = arith.constant 7 : i32
      %swap3A_1579 = arith.index_cast %rem3A_173 : i32 to index
      %swap3A_1580 = arith.index_cast %add3A_941 : i32 to index
      %swap3A_1581 = arith.index_cast %swap3A_1578 : i32 to index
      %swap3A_1582 = arith.constant 0 : index
      %swap3A_1583 = tpu.vector_load %arg8[%swap3A_1579, %swap3A_1580, %swap3A_1581, %swap3A_1582] {strides = array<i32>} : memref<4x16x8x128xf32, #tpu.memory_space<vmem>>, vector<16xf32>,
      tpu.vector_store %arg8[%swap3A_1579, %swap3A_1580, %swap3A_1581, %swap3A_1582], %get3A_1577 {strides = array<i32>} : memref<4x16x8x128xf32, #tpu.memory_space<vmem>>, vector<16xf32>,
      %add3A_1584 = arith.constant 16 : i32
      %add3A_1585 = arith.addi %add3A_1573, %add3A_1584 : i32
      %get3A_1586 = arith.index_cast %add3A_1585 : i32 to index
      %get3A_1587 = tpu.vector_load %arg7[%get3A_1586] {strides = array<i32>} : memref<4096xf32, #tpu.memory_space<vmem>>, vector<16xf32>,
      %swap3A_1588 = arith.constant 7 : i32
      %swap3A_1589 = arith.index_cast %rem3A_173 : i32 to index
      %swap3A_1590 = arith.index_cast %add3A_941 : i32 to index
      %swap3A_1591 = arith.index_cast %swap3A_1588 : i32 to index
      %swap3A_1592 = arith.constant 16 : index
      %swap3A_1593 = tpu.vector_load %arg8[%swap3A_1589, %swap3A_1590, %swap3A_1591, %swap3A_1592] {strides = array<i32>} : memref<4x16x8x128xf32, #tpu.memory_space<vmem>>, vector<16xf32>,
      tpu.vector_store %arg8[%swap3A_1589, %swap3A_1590, %swap3A_1591, %swap3A_1592], %get3A_1587 {strides = array<i32>} : memref<4x16x8x128xf32, #tpu.memory_space<vmem>>, vector<16xf32>,
      %add3A_1594 = arith.constant 32 : i32
      %add3A_1595 = arith.addi %add3A_1573, %add3A_1594 : i32
      %get3A_1596 = arith.index_cast %add3A_1595 : i32 to index
      %get3A_1597 = tpu.vector_load %arg7[%get3A_1596] {strides = array<i32>} : memref<4096xf32, #tpu.memory_space<vmem>>, vector<16xf32>,
      %swap3A_1598 = arith.constant 7 : i32
      %swap3A_1599 = arith.index_cast %rem3A_173 : i32 to index
      %swap3A_1600 = arith.index_cast %add3A_941 : i32 to index
      %swap3A_1601 = arith.index_cast %swap3A_1598 : i32 to index
      %swap3A_1602 = arith.constant 32 : index
      %swap3A_1603 = tpu.vector_load %arg8[%swap3A_1599, %swap3A_1600, %swap3A_1601, %swap3A_1602] {strides = array<i32>} : memref<4x16x8x128xf32, #tpu.memory_space<vmem>>, vector<16xf32>,
      tpu.vector_store %arg8[%swap3A_1599, %swap3A_1600, %swap3A_1601, %swap3A_1602], %get3A_1597 {strides = array<i32>} : memref<4x16x8x128xf32, #tpu.memory_space<vmem>>, vector<16xf32>,
      %add3A_1604 = arith.constant 48 : i32
      %add3A_1605 = arith.addi %add3A_1573, %add3A_1604 : i32
      %get3A_1606 = arith.index_cast %add3A_1605 : i32 to index
      %get3A_1607 = tpu.vector_load %arg7[%get3A_1606] {strides = array<i32>} : memref<4096xf32, #tpu.memory_space<vmem>>, vector<16xf32>,
      %swap3A_1608 = arith.constant 7 : i32
      %swap3A_1609 = arith.index_cast %rem3A_173 : i32 to index
      %swap3A_1610 = arith.index_cast %add3A_941 : i32 to index
      %swap3A_1611 = arith.index_cast %swap3A_1608 : i32 to index
      %swap3A_1612 = arith.constant 48 : index
      %swap3A_1613 = tpu.vector_load %arg8[%swap3A_1609, %swap3A_1610, %swap3A_1611, %swap3A_1612] {strides = array<i32>} : memref<4x16x8x128xf32, #tpu.memory_space<vmem>>, vector<16xf32>,
      tpu.vector_store %arg8[%swap3A_1609, %swap3A_1610, %swap3A_1611, %swap3A_1612], %get3A_1607 {strides = array<i32>} : memref<4x16x8x128xf32, #tpu.memory_space<vmem>>, vector<16xf32>,
      %add3A_1614 = arith.constant 64 : i32
      %add3A_1615 = arith.addi %add3A_1573, %add3A_1614 : i32
      %get3A_1616 = arith.index_cast %add3A_1615 : i32 to index
      %get3A_1617 = tpu.vector_load %arg7[%get3A_1616] {strides = array<i32>} : memref<4096xf32, #tpu.memory_space<vmem>>, vector<16xf32>,
      %swap3A_1618 = arith.constant 7 : i32
      %swap3A_1619 = arith.index_cast %rem3A_173 : i32 to index
      %swap3A_1620 = arith.index_cast %add3A_941 : i32 to index
      %swap3A_1621 = arith.index_cast %swap3A_1618 : i32 to index
      %swap3A_1622 = arith.constant 64 : index
      %swap3A_1623 = tpu.vector_load %arg8[%swap3A_1619, %swap3A_1620, %swap3A_1621, %swap3A_1622] {strides = array<i32>} : memref<4x16x8x128xf32, #tpu.memory_space<vmem>>, vector<16xf32>,
      tpu.vector_store %arg8[%swap3A_1619, %swap3A_1620, %swap3A_1621, %swap3A_1622], %get3A_1617 {strides = array<i32>} : memref<4x16x8x128xf32, #tpu.memory_space<vmem>>, vector<16xf32>,
      %add3A_1624 = arith.constant 80 : i32
      %add3A_1625 = arith.addi %add3A_1573, %add3A_1624 : i32
      %get3A_1626 = arith.index_cast %add3A_1625 : i32 to index
      %get3A_1627 = tpu.vector_load %arg7[%get3A_1626] {strides = array<i32>} : memref<4096xf32, #tpu.memory_space<vmem>>, vector<16xf32>,
      %swap3A_1628 = arith.constant 7 : i32
      %swap3A_1629 = arith.index_cast %rem3A_173 : i32 to index
      %swap3A_1630 = arith.index_cast %add3A_941 : i32 to index
      %swap3A_1631 = arith.index_cast %swap3A_1628 : i32 to index
      %swap3A_1632 = arith.constant 80 : index
      %swap3A_1633 = tpu.vector_load %arg8[%swap3A_1629, %swap3A_1630, %swap3A_1631, %swap3A_1632] {strides = array<i32>} : memref<4x16x8x128xf32, #tpu.memory_space<vmem>>, vector<16xf32>,
      tpu.vector_store %arg8[%swap3A_1629, %swap3A_1630, %swap3A_1631, %swap3A_1632], %get3A_1627 {strides = array<i32>} : memref<4x16x8x128xf32, #tpu.memory_space<vmem>>, vector<16xf32>,
      %add3A_1634 = arith.constant 96 : i32
      %add3A_1635 = arith.addi %add3A_1573, %add3A_1634 : i32
      %get3A_1636 = arith.index_cast %add3A_1635 : i32 to index
      %get3A_1637 = tpu.vector_load %arg7[%get3A_1636] {strides = array<i32>} : memref<4096xf32, #tpu.memory_space<vmem>>, vector<16xf32>,
      %swap3A_1638 = arith.constant 7 : i32
      %swap3A_1639 = arith.index_cast %rem3A_173 : i32 to index
      %swap3A_1640 = arith.index_cast %add3A_941 : i32 to index
      %swap3A_1641 = arith.index_cast %swap3A_1638 : i32 to index
      %swap3A_1642 = arith.constant 96 : index
      %swap3A_1643 = tpu.vector_load %arg8[%swap3A_1639, %swap3A_1640, %swap3A_1641, %swap3A_1642] {strides = array<i32>} : memref<4x16x8x128xf32, #tpu.memory_space<vmem>>, vector<16xf32>,
      tpu.vector_store %arg8[%swap3A_1639, %swap3A_1640, %swap3A_1641, %swap3A_1642], %get3A_1637 {strides = array<i32>} : memref<4x16x8x128xf32, #tpu.memory_space<vmem>>, vector<16xf32>,
      %add3A_1644 = arith.constant 112 : i32
      %add3A_1645 = arith.addi %add3A_1573, %add3A_1644 : i32
      %get3A_1646 = arith.index_cast %add3A_1645 : i32 to index
      %get3A_1647 = tpu.vector_load %arg7[%get3A_1646] {strides = array<i32>} : memref<4096xf32, #tpu.memory_space<vmem>>, vector<16xf32>,
      %swap3A_1648 = arith.constant 7 : i32
      %swap3A_1649 = arith.index_cast %rem3A_173 : i32 to index
      %swap3A_1650 = arith.index_cast %add3A_941 : i32 to index
      %swap3A_1651 = arith.index_cast %swap3A_1648 : i32 to index
      %swap3A_1652 = arith.constant 112 : index
      %swap3A_1653 = tpu.vector_load %arg8[%swap3A_1649, %swap3A_1650, %swap3A_1651, %swap3A_1652] {strides = array<i32>} : memref<4x16x8x128xf32, #tpu.memory_space<vmem>>, vector<16xf32>,
      tpu.vector_store %arg8[%swap3A_1649, %swap3A_1650, %swap3A_1651, %swap3A_1652], %get3A_1647 {strides = array<i32>} : memref<4x16x8x128xf32, #tpu.memory_space<vmem>>, vector<16xf32>,
      %add3A_1654 = arith.constant 2 : i32
      %add3A_1655 = arith.addi %min3A, %add3A_1654 : i32
      %mul3A_1656 = arith.constant 8 : i32
      %mul3A_1657 = arith.muli %mul3A_1656, %add3A_174 : i32
      %add3A_1658 = arith.constant 0 : i32
      %add3A_1659 = arith.addi %mul3A_1657, %add3A_1658 : i32
      %sub3A_1660 = arith.constant 2047 : i32
      %sub3A_1661 = arith.subi %sub3A_1660, %add3A_1659 : i32
      %mul3A_1662 = arith.constant 128 : i32
      %mul3A_1663 = arith.muli %mul3A_1662, %add3A_1655 : i32
      %add3A_1664 = arith.addi %sub3A_1661, %mul3A_1663 : i32
      %add3A_1665 = arith.constant 0 : i32
      %add3A_1666 = arith.addi %add3A_1664, %add3A_1665 : i32
      %get3A_1667 = arith.index_cast %add3A_1666 : i32 to index
      %get3A_1668 = tpu.vector_load %arg7[%get3A_1667] {strides = array<i32>} : memref<4096xf32, #tpu.memory_space<vmem>>, vector<16xf32>,
      %swap3A_1669 = arith.constant 0 : i32
      %swap3A_1670 = arith.index_cast %rem3A_173 : i32 to index
      %swap3A_1671 = arith.index_cast %add3A_1655 : i32 to index
      %swap3A_1672 = arith.index_cast %swap3A_1669 : i32 to index
      %swap3A_1673 = arith.constant 0 : index
      %swap3A_1674 = tpu.vector_load %arg8[%swap3A_1670, %swap3A_1671, %swap3A_1672, %swap3A_1673] {strides = array<i32>} : memref<4x16x8x128xf32, #tpu.memory_space<vmem>>, vector<16xf32>,
      tpu.vector_store %arg8[%swap3A_1670, %swap3A_1671, %swap3A_1672, %swap3A_1673], %get3A_1668 {strides = array<i32>} : memref<4x16x8x128xf32, #tpu.memory_space<vmem>>, vector<16xf32>,
      %add3A_1675 = arith.constant 16 : i32
      %add3A_1676 = arith.addi %add3A_1664, %add3A_1675 : i32
      %get3A_1677 = arith.index_cast %add3A_1676 : i32 to index
      %get3A_1678 = tpu.vector_load %arg7[%get3A_1677] {strides = array<i32>} : memref<4096xf32, #tpu.memory_space<vmem>>, vector<16xf32>,
      %swap3A_1679 = arith.constant 0 : i32
      %swap3A_1680 = arith.index_cast %rem3A_173 : i32 to index
      %swap3A_1681 = arith.index_cast %add3A_1655 : i32 to index
      %swap3A_1682 = arith.index_cast %swap3A_1679 : i32 to index
      %swap3A_1683 = arith.constant 16 : index
      %swap3A_1684 = tpu.vector_load %arg8[%swap3A_1680, %swap3A_1681, %swap3A_1682, %swap3A_1683] {strides = array<i32>} : memref<4x16x8x128xf32, #tpu.memory_space<vmem>>, vector<16xf32>,
      tpu.vector_store %arg8[%swap3A_1680, %swap3A_1681, %swap3A_1682, %swap3A_1683], %get3A_1678 {strides = array<i32>} : memref<4x16x8x128xf32, #tpu.memory_space<vmem>>, vector<16xf32>,
      %add3A_1685 = arith.constant 32 : i32
      %add3A_1686 = arith.addi %add3A_1664, %add3A_1685 : i32
      %get3A_1687 = arith.index_cast %add3A_1686 : i32 to index
      %get3A_1688 = tpu.vector_load %arg7[%get3A_1687] {strides = array<i32>} : memref<4096xf32, #tpu.memory_space<vmem>>, vector<16xf32>,
      %swap3A_1689 = arith.constant 0 : i32
      %swap3A_1690 = arith.index_cast %rem3A_173 : i32 to index
      %swap3A_1691 = arith.index_cast %add3A_1655 : i32 to index
      %swap3A_1692 = arith.index_cast %swap3A_1689 : i32 to index
      %swap3A_1693 = arith.constant 32 : index
      %swap3A_1694 = tpu.vector_load %arg8[%swap3A_1690, %swap3A_1691, %swap3A_1692, %swap3A_1693] {strides = array<i32>} : memref<4x16x8x128xf32, #tpu.memory_space<vmem>>, vector<16xf32>,
      tpu.vector_store %arg8[%swap3A_1690, %swap3A_1691, %swap3A_1692, %swap3A_1693], %get3A_1688 {strides = array<i32>} : memref<4x16x8x128xf32, #tpu.memory_space<vmem>>, vector<16xf32>,
      %add3A_1695 = arith.constant 48 : i32
      %add3A_1696 = arith.addi %add3A_1664, %add3A_1695 : i32
      %get3A_1697 = arith.index_cast %add3A_1696 : i32 to index
      %get3A_1698 = tpu.vector_load %arg7[%get3A_1697] {strides = array<i32>} : memref<4096xf32, #tpu.memory_space<vmem>>, vector<16xf32>,
      %swap3A_1699 = arith.constant 0 : i32
      %swap3A_1700 = arith.index_cast %rem3A_173 : i32 to index
      %swap3A_1701 = arith.index_cast %add3A_1655 : i32 to index
      %swap3A_1702 = arith.index_cast %swap3A_1699 : i32 to index
      %swap3A_1703 = arith.constant 48 : index
      %swap3A_1704 = tpu.vector_load %arg8[%swap3A_1700, %swap3A_1701, %swap3A_1702, %swap3A_1703] {strides = array<i32>} : memref<4x16x8x128xf32, #tpu.memory_space<vmem>>, vector<16xf32>,
      tpu.vector_store %arg8[%swap3A_1700, %swap3A_1701, %swap3A_1702, %swap3A_1703], %get3A_1698 {strides = array<i32>} : memref<4x16x8x128xf32, #tpu.memory_space<vmem>>, vector<16xf32>,
      %add3A_1705 = arith.constant 64 : i32
      %add3A_1706 = arith.addi %add3A_1664, %add3A_1705 : i32
      %get3A_1707 = arith.index_cast %add3A_1706 : i32 to index
      %get3A_1708 = tpu.vector_load %arg7[%get3A_1707] {strides = array<i32>} : memref<4096xf32, #tpu.memory_space<vmem>>, vector<16xf32>,
      %swap3A_1709 = arith.constant 0 : i32
      %swap3A_1710 = arith.index_cast %rem3A_173 : i32 to index
      %swap3A_1711 = arith.index_cast %add3A_1655 : i32 to index
      %swap3A_1712 = arith.index_cast %swap3A_1709 : i32 to index
      %swap3A_1713 = arith.constant 64 : index
      %swap3A_1714 = tpu.vector_load %arg8[%swap3A_1710, %swap3A_1711, %swap3A_1712, %swap3A_1713] {strides = array<i32>} : memref<4x16x8x128xf32, #tpu.memory_space<vmem>>, vector<16xf32>,
      tpu.vector_store %arg8[%swap3A_1710, %swap3A_1711, %swap3A_1712, %swap3A_1713], %get3A_1708 {strides = array<i32>} : memref<4x16x8x128xf32, #tpu.memory_space<vmem>>, vector<16xf32>,
      %add3A_1715 = arith.constant 80 : i32
      %add3A_1716 = arith.addi %add3A_1664, %add3A_1715 : i32
      %get3A_1717 = arith.index_cast %add3A_1716 : i32 to index
      %get3A_1718 = tpu.vector_load %arg7[%get3A_1717] {strides = array<i32>} : memref<4096xf32, #tpu.memory_space<vmem>>, vector<16xf32>,
      %swap3A_1719 = arith.constant 0 : i32
      %swap3A_1720 = arith.index_cast %rem3A_173 : i32 to index
      %swap3A_1721 = arith.index_cast %add3A_1655 : i32 to index
      %swap3A_1722 = arith.index_cast %swap3A_1719 : i32 to index
      %swap3A_1723 = arith.constant 80 : index
      %swap3A_1724 = tpu.vector_load %arg8[%swap3A_1720, %swap3A_1721, %swap3A_1722, %swap3A_1723] {strides = array<i32>} : memref<4x16x8x128xf32, #tpu.memory_space<vmem>>, vector<16xf32>,
      tpu.vector_store %arg8[%swap3A_1720, %swap3A_1721, %swap3A_1722, %swap3A_1723], %get3A_1718 {strides = array<i32>} : memref<4x16x8x128xf32, #tpu.memory_space<vmem>>, vector<16xf32>,
      %add3A_1725 = arith.constant 96 : i32
      %add3A_1726 = arith.addi %add3A_1664, %add3A_1725 : i32
      %get3A_1727 = arith.index_cast %add3A_1726 : i32 to index
      %get3A_1728 = tpu.vector_load %arg7[%get3A_1727] {strides = array<i32>} : memref<4096xf32, #tpu.memory_space<vmem>>, vector<16xf32>,
      %swap3A_1729 = arith.constant 0 : i32
      %swap3A_1730 = arith.index_cast %rem3A_173 : i32 to index
      %swap3A_1731 = arith.index_cast %add3A_1655 : i32 to index
      %swap3A_1732 = arith.index_cast %swap3A_1729 : i32 to index
      %swap3A_1733 = arith.constant 96 : index
      %swap3A_1734 = tpu.vector_load %arg8[%swap3A_1730, %swap3A_1731, %swap3A_1732, %swap3A_1733] {strides = array<i32>} : memref<4x16x8x128xf32, #tpu.memory_space<vmem>>, vector<16xf32>,
      tpu.vector_store %arg8[%swap3A_1730, %swap3A_1731, %swap3A_1732, %swap3A_1733], %get3A_1728 {strides = array<i32>} : memref<4x16x8x128xf32, #tpu.memory_space<vmem>>, vector<16xf32>,
      %add3A_1735 = arith.constant 112 : i32
      %add3A_1736 = arith.addi %add3A_1664, %add3A_1735 : i32
      %get3A_1737 = arith.index_cast %add3A_1736 : i32 to index
      %get3A_1738 = tpu.vector_load %arg7[%get3A_1737] {strides = array<i32>} : memref<4096xf32, #tpu.memory_space<vmem>>, vector<16xf32>,
      %swap3A_1739 = arith.constant 0 : i32
      %swap3A_1740 = arith.index_cast %rem3A_173 : i32 to index
      %swap3A_1741 = arith.index_cast %add3A_1655 : i32 to index
      %swap3A_1742 = arith.index_cast %swap3A_1739 : i32 to index
      %swap3A_1743 = arith.constant 112 : index
      %swap3A_1744 = tpu.vector_load %arg8[%swap3A_1740, %swap3A_1741, %swap3A_1742, %swap3A_1743] {strides = array<i32>} : memref<4x16x8x128xf32, #tpu.memory_space<vmem>>, vector<16xf32>,
      tpu.vector_store %arg8[%swap3A_1740, %swap3A_1741, %swap3A_1742, %swap3A_1743], %get3A_1738 {strides = array<i32>} : memref<4x16x8x128xf32, #tpu.memory_space<vmem>>, vector<16xf32>,
      %mul3A_1745 = arith.constant 8 : i32
      %mul3A_1746 = arith.muli %mul3A_1745, %add3A_174 : i32
      %add3A_1747 = arith.constant 1 : i32
      %add3A_1748 = arith.addi %mul3A_1746, %add3A_1747 : i32
      %sub3A_1749 = arith.constant 2047 : i32
      %sub3A_1750 = arith.subi %sub3A_1749, %add3A_1748 : i32
      %mul3A_1751 = arith.constant 128 : i32
      %mul3A_1752 = arith.muli %mul3A_1751, %add3A_1655 : i32
      %add3A_1753 = arith.addi %sub3A_1750, %mul3A_1752 : i32
      %add3A_1754 = arith.constant 0 : i32
      %add3A_1755 = arith.addi %add3A_1753, %add3A_1754 : i32
      %get3A_1756 = arith.index_cast %add3A_1755 : i32 to index
      %get3A_1757 = tpu.vector_load %arg7[%get3A_1756] {strides = array<i32>} : memref<4096xf32, #tpu.memory_space<vmem>>, vector<16xf32>,
      %swap3A_1758 = arith.constant 1 : i32
      %swap3A_1759 = arith.index_cast %rem3A_173 : i32 to index
      %swap3A_1760 = arith.index_cast %add3A_1655 : i32 to index
      %swap3A_1761 = arith.index_cast %swap3A_1758 : i32 to index
      %swap3A_1762 = arith.constant 0 : index
      %swap3A_1763 = tpu.vector_load %arg8[%swap3A_1759, %swap3A_1760, %swap3A_1761, %swap3A_1762] {strides = array<i32>} : memref<4x16x8x128xf32, #tpu.memory_space<vmem>>, vector<16xf32>,
      tpu.vector_store %arg8[%swap3A_1759, %swap3A_1760, %swap3A_1761, %swap3A_1762], %get3A_1757 {strides = array<i32>} : memref<4x16x8x128xf32, #tpu.memory_space<vmem>>, vector<16xf32>,
      %add3A_1764 = arith.constant 16 : i32
      %add3A_1765 = arith.addi %add3A_1753, %add3A_1764 : i32
      %get3A_1766 = arith.index_cast %add3A_1765 : i32 to index
      %get3A_1767 = tpu.vector_load %arg7[%get3A_1766] {strides = array<i32>} : memref<4096xf32, #tpu.memory_space<vmem>>, vector<16xf32>,
      %swap3A_1768 = arith.constant 1 : i32
      %swap3A_1769 = arith.index_cast %rem3A_173 : i32 to index
      %swap3A_1770 = arith.index_cast %add3A_1655 : i32 to index
      %swap3A_1771 = arith.index_cast %swap3A_1768 : i32 to index
      %swap3A_1772 = arith.constant 16 : index
      %swap3A_1773 = tpu.vector_load %arg8[%swap3A_1769, %swap3A_1770, %swap3A_1771, %swap3A_1772] {strides = array<i32>} : memref<4x16x8x128xf32, #tpu.memory_space<vmem>>, vector<16xf32>,
      tpu.vector_store %arg8[%swap3A_1769, %swap3A_1770, %swap3A_1771, %swap3A_1772], %get3A_1767 {strides = array<i32>} : memref<4x16x8x128xf32, #tpu.memory_space<vmem>>, vector<16xf32>,
      %add3A_1774 = arith.constant 32 : i32
      %add3A_1775 = arith.addi %add3A_1753, %add3A_1774 : i32
      %get3A_1776 = arith.index_cast %add3A_1775 : i32 to index
      %get3A_1777 = tpu.vector_load %arg7[%get3A_1776] {strides = array<i32>} : memref<4096xf32, #tpu.memory_space<vmem>>, vector<16xf32>,
      %swap3A_1778 = arith.constant 1 : i32
      %swap3A_1779 = arith.index_cast %rem3A_173 : i32 to index
      %swap3A_1780 = arith.index_cast %add3A_1655 : i32 to index
      %swap3A_1781 = arith.index_cast %swap3A_1778 : i32 to index
      %swap3A_1782 = arith.constant 32 : index
      %swap3A_1783 = tpu.vector_load %arg8[%swap3A_1779, %swap3A_1780, %swap3A_1781, %swap3A_1782] {strides = array<i32>} : memref<4x16x8x128xf32, #tpu.memory_space<vmem>>, vector<16xf32>,
      tpu.vector_store %arg8[%swap3A_1779, %swap3A_1780, %swap3A_1781, %swap3A_1782], %get3A_1777 {strides = array<i32>} : memref<4x16x8x128xf32, #tpu.memory_space<vmem>>, vector<16xf32>,
      %add3A_1784 = arith.constant 48 : i32
      %add3A_1785 = arith.addi %add3A_1753, %add3A_1784 : i32
      %get3A_1786 = arith.index_cast %add3A_1785 : i32 to index
      %get3A_1787 = tpu.vector_load %arg7[%get3A_1786] {strides = array<i32>} : memref<4096xf32, #tpu.memory_space<vmem>>, vector<16xf32>,
      %swap3A_1788 = arith.constant 1 : i32
      %swap3A_1789 = arith.index_cast %rem3A_173 : i32 to index
      %swap3A_1790 = arith.index_cast %add3A_1655 : i32 to index
      %swap3A_1791 = arith.index_cast %swap3A_1788 : i32 to index
      %swap3A_1792 = arith.constant 48 : index
      %swap3A_1793 = tpu.vector_load %arg8[%swap3A_1789, %swap3A_1790, %swap3A_1791, %swap3A_1792] {strides = array<i32>} : memref<4x16x8x128xf32, #tpu.memory_space<vmem>>, vector<16xf32>,
      tpu.vector_store %arg8[%swap3A_1789, %swap3A_1790, %swap3A_1791, %swap3A_1792], %get3A_1787 {strides = array<i32>} : memref<4x16x8x128xf32, #tpu.memory_space<vmem>>, vector<16xf32>,
      %add3A_1794 = arith.constant 64 : i32
      %add3A_1795 = arith.addi %add3A_1753, %add3A_1794 : i32
      %get3A_1796 = arith.index_cast %add3A_1795 : i32 to index
      %get3A_1797 = tpu.vector_load %arg7[%get3A_1796] {strides = array<i32>} : memref<4096xf32, #tpu.memory_space<vmem>>, vector<16xf32>,
      %swap3A_1798 = arith.constant 1 : i32
      %swap3A_1799 = arith.index_cast %rem3A_173 : i32 to index
      %swap3A_1800 = arith.index_cast %add3A_1655 : i32 to index
      %swap3A_1801 = arith.index_cast %swap3A_1798 : i32 to index
      %swap3A_1802 = arith.constant 64 : index
      %swap3A_1803 = tpu.vector_load %arg8[%swap3A_1799, %swap3A_1800, %swap3A_1801, %swap3A_1802] {strides = array<i32>} : memref<4x16x8x128xf32, #tpu.memory_space<vmem>>, vector<16xf32>,
      tpu.vector_store %arg8[%swap3A_1799, %swap3A_1800, %swap3A_1801, %swap3A_1802], %get3A_1797 {strides = array<i32>} : memref<4x16x8x128xf32, #tpu.memory_space<vmem>>, vector<16xf32>,
      %add3A_1804 = arith.constant 80 : i32
      %add3A_1805 = arith.addi %add3A_1753, %add3A_1804 : i32
      %get3A_1806 = arith.index_cast %add3A_1805 : i32 to index
      %get3A_1807 = tpu.vector_load %arg7[%get3A_1806] {strides = array<i32>} : memref<4096xf32, #tpu.memory_space<vmem>>, vector<16xf32>,
      %swap3A_1808 = arith.constant 1 : i32
      %swap3A_1809 = arith.index_cast %rem3A_173 : i32 to index
      %swap3A_1810 = arith.index_cast %add3A_1655 : i32 to index
      %swap3A_1811 = arith.index_cast %swap3A_1808 : i32 to index
      %swap3A_1812 = arith.constant 80 : index
      %swap3A_1813 = tpu.vector_load %arg8[%swap3A_1809, %swap3A_1810, %swap3A_1811, %swap3A_1812] {strides = array<i32>} : memref<4x16x8x128xf32, #tpu.memory_space<vmem>>, vector<16xf32>,
      tpu.vector_store %arg8[%swap3A_1809, %swap3A_1810, %swap3A_1811, %swap3A_1812], %get3A_1807 {strides = array<i32>} : memref<4x16x8x128xf32, #tpu.memory_space<vmem>>, vector<16xf32>,
      %add3A_1814 = arith.constant 96 : i32
      %add3A_1815 = arith.addi %add3A_1753, %add3A_1814 : i32
      %get3A_1816 = arith.index_cast %add3A_1815 : i32 to index
      %get3A_1817 = tpu.vector_load %arg7[%get3A_1816] {strides = array<i32>} : memref<4096xf32, #tpu.memory_space<vmem>>, vector<16xf32>,
      %swap3A_1818 = arith.constant 1 : i32
      %swap3A_1819 = arith.index_cast %rem3A_173 : i32 to index
      %swap3A_1820 = arith.index_cast %add3A_1655 : i32 to index
      %swap3A_1821 = arith.index_cast %swap3A_1818 : i32 to index
      %swap3A_1822 = arith.constant 96 : index
      %swap3A_1823 = tpu.vector_load %arg8[%swap3A_1819, %swap3A_1820, %swap3A_1821, %swap3A_1822] {strides = array<i32>} : memref<4x16x8x128xf32, #tpu.memory_space<vmem>>, vector<16xf32>,
      tpu.vector_store %arg8[%swap3A_1819, %swap3A_1820, %swap3A_1821, %swap3A_1822], %get3A_1817 {strides = array<i32>} : memref<4x16x8x128xf32, #tpu.memory_space<vmem>>, vector<16xf32>,
      %add3A_1824 = arith.constant 112 : i32
      %add3A_1825 = arith.addi %add3A_1753, %add3A_1824 : i32
      %get3A_1826 = arith.index_cast %add3A_1825 : i32 to index
      %get3A_1827 = tpu.vector_load %arg7[%get3A_1826] {strides = array<i32>} : memref<4096xf32, #tpu.memory_space<vmem>>, vector<16xf32>,
      %swap3A_1828 = arith.constant 1 : i32
      %swap3A_1829 = arith.index_cast %rem3A_173 : i32 to index
      %swap3A_1830 = arith.index_cast %add3A_1655 : i32 to index
      %swap3A_1831 = arith.index_cast %swap3A_1828 : i32 to index
      %swap3A_1832 = arith.constant 112 : index
      %swap3A_1833 = tpu.vector_load %arg8[%swap3A_1829, %swap3A_1830, %swap3A_1831, %swap3A_1832] {strides = array<i32>} : memref<4x16x8x128xf32, #tpu.memory_space<vmem>>, vector<16xf32>,
      tpu.vector_store %arg8[%swap3A_1829, %swap3A_1830, %swap3A_1831, %swap3A_1832], %get3A_1827 {strides = array<i32>} : memref<4x16x8x128xf32, #tpu.memory_space<vmem>>, vector<16xf32>,
      %mul3A_1834 = arith.constant 8 : i32
      %mul3A_1835 = arith.muli %mul3A_1834, %add3A_174 : i32
      %add3A_1836 = arith.constant 2 : i32
      %add3A_1837 = arith.addi %mul3A_1835, %add3A_1836 : i32
      %sub3A_1838 = arith.constant 2047 : i32
      %sub3A_1839 = arith.subi %sub3A_1838, %add3A_1837 : i32
      %mul3A_1840 = arith.constant 128 : i32
      %mul3A_1841 = arith.muli %mul3A_1840, %add3A_1655 : i32
      %add3A_1842 = arith.addi %sub3A_1839, %mul3A_1841 : i32
      %add3A_1843 = arith.constant 0 : i32
      %add3A_1844 = arith.addi %add3A_1842, %add3A_1843 : i32
      %get3A_1845 = arith.index_cast %add3A_1844 : i32 to index
      %get3A_1846 = tpu.vector_load %arg7[%get3A_1845] {strides = array<i32>} : memref<4096xf32, #tpu.memory_space<vmem>>, vector<16xf32>,
      %swap3A_1847 = arith.constant 2 : i32
      %swap3A_1848 = arith.index_cast %rem3A_173 : i32 to index
      %swap3A_1849 = arith.index_cast %add3A_1655 : i32 to index
      %swap3A_1850 = arith.index_cast %swap3A_1847 : i32 to index
      %swap3A_1851 = arith.constant 0 : index
      %swap3A_1852 = tpu.vector_load %arg8[%swap3A_1848, %swap3A_1849, %swap3A_1850, %swap3A_1851] {strides = array<i32>} : memref<4x16x8x128xf32, #tpu.memory_space<vmem>>, vector<16xf32>,
      tpu.vector_store %arg8[%swap3A_1848, %swap3A_1849, %swap3A_1850, %swap3A_1851], %get3A_1846 {strides = array<i32>} : memref<4x16x8x128xf32, #tpu.memory_space<vmem>>, vector<16xf32>,
      %add3A_1853 = arith.constant 16 : i32
      %add3A_1854 = arith.addi %add3A_1842, %add3A_1853 : i32
      %get3A_1855 = arith.index_cast %add3A_1854 : i32 to index
      %get3A_1856 = tpu.vector_load %arg7[%get3A_1855] {strides = array<i32>} : memref<4096xf32, #tpu.memory_space<vmem>>, vector<16xf32>,
      %swap3A_1857 = arith.constant 2 : i32
      %swap3A_1858 = arith.index_cast %rem3A_173 : i32 to index
      %swap3A_1859 = arith.index_cast %add3A_1655 : i32 to index
      %swap3A_1860 = arith.index_cast %swap3A_1857 : i32 to index
      %swap3A_1861 = arith.constant 16 : index
      %swap3A_1862 = tpu.vector_load %arg8[%swap3A_1858, %swap3A_1859, %swap3A_1860, %swap3A_1861] {strides = array<i32>} : memref<4x16x8x128xf32, #tpu.memory_space<vmem>>, vector<16xf32>,
      tpu.vector_store %arg8[%swap3A_1858, %swap3A_1859, %swap3A_1860, %swap3A_1861], %get3A_1856 {strides = array<i32>} : memref<4x16x8x128xf32, #tpu.memory_space<vmem>>, vector<16xf32>,
      %add3A_1863 = arith.constant 32 : i32
      %add3A_1864 = arith.addi %add3A_1842, %add3A_1863 : i32
      %get3A_1865 = arith.index_cast %add3A_1864 : i32 to index
      %get3A_1866 = tpu.vector_load %arg7[%get3A_1865] {strides = array<i32>} : memref<4096xf32, #tpu.memory_space<vmem>>, vector<16xf32>,
      %swap3A_1867 = arith.constant 2 : i32
      %swap3A_1868 = arith.index_cast %rem3A_173 : i32 to index
      %swap3A_1869 = arith.index_cast %add3A_1655 : i32 to index
      %swap3A_1870 = arith.index_cast %swap3A_1867 : i32 to index
      %swap3A_1871 = arith.constant 32 : index
      %swap3A_1872 = tpu.vector_load %arg8[%swap3A_1868, %swap3A_1869, %swap3A_1870, %swap3A_1871] {strides = array<i32>} : memref<4x16x8x128xf32, #tpu.memory_space<vmem>>, vector<16xf32>,
      tpu.vector_store %arg8[%swap3A_1868, %swap3A_1869, %swap3A_1870, %swap3A_1871], %get3A_1866 {strides = array<i32>} : memref<4x16x8x128xf32, #tpu.memory_space<vmem>>, vector<16xf32>,
      %add3A_1873 = arith.constant 48 : i32
      %add3A_1874 = arith.addi %add3A_1842, %add3A_1873 : i32
      %get3A_1875 = arith.index_cast %add3A_1874 : i32 to index
      %get3A_1876 = tpu.vector_load %arg7[%get3A_1875] {strides = array<i32>} : memref<4096xf32, #tpu.memory_space<vmem>>, vector<16xf32>,
      %swap3A_1877 = arith.constant 2 : i32
      %swap3A_1878 = arith.index_cast %rem3A_173 : i32 to index
      %swap3A_1879 = arith.index_cast %add3A_1655 : i32 to index
      %swap3A_1880 = arith.index_cast %swap3A_1877 : i32 to index
      %swap3A_1881 = arith.constant 48 : index
      %swap3A_1882 = tpu.vector_load %arg8[%swap3A_1878, %swap3A_1879, %swap3A_1880, %swap3A_1881] {strides = array<i32>} : memref<4x16x8x128xf32, #tpu.memory_space<vmem>>, vector<16xf32>,
      tpu.vector_store %arg8[%swap3A_1878, %swap3A_1879, %swap3A_1880, %swap3A_1881], %get3A_1876 {strides = array<i32>} : memref<4x16x8x128xf32, #tpu.memory_space<vmem>>, vector<16xf32>,
      %add3A_1883 = arith.constant 64 : i32
      %add3A_1884 = arith.addi %add3A_1842, %add3A_1883 : i32
      %get3A_1885 = arith.index_cast %add3A_1884 : i32 to index
      %get3A_1886 = tpu.vector_load %arg7[%get3A_1885] {strides = array<i32>} : memref<4096xf32, #tpu.memory_space<vmem>>, vector<16xf32>,
      %swap3A_1887 = arith.constant 2 : i32
      %swap3A_1888 = arith.index_cast %rem3A_173 : i32 to index
      %swap3A_1889 = arith.index_cast %add3A_1655 : i32 to index
      %swap3A_1890 = arith.index_cast %swap3A_1887 : i32 to index
      %swap3A_1891 = arith.constant 64 : index
      %swap3A_1892 = tpu.vector_load %arg8[%swap3A_1888, %swap3A_1889, %swap3A_1890, %swap3A_1891] {strides = array<i32>} : memref<4x16x8x128xf32, #tpu.memory_space<vmem>>, vector<16xf32>,
      tpu.vector_store %arg8[%swap3A_1888, %swap3A_1889, %swap3A_1890, %swap3A_1891], %get3A_1886 {strides = array<i32>} : memref<4x16x8x128xf32, #tpu.memory_space<vmem>>, vector<16xf32>,
      %add3A_1893 = arith.constant 80 : i32
      %add3A_1894 = arith.addi %add3A_1842, %add3A_1893 : i32
      %get3A_1895 = arith.index_cast %add3A_1894 : i32 to index
      %get3A_1896 = tpu.vector_load %arg7[%get3A_1895] {strides = array<i32>} : memref<4096xf32, #tpu.memory_space<vmem>>, vector<16xf32>,
      %swap3A_1897 = arith.constant 2 : i32
      %swap3A_1898 = arith.index_cast %rem3A_173 : i32 to index
      %swap3A_1899 = arith.index_cast %add3A_1655 : i32 to index
      %swap3A_1900 = arith.index_cast %swap3A_1897 : i32 to index
      %swap3A_1901 = arith.constant 80 : index
      %swap3A_1902 = tpu.vector_load %arg8[%swap3A_1898, %swap3A_1899, %swap3A_1900, %swap3A_1901] {strides = array<i32>} : memref<4x16x8x128xf32, #tpu.memory_space<vmem>>, vector<16xf32>,
      tpu.vector_store %arg8[%swap3A_1898, %swap3A_1899, %swap3A_1900, %swap3A_1901], %get3A_1896 {strides = array<i32>} : memref<4x16x8x128xf32, #tpu.memory_space<vmem>>, vector<16xf32>,
      %add3A_1903 = arith.constant 96 : i32
      %add3A_1904 = arith.addi %add3A_1842, %add3A_1903 : i32
      %get3A_1905 = arith.index_cast %add3A_1904 : i32 to index
      %get3A_1906 = tpu.vector_load %arg7[%get3A_1905] {strides = array<i32>} : memref<4096xf32, #tpu.memory_space<vmem>>, vector<16xf32>,
      %swap3A_1907 = arith.constant 2 : i32
      %swap3A_1908 = arith.index_cast %rem3A_173 : i32 to index
      %swap3A_1909 = arith.index_cast %add3A_1655 : i32 to index
      %swap3A_1910 = arith.index_cast %swap3A_1907 : i32 to index
      %swap3A_1911 = arith.constant 96 : index
      %swap3A_1912 = tpu.vector_load %arg8[%swap3A_1908, %swap3A_1909, %swap3A_1910, %swap3A_1911] {strides = array<i32>} : memref<4x16x8x128xf32, #tpu.memory_space<vmem>>, vector<16xf32>,
      tpu.vector_store %arg8[%swap3A_1908, %swap3A_1909, %swap3A_1910, %swap3A_1911], %get3A_1906 {strides = array<i32>} : memref<4x16x8x128xf32, #tpu.memory_space<vmem>>, vector<16xf32>,
      %add3A_1913 = arith.constant 112 : i32
      %add3A_1914 = arith.addi %add3A_1842, %add3A_1913 : i32
      %get3A_1915 = arith.index_cast %add3A_1914 : i32 to index
      %get3A_1916 = tpu.vector_load %arg7[%get3A_1915] {strides = array<i32>} : memref<4096xf32, #tpu.memory_space<vmem>>, vector<16xf32>,
      %swap3A_1917 = arith.constant 2 : i32
      %swap3A_1918 = arith.index_cast %rem3A_173 : i32 to index
      %swap3A_1919 = arith.index_cast %add3A_1655 : i32 to index
      %swap3A_1920 = arith.index_cast %swap3A_1917 : i32 to index
      %swap3A_1921 = arith.constant 112 : index
      %swap3A_1922 = tpu.vector_load %arg8[%swap3A_1918, %swap3A_1919, %swap3A_1920, %swap3A_1921] {strides = array<i32>} : memref<4x16x8x128xf32, #tpu.memory_space<vmem>>, vector<16xf32>,
      tpu.vector_store %arg8[%swap3A_1918, %swap3A_1919, %swap3A_1920, %swap3A_1921], %get3A_1916 {strides = array<i32>} : memref<4x16x8x128xf32, #tpu.memory_space<vmem>>, vector<16xf32>,
      %mul3A_1923 = arith.constant 8 : i32
      %mul3A_1924 = arith.muli %mul3A_1923, %add3A_174 : i32
      %add3A_1925 = arith.constant 3 : i32
      %add3A_1926 = arith.addi %mul3A_1924, %add3A_1925 : i32
      %sub3A_1927 = arith.constant 2047 : i32
      %sub3A_1928 = arith.subi %sub3A_1927, %add3A_1926 : i32
      %mul3A_1929 = arith.constant 128 : i32
      %mul3A_1930 = arith.muli %mul3A_1929, %add3A_1655 : i32
      %add3A_1931 = arith.addi %sub3A_1928, %mul3A_1930 : i32
      %add3A_1932 = arith.constant 0 : i32
      %add3A_1933 = arith.addi %add3A_1931, %add3A_1932 : i32
      %get3A_1934 = arith.index_cast %add3A_1933 : i32 to index
      %get3A_1935 = tpu.vector_load %arg7[%get3A_1934] {strides = array<i32>} : memref<4096xf32, #tpu.memory_space<vmem>>, vector<16xf32>,
      %swap3A_1936 = arith.constant 3 : i32
      %swap3A_1937 = arith.index_cast %rem3A_173 : i32 to index
      %swap3A_1938 = arith.index_cast %add3A_1655 : i32 to index
      %swap3A_1939 = arith.index_cast %swap3A_1936 : i32 to index
      %swap3A_1940 = arith.constant 0 : index
      %swap3A_1941 = tpu.vector_load %arg8[%swap3A_1937, %swap3A_1938, %swap3A_1939, %swap3A_1940] {strides = array<i32>} : memref<4x16x8x128xf32, #tpu.memory_space<vmem>>, vector<16xf32>,
      tpu.vector_store %arg8[%swap3A_1937, %swap3A_1938, %swap3A_1939, %swap3A_1940], %get3A_1935 {strides = array<i32>} : memref<4x16x8x128xf32, #tpu.memory_space<vmem>>, vector<16xf32>,
      %add3A_1942 = arith.constant 16 : i32
      %add3A_1943 = arith.addi %add3A_1931, %add3A_1942 : i32
      %get3A_1944 = arith.index_cast %add3A_1943 : i32 to index
      %get3A_1945 = tpu.vector_load %arg7[%get3A_1944] {strides = array<i32>} : memref<4096xf32, #tpu.memory_space<vmem>>, vector<16xf32>,
      %swap3A_1946 = arith.constant 3 : i32
      %swap3A_1947 = arith.index_cast %rem3A_173 : i32 to index
      %swap3A_1948 = arith.index_cast %add3A_1655 : i32 to index
      %swap3A_1949 = arith.index_cast %swap3A_1946 : i32 to index
      %swap3A_1950 = arith.constant 16 : index
      %swap3A_1951 = tpu.vector_load %arg8[%swap3A_1947, %swap3A_1948, %swap3A_1949, %swap3A_1950] {strides = array<i32>} : memref<4x16x8x128xf32, #tpu.memory_space<vmem>>, vector<16xf32>,
      tpu.vector_store %arg8[%swap3A_1947, %swap3A_1948, %swap3A_1949, %swap3A_1950], %get3A_1945 {strides = array<i32>} : memref<4x16x8x128xf32, #tpu.memory_space<vmem>>, vector<16xf32>,
      %add3A_1952 = arith.constant 32 : i32
      %add3A_1953 = arith.addi %add3A_1931, %add3A_1952 : i32
      %get3A_1954 = arith.index_cast %add3A_1953 : i32 to index
      %get3A_1955 = tpu.vector_load %arg7[%get3A_1954] {strides = array<i32>} : memref<4096xf32, #tpu.memory_space<vmem>>, vector<16xf32>,
      %swap3A_1956 = arith.constant 3 : i32
      %swap3A_1957 = arith.index_cast %rem3A_173 : i32 to index
      %swap3A_1958 = arith.index_cast %add3A_1655 : i32 to index
      %swap3A_1959 = arith.index_cast %swap3A_1956 : i32 to index
      %swap3A_1960 = arith.constant 32 : index
      %swap3A_1961 = tpu.vector_load %arg8[%swap3A_1957, %swap3A_1958, %swap3A_1959, %swap3A_1960] {strides = array<i32>} : memref<4x16x8x128xf32, #tpu.memory_space<vmem>>, vector<16xf32>,
      tpu.vector_store %arg8[%swap3A_1957, %swap3A_1958, %swap3A_1959, %swap3A_1960], %get3A_1955 {strides = array<i32>} : memref<4x16x8x128xf32, #tpu.memory_space<vmem>>, vector<16xf32>,
      %add3A_1962 = arith.constant 48 : i32
      %add3A_1963 = arith.addi %add3A_1931, %add3A_1962 : i32
      %get3A_1964 = arith.index_cast %add3A_1963 : i32 to index
      %get3A_1965 = tpu.vector_load %arg7[%get3A_1964] {strides = array<i32>} : memref<4096xf32, #tpu.memory_space<vmem>>, vector<16xf32>,
      %swap3A_1966 = arith.constant 3 : i32
      %swap3A_1967 = arith.index_cast %rem3A_173 : i32 to index
      %swap3A_1968 = arith.index_cast %add3A_1655 : i32 to index
      %swap3A_1969 = arith.index_cast %swap3A_1966 : i32 to index
      %swap3A_1970 = arith.constant 48 : index
      %swap3A_1971 = tpu.vector_load %arg8[%swap3A_1967, %swap3A_1968, %swap3A_1969, %swap3A_1970] {strides = array<i32>} : memref<4x16x8x128xf32, #tpu.memory_space<vmem>>, vector<16xf32>,
      tpu.vector_store %arg8[%swap3A_1967, %swap3A_1968, %swap3A_1969, %swap3A_1970], %get3A_1965 {strides = array<i32>} : memref<4x16x8x128xf32, #tpu.memory_space<vmem>>, vector<16xf32>,
      %add3A_1972 = arith.constant 64 : i32
      %add3A_1973 = arith.addi %add3A_1931, %add3A_1972 : i32
      %get3A_1974 = arith.index_cast %add3A_1973 : i32 to index
      %get3A_1975 = tpu.vector_load %arg7[%get3A_1974] {strides = array<i32>} : memref<4096xf32, #tpu.memory_space<vmem>>, vector<16xf32>,
      %swap3A_1976 = arith.constant 3 : i32
      %swap3A_1977 = arith.index_cast %rem3A_173 : i32 to index
      %swap3A_1978 = arith.index_cast %add3A_1655 : i32 to index
      %swap3A_1979 = arith.index_cast %swap3A_1976 : i32 to index
      %swap3A_1980 = arith.constant 64 : index
      %swap3A_1981 = tpu.vector_load %arg8[%swap3A_1977, %swap3A_1978, %swap3A_1979, %swap3A_1980] {strides = array<i32>} : memref<4x16x8x128xf32, #tpu.memory_space<vmem>>, vector<16xf32>,
      tpu.vector_store %arg8[%swap3A_1977, %swap3A_1978, %swap3A_1979, %swap3A_1980], %get3A_1975 {strides = array<i32>} : memref<4x16x8x128xf32, #tpu.memory_space<vmem>>, vector<16xf32>,
      %add3A_1982 = arith.constant 80 : i32
      %add3A_1983 = arith.addi %add3A_1931, %add3A_1982 : i32
      %get3A_1984 = arith.index_cast %add3A_1983 : i32 to index
      %get3A_1985 = tpu.vector_load %arg7[%get3A_1984] {strides = array<i32>} : memref<4096xf32, #tpu.memory_space<vmem>>, vector<16xf32>,
      %swap3A_1986 = arith.constant 3 : i32
      %swap3A_1987 = arith.index_cast %rem3A_173 : i32 to index
      %swap3A_1988 = arith.index_cast %add3A_1655 : i32 to index
      %swap3A_1989 = arith.index_cast %swap3A_1986 : i32 to index
      %swap3A_1990 = arith.constant 80 : index
      %swap3A_1991 = tpu.vector_load %arg8[%swap3A_1987, %swap3A_1988, %swap3A_1989, %swap3A_1990] {strides = array<i32>} : memref<4x16x8x128xf32, #tpu.memory_space<vmem>>, vector<16xf32>,
      tpu.vector_store %arg8[%swap3A_1987, %swap3A_1988, %swap3A_1989, %swap3A_1990], %get3A_1985 {strides = array<i32>} : memref<4x16x8x128xf32, #tpu.memory_space<vmem>>, vector<16xf32>,
      %add3A_1992 = arith.constant 96 : i32
      %add3A_1993 = arith.addi %add3A_1931, %add3A_1992 : i32
      %get3A_1994 = arith.index_cast %add3A_1993 : i32 to index
      %get3A_1995 = tpu.vector_load %arg7[%get3A_1994] {strides = array<i32>} : memref<4096xf32, #tpu.memory_space<vmem>>, vector<16xf32>,
      %swap3A_1996 = arith.constant 3 : i32
      %swap3A_1997 = arith.index_cast %rem3A_173 : i32 to index
      %swap3A_1998 = arith.index_cast %add3A_1655 : i32 to index
      %swap3A_1999 = arith.index_cast %swap3A_1996 : i32 to index
      %swap3A_2000 = arith.constant 96 : index
      %swap3A_2001 = tpu.vector_load %arg8[%swap3A_1997, %swap3A_1998, %swap3A_1999, %swap3A_2000] {strides = array<i32>} : memref<4x16x8x128xf32, #tpu.memory_space<vmem>>, vector<16xf32>,
      tpu.vector_store %arg8[%swap3A_1997, %swap3A_1998, %swap3A_1999, %swap3A_2000], %get3A_1995 {strides = array<i32>} : memref<4x16x8x128xf32, #tpu.memory_space<vmem>>, vector<16xf32>,
      %add3A_2002 = arith.constant 112 : i32
      %add3A_2003 = arith.addi %add3A_1931, %add3A_2002 : i32
      %get3A_2004 = arith.index_cast %add3A_2003 : i32 to index
      %get3A_2005 = tpu.vector_load %arg7[%get3A_2004] {strides = array<i32>} : memref<4096xf32, #tpu.memory_space<vmem>>, vector<16xf32>,
      %swap3A_2006 = arith.constant 3 : i32
      %swap3A_2007 = arith.index_cast %rem3A_173 : i32 to index
      %swap3A_2008 = arith.index_cast %add3A_1655 : i32 to index
      %swap3A_2009 = arith.index_cast %swap3A_2006 : i32 to index
      %swap3A_2010 = arith.constant 112 : index
      %swap3A_2011 = tpu.vector_load %arg8[%swap3A_2007, %swap3A_2008, %swap3A_2009, %swap3A_2010] {strides = array<i32>} : memref<4x16x8x128xf32, #tpu.memory_space<vmem>>, vector<16xf32>,
      tpu.vector_store %arg8[%swap3A_2007, %swap3A_2008, %swap3A_2009, %swap3A_2010], %get3A_2005 {strides = array<i32>} : memref<4x16x8x128xf32, #tpu.memory_space<vmem>>, vector<16xf32>,
      %mul3A_2012 = arith.constant 8 : i32
      %mul3A_2013 = arith.muli %mul3A_2012, %add3A_174 : i32
      %add3A_2014 = arith.constant 4 : i32
      %add3A_2015 = arith.addi %mul3A_2013, %add3A_2014 : i32
      %sub3A_2016 = arith.constant 2047 : i32
      %sub3A_2017 = arith.subi %sub3A_2016, %add3A_2015 : i32
      %mul3A_2018 = arith.constant 128 : i32
      %mul3A_2019 = arith.muli %mul3A_2018, %add3A_1655 : i32
      %add3A_2020 = arith.addi %sub3A_2017, %mul3A_2019 : i32
      %add3A_2021 = arith.constant 0 : i32
      %add3A_2022 = arith.addi %add3A_2020, %add3A_2021 : i32
      %get3A_2023 = arith.index_cast %add3A_2022 : i32 to index
      %get3A_2024 = tpu.vector_load %arg7[%get3A_2023] {strides = array<i32>} : memref<4096xf32, #tpu.memory_space<vmem>>, vector<16xf32>,
      %swap3A_2025 = arith.constant 4 : i32
      %swap3A_2026 = arith.index_cast %rem3A_173 : i32 to index
      %swap3A_2027 = arith.index_cast %add3A_1655 : i32 to index
      %swap3A_2028 = arith.index_cast %swap3A_2025 : i32 to index
      %swap3A_2029 = arith.constant 0 : index
      %swap3A_2030 = tpu.vector_load %arg8[%swap3A_2026, %swap3A_2027, %swap3A_2028, %swap3A_2029] {strides = array<i32>} : memref<4x16x8x128xf32, #tpu.memory_space<vmem>>, vector<16xf32>,
      tpu.vector_store %arg8[%swap3A_2026, %swap3A_2027, %swap3A_2028, %swap3A_2029], %get3A_2024 {strides = array<i32>} : memref<4x16x8x128xf32, #tpu.memory_space<vmem>>, vector<16xf32>,
      %add3A_2031 = arith.constant 16 : i32
      %add3A_2032 = arith.addi %add3A_2020, %add3A_2031 : i32
      %get3A_2033 = arith.index_cast %add3A_2032 : i32 to index
      %get3A_2034 = tpu.vector_load %arg7[%get3A_2033] {strides = array<i32>} : memref<4096xf32, #tpu.memory_space<vmem>>, vector<16xf32>,
      %swap3A_2035 = arith.constant 4 : i32
      %swap3A_2036 = arith.index_cast %rem3A_173 : i32 to index
      %swap3A_2037 = arith.index_cast %add3A_1655 : i32 to index
      %swap3A_2038 = arith.index_cast %swap3A_2035 : i32 to index
      %swap3A_2039 = arith.constant 16 : index
      %swap3A_2040 = tpu.vector_load %arg8[%swap3A_2036, %swap3A_2037, %swap3A_2038, %swap3A_2039] {strides = array<i32>} : memref<4x16x8x128xf32, #tpu.memory_space<vmem>>, vector<16xf32>,
      tpu.vector_store %arg8[%swap3A_2036, %swap3A_2037, %swap3A_2038, %swap3A_2039], %get3A_2034 {strides = array<i32>} : memref<4x16x8x128xf32, #tpu.memory_space<vmem>>, vector<16xf32>,
      %add3A_2041 = arith.constant 32 : i32
      %add3A_2042 = arith.addi %add3A_2020, %add3A_2041 : i32
      %get3A_2043 = arith.index_cast %add3A_2042 : i32 to index
      %get3A_2044 = tpu.vector_load %arg7[%get3A_2043] {strides = array<i32>} : memref<4096xf32, #tpu.memory_space<vmem>>, vector<16xf32>,
      %swap3A_2045 = arith.constant 4 : i32
      %swap3A_2046 = arith.index_cast %rem3A_173 : i32 to index
      %swap3A_2047 = arith.index_cast %add3A_1655 : i32 to index
      %swap3A_2048 = arith.index_cast %swap3A_2045 : i32 to index
      %swap3A_2049 = arith.constant 32 : index
      %swap3A_2050 = tpu.vector_load %arg8[%swap3A_2046, %swap3A_2047, %swap3A_2048, %swap3A_2049] {strides = array<i32>} : memref<4x16x8x128xf32, #tpu.memory_space<vmem>>, vector<16xf32>,
      tpu.vector_store %arg8[%swap3A_2046, %swap3A_2047, %swap3A_2048, %swap3A_2049], %get3A_2044 {strides = array<i32>} : memref<4x16x8x128xf32, #tpu.memory_space<vmem>>, vector<16xf32>,
      %add3A_2051 = arith.constant 48 : i32
      %add3A_2052 = arith.addi %add3A_2020, %add3A_2051 : i32
      %get3A_2053 = arith.index_cast %add3A_2052 : i32 to index
      %get3A_2054 = tpu.vector_load %arg7[%get3A_2053] {strides = array<i32>} : memref<4096xf32, #tpu.memory_space<vmem>>, vector<16xf32>,
      %swap3A_2055 = arith.constant 4 : i32
      %swap3A_2056 = arith.index_cast %rem3A_173 : i32 to index
      %swap3A_2057 = arith.index_cast %add3A_1655 : i32 to index
      %swap3A_2058 = arith.index_cast %swap3A_2055 : i32 to index
      %swap3A_2059 = arith.constant 48 : index
      %swap3A_2060 = tpu.vector_load %arg8[%swap3A_2056, %swap3A_2057, %swap3A_2058, %swap3A_2059] {strides = array<i32>} : memref<4x16x8x128xf32, #tpu.memory_space<vmem>>, vector<16xf32>,
      tpu.vector_store %arg8[%swap3A_2056, %swap3A_2057, %swap3A_2058, %swap3A_2059], %get3A_2054 {strides = array<i32>} : memref<4x16x8x128xf32, #tpu.memory_space<vmem>>, vector<16xf32>,
      %add3A_2061 = arith.constant 64 : i32
      %add3A_2062 = arith.addi %add3A_2020, %add3A_2061 : i32
      %get3A_2063 = arith.index_cast %add3A_2062 : i32 to index
      %get3A_2064 = tpu.vector_load %arg7[%get3A_2063] {strides = array<i32>} : memref<4096xf32, #tpu.memory_space<vmem>>, vector<16xf32>,
      %swap3A_2065 = arith.constant 4 : i32
      %swap3A_2066 = arith.index_cast %rem3A_173 : i32 to index
      %swap3A_2067 = arith.index_cast %add3A_1655 : i32 to index
      %swap3A_2068 = arith.index_cast %swap3A_2065 : i32 to index
      %swap3A_2069 = arith.constant 64 : index
      %swap3A_2070 = tpu.vector_load %arg8[%swap3A_2066, %swap3A_2067, %swap3A_2068, %swap3A_2069] {strides = array<i32>} : memref<4x16x8x128xf32, #tpu.memory_space<vmem>>, vector<16xf32>,
      tpu.vector_store %arg8[%swap3A_2066, %swap3A_2067, %swap3A_2068, %swap3A_2069], %get3A_2064 {strides = array<i32>} : memref<4x16x8x128xf32, #tpu.memory_space<vmem>>, vector<16xf32>,
      %add3A_2071 = arith.constant 80 : i32
      %add3A_2072 = arith.addi %add3A_2020, %add3A_2071 : i32
      %get3A_2073 = arith.index_cast %add3A_2072 : i32 to index
      %get3A_2074 = tpu.vector_load %arg7[%get3A_2073] {strides = array<i32>} : memref<4096xf32, #tpu.memory_space<vmem>>, vector<16xf32>,
      %swap3A_2075 = arith.constant 4 : i32
      %swap3A_2076 = arith.index_cast %rem3A_173 : i32 to index
      %swap3A_2077 = arith.index_cast %add3A_1655 : i32 to index
      %swap3A_2078 = arith.index_cast %swap3A_2075 : i32 to index
      %swap3A_2079 = arith.constant 80 : index
      %swap3A_2080 = tpu.vector_load %arg8[%swap3A_2076, %swap3A_2077, %swap3A_2078, %swap3A_2079] {strides = array<i32>} : memref<4x16x8x128xf32, #tpu.memory_space<vmem>>, vector<16xf32>,
      tpu.vector_store %arg8[%swap3A_2076, %swap3A_2077, %swap3A_2078, %swap3A_2079], %get3A_2074 {strides = array<i32>} : memref<4x16x8x128xf32, #tpu.memory_space<vmem>>, vector<16xf32>,
      %add3A_2081 = arith.constant 96 : i32
      %add3A_2082 = arith.addi %add3A_2020, %add3A_2081 : i32
      %get3A_2083 = arith.index_cast %add3A_2082 : i32 to index
      %get3A_2084 = tpu.vector_load %arg7[%get3A_2083] {strides = array<i32>} : memref<4096xf32, #tpu.memory_space<vmem>>, vector<16xf32>,
      %swap3A_2085 = arith.constant 4 : i32
      %swap3A_2086 = arith.index_cast %rem3A_173 : i32 to index
      %swap3A_2087 = arith.index_cast %add3A_1655 : i32 to index
      %swap3A_2088 = arith.index_cast %swap3A_2085 : i32 to index
      %swap3A_2089 = arith.constant 96 : index
      %swap3A_2090 = tpu.vector_load %arg8[%swap3A_2086, %swap3A_2087, %swap3A_2088, %swap3A_2089] {strides = array<i32>} : memref<4x16x8x128xf32, #tpu.memory_space<vmem>>, vector<16xf32>,
      tpu.vector_store %arg8[%swap3A_2086, %swap3A_2087, %swap3A_2088, %swap3A_2089], %get3A_2084 {strides = array<i32>} : memref<4x16x8x128xf32, #tpu.memory_space<vmem>>, vector<16xf32>,
      %add3A_2091 = arith.constant 112 : i32
      %add3A_2092 = arith.addi %add3A_2020, %add3A_2091 : i32
      %get3A_2093 = arith.index_cast %add3A_2092 : i32 to index
      %get3A_2094 = tpu.vector_load %arg7[%get3A_2093] {strides = array<i32>} : memref<4096xf32, #tpu.memory_space<vmem>>, vector<16xf32>,
      %swap3A_2095 = arith.constant 4 : i32
      %swap3A_2096 = arith.index_cast %rem3A_173 : i32 to index
      %swap3A_2097 = arith.index_cast %add3A_1655 : i32 to index
      %swap3A_2098 = arith.index_cast %swap3A_2095 : i32 to index
      %swap3A_2099 = arith.constant 112 : index
      %swap3A_2100 = tpu.vector_load %arg8[%swap3A_2096, %swap3A_2097, %swap3A_2098, %swap3A_2099] {strides = array<i32>} : memref<4x16x8x128xf32, #tpu.memory_space<vmem>>, vector<16xf32>,
      tpu.vector_store %arg8[%swap3A_2096, %swap3A_2097, %swap3A_2098, %swap3A_2099], %get3A_2094 {strides = array<i32>} : memref<4x16x8x128xf32, #tpu.memory_space<vmem>>, vector<16xf32>,
      %mul3A_2101 = arith.constant 8 : i32
      %mul3A_2102 = arith.muli %mul3A_2101, %add3A_174 : i32
      %add3A_2103 = arith.constant 5 : i32
      %add3A_2104 = arith.addi %mul3A_2102, %add3A_2103 : i32
      %sub3A_2105 = arith.constant 2047 : i32
      %sub3A_2106 = arith.subi %sub3A_2105, %add3A_2104 : i32
      %mul3A_2107 = arith.constant 128 : i32
      %mul3A_2108 = arith.muli %mul3A_2107, %add3A_1655 : i32
      %add3A_2109 = arith.addi %sub3A_2106, %mul3A_2108 : i32
      %add3A_2110 = arith.constant 0 : i32
      %add3A_2111 = arith.addi %add3A_2109, %add3A_2110 : i32
      %get3A_2112 = arith.index_cast %add3A_2111 : i32 to index
      %get3A_2113 = tpu.vector_load %arg7[%get3A_2112] {strides = array<i32>} : memref<4096xf32, #tpu.memory_space<vmem>>, vector<16xf32>,
      %swap3A_2114 = arith.constant 5 : i32
      %swap3A_2115 = arith.index_cast %rem3A_173 : i32 to index
      %swap3A_2116 = arith.index_cast %add3A_1655 : i32 to index
      %swap3A_2117 = arith.index_cast %swap3A_2114 : i32 to index
      %swap3A_2118 = arith.constant 0 : index
      %swap3A_2119 = tpu.vector_load %arg8[%swap3A_2115, %swap3A_2116, %swap3A_2117, %swap3A_2118] {strides = array<i32>} : memref<4x16x8x128xf32, #tpu.memory_space<vmem>>, vector<16xf32>,
      tpu.vector_store %arg8[%swap3A_2115, %swap3A_2116, %swap3A_2117, %swap3A_2118], %get3A_2113 {strides = array<i32>} : memref<4x16x8x128xf32, #tpu.memory_space<vmem>>, vector<16xf32>,
      %add3A_2120 = arith.constant 16 : i32
      %add3A_2121 = arith.addi %add3A_2109, %add3A_2120 : i32
      %get3A_2122 = arith.index_cast %add3A_2121 : i32 to index
      %get3A_2123 = tpu.vector_load %arg7[%get3A_2122] {strides = array<i32>} : memref<4096xf32, #tpu.memory_space<vmem>>, vector<16xf32>,
      %swap3A_2124 = arith.constant 5 : i32
      %swap3A_2125 = arith.index_cast %rem3A_173 : i32 to index
      %swap3A_2126 = arith.index_cast %add3A_1655 : i32 to index
      %swap3A_2127 = arith.index_cast %swap3A_2124 : i32 to index
      %swap3A_2128 = arith.constant 16 : index
      %swap3A_2129 = tpu.vector_load %arg8[%swap3A_2125, %swap3A_2126, %swap3A_2127, %swap3A_2128] {strides = array<i32>} : memref<4x16x8x128xf32, #tpu.memory_space<vmem>>, vector<16xf32>,
      tpu.vector_store %arg8[%swap3A_2125, %swap3A_2126, %swap3A_2127, %swap3A_2128], %get3A_2123 {strides = array<i32>} : memref<4x16x8x128xf32, #tpu.memory_space<vmem>>, vector<16xf32>,
      %add3A_2130 = arith.constant 32 : i32
      %add3A_2131 = arith.addi %add3A_2109, %add3A_2130 : i32
      %get3A_2132 = arith.index_cast %add3A_2131 : i32 to index
      %get3A_2133 = tpu.vector_load %arg7[%get3A_2132] {strides = array<i32>} : memref<4096xf32, #tpu.memory_space<vmem>>, vector<16xf32>,
      %swap3A_2134 = arith.constant 5 : i32
      %swap3A_2135 = arith.index_cast %rem3A_173 : i32 to index
      %swap3A_2136 = arith.index_cast %add3A_1655 : i32 to index
      %swap3A_2137 = arith.index_cast %swap3A_2134 : i32 to index
      %swap3A_2138 = arith.constant 32 : index
      %swap3A_2139 = tpu.vector_load %arg8[%swap3A_2135, %swap3A_2136, %swap3A_2137, %swap3A_2138] {strides = array<i32>} : memref<4x16x8x128xf32, #tpu.memory_space<vmem>>, vector<16xf32>,
      tpu.vector_store %arg8[%swap3A_2135, %swap3A_2136, %swap3A_2137, %swap3A_2138], %get3A_2133 {strides = array<i32>} : memref<4x16x8x128xf32, #tpu.memory_space<vmem>>, vector<16xf32>,
      %add3A_2140 = arith.constant 48 : i32
      %add3A_2141 = arith.addi %add3A_2109, %add3A_2140 : i32
      %get3A_2142 = arith.index_cast %add3A_2141 : i32 to index
      %get3A_2143 = tpu.vector_load %arg7[%get3A_2142] {strides = array<i32>} : memref<4096xf32, #tpu.memory_space<vmem>>, vector<16xf32>,
      %swap3A_2144 = arith.constant 5 : i32
      %swap3A_2145 = arith.index_cast %rem3A_173 : i32 to index
      %swap3A_2146 = arith.index_cast %add3A_1655 : i32 to index
      %swap3A_2147 = arith.index_cast %swap3A_2144 : i32 to index
      %swap3A_2148 = arith.constant 48 : index
      %swap3A_2149 = tpu.vector_load %arg8[%swap3A_2145, %swap3A_2146, %swap3A_2147, %swap3A_2148] {strides = array<i32>} : memref<4x16x8x128xf32, #tpu.memory_space<vmem>>, vector<16xf32>,
      tpu.vector_store %arg8[%swap3A_2145, %swap3A_2146, %swap3A_2147, %swap3A_2148], %get3A_2143 {strides = array<i32>} : memref<4x16x8x128xf32, #tpu.memory_space<vmem>>, vector<16xf32>,
      %add3A_2150 = arith.constant 64 : i32
      %add3A_2151 = arith.addi %add3A_2109, %add3A_2150 : i32
      %get3A_2152 = arith.index_cast %add3A_2151 : i32 to index
      %get3A_2153 = tpu.vector_load %arg7[%get3A_2152] {strides = array<i32>} : memref<4096xf32, #tpu.memory_space<vmem>>, vector<16xf32>,
      %swap3A_2154 = arith.constant 5 : i32
      %swap3A_2155 = arith.index_cast %rem3A_173 : i32 to index
      %swap3A_2156 = arith.index_cast %add3A_1655 : i32 to index
      %swap3A_2157 = arith.index_cast %swap3A_2154 : i32 to index
      %swap3A_2158 = arith.constant 64 : index
      %swap3A_2159 = tpu.vector_load %arg8[%swap3A_2155, %swap3A_2156, %swap3A_2157, %swap3A_2158] {strides = array<i32>} : memref<4x16x8x128xf32, #tpu.memory_space<vmem>>, vector<16xf32>,
      tpu.vector_store %arg8[%swap3A_2155, %swap3A_2156, %swap3A_2157, %swap3A_2158], %get3A_2153 {strides = array<i32>} : memref<4x16x8x128xf32, #tpu.memory_space<vmem>>, vector<16xf32>,
      %add3A_2160 = arith.constant 80 : i32
      %add3A_2161 = arith.addi %add3A_2109, %add3A_2160 : i32
      %get3A_2162 = arith.index_cast %add3A_2161 : i32 to index
      %get3A_2163 = tpu.vector_load %arg7[%get3A_2162] {strides = array<i32>} : memref<4096xf32, #tpu.memory_space<vmem>>, vector<16xf32>,
      %swap3A_2164 = arith.constant 5 : i32
      %swap3A_2165 = arith.index_cast %rem3A_173 : i32 to index
      %swap3A_2166 = arith.index_cast %add3A_1655 : i32 to index
      %swap3A_2167 = arith.index_cast %swap3A_2164 : i32 to index
      %swap3A_2168 = arith.constant 80 : index
      %swap3A_2169 = tpu.vector_load %arg8[%swap3A_2165, %swap3A_2166, %swap3A_2167, %swap3A_2168] {strides = array<i32>} : memref<4x16x8x128xf32, #tpu.memory_space<vmem>>, vector<16xf32>,
      tpu.vector_store %arg8[%swap3A_2165, %swap3A_2166, %swap3A_2167, %swap3A_2168], %get3A_2163 {strides = array<i32>} : memref<4x16x8x128xf32, #tpu.memory_space<vmem>>, vector<16xf32>,
      %add3A_2170 = arith.constant 96 : i32
      %add3A_2171 = arith.addi %add3A_2109, %add3A_2170 : i32
      %get3A_2172 = arith.index_cast %add3A_2171 : i32 to index
      %get3A_2173 = tpu.vector_load %arg7[%get3A_2172] {strides = array<i32>} : memref<4096xf32, #tpu.memory_space<vmem>>, vector<16xf32>,
      %swap3A_2174 = arith.constant 5 : i32
      %swap3A_2175 = arith.index_cast %rem3A_173 : i32 to index
      %swap3A_2176 = arith.index_cast %add3A_1655 : i32 to index
      %swap3A_2177 = arith.index_cast %swap3A_2174 : i32 to index
      %swap3A_2178 = arith.constant 96 : index
      %swap3A_2179 = tpu.vector_load %arg8[%swap3A_2175, %swap3A_2176, %swap3A_2177, %swap3A_2178] {strides = array<i32>} : memref<4x16x8x128xf32, #tpu.memory_space<vmem>>, vector<16xf32>,
      tpu.vector_store %arg8[%swap3A_2175, %swap3A_2176, %swap3A_2177, %swap3A_2178], %get3A_2173 {strides = array<i32>} : memref<4x16x8x128xf32, #tpu.memory_space<vmem>>, vector<16xf32>,
      %add3A_2180 = arith.constant 112 : i32
      %add3A_2181 = arith.addi %add3A_2109, %add3A_2180 : i32
      %get3A_2182 = arith.index_cast %add3A_2181 : i32 to index
      %get3A_2183 = tpu.vector_load %arg7[%get3A_2182] {strides = array<i32>} : memref<4096xf32, #tpu.memory_space<vmem>>, vector<16xf32>,
      %swap3A_2184 = arith.constant 5 : i32
      %swap3A_2185 = arith.index_cast %rem3A_173 : i32 to index
      %swap3A_2186 = arith.index_cast %add3A_1655 : i32 to index
      %swap3A_2187 = arith.index_cast %swap3A_2184 : i32 to index
      %swap3A_2188 = arith.constant 112 : index
      %swap3A_2189 = tpu.vector_load %arg8[%swap3A_2185, %swap3A_2186, %swap3A_2187, %swap3A_2188] {strides = array<i32>} : memref<4x16x8x128xf32, #tpu.memory_space<vmem>>, vector<16xf32>,
      tpu.vector_store %arg8[%swap3A_2185, %swap3A_2186, %swap3A_2187, %swap3A_2188], %get3A_2183 {strides = array<i32>} : memref<4x16x8x128xf32, #tpu.memory_space<vmem>>, vector<16xf32>,
      %mul3A_2190 = arith.constant 8 : i32
      %mul3A_2191 = arith.muli %mul3A_2190, %add3A_174 : i32
      %add3A_2192 = arith.constant 6 : i32
      %add3A_2193 = arith.addi %mul3A_2191, %add3A_2192 : i32
      %sub3A_2194 = arith.constant 2047 : i32
      %sub3A_2195 = arith.subi %sub3A_2194, %add3A_2193 : i32
      %mul3A_2196 = arith.constant 128 : i32
      %mul3A_2197 = arith.muli %mul3A_2196, %add3A_1655 : i32
      %add3A_2198 = arith.addi %sub3A_2195, %mul3A_2197 : i32
      %add3A_2199 = arith.constant 0 : i32
      %add3A_2200 = arith.addi %add3A_2198, %add3A_2199 : i32
      %get3A_2201 = arith.index_cast %add3A_2200 : i32 to index
      %get3A_2202 = tpu.vector_load %arg7[%get3A_2201] {strides = array<i32>} : memref<4096xf32, #tpu.memory_space<vmem>>, vector<16xf32>,
      %swap3A_2203 = arith.constant 6 : i32
      %swap3A_2204 = arith.index_cast %rem3A_173 : i32 to index
      %swap3A_2205 = arith.index_cast %add3A_1655 : i32 to index
      %swap3A_2206 = arith.index_cast %swap3A_2203 : i32 to index
      %swap3A_2207 = arith.constant 0 : index
      %swap3A_2208 = tpu.vector_load %arg8[%swap3A_2204, %swap3A_2205, %swap3A_2206, %swap3A_2207] {strides = array<i32>} : memref<4x16x8x128xf32, #tpu.memory_space<vmem>>, vector<16xf32>,
      tpu.vector_store %arg8[%swap3A_2204, %swap3A_2205, %swap3A_2206, %swap3A_2207], %get3A_2202 {strides = array<i32>} : memref<4x16x8x128xf32, #tpu.memory_space<vmem>>, vector<16xf32>,
      %add3A_2209 = arith.constant 16 : i32
      %add3A_2210 = arith.addi %add3A_2198, %add3A_2209 : i32
      %get3A_2211 = arith.index_cast %add3A_2210 : i32 to index
      %get3A_2212 = tpu.vector_load %arg7[%get3A_2211] {strides = array<i32>} : memref<4096xf32, #tpu.memory_space<vmem>>, vector<16xf32>,
      %swap3A_2213 = arith.constant 6 : i32
      %swap3A_2214 = arith.index_cast %rem3A_173 : i32 to index
      %swap3A_2215 = arith.index_cast %add3A_1655 : i32 to index
      %swap3A_2216 = arith.index_cast %swap3A_2213 : i32 to index
      %swap3A_2217 = arith.constant 16 : index
      %swap3A_2218 = tpu.vector_load %arg8[%swap3A_2214, %swap3A_2215, %swap3A_2216, %swap3A_2217] {strides = array<i32>} : memref<4x16x8x128xf32, #tpu.memory_space<vmem>>, vector<16xf32>,
      tpu.vector_store %arg8[%swap3A_2214, %swap3A_2215, %swap3A_2216, %swap3A_2217], %get3A_2212 {strides = array<i32>} : memref<4x16x8x128xf32, #tpu.memory_space<vmem>>, vector<16xf32>,
      %add3A_2219 = arith.constant 32 : i32
      %add3A_2220 = arith.addi %add3A_2198, %add3A_2219 : i32
      %get3A_2221 = arith.index_cast %add3A_2220 : i32 to index
      %get3A_2222 = tpu.vector_load %arg7[%get3A_2221] {strides = array<i32>} : memref<4096xf32, #tpu.memory_space<vmem>>, vector<16xf32>,
      %swap3A_2223 = arith.constant 6 : i32
      %swap3A_2224 = arith.index_cast %rem3A_173 : i32 to index
      %swap3A_2225 = arith.index_cast %add3A_1655 : i32 to index
      %swap3A_2226 = arith.index_cast %swap3A_2223 : i32 to index
      %swap3A_2227 = arith.constant 32 : index
      %swap3A_2228 = tpu.vector_load %arg8[%swap3A_2224, %swap3A_2225, %swap3A_2226, %swap3A_2227] {strides = array<i32>} : memref<4x16x8x128xf32, #tpu.memory_space<vmem>>, vector<16xf32>,
      tpu.vector_store %arg8[%swap3A_2224, %swap3A_2225, %swap3A_2226, %swap3A_2227], %get3A_2222 {strides = array<i32>} : memref<4x16x8x128xf32, #tpu.memory_space<vmem>>, vector<16xf32>,
      %add3A_2229 = arith.constant 48 : i32
      %add3A_2230 = arith.addi %add3A_2198, %add3A_2229 : i32
      %get3A_2231 = arith.index_cast %add3A_2230 : i32 to index
      %get3A_2232 = tpu.vector_load %arg7[%get3A_2231] {strides = array<i32>} : memref<4096xf32, #tpu.memory_space<vmem>>, vector<16xf32>,
      %swap3A_2233 = arith.constant 6 : i32
      %swap3A_2234 = arith.index_cast %rem3A_173 : i32 to index
      %swap3A_2235 = arith.index_cast %add3A_1655 : i32 to index
      %swap3A_2236 = arith.index_cast %swap3A_2233 : i32 to index
      %swap3A_2237 = arith.constant 48 : index
      %swap3A_2238 = tpu.vector_load %arg8[%swap3A_2234, %swap3A_2235, %swap3A_2236, %swap3A_2237] {strides = array<i32>} : memref<4x16x8x128xf32, #tpu.memory_space<vmem>>, vector<16xf32>,
      tpu.vector_store %arg8[%swap3A_2234, %swap3A_2235, %swap3A_2236, %swap3A_2237], %get3A_2232 {strides = array<i32>} : memref<4x16x8x128xf32, #tpu.memory_space<vmem>>, vector<16xf32>,
      %add3A_2239 = arith.constant 64 : i32
      %add3A_2240 = arith.addi %add3A_2198, %add3A_2239 : i32
      %get3A_2241 = arith.index_cast %add3A_2240 : i32 to index
      %get3A_2242 = tpu.vector_load %arg7[%get3A_2241] {strides = array<i32>} : memref<4096xf32, #tpu.memory_space<vmem>>, vector<16xf32>,
      %swap3A_2243 = arith.constant 6 : i32
      %swap3A_2244 = arith.index_cast %rem3A_173 : i32 to index
      %swap3A_2245 = arith.index_cast %add3A_1655 : i32 to index
      %swap3A_2246 = arith.index_cast %swap3A_2243 : i32 to index
      %swap3A_2247 = arith.constant 64 : index
      %swap3A_2248 = tpu.vector_load %arg8[%swap3A_2244, %swap3A_2245, %swap3A_2246, %swap3A_2247] {strides = array<i32>} : memref<4x16x8x128xf32, #tpu.memory_space<vmem>>, vector<16xf32>,
      tpu.vector_store %arg8[%swap3A_2244, %swap3A_2245, %swap3A_2246, %swap3A_2247], %get3A_2242 {strides = array<i32>} : memref<4x16x8x128xf32, #tpu.memory_space<vmem>>, vector<16xf32>,
      %add3A_2249 = arith.constant 80 : i32
      %add3A_2250 = arith.addi %add3A_2198, %add3A_2249 : i32
      %get3A_2251 = arith.index_cast %add3A_2250 : i32 to index
      %get3A_2252 = tpu.vector_load %arg7[%get3A_2251] {strides = array<i32>} : memref<4096xf32, #tpu.memory_space<vmem>>, vector<16xf32>,
      %swap3A_2253 = arith.constant 6 : i32
      %swap3A_2254 = arith.index_cast %rem3A_173 : i32 to index
      %swap3A_2255 = arith.index_cast %add3A_1655 : i32 to index
      %swap3A_2256 = arith.index_cast %swap3A_2253 : i32 to index
      %swap3A_2257 = arith.constant 80 : index
      %swap3A_2258 = tpu.vector_load %arg8[%swap3A_2254, %swap3A_2255, %swap3A_2256, %swap3A_2257] {strides = array<i32>} : memref<4x16x8x128xf32, #tpu.memory_space<vmem>>, vector<16xf32>,
      tpu.vector_store %arg8[%swap3A_2254, %swap3A_2255, %swap3A_2256, %swap3A_2257], %get3A_2252 {strides = array<i32>} : memref<4x16x8x128xf32, #tpu.memory_space<vmem>>, vector<16xf32>,
      %add3A_2259 = arith.constant 96 : i32
      %add3A_2260 = arith.addi %add3A_2198, %add3A_2259 : i32
      %get3A_2261 = arith.index_cast %add3A_2260 : i32 to index
      %get3A_2262 = tpu.vector_load %arg7[%get3A_2261] {strides = array<i32>} : memref<4096xf32, #tpu.memory_space<vmem>>, vector<16xf32>,
      %swap3A_2263 = arith.constant 6 : i32
      %swap3A_2264 = arith.index_cast %rem3A_173 : i32 to index
      %swap3A_2265 = arith.index_cast %add3A_1655 : i32 to index
      %swap3A_2266 = arith.index_cast %swap3A_2263 : i32 to index
      %swap3A_2267 = arith.constant 96 : index
      %swap3A_2268 = tpu.vector_load %arg8[%swap3A_2264, %swap3A_2265, %swap3A_2266, %swap3A_2267] {strides = array<i32>} : memref<4x16x8x128xf32, #tpu.memory_space<vmem>>, vector<16xf32>,
      tpu.vector_store %arg8[%swap3A_2264, %swap3A_2265, %swap3A_2266, %swap3A_2267], %get3A_2262 {strides = array<i32>} : memref<4x16x8x128xf32, #tpu.memory_space<vmem>>, vector<16xf32>,
      %add3A_2269 = arith.constant 112 : i32
      %add3A_2270 = arith.addi %add3A_2198, %add3A_2269 : i32
      %get3A_2271 = arith.index_cast %add3A_2270 : i32 to index
      %get3A_2272 = tpu.vector_load %arg7[%get3A_2271] {strides = array<i32>} : memref<4096xf32, #tpu.memory_space<vmem>>, vector<16xf32>,
      %swap3A_2273 = arith.constant 6 : i32
      %swap3A_2274 = arith.index_cast %rem3A_173 : i32 to index
      %swap3A_2275 = arith.index_cast %add3A_1655 : i32 to index
      %swap3A_2276 = arith.index_cast %swap3A_2273 : i32 to index
      %swap3A_2277 = arith.constant 112 : index
      %swap3A_2278 = tpu.vector_load %arg8[%swap3A_2274, %swap3A_2275, %swap3A_2276, %swap3A_2277] {strides = array<i32>} : memref<4x16x8x128xf32, #tpu.memory_space<vmem>>, vector<16xf32>,
      tpu.vector_store %arg8[%swap3A_2274, %swap3A_2275, %swap3A_2276, %swap3A_2277], %get3A_2272 {strides = array<i32>} : memref<4x16x8x128xf32, #tpu.memory_space<vmem>>, vector<16xf32>,
      %mul3A_2279 = arith.constant 8 : i32
      %mul3A_2280 = arith.muli %mul3A_2279, %add3A_174 : i32
      %add3A_2281 = arith.constant 7 : i32
      %add3A_2282 = arith.addi %mul3A_2280, %add3A_2281 : i32
      %sub3A_2283 = arith.constant 2047 : i32
      %sub3A_2284 = arith.subi %sub3A_2283, %add3A_2282 : i32
      %mul3A_2285 = arith.constant 128 : i32
      %mul3A_2286 = arith.muli %mul3A_2285, %add3A_1655 : i32
      %add3A_2287 = arith.addi %sub3A_2284, %mul3A_2286 : i32
      %add3A_2288 = arith.constant 0 : i32
      %add3A_2289 = arith.addi %add3A_2287, %add3A_2288 : i32
      %get3A_2290 = arith.index_cast %add3A_2289 : i32 to index
      %get3A_2291 = tpu.vector_load %arg7[%get3A_2290] {strides = array<i32>} : memref<4096xf32, #tpu.memory_space<vmem>>, vector<16xf32>,
      %swap3A_2292 = arith.constant 7 : i32
      %swap3A_2293 = arith.index_cast %rem3A_173 : i32 to index
      %swap3A_2294 = arith.index_cast %add3A_1655 : i32 to index
      %swap3A_2295 = arith.index_cast %swap3A_2292 : i32 to index
      %swap3A_2296 = arith.constant 0 : index
      %swap3A_2297 = tpu.vector_load %arg8[%swap3A_2293, %swap3A_2294, %swap3A_2295, %swap3A_2296] {strides = array<i32>} : memref<4x16x8x128xf32, #tpu.memory_space<vmem>>, vector<16xf32>,
      tpu.vector_store %arg8[%swap3A_2293, %swap3A_2294, %swap3A_2295, %swap3A_2296], %get3A_2291 {strides = array<i32>} : memref<4x16x8x128xf32, #tpu.memory_space<vmem>>, vector<16xf32>,
      %add3A_2298 = arith.constant 16 : i32
      %add3A_2299 = arith.addi %add3A_2287, %add3A_2298 : i32
      %get3A_2300 = arith.index_cast %add3A_2299 : i32 to index
      %get3A_2301 = tpu.vector_load %arg7[%get3A_2300] {strides = array<i32>} : memref<4096xf32, #tpu.memory_space<vmem>>, vector<16xf32>,
      %swap3A_2302 = arith.constant 7 : i32
      %swap3A_2303 = arith.index_cast %rem3A_173 : i32 to index
      %swap3A_2304 = arith.index_cast %add3A_1655 : i32 to index
      %swap3A_2305 = arith.index_cast %swap3A_2302 : i32 to index
      %swap3A_2306 = arith.constant 16 : index
      %swap3A_2307 = tpu.vector_load %arg8[%swap3A_2303, %swap3A_2304, %swap3A_2305, %swap3A_2306] {strides = array<i32>} : memref<4x16x8x128xf32, #tpu.memory_space<vmem>>, vector<16xf32>,
      tpu.vector_store %arg8[%swap3A_2303, %swap3A_2304, %swap3A_2305, %swap3A_2306], %get3A_2301 {strides = array<i32>} : memref<4x16x8x128xf32, #tpu.memory_space<vmem>>, vector<16xf32>,
      %add3A_2308 = arith.constant 32 : i32
      %add3A_2309 = arith.addi %add3A_2287, %add3A_2308 : i32
      %get3A_2310 = arith.index_cast %add3A_2309 : i32 to index
      %get3A_2311 = tpu.vector_load %arg7[%get3A_2310] {strides = array<i32>} : memref<4096xf32, #tpu.memory_space<vmem>>, vector<16xf32>,
      %swap3A_2312 = arith.constant 7 : i32
      %swap3A_2313 = arith.index_cast %rem3A_173 : i32 to index
      %swap3A_2314 = arith.index_cast %add3A_1655 : i32 to index
      %swap3A_2315 = arith.index_cast %swap3A_2312 : i32 to index
      %swap3A_2316 = arith.constant 32 : index
      %swap3A_2317 = tpu.vector_load %arg8[%swap3A_2313, %swap3A_2314, %swap3A_2315, %swap3A_2316] {strides = array<i32>} : memref<4x16x8x128xf32, #tpu.memory_space<vmem>>, vector<16xf32>,
      tpu.vector_store %arg8[%swap3A_2313, %swap3A_2314, %swap3A_2315, %swap3A_2316], %get3A_2311 {strides = array<i32>} : memref<4x16x8x128xf32, #tpu.memory_space<vmem>>, vector<16xf32>,
      %add3A_2318 = arith.constant 48 : i32
      %add3A_2319 = arith.addi %add3A_2287, %add3A_2318 : i32
      %get3A_2320 = arith.index_cast %add3A_2319 : i32 to index
      %get3A_2321 = tpu.vector_load %arg7[%get3A_2320] {strides = array<i32>} : memref<4096xf32, #tpu.memory_space<vmem>>, vector<16xf32>,
      %swap3A_2322 = arith.constant 7 : i32
      %swap3A_2323 = arith.index_cast %rem3A_173 : i32 to index
      %swap3A_2324 = arith.index_cast %add3A_1655 : i32 to index
      %swap3A_2325 = arith.index_cast %swap3A_2322 : i32 to index
      %swap3A_2326 = arith.constant 48 : index
      %swap3A_2327 = tpu.vector_load %arg8[%swap3A_2323, %swap3A_2324, %swap3A_2325, %swap3A_2326] {strides = array<i32>} : memref<4x16x8x128xf32, #tpu.memory_space<vmem>>, vector<16xf32>,
      tpu.vector_store %arg8[%swap3A_2323, %swap3A_2324, %swap3A_2325, %swap3A_2326], %get3A_2321 {strides = array<i32>} : memref<4x16x8x128xf32, #tpu.memory_space<vmem>>, vector<16xf32>,
      %add3A_2328 = arith.constant 64 : i32
      %add3A_2329 = arith.addi %add3A_2287, %add3A_2328 : i32
      %get3A_2330 = arith.index_cast %add3A_2329 : i32 to index
      %get3A_2331 = tpu.vector_load %arg7[%get3A_2330] {strides = array<i32>} : memref<4096xf32, #tpu.memory_space<vmem>>, vector<16xf32>,
      %swap3A_2332 = arith.constant 7 : i32
      %swap3A_2333 = arith.index_cast %rem3A_173 : i32 to index
      %swap3A_2334 = arith.index_cast %add3A_1655 : i32 to index
      %swap3A_2335 = arith.index_cast %swap3A_2332 : i32 to index
      %swap3A_2336 = arith.constant 64 : index
      %swap3A_2337 = tpu.vector_load %arg8[%swap3A_2333, %swap3A_2334, %swap3A_2335, %swap3A_2336] {strides = array<i32>} : memref<4x16x8x128xf32, #tpu.memory_space<vmem>>, vector<16xf32>,
      tpu.vector_store %arg8[%swap3A_2333, %swap3A_2334, %swap3A_2335, %swap3A_2336], %get3A_2331 {strides = array<i32>} : memref<4x16x8x128xf32, #tpu.memory_space<vmem>>, vector<16xf32>,
      %add3A_2338 = arith.constant 80 : i32
      %add3A_2339 = arith.addi %add3A_2287, %add3A_2338 : i32
      %get3A_2340 = arith.index_cast %add3A_2339 : i32 to index
      %get3A_2341 = tpu.vector_load %arg7[%get3A_2340] {strides = array<i32>} : memref<4096xf32, #tpu.memory_space<vmem>>, vector<16xf32>,
      %swap3A_2342 = arith.constant 7 : i32
      %swap3A_2343 = arith.index_cast %rem3A_173 : i32 to index
      %swap3A_2344 = arith.index_cast %add3A_1655 : i32 to index
      %swap3A_2345 = arith.index_cast %swap3A_2342 : i32 to index
      %swap3A_2346 = arith.constant 80 : index
      %swap3A_2347 = tpu.vector_load %arg8[%swap3A_2343, %swap3A_2344, %swap3A_2345, %swap3A_2346] {strides = array<i32>} : memref<4x16x8x128xf32, #tpu.memory_space<vmem>>, vector<16xf32>,
      tpu.vector_store %arg8[%swap3A_2343, %swap3A_2344, %swap3A_2345, %swap3A_2346], %get3A_2341 {strides = array<i32>} : memref<4x16x8x128xf32, #tpu.memory_space<vmem>>, vector<16xf32>,
      %add3A_2348 = arith.constant 96 : i32
      %add3A_2349 = arith.addi %add3A_2287, %add3A_2348 : i32
      %get3A_2350 = arith.index_cast %add3A_2349 : i32 to index
      %get3A_2351 = tpu.vector_load %arg7[%get3A_2350] {strides = array<i32>} : memref<4096xf32, #tpu.memory_space<vmem>>, vector<16xf32>,
      %swap3A_2352 = arith.constant 7 : i32
      %swap3A_2353 = arith.index_cast %rem3A_173 : i32 to index
      %swap3A_2354 = arith.index_cast %add3A_1655 : i32 to index
      %swap3A_2355 = arith.index_cast %swap3A_2352 : i32 to index
      %swap3A_2356 = arith.constant 96 : index
      %swap3A_2357 = tpu.vector_load %arg8[%swap3A_2353, %swap3A_2354, %swap3A_2355, %swap3A_2356] {strides = array<i32>} : memref<4x16x8x128xf32, #tpu.memory_space<vmem>>, vector<16xf32>,
      tpu.vector_store %arg8[%swap3A_2353, %swap3A_2354, %swap3A_2355, %swap3A_2356], %get3A_2351 {strides = array<i32>} : memref<4x16x8x128xf32, #tpu.memory_space<vmem>>, vector<16xf32>,
      %add3A_2358 = arith.constant 112 : i32
      %add3A_2359 = arith.addi %add3A_2287, %add3A_2358 : i32
      %get3A_2360 = arith.index_cast %add3A_2359 : i32 to index
      %get3A_2361 = tpu.vector_load %arg7[%get3A_2360] {strides = array<i32>} : memref<4096xf32, #tpu.memory_space<vmem>>, vector<16xf32>,
      %swap3A_2362 = arith.constant 7 : i32
      %swap3A_2363 = arith.index_cast %rem3A_173 : i32 to index
      %swap3A_2364 = arith.index_cast %add3A_1655 : i32 to index
      %swap3A_2365 = arith.index_cast %swap3A_2362 : i32 to index
      %swap3A_2366 = arith.constant 112 : index
      %swap3A_2367 = tpu.vector_load %arg8[%swap3A_2363, %swap3A_2364, %swap3A_2365, %swap3A_2366] {strides = array<i32>} : memref<4x16x8x128xf32, #tpu.memory_space<vmem>>, vector<16xf32>,
      tpu.vector_store %arg8[%swap3A_2363, %swap3A_2364, %swap3A_2365, %swap3A_2366], %get3A_2361 {strides = array<i32>} : memref<4x16x8x128xf32, #tpu.memory_space<vmem>>, vector<16xf32>,
      %add3A_2368 = arith.constant 3 : i32
      %add3A_2369 = arith.addi %min3A, %add3A_2368 : i32
      %mul3A_2370 = arith.constant 8 : i32
      %mul3A_2371 = arith.muli %mul3A_2370, %add3A_174 : i32
      %add3A_2372 = arith.constant 0 : i32
      %add3A_2373 = arith.addi %mul3A_2371, %add3A_2372 : i32
      %sub3A_2374 = arith.constant 2047 : i32
      %sub3A_2375 = arith.subi %sub3A_2374, %add3A_2373 : i32
      %mul3A_2376 = arith.constant 128 : i32
      %mul3A_2377 = arith.muli %mul3A_2376, %add3A_2369 : i32
      %add3A_2378 = arith.addi %sub3A_2375, %mul3A_2377 : i32
      %add3A_2379 = arith.constant 0 : i32
      %add3A_2380 = arith.addi %add3A_2378, %add3A_2379 : i32
      %get3A_2381 = arith.index_cast %add3A_2380 : i32 to index
      %get3A_2382 = tpu.vector_load %arg7[%get3A_2381] {strides = array<i32>} : memref<4096xf32, #tpu.memory_space<vmem>>, vector<16xf32>,
      %swap3A_2383 = arith.constant 0 : i32
      %swap3A_2384 = arith.index_cast %rem3A_173 : i32 to index
      %swap3A_2385 = arith.index_cast %add3A_2369 : i32 to index
      %swap3A_2386 = arith.index_cast %swap3A_2383 : i32 to index
      %swap3A_2387 = arith.constant 0 : index
      %swap3A_2388 = tpu.vector_load %arg8[%swap3A_2384, %swap3A_2385, %swap3A_2386, %swap3A_2387] {strides = array<i32>} : memref<4x16x8x128xf32, #tpu.memory_space<vmem>>, vector<16xf32>,
      tpu.vector_store %arg8[%swap3A_2384, %swap3A_2385, %swap3A_2386, %swap3A_2387], %get3A_2382 {strides = array<i32>} : memref<4x16x8x128xf32, #tpu.memory_space<vmem>>, vector<16xf32>,
      %add3A_2389 = arith.constant 16 : i32
      %add3A_2390 = arith.addi %add3A_2378, %add3A_2389 : i32
      %get3A_2391 = arith.index_cast %add3A_2390 : i32 to index
      %get3A_2392 = tpu.vector_load %arg7[%get3A_2391] {strides = array<i32>} : memref<4096xf32, #tpu.memory_space<vmem>>, vector<16xf32>,
      %swap3A_2393 = arith.constant 0 : i32
      %swap3A_2394 = arith.index_cast %rem3A_173 : i32 to index
      %swap3A_2395 = arith.index_cast %add3A_2369 : i32 to index
      %swap3A_2396 = arith.index_cast %swap3A_2393 : i32 to index
      %swap3A_2397 = arith.constant 16 : index
      %swap3A_2398 = tpu.vector_load %arg8[%swap3A_2394, %swap3A_2395, %swap3A_2396, %swap3A_2397] {strides = array<i32>} : memref<4x16x8x128xf32, #tpu.memory_space<vmem>>, vector<16xf32>,
      tpu.vector_store %arg8[%swap3A_2394, %swap3A_2395, %swap3A_2396, %swap3A_2397], %get3A_2392 {strides = array<i32>} : memref<4x16x8x128xf32, #tpu.memory_space<vmem>>, vector<16xf32>,
      %add3A_2399 = arith.constant 32 : i32
      %add3A_2400 = arith.addi %add3A_2378, %add3A_2399 : i32
      %get3A_2401 = arith.index_cast %add3A_2400 : i32 to index
      %get3A_2402 = tpu.vector_load %arg7[%get3A_2401] {strides = array<i32>} : memref<4096xf32, #tpu.memory_space<vmem>>, vector<16xf32>,
      %swap3A_2403 = arith.constant 0 : i32
      %swap3A_2404 = arith.index_cast %rem3A_173 : i32 to index
      %swap3A_2405 = arith.index_cast %add3A_2369 : i32 to index
      %swap3A_2406 = arith.index_cast %swap3A_2403 : i32 to index
      %swap3A_2407 = arith.constant 32 : index
      %swap3A_2408 = tpu.vector_load %arg8[%swap3A_2404, %swap3A_2405, %swap3A_2406, %swap3A_2407] {strides = array<i32>} : memref<4x16x8x128xf32, #tpu.memory_space<vmem>>, vector<16xf32>,
      tpu.vector_store %arg8[%swap3A_2404, %swap3A_2405, %swap3A_2406, %swap3A_2407], %get3A_2402 {strides = array<i32>} : memref<4x16x8x128xf32, #tpu.memory_space<vmem>>, vector<16xf32>,
      %add3A_2409 = arith.constant 48 : i32
      %add3A_2410 = arith.addi %add3A_2378, %add3A_2409 : i32
      %get3A_2411 = arith.index_cast %add3A_2410 : i32 to index
      %get3A_2412 = tpu.vector_load %arg7[%get3A_2411] {strides = array<i32>} : memref<4096xf32, #tpu.memory_space<vmem>>, vector<16xf32>,
      %swap3A_2413 = arith.constant 0 : i32
      %swap3A_2414 = arith.index_cast %rem3A_173 : i32 to index
      %swap3A_2415 = arith.index_cast %add3A_2369 : i32 to index
      %swap3A_2416 = arith.index_cast %swap3A_2413 : i32 to index
      %swap3A_2417 = arith.constant 48 : index
      %swap3A_2418 = tpu.vector_load %arg8[%swap3A_2414, %swap3A_2415, %swap3A_2416, %swap3A_2417] {strides = array<i32>} : memref<4x16x8x128xf32, #tpu.memory_space<vmem>>, vector<16xf32>,
      tpu.vector_store %arg8[%swap3A_2414, %swap3A_2415, %swap3A_2416, %swap3A_2417], %get3A_2412 {strides = array<i32>} : memref<4x16x8x128xf32, #tpu.memory_space<vmem>>, vector<16xf32>,
      %add3A_2419 = arith.constant 64 : i32
      %add3A_2420 = arith.addi %add3A_2378, %add3A_2419 : i32
      %get3A_2421 = arith.index_cast %add3A_2420 : i32 to index
      %get3A_2422 = tpu.vector_load %arg7[%get3A_2421] {strides = array<i32>} : memref<4096xf32, #tpu.memory_space<vmem>>, vector<16xf32>,
      %swap3A_2423 = arith.constant 0 : i32
      %swap3A_2424 = arith.index_cast %rem3A_173 : i32 to index
      %swap3A_2425 = arith.index_cast %add3A_2369 : i32 to index
      %swap3A_2426 = arith.index_cast %swap3A_2423 : i32 to index
      %swap3A_2427 = arith.constant 64 : index
      %swap3A_2428 = tpu.vector_load %arg8[%swap3A_2424, %swap3A_2425, %swap3A_2426, %swap3A_2427] {strides = array<i32>} : memref<4x16x8x128xf32, #tpu.memory_space<vmem>>, vector<16xf32>,
      tpu.vector_store %arg8[%swap3A_2424, %swap3A_2425, %swap3A_2426, %swap3A_2427], %get3A_2422 {strides = array<i32>} : memref<4x16x8x128xf32, #tpu.memory_space<vmem>>, vector<16xf32>,
      %add3A_2429 = arith.constant 80 : i32
      %add3A_2430 = arith.addi %add3A_2378, %add3A_2429 : i32
      %get3A_2431 = arith.index_cast %add3A_2430 : i32 to index
      %get3A_2432 = tpu.vector_load %arg7[%get3A_2431] {strides = array<i32>} : memref<4096xf32, #tpu.memory_space<vmem>>, vector<16xf32>,
      %swap3A_2433 = arith.constant 0 : i32
      %swap3A_2434 = arith.index_cast %rem3A_173 : i32 to index
      %swap3A_2435 = arith.index_cast %add3A_2369 : i32 to index
      %swap3A_2436 = arith.index_cast %swap3A_2433 : i32 to index
      %swap3A_2437 = arith.constant 80 : index
      %swap3A_2438 = tpu.vector_load %arg8[%swap3A_2434, %swap3A_2435, %swap3A_2436, %swap3A_2437] {strides = array<i32>} : memref<4x16x8x128xf32, #tpu.memory_space<vmem>>, vector<16xf32>,
      tpu.vector_store %arg8[%swap3A_2434, %swap3A_2435, %swap3A_2436, %swap3A_2437], %get3A_2432 {strides = array<i32>} : memref<4x16x8x128xf32, #tpu.memory_space<vmem>>, vector<16xf32>,
      %add3A_2439 = arith.constant 96 : i32
      %add3A_2440 = arith.addi %add3A_2378, %add3A_2439 : i32
      %get3A_2441 = arith.index_cast %add3A_2440 : i32 to index
      %get3A_2442 = tpu.vector_load %arg7[%get3A_2441] {strides = array<i32>} : memref<4096xf32, #tpu.memory_space<vmem>>, vector<16xf32>,
      %swap3A_2443 = arith.constant 0 : i32
      %swap3A_2444 = arith.index_cast %rem3A_173 : i32 to index
      %swap3A_2445 = arith.index_cast %add3A_2369 : i32 to index
      %swap3A_2446 = arith.index_cast %swap3A_2443 : i32 to index
      %swap3A_2447 = arith.constant 96 : index
      %swap3A_2448 = tpu.vector_load %arg8[%swap3A_2444, %swap3A_2445, %swap3A_2446, %swap3A_2447] {strides = array<i32>} : memref<4x16x8x128xf32, #tpu.memory_space<vmem>>, vector<16xf32>,
      tpu.vector_store %arg8[%swap3A_2444, %swap3A_2445, %swap3A_2446, %swap3A_2447], %get3A_2442 {strides = array<i32>} : memref<4x16x8x128xf32, #tpu.memory_space<vmem>>, vector<16xf32>,
      %add3A_2449 = arith.constant 112 : i32
      %add3A_2450 = arith.addi %add3A_2378, %add3A_2449 : i32
      %get3A_2451 = arith.index_cast %add3A_2450 : i32 to index
      %get3A_2452 = tpu.vector_load %arg7[%get3A_2451] {strides = array<i32>} : memref<4096xf32, #tpu.memory_space<vmem>>, vector<16xf32>,
      %swap3A_2453 = arith.constant 0 : i32
      %swap3A_2454 = arith.index_cast %rem3A_173 : i32 to index
      %swap3A_2455 = arith.index_cast %add3A_2369 : i32 to index
      %swap3A_2456 = arith.index_cast %swap3A_2453 : i32 to index
      %swap3A_2457 = arith.constant 112 : index
      %swap3A_2458 = tpu.vector_load %arg8[%swap3A_2454, %swap3A_2455, %swap3A_2456, %swap3A_2457] {strides = array<i32>} : memref<4x16x8x128xf32, #tpu.memory_space<vmem>>, vector<16xf32>,
      tpu.vector_store %arg8[%swap3A_2454, %swap3A_2455, %swap3A_2456, %swap3A_2457], %get3A_2452 {strides = array<i32>} : memref<4x16x8x128xf32, #tpu.memory_space<vmem>>, vector<16xf32>,
      %mul3A_2459 = arith.constant 8 : i32
      %mul3A_2460 = arith.muli %mul3A_2459, %add3A_174 : i32
      %add3A_2461 = arith.constant 1 : i32
      %add3A_2462 = arith.addi %mul3A_2460, %add3A_2461 : i32
      %sub3A_2463 = arith.constant 2047 : i32
      %sub3A_2464 = arith.subi %sub3A_2463, %add3A_2462 : i32
      %mul3A_2465 = arith.constant 128 : i32
      %mul3A_2466 = arith.muli %mul3A_2465, %add3A_2369 : i32
      %add3A_2467 = arith.addi %sub3A_2464, %mul3A_2466 : i32
      %add3A_2468 = arith.constant 0 : i32
      %add3A_2469 = arith.addi %add3A_2467, %add3A_2468 : i32
      %get3A_2470 = arith.index_cast %add3A_2469 : i32 to index
      %get3A_2471 = tpu.vector_load %arg7[%get3A_2470] {strides = array<i32>} : memref<4096xf32, #tpu.memory_space<vmem>>, vector<16xf32>,
      %swap3A_2472 = arith.constant 1 : i32
      %swap3A_2473 = arith.index_cast %rem3A_173 : i32 to index
      %swap3A_2474 = arith.index_cast %add3A_2369 : i32 to index
      %swap3A_2475 = arith.index_cast %swap3A_2472 : i32 to index
      %swap3A_2476 = arith.constant 0 : index
      %swap3A_2477 = tpu.vector_load %arg8[%swap3A_2473, %swap3A_2474, %swap3A_2475, %swap3A_2476] {strides = array<i32>} : memref<4x16x8x128xf32, #tpu.memory_space<vmem>>, vector<16xf32>,
      tpu.vector_store %arg8[%swap3A_2473, %swap3A_2474, %swap3A_2475, %swap3A_2476], %get3A_2471 {strides = array<i32>} : memref<4x16x8x128xf32, #tpu.memory_space<vmem>>, vector<16xf32>,
      %add3A_2478 = arith.constant 16 : i32
      %add3A_2479 = arith.addi %add3A_2467, %add3A_2478 : i32
      %get3A_2480 = arith.index_cast %add3A_2479 : i32 to index
      %get3A_2481 = tpu.vector_load %arg7[%get3A_2480] {strides = array<i32>} : memref<4096xf32, #tpu.memory_space<vmem>>, vector<16xf32>,
      %swap3A_2482 = arith.constant 1 : i32
      %swap3A_2483 = arith.index_cast %rem3A_173 : i32 to index
      %swap3A_2484 = arith.index_cast %add3A_2369 : i32 to index
      %swap3A_2485 = arith.index_cast %swap3A_2482 : i32 to index
      %swap3A_2486 = arith.constant 16 : index
      %swap3A_2487 = tpu.vector_load %arg8[%swap3A_2483, %swap3A_2484, %swap3A_2485, %swap3A_2486] {strides = array<i32>} : memref<4x16x8x128xf32, #tpu.memory_space<vmem>>, vector<16xf32>,
      tpu.vector_store %arg8[%swap3A_2483, %swap3A_2484, %swap3A_2485, %swap3A_2486], %get3A_2481 {strides = array<i32>} : memref<4x16x8x128xf32, #tpu.memory_space<vmem>>, vector<16xf32>,
      %add3A_2488 = arith.constant 32 : i32
      %add3A_2489 = arith.addi %add3A_2467, %add3A_2488 : i32
      %get3A_2490 = arith.index_cast %add3A_2489 : i32 to index
      %get3A_2491 = tpu.vector_load %arg7[%get3A_2490] {strides = array<i32>} : memref<4096xf32, #tpu.memory_space<vmem>>, vector<16xf32>,
      %swap3A_2492 = arith.constant 1 : i32
      %swap3A_2493 = arith.index_cast %rem3A_173 : i32 to index
      %swap3A_2494 = arith.index_cast %add3A_2369 : i32 to index
      %swap3A_2495 = arith.index_cast %swap3A_2492 : i32 to index
      %swap3A_2496 = arith.constant 32 : index
      %swap3A_2497 = tpu.vector_load %arg8[%swap3A_2493, %swap3A_2494, %swap3A_2495, %swap3A_2496] {strides = array<i32>} : memref<4x16x8x128xf32, #tpu.memory_space<vmem>>, vector<16xf32>,
      tpu.vector_store %arg8[%swap3A_2493, %swap3A_2494, %swap3A_2495, %swap3A_2496], %get3A_2491 {strides = array<i32>} : memref<4x16x8x128xf32, #tpu.memory_space<vmem>>, vector<16xf32>,
      %add3A_2498 = arith.constant 48 : i32
      %add3A_2499 = arith.addi %add3A_2467, %add3A_2498 : i32
      %get3A_2500 = arith.index_cast %add3A_2499 : i32 to index
      %get3A_2501 = tpu.vector_load %arg7[%get3A_2500] {strides = array<i32>} : memref<4096xf32, #tpu.memory_space<vmem>>, vector<16xf32>,
      %swap3A_2502 = arith.constant 1 : i32
      %swap3A_2503 = arith.index_cast %rem3A_173 : i32 to index
      %swap3A_2504 = arith.index_cast %add3A_2369 : i32 to index
      %swap3A_2505 = arith.index_cast %swap3A_2502 : i32 to index
      %swap3A_2506 = arith.constant 48 : index
      %swap3A_2507 = tpu.vector_load %arg8[%swap3A_2503, %swap3A_2504, %swap3A_2505, %swap3A_2506] {strides = array<i32>} : memref<4x16x8x128xf32, #tpu.memory_space<vmem>>, vector<16xf32>,
      tpu.vector_store %arg8[%swap3A_2503, %swap3A_2504, %swap3A_2505, %swap3A_2506], %get3A_2501 {strides = array<i32>} : memref<4x16x8x128xf32, #tpu.memory_space<vmem>>, vector<16xf32>,
      %add3A_2508 = arith.constant 64 : i32
      %add3A_2509 = arith.addi %add3A_2467, %add3A_2508 : i32
      %get3A_2510 = arith.index_cast %add3A_2509 : i32 to index
      %get3A_2511 = tpu.vector_load %arg7[%get3A_2510] {strides = array<i32>} : memref<4096xf32, #tpu.memory_space<vmem>>, vector<16xf32>,
      %swap3A_2512 = arith.constant 1 : i32
      %swap3A_2513 = arith.index_cast %rem3A_173 : i32 to index
      %swap3A_2514 = arith.index_cast %add3A_2369 : i32 to index
      %swap3A_2515 = arith.index_cast %swap3A_2512 : i32 to index
      %swap3A_2516 = arith.constant 64 : index
      %swap3A_2517 = tpu.vector_load %arg8[%swap3A_2513, %swap3A_2514, %swap3A_2515, %swap3A_2516] {strides = array<i32>} : memref<4x16x8x128xf32, #tpu.memory_space<vmem>>, vector<16xf32>,
      tpu.vector_store %arg8[%swap3A_2513, %swap3A_2514, %swap3A_2515, %swap3A_2516], %get3A_2511 {strides = array<i32>} : memref<4x16x8x128xf32, #tpu.memory_space<vmem>>, vector<16xf32>,
      %add3A_2518 = arith.constant 80 : i32
      %add3A_2519 = arith.addi %add3A_2467, %add3A_2518 : i32
      %get3A_2520 = arith.index_cast %add3A_2519 : i32 to index
      %get3A_2521 = tpu.vector_load %arg7[%get3A_2520] {strides = array<i32>} : memref<4096xf32, #tpu.memory_space<vmem>>, vector<16xf32>,
      %swap3A_2522 = arith.constant 1 : i32
      %swap3A_2523 = arith.index_cast %rem3A_173 : i32 to index
      %swap3A_2524 = arith.index_cast %add3A_2369 : i32 to index
      %swap3A_2525 = arith.index_cast %swap3A_2522 : i32 to index
      %swap3A_2526 = arith.constant 80 : index
      %swap3A_2527 = tpu.vector_load %arg8[%swap3A_2523, %swap3A_2524, %swap3A_2525, %swap3A_2526] {strides = array<i32>} : memref<4x16x8x128xf32, #tpu.memory_space<vmem>>, vector<16xf32>,
      tpu.vector_store %arg8[%swap3A_2523, %swap3A_2524, %swap3A_2525, %swap3A_2526], %get3A_2521 {strides = array<i32>} : memref<4x16x8x128xf32, #tpu.memory_space<vmem>>, vector<16xf32>,
      %add3A_2528 = arith.constant 96 : i32
      %add3A_2529 = arith.addi %add3A_2467, %add3A_2528 : i32
      %get3A_2530 = arith.index_cast %add3A_2529 : i32 to index
      %get3A_2531 = tpu.vector_load %arg7[%get3A_2530] {strides = array<i32>} : memref<4096xf32, #tpu.memory_space<vmem>>, vector<16xf32>,
      %swap3A_2532 = arith.constant 1 : i32
      %swap3A_2533 = arith.index_cast %rem3A_173 : i32 to index
      %swap3A_2534 = arith.index_cast %add3A_2369 : i32 to index
      %swap3A_2535 = arith.index_cast %swap3A_2532 : i32 to index
      %swap3A_2536 = arith.constant 96 : index
      %swap3A_2537 = tpu.vector_load %arg8[%swap3A_2533, %swap3A_2534, %swap3A_2535, %swap3A_2536] {strides = array<i32>} : memref<4x16x8x128xf32, #tpu.memory_space<vmem>>, vector<16xf32>,
      tpu.vector_store %arg8[%swap3A_2533, %swap3A_2534, %swap3A_2535, %swap3A_2536], %get3A_2531 {strides = array<i32>} : memref<4x16x8x128xf32, #tpu.memory_space<vmem>>, vector<16xf32>,
      %add3A_2538 = arith.constant 112 : i32
      %add3A_2539 = arith.addi %add3A_2467, %add3A_2538 : i32
      %get3A_2540 = arith.index_cast %add3A_2539 : i32 to index
      %get3A_2541 = tpu.vector_load %arg7[%get3A_2540] {strides = array<i32>} : memref<4096xf32, #tpu.memory_space<vmem>>, vector<16xf32>,
      %swap3A_2542 = arith.constant 1 : i32
      %swap3A_2543 = arith.index_cast %rem3A_173 : i32 to index
      %swap3A_2544 = arith.index_cast %add3A_2369 : i32 to index
      %swap3A_2545 = arith.index_cast %swap3A_2542 : i32 to index
      %swap3A_2546 = arith.constant 112 : index
      %swap3A_2547 = tpu.vector_load %arg8[%swap3A_2543, %swap3A_2544, %swap3A_2545, %swap3A_2546] {strides = array<i32>} : memref<4x16x8x128xf32, #tpu.memory_space<vmem>>, vector<16xf32>,
      tpu.vector_store %arg8[%swap3A_2543, %swap3A_2544, %swap3A_2545, %swap3A_2546], %get3A_2541 {strides = array<i32>} : memref<4x16x8x128xf32, #tpu.memory_space<vmem>>, vector<16xf32>,
      %mul3A_2548 = arith.constant 8 : i32
      %mul3A_2549 = arith.muli %mul3A_2548, %add3A_174 : i32
      %add3A_2550 = arith.constant 2 : i32
      %add3A_2551 = arith.addi %mul3A_2549, %add3A_2550 : i32
      %sub3A_2552 = arith.constant 2047 : i32
      %sub3A_2553 = arith.subi %sub3A_2552, %add3A_2551 : i32
      %mul3A_2554 = arith.constant 128 : i32
      %mul3A_2555 = arith.muli %mul3A_2554, %add3A_2369 : i32
      %add3A_2556 = arith.addi %sub3A_2553, %mul3A_2555 : i32
      %add3A_2557 = arith.constant 0 : i32
      %add3A_2558 = arith.addi %add3A_2556, %add3A_2557 : i32
      %get3A_2559 = arith.index_cast %add3A_2558 : i32 to index
      %get3A_2560 = tpu.vector_load %arg7[%get3A_2559] {strides = array<i32>} : memref<4096xf32, #tpu.memory_space<vmem>>, vector<16xf32>,
      %swap3A_2561 = arith.constant 2 : i32
      %swap3A_2562 = arith.index_cast %rem3A_173 : i32 to index
      %swap3A_2563 = arith.index_cast %add3A_2369 : i32 to index
      %swap3A_2564 = arith.index_cast %swap3A_2561 : i32 to index
      %swap3A_2565 = arith.constant 0 : index
      %swap3A_2566 = tpu.vector_load %arg8[%swap3A_2562, %swap3A_2563, %swap3A_2564, %swap3A_2565] {strides = array<i32>} : memref<4x16x8x128xf32, #tpu.memory_space<vmem>>, vector<16xf32>,
      tpu.vector_store %arg8[%swap3A_2562, %swap3A_2563, %swap3A_2564, %swap3A_2565], %get3A_2560 {strides = array<i32>} : memref<4x16x8x128xf32, #tpu.memory_space<vmem>>, vector<16xf32>,
      %add3A_2567 = arith.constant 16 : i32
      %add3A_2568 = arith.addi %add3A_2556, %add3A_2567 : i32
      %get3A_2569 = arith.index_cast %add3A_2568 : i32 to index
      %get3A_2570 = tpu.vector_load %arg7[%get3A_2569] {strides = array<i32>} : memref<4096xf32, #tpu.memory_space<vmem>>, vector<16xf32>,
      %swap3A_2571 = arith.constant 2 : i32
      %swap3A_2572 = arith.index_cast %rem3A_173 : i32 to index
      %swap3A_2573 = arith.index_cast %add3A_2369 : i32 to index
      %swap3A_2574 = arith.index_cast %swap3A_2571 : i32 to index
      %swap3A_2575 = arith.constant 16 : index
      %swap3A_2576 = tpu.vector_load %arg8[%swap3A_2572, %swap3A_2573, %swap3A_2574, %swap3A_2575] {strides = array<i32>} : memref<4x16x8x128xf32, #tpu.memory_space<vmem>>, vector<16xf32>,
      tpu.vector_store %arg8[%swap3A_2572, %swap3A_2573, %swap3A_2574, %swap3A_2575], %get3A_2570 {strides = array<i32>} : memref<4x16x8x128xf32, #tpu.memory_space<vmem>>, vector<16xf32>,
      %add3A_2577 = arith.constant 32 : i32
      %add3A_2578 = arith.addi %add3A_2556, %add3A_2577 : i32
      %get3A_2579 = arith.index_cast %add3A_2578 : i32 to index
      %get3A_2580 = tpu.vector_load %arg7[%get3A_2579] {strides = array<i32>} : memref<4096xf32, #tpu.memory_space<vmem>>, vector<16xf32>,
      %swap3A_2581 = arith.constant 2 : i32
      %swap3A_2582 = arith.index_cast %rem3A_173 : i32 to index
      %swap3A_2583 = arith.index_cast %add3A_2369 : i32 to index
      %swap3A_2584 = arith.index_cast %swap3A_2581 : i32 to index
      %swap3A_2585 = arith.constant 32 : index
      %swap3A_2586 = tpu.vector_load %arg8[%swap3A_2582, %swap3A_2583, %swap3A_2584, %swap3A_2585] {strides = array<i32>} : memref<4x16x8x128xf32, #tpu.memory_space<vmem>>, vector<16xf32>,
      tpu.vector_store %arg8[%swap3A_2582, %swap3A_2583, %swap3A_2584, %swap3A_2585], %get3A_2580 {strides = array<i32>} : memref<4x16x8x128xf32, #tpu.memory_space<vmem>>, vector<16xf32>,
      %add3A_2587 = arith.constant 48 : i32
      %add3A_2588 = arith.addi %add3A_2556, %add3A_2587 : i32
      %get3A_2589 = arith.index_cast %add3A_2588 : i32 to index
      %get3A_2590 = tpu.vector_load %arg7[%get3A_2589] {strides = array<i32>} : memref<4096xf32, #tpu.memory_space<vmem>>, vector<16xf32>,
      %swap3A_2591 = arith.constant 2 : i32
      %swap3A_2592 = arith.index_cast %rem3A_173 : i32 to index
      %swap3A_2593 = arith.index_cast %add3A_2369 : i32 to index
      %swap3A_2594 = arith.index_cast %swap3A_2591 : i32 to index
      %swap3A_2595 = arith.constant 48 : index
      %swap3A_2596 = tpu.vector_load %arg8[%swap3A_2592, %swap3A_2593, %swap3A_2594, %swap3A_2595] {strides = array<i32>} : memref<4x16x8x128xf32, #tpu.memory_space<vmem>>, vector<16xf32>,
      tpu.vector_store %arg8[%swap3A_2592, %swap3A_2593, %swap3A_2594, %swap3A_2595], %get3A_2590 {strides = array<i32>} : memref<4x16x8x128xf32, #tpu.memory_space<vmem>>, vector<16xf32>,
      %add3A_2597 = arith.constant 64 : i32
      %add3A_2598 = arith.addi %add3A_2556, %add3A_2597 : i32
      %get3A_2599 = arith.index_cast %add3A_2598 : i32 to index
      %get3A_2600 = tpu.vector_load %arg7[%get3A_2599] {strides = array<i32>} : memref<4096xf32, #tpu.memory_space<vmem>>, vector<16xf32>,
      %swap3A_2601 = arith.constant 2 : i32
      %swap3A_2602 = arith.index_cast %rem3A_173 : i32 to index
      %swap3A_2603 = arith.index_cast %add3A_2369 : i32 to index
      %swap3A_2604 = arith.index_cast %swap3A_2601 : i32 to index
      %swap3A_2605 = arith.constant 64 : index
      %swap3A_2606 = tpu.vector_load %arg8[%swap3A_2602, %swap3A_2603, %swap3A_2604, %swap3A_2605] {strides = array<i32>} : memref<4x16x8x128xf32, #tpu.memory_space<vmem>>, vector<16xf32>,
      tpu.vector_store %arg8[%swap3A_2602, %swap3A_2603, %swap3A_2604, %swap3A_2605], %get3A_2600 {strides = array<i32>} : memref<4x16x8x128xf32, #tpu.memory_space<vmem>>, vector<16xf32>,
      %add3A_2607 = arith.constant 80 : i32
      %add3A_2608 = arith.addi %add3A_2556, %add3A_2607 : i32
      %get3A_2609 = arith.index_cast %add3A_2608 : i32 to index
      %get3A_2610 = tpu.vector_load %arg7[%get3A_2609] {strides = array<i32>} : memref<4096xf32, #tpu.memory_space<vmem>>, vector<16xf32>,
      %swap3A_2611 = arith.constant 2 : i32
      %swap3A_2612 = arith.index_cast %rem3A_173 : i32 to index
      %swap3A_2613 = arith.index_cast %add3A_2369 : i32 to index
      %swap3A_2614 = arith.index_cast %swap3A_2611 : i32 to index
      %swap3A_2615 = arith.constant 80 : index
      %swap3A_2616 = tpu.vector_load %arg8[%swap3A_2612, %swap3A_2613, %swap3A_2614, %swap3A_2615] {strides = array<i32>} : memref<4x16x8x128xf32, #tpu.memory_space<vmem>>, vector<16xf32>,
      tpu.vector_store %arg8[%swap3A_2612, %swap3A_2613, %swap3A_2614, %swap3A_2615], %get3A_2610 {strides = array<i32>} : memref<4x16x8x128xf32, #tpu.memory_space<vmem>>, vector<16xf32>,
      %add3A_2617 = arith.constant 96 : i32
      %add3A_2618 = arith.addi %add3A_2556, %add3A_2617 : i32
      %get3A_2619 = arith.index_cast %add3A_2618 : i32 to index
      %get3A_2620 = tpu.vector_load %arg7[%get3A_2619] {strides = array<i32>} : memref<4096xf32, #tpu.memory_space<vmem>>, vector<16xf32>,
      %swap3A_2621 = arith.constant 2 : i32
      %swap3A_2622 = arith.index_cast %rem3A_173 : i32 to index
      %swap3A_2623 = arith.index_cast %add3A_2369 : i32 to index
      %swap3A_2624 = arith.index_cast %swap3A_2621 : i32 to index
      %swap3A_2625 = arith.constant 96 : index
      %swap3A_2626 = tpu.vector_load %arg8[%swap3A_2622, %swap3A_2623, %swap3A_2624, %swap3A_2625] {strides = array<i32>} : memref<4x16x8x128xf32, #tpu.memory_space<vmem>>, vector<16xf32>,
      tpu.vector_store %arg8[%swap3A_2622, %swap3A_2623, %swap3A_2624, %swap3A_2625], %get3A_2620 {strides = array<i32>} : memref<4x16x8x128xf32, #tpu.memory_space<vmem>>, vector<16xf32>,
      %add3A_2627 = arith.constant 112 : i32
      %add3A_2628 = arith.addi %add3A_2556, %add3A_2627 : i32
      %get3A_2629 = arith.index_cast %add3A_2628 : i32 to index
      %get3A_2630 = tpu.vector_load %arg7[%get3A_2629] {strides = array<i32>} : memref<4096xf32, #tpu.memory_space<vmem>>, vector<16xf32>,
      %swap3A_2631 = arith.constant 2 : i32
      %swap3A_2632 = arith.index_cast %rem3A_173 : i32 to index
      %swap3A_2633 = arith.index_cast %add3A_2369 : i32 to index
      %swap3A_2634 = arith.index_cast %swap3A_2631 : i32 to index
      %swap3A_2635 = arith.constant 112 : index
      %swap3A_2636 = tpu.vector_load %arg8[%swap3A_2632, %swap3A_2633, %swap3A_2634, %swap3A_2635] {strides = array<i32>} : memref<4x16x8x128xf32, #tpu.memory_space<vmem>>, vector<16xf32>,
      tpu.vector_store %arg8[%swap3A_2632, %swap3A_2633, %swap3A_2634, %swap3A_2635], %get3A_2630 {strides = array<i32>} : memref<4x16x8x128xf32, #tpu.memory_space<vmem>>, vector<16xf32>,
      %mul3A_2637 = arith.constant 8 : i32
      %mul3A_2638 = arith.muli %mul3A_2637, %add3A_174 : i32
      %add3A_2639 = arith.constant 3 : i32
      %add3A_2640 = arith.addi %mul3A_2638, %add3A_2639 : i32
      %sub3A_2641 = arith.constant 2047 : i32
      %sub3A_2642 = arith.subi %sub3A_2641, %add3A_2640 : i32
      %mul3A_2643 = arith.constant 128 : i32
      %mul3A_2644 = arith.muli %mul3A_2643, %add3A_2369 : i32
      %add3A_2645 = arith.addi %sub3A_2642, %mul3A_2644 : i32
      %add3A_2646 = arith.constant 0 : i32
      %add3A_2647 = arith.addi %add3A_2645, %add3A_2646 : i32
      %get3A_2648 = arith.index_cast %add3A_2647 : i32 to index
      %get3A_2649 = tpu.vector_load %arg7[%get3A_2648] {strides = array<i32>} : memref<4096xf32, #tpu.memory_space<vmem>>, vector<16xf32>,
      %swap3A_2650 = arith.constant 3 : i32
      %swap3A_2651 = arith.index_cast %rem3A_173 : i32 to index
      %swap3A_2652 = arith.index_cast %add3A_2369 : i32 to index
      %swap3A_2653 = arith.index_cast %swap3A_2650 : i32 to index
      %swap3A_2654 = arith.constant 0 : index
      %swap3A_2655 = tpu.vector_load %arg8[%swap3A_2651, %swap3A_2652, %swap3A_2653, %swap3A_2654] {strides = array<i32>} : memref<4x16x8x128xf32, #tpu.memory_space<vmem>>, vector<16xf32>,
      tpu.vector_store %arg8[%swap3A_2651, %swap3A_2652, %swap3A_2653, %swap3A_2654], %get3A_2649 {strides = array<i32>} : memref<4x16x8x128xf32, #tpu.memory_space<vmem>>, vector<16xf32>,
      %add3A_2656 = arith.constant 16 : i32
      %add3A_2657 = arith.addi %add3A_2645, %add3A_2656 : i32
      %get3A_2658 = arith.index_cast %add3A_2657 : i32 to index
      %get3A_2659 = tpu.vector_load %arg7[%get3A_2658] {strides = array<i32>} : memref<4096xf32, #tpu.memory_space<vmem>>, vector<16xf32>,
      %swap3A_2660 = arith.constant 3 : i32
      %swap3A_2661 = arith.index_cast %rem3A_173 : i32 to index
      %swap3A_2662 = arith.index_cast %add3A_2369 : i32 to index
      %swap3A_2663 = arith.index_cast %swap3A_2660 : i32 to index
      %swap3A_2664 = arith.constant 16 : index
      %swap3A_2665 = tpu.vector_load %arg8[%swap3A_2661, %swap3A_2662, %swap3A_2663, %swap3A_2664] {strides = array<i32>} : memref<4x16x8x128xf32, #tpu.memory_space<vmem>>, vector<16xf32>,
      tpu.vector_store %arg8[%swap3A_2661, %swap3A_2662, %swap3A_2663, %swap3A_2664], %get3A_2659 {strides = array<i32>} : memref<4x16x8x128xf32, #tpu.memory_space<vmem>>, vector<16xf32>,
      %add3A_2666 = arith.constant 32 : i32
      %add3A_2667 = arith.addi %add3A_2645, %add3A_2666 : i32
      %get3A_2668 = arith.index_cast %add3A_2667 : i32 to index
      %get3A_2669 = tpu.vector_load %arg7[%get3A_2668] {strides = array<i32>} : memref<4096xf32, #tpu.memory_space<vmem>>, vector<16xf32>,
      %swap3A_2670 = arith.constant 3 : i32
      %swap3A_2671 = arith.index_cast %rem3A_173 : i32 to index
      %swap3A_2672 = arith.index_cast %add3A_2369 : i32 to index
      %swap3A_2673 = arith.index_cast %swap3A_2670 : i32 to index
      %swap3A_2674 = arith.constant 32 : index
      %swap3A_2675 = tpu.vector_load %arg8[%swap3A_2671, %swap3A_2672, %swap3A_2673, %swap3A_2674] {strides = array<i32>} : memref<4x16x8x128xf32, #tpu.memory_space<vmem>>, vector<16xf32>,
      tpu.vector_store %arg8[%swap3A_2671, %swap3A_2672, %swap3A_2673, %swap3A_2674], %get3A_2669 {strides = array<i32>} : memref<4x16x8x128xf32, #tpu.memory_space<vmem>>, vector<16xf32>,
      %add3A_2676 = arith.constant 48 : i32
      %add3A_2677 = arith.addi %add3A_2645, %add3A_2676 : i32
      %get3A_2678 = arith.index_cast %add3A_2677 : i32 to index
      %get3A_2679 = tpu.vector_load %arg7[%get3A_2678] {strides = array<i32>} : memref<4096xf32, #tpu.memory_space<vmem>>, vector<16xf32>,
      %swap3A_2680 = arith.constant 3 : i32
      %swap3A_2681 = arith.index_cast %rem3A_173 : i32 to index
      %swap3A_2682 = arith.index_cast %add3A_2369 : i32 to index
      %swap3A_2683 = arith.index_cast %swap3A_2680 : i32 to index
      %swap3A_2684 = arith.constant 48 : index
      %swap3A_2685 = tpu.vector_load %arg8[%swap3A_2681, %swap3A_2682, %swap3A_2683, %swap3A_2684] {strides = array<i32>} : memref<4x16x8x128xf32, #tpu.memory_space<vmem>>, vector<16xf32>,
      tpu.vector_store %arg8[%swap3A_2681, %swap3A_2682, %swap3A_2683, %swap3A_2684], %get3A_2679 {strides = array<i32>} : memref<4x16x8x128xf32, #tpu.memory_space<vmem>>, vector<16xf32>,
      %add3A_2686 = arith.constant 64 : i32
      %add3A_2687 = arith.addi %add3A_2645, %add3A_2686 : i32
      %get3A_2688 = arith.index_cast %add3A_2687 : i32 to index
      %get3A_2689 = tpu.vector_load %arg7[%get3A_2688] {strides = array<i32>} : memref<4096xf32, #tpu.memory_space<vmem>>, vector<16xf32>,
      %swap3A_2690 = arith.constant 3 : i32
      %swap3A_2691 = arith.index_cast %rem3A_173 : i32 to index
      %swap3A_2692 = arith.index_cast %add3A_2369 : i32 to index
      %swap3A_2693 = arith.index_cast %swap3A_2690 : i32 to index
      %swap3A_2694 = arith.constant 64 : index
      %swap3A_2695 = tpu.vector_load %arg8[%swap3A_2691, %swap3A_2692, %swap3A_2693, %swap3A_2694] {strides = array<i32>} : memref<4x16x8x128xf32, #tpu.memory_space<vmem>>, vector<16xf32>,
      tpu.vector_store %arg8[%swap3A_2691, %swap3A_2692, %swap3A_2693, %swap3A_2694], %get3A_2689 {strides = array<i32>} : memref<4x16x8x128xf32, #tpu.memory_space<vmem>>, vector<16xf32>,
      %add3A_2696 = arith.constant 80 : i32
      %add3A_2697 = arith.addi %add3A_2645, %add3A_2696 : i32
      %get3A_2698 = arith.index_cast %add3A_2697 : i32 to index
      %get3A_2699 = tpu.vector_load %arg7[%get3A_2698] {strides = array<i32>} : memref<4096xf32, #tpu.memory_space<vmem>>, vector<16xf32>,
      %swap3A_2700 = arith.constant 3 : i32
      %swap3A_2701 = arith.index_cast %rem3A_173 : i32 to index
      %swap3A_2702 = arith.index_cast %add3A_2369 : i32 to index
      %swap3A_2703 = arith.index_cast %swap3A_2700 : i32 to index
      %swap3A_2704 = arith.constant 80 : index
      %swap3A_2705 = tpu.vector_load %arg8[%swap3A_2701, %swap3A_2702, %swap3A_2703, %swap3A_2704] {strides = array<i32>} : memref<4x16x8x128xf32, #tpu.memory_space<vmem>>, vector<16xf32>,
      tpu.vector_store %arg8[%swap3A_2701, %swap3A_2702, %swap3A_2703, %swap3A_2704], %get3A_2699 {strides = array<i32>} : memref<4x16x8x128xf32, #tpu.memory_space<vmem>>, vector<16xf32>,
      %add3A_2706 = arith.constant 96 : i32
      %add3A_2707 = arith.addi %add3A_2645, %add3A_2706 : i32
      %get3A_2708 = arith.index_cast %add3A_2707 : i32 to index
      %get3A_2709 = tpu.vector_load %arg7[%get3A_2708] {strides = array<i32>} : memref<4096xf32, #tpu.memory_space<vmem>>, vector<16xf32>,
      %swap3A_2710 = arith.constant 3 : i32
      %swap3A_2711 = arith.index_cast %rem3A_173 : i32 to index
      %swap3A_2712 = arith.index_cast %add3A_2369 : i32 to index
      %swap3A_2713 = arith.index_cast %swap3A_2710 : i32 to index
      %swap3A_2714 = arith.constant 96 : index
      %swap3A_2715 = tpu.vector_load %arg8[%swap3A_2711, %swap3A_2712, %swap3A_2713, %swap3A_2714] {strides = array<i32>} : memref<4x16x8x128xf32, #tpu.memory_space<vmem>>, vector<16xf32>,
      tpu.vector_store %arg8[%swap3A_2711, %swap3A_2712, %swap3A_2713, %swap3A_2714], %get3A_2709 {strides = array<i32>} : memref<4x16x8x128xf32, #tpu.memory_space<vmem>>, vector<16xf32>,
      %add3A_2716 = arith.constant 112 : i32
      %add3A_2717 = arith.addi %add3A_2645, %add3A_2716 : i32
      %get3A_2718 = arith.index_cast %add3A_2717 : i32 to index
      %get3A_2719 = tpu.vector_load %arg7[%get3A_2718] {strides = array<i32>} : memref<4096xf32, #tpu.memory_space<vmem>>, vector<16xf32>,
      %swap3A_2720 = arith.constant 3 : i32
      %swap3A_2721 = arith.index_cast %rem3A_173 : i32 to index
      %swap3A_2722 = arith.index_cast %add3A_2369 : i32 to index
      %swap3A_2723 = arith.index_cast %swap3A_2720 : i32 to index
      %swap3A_2724 = arith.constant 112 : index
      %swap3A_2725 = tpu.vector_load %arg8[%swap3A_2721, %swap3A_2722, %swap3A_2723, %swap3A_2724] {strides = array<i32>} : memref<4x16x8x128xf32, #tpu.memory_space<vmem>>, vector<16xf32>,
      tpu.vector_store %arg8[%swap3A_2721, %swap3A_2722, %swap3A_2723, %swap3A_2724], %get3A_2719 {strides = array<i32>} : memref<4x16x8x128xf32, #tpu.memory_space<vmem>>, vector<16xf32>,
      %mul3A_2726 = arith.constant 8 : i32
      %mul3A_2727 = arith.muli %mul3A_2726, %add3A_174 : i32
      %add3A_2728 = arith.constant 4 : i32
      %add3A_2729 = arith.addi %mul3A_2727, %add3A_2728 : i32
      %sub3A_2730 = arith.constant 2047 : i32
      %sub3A_2731 = arith.subi %sub3A_2730, %add3A_2729 : i32
      %mul3A_2732 = arith.constant 128 : i32
      %mul3A_2733 = arith.muli %mul3A_2732, %add3A_2369 : i32
      %add3A_2734 = arith.addi %sub3A_2731, %mul3A_2733 : i32
      %add3A_2735 = arith.constant 0 : i32
      %add3A_2736 = arith.addi %add3A_2734, %add3A_2735 : i32
      %get3A_2737 = arith.index_cast %add3A_2736 : i32 to index
      %get3A_2738 = tpu.vector_load %arg7[%get3A_2737] {strides = array<i32>} : memref<4096xf32, #tpu.memory_space<vmem>>, vector<16xf32>,
      %swap3A_2739 = arith.constant 4 : i32
      %swap3A_2740 = arith.index_cast %rem3A_173 : i32 to index
      %swap3A_2741 = arith.index_cast %add3A_2369 : i32 to index
      %swap3A_2742 = arith.index_cast %swap3A_2739 : i32 to index
      %swap3A_2743 = arith.constant 0 : index
      %swap3A_2744 = tpu.vector_load %arg8[%swap3A_2740, %swap3A_2741, %swap3A_2742, %swap3A_2743] {strides = array<i32>} : memref<4x16x8x128xf32, #tpu.memory_space<vmem>>, vector<16xf32>,
      tpu.vector_store %arg8[%swap3A_2740, %swap3A_2741, %swap3A_2742, %swap3A_2743], %get3A_2738 {strides = array<i32>} : memref<4x16x8x128xf32, #tpu.memory_space<vmem>>, vector<16xf32>,
      %add3A_2745 = arith.constant 16 : i32
      %add3A_2746 = arith.addi %add3A_2734, %add3A_2745 : i32
      %get3A_2747 = arith.index_cast %add3A_2746 : i32 to index
      %get3A_2748 = tpu.vector_load %arg7[%get3A_2747] {strides = array<i32>} : memref<4096xf32, #tpu.memory_space<vmem>>, vector<16xf32>,
      %swap3A_2749 = arith.constant 4 : i32
      %swap3A_2750 = arith.index_cast %rem3A_173 : i32 to index
      %swap3A_2751 = arith.index_cast %add3A_2369 : i32 to index
      %swap3A_2752 = arith.index_cast %swap3A_2749 : i32 to index
      %swap3A_2753 = arith.constant 16 : index
      %swap3A_2754 = tpu.vector_load %arg8[%swap3A_2750, %swap3A_2751, %swap3A_2752, %swap3A_2753] {strides = array<i32>} : memref<4x16x8x128xf32, #tpu.memory_space<vmem>>, vector<16xf32>,
      tpu.vector_store %arg8[%swap3A_2750, %swap3A_2751, %swap3A_2752, %swap3A_2753], %get3A_2748 {strides = array<i32>} : memref<4x16x8x128xf32, #tpu.memory_space<vmem>>, vector<16xf32>,
      %add3A_2755 = arith.constant 32 : i32
      %add3A_2756 = arith.addi %add3A_2734, %add3A_2755 : i32
      %get3A_2757 = arith.index_cast %add3A_2756 : i32 to index
      %get3A_2758 = tpu.vector_load %arg7[%get3A_2757] {strides = array<i32>} : memref<4096xf32, #tpu.memory_space<vmem>>, vector<16xf32>,
      %swap3A_2759 = arith.constant 4 : i32
      %swap3A_2760 = arith.index_cast %rem3A_173 : i32 to index
      %swap3A_2761 = arith.index_cast %add3A_2369 : i32 to index
      %swap3A_2762 = arith.index_cast %swap3A_2759 : i32 to index
      %swap3A_2763 = arith.constant 32 : index
      %swap3A_2764 = tpu.vector_load %arg8[%swap3A_2760, %swap3A_2761, %swap3A_2762, %swap3A_2763] {strides = array<i32>} : memref<4x16x8x128xf32, #tpu.memory_space<vmem>>, vector<16xf32>,
      tpu.vector_store %arg8[%swap3A_2760, %swap3A_2761, %swap3A_2762, %swap3A_2763], %get3A_2758 {strides = array<i32>} : memref<4x16x8x128xf32, #tpu.memory_space<vmem>>, vector<16xf32>,
      %add3A_2765 = arith.constant 48 : i32
      %add3A_2766 = arith.addi %add3A_2734, %add3A_2765 : i32
      %get3A_2767 = arith.index_cast %add3A_2766 : i32 to index
      %get3A_2768 = tpu.vector_load %arg7[%get3A_2767] {strides = array<i32>} : memref<4096xf32, #tpu.memory_space<vmem>>, vector<16xf32>,
      %swap3A_2769 = arith.constant 4 : i32
      %swap3A_2770 = arith.index_cast %rem3A_173 : i32 to index
      %swap3A_2771 = arith.index_cast %add3A_2369 : i32 to index
      %swap3A_2772 = arith.index_cast %swap3A_2769 : i32 to index
      %swap3A_2773 = arith.constant 48 : index
      %swap3A_2774 = tpu.vector_load %arg8[%swap3A_2770, %swap3A_2771, %swap3A_2772, %swap3A_2773] {strides = array<i32>} : memref<4x16x8x128xf32, #tpu.memory_space<vmem>>, vector<16xf32>,
      tpu.vector_store %arg8[%swap3A_2770, %swap3A_2771, %swap3A_2772, %swap3A_2773], %get3A_2768 {strides = array<i32>} : memref<4x16x8x128xf32, #tpu.memory_space<vmem>>, vector<16xf32>,
      %add3A_2775 = arith.constant 64 : i32
      %add3A_2776 = arith.addi %add3A_2734, %add3A_2775 : i32
      %get3A_2777 = arith.index_cast %add3A_2776 : i32 to index
      %get3A_2778 = tpu.vector_load %arg7[%get3A_2777] {strides = array<i32>} : memref<4096xf32, #tpu.memory_space<vmem>>, vector<16xf32>,
      %swap3A_2779 = arith.constant 4 : i32
      %swap3A_2780 = arith.index_cast %rem3A_173 : i32 to index
      %swap3A_2781 = arith.index_cast %add3A_2369 : i32 to index
      %swap3A_2782 = arith.index_cast %swap3A_2779 : i32 to index
      %swap3A_2783 = arith.constant 64 : index
      %swap3A_2784 = tpu.vector_load %arg8[%swap3A_2780, %swap3A_2781, %swap3A_2782, %swap3A_2783] {strides = array<i32>} : memref<4x16x8x128xf32, #tpu.memory_space<vmem>>, vector<16xf32>,
      tpu.vector_store %arg8[%swap3A_2780, %swap3A_2781, %swap3A_2782, %swap3A_2783], %get3A_2778 {strides = array<i32>} : memref<4x16x8x128xf32, #tpu.memory_space<vmem>>, vector<16xf32>,
      %add3A_2785 = arith.constant 80 : i32
      %add3A_2786 = arith.addi %add3A_2734, %add3A_2785 : i32
      %get3A_2787 = arith.index_cast %add3A_2786 : i32 to index
      %get3A_2788 = tpu.vector_load %arg7[%get3A_2787] {strides = array<i32>} : memref<4096xf32, #tpu.memory_space<vmem>>, vector<16xf32>,
      %swap3A_2789 = arith.constant 4 : i32
      %swap3A_2790 = arith.index_cast %rem3A_173 : i32 to index
      %swap3A_2791 = arith.index_cast %add3A_2369 : i32 to index
      %swap3A_2792 = arith.index_cast %swap3A_2789 : i32 to index
      %swap3A_2793 = arith.constant 80 : index
      %swap3A_2794 = tpu.vector_load %arg8[%swap3A_2790, %swap3A_2791, %swap3A_2792, %swap3A_2793] {strides = array<i32>} : memref<4x16x8x128xf32, #tpu.memory_space<vmem>>, vector<16xf32>,
      tpu.vector_store %arg8[%swap3A_2790, %swap3A_2791, %swap3A_2792, %swap3A_2793], %get3A_2788 {strides = array<i32>} : memref<4x16x8x128xf32, #tpu.memory_space<vmem>>, vector<16xf32>,
      %add3A_2795 = arith.constant 96 : i32
      %add3A_2796 = arith.addi %add3A_2734, %add3A_2795 : i32
      %get3A_2797 = arith.index_cast %add3A_2796 : i32 to index
      %get3A_2798 = tpu.vector_load %arg7[%get3A_2797] {strides = array<i32>} : memref<4096xf32, #tpu.memory_space<vmem>>, vector<16xf32>,
      %swap3A_2799 = arith.constant 4 : i32
      %swap3A_2800 = arith.index_cast %rem3A_173 : i32 to index
      %swap3A_2801 = arith.index_cast %add3A_2369 : i32 to index
      %swap3A_2802 = arith.index_cast %swap3A_2799 : i32 to index
      %swap3A_2803 = arith.constant 96 : index
      %swap3A_2804 = tpu.vector_load %arg8[%swap3A_2800, %swap3A_2801, %swap3A_2802, %swap3A_2803] {strides = array<i32>} : memref<4x16x8x128xf32, #tpu.memory_space<vmem>>, vector<16xf32>,
      tpu.vector_store %arg8[%swap3A_2800, %swap3A_2801, %swap3A_2802, %swap3A_2803], %get3A_2798 {strides = array<i32>} : memref<4x16x8x128xf32, #tpu.memory_space<vmem>>, vector<16xf32>,
      %add3A_2805 = arith.constant 112 : i32
      %add3A_2806 = arith.addi %add3A_2734, %add3A_2805 : i32
      %get3A_2807 = arith.index_cast %add3A_2806 : i32 to index
      %get3A_2808 = tpu.vector_load %arg7[%get3A_2807] {strides = array<i32>} : memref<4096xf32, #tpu.memory_space<vmem>>, vector<16xf32>,
      %swap3A_2809 = arith.constant 4 : i32
      %swap3A_2810 = arith.index_cast %rem3A_173 : i32 to index
      %swap3A_2811 = arith.index_cast %add3A_2369 : i32 to index
      %swap3A_2812 = arith.index_cast %swap3A_2809 : i32 to index
      %swap3A_2813 = arith.constant 112 : index
      %swap3A_2814 = tpu.vector_load %arg8[%swap3A_2810, %swap3A_2811, %swap3A_2812, %swap3A_2813] {strides = array<i32>} : memref<4x16x8x128xf32, #tpu.memory_space<vmem>>, vector<16xf32>,
      tpu.vector_store %arg8[%swap3A_2810, %swap3A_2811, %swap3A_2812, %swap3A_2813], %get3A_2808 {strides = array<i32>} : memref<4x16x8x128xf32, #tpu.memory_space<vmem>>, vector<16xf32>,
      %mul3A_2815 = arith.constant 8 : i32
      %mul3A_2816 = arith.muli %mul3A_2815, %add3A_174 : i32
      %add3A_2817 = arith.constant 5 : i32
      %add3A_2818 = arith.addi %mul3A_2816, %add3A_2817 : i32
      %sub3A_2819 = arith.constant 2047 : i32
      %sub3A_2820 = arith.subi %sub3A_2819, %add3A_2818 : i32
      %mul3A_2821 = arith.constant 128 : i32
      %mul3A_2822 = arith.muli %mul3A_2821, %add3A_2369 : i32
      %add3A_2823 = arith.addi %sub3A_2820, %mul3A_2822 : i32
      %add3A_2824 = arith.constant 0 : i32
      %add3A_2825 = arith.addi %add3A_2823, %add3A_2824 : i32
      %get3A_2826 = arith.index_cast %add3A_2825 : i32 to index
      %get3A_2827 = tpu.vector_load %arg7[%get3A_2826] {strides = array<i32>} : memref<4096xf32, #tpu.memory_space<vmem>>, vector<16xf32>,
      %swap3A_2828 = arith.constant 5 : i32
      %swap3A_2829 = arith.index_cast %rem3A_173 : i32 to index
      %swap3A_2830 = arith.index_cast %add3A_2369 : i32 to index
      %swap3A_2831 = arith.index_cast %swap3A_2828 : i32 to index
      %swap3A_2832 = arith.constant 0 : index
      %swap3A_2833 = tpu.vector_load %arg8[%swap3A_2829, %swap3A_2830, %swap3A_2831, %swap3A_2832] {strides = array<i32>} : memref<4x16x8x128xf32, #tpu.memory_space<vmem>>, vector<16xf32>,
      tpu.vector_store %arg8[%swap3A_2829, %swap3A_2830, %swap3A_2831, %swap3A_2832], %get3A_2827 {strides = array<i32>} : memref<4x16x8x128xf32, #tpu.memory_space<vmem>>, vector<16xf32>,
      %add3A_2834 = arith.constant 16 : i32
      %add3A_2835 = arith.addi %add3A_2823, %add3A_2834 : i32
      %get3A_2836 = arith.index_cast %add3A_2835 : i32 to index
      %get3A_2837 = tpu.vector_load %arg7[%get3A_2836] {strides = array<i32>} : memref<4096xf32, #tpu.memory_space<vmem>>, vector<16xf32>,
      %swap3A_2838 = arith.constant 5 : i32
      %swap3A_2839 = arith.index_cast %rem3A_173 : i32 to index
      %swap3A_2840 = arith.index_cast %add3A_2369 : i32 to index
      %swap3A_2841 = arith.index_cast %swap3A_2838 : i32 to index
      %swap3A_2842 = arith.constant 16 : index
      %swap3A_2843 = tpu.vector_load %arg8[%swap3A_2839, %swap3A_2840, %swap3A_2841, %swap3A_2842] {strides = array<i32>} : memref<4x16x8x128xf32, #tpu.memory_space<vmem>>, vector<16xf32>,
      tpu.vector_store %arg8[%swap3A_2839, %swap3A_2840, %swap3A_2841, %swap3A_2842], %get3A_2837 {strides = array<i32>} : memref<4x16x8x128xf32, #tpu.memory_space<vmem>>, vector<16xf32>,
      %add3A_2844 = arith.constant 32 : i32
      %add3A_2845 = arith.addi %add3A_2823, %add3A_2844 : i32
      %get3A_2846 = arith.index_cast %add3A_2845 : i32 to index
      %get3A_2847 = tpu.vector_load %arg7[%get3A_2846] {strides = array<i32>} : memref<4096xf32, #tpu.memory_space<vmem>>, vector<16xf32>,
      %swap3A_2848 = arith.constant 5 : i32
      %swap3A_2849 = arith.index_cast %rem3A_173 : i32 to index
      %swap3A_2850 = arith.index_cast %add3A_2369 : i32 to index
      %swap3A_2851 = arith.index_cast %swap3A_2848 : i32 to index
      %swap3A_2852 = arith.constant 32 : index
      %swap3A_2853 = tpu.vector_load %arg8[%swap3A_2849, %swap3A_2850, %swap3A_2851, %swap3A_2852] {strides = array<i32>} : memref<4x16x8x128xf32, #tpu.memory_space<vmem>>, vector<16xf32>,
      tpu.vector_store %arg8[%swap3A_2849, %swap3A_2850, %swap3A_2851, %swap3A_2852], %get3A_2847 {strides = array<i32>} : memref<4x16x8x128xf32, #tpu.memory_space<vmem>>, vector<16xf32>,
      %add3A_2854 = arith.constant 48 : i32
      %add3A_2855 = arith.addi %add3A_2823, %add3A_2854 : i32
      %get3A_2856 = arith.index_cast %add3A_2855 : i32 to index
      %get3A_2857 = tpu.vector_load %arg7[%get3A_2856] {strides = array<i32>} : memref<4096xf32, #tpu.memory_space<vmem>>, vector<16xf32>,
      %swap3A_2858 = arith.constant 5 : i32
      %swap3A_2859 = arith.index_cast %rem3A_173 : i32 to index
      %swap3A_2860 = arith.index_cast %add3A_2369 : i32 to index
      %swap3A_2861 = arith.index_cast %swap3A_2858 : i32 to index
      %swap3A_2862 = arith.constant 48 : index
      %swap3A_2863 = tpu.vector_load %arg8[%swap3A_2859, %swap3A_2860, %swap3A_2861, %swap3A_2862] {strides = array<i32>} : memref<4x16x8x128xf32, #tpu.memory_space<vmem>>, vector<16xf32>,
      tpu.vector_store %arg8[%swap3A_2859, %swap3A_2860, %swap3A_2861, %swap3A_2862], %get3A_2857 {strides = array<i32>} : memref<4x16x8x128xf32, #tpu.memory_space<vmem>>, vector<16xf32>,
      %add3A_2864 = arith.constant 64 : i32
      %add3A_2865 = arith.addi %add3A_2823, %add3A_2864 : i32
      %get3A_2866 = arith.index_cast %add3A_2865 : i32 to index
      %get3A_2867 = tpu.vector_load %arg7[%get3A_2866] {strides = array<i32>} : memref<4096xf32, #tpu.memory_space<vmem>>, vector<16xf32>,
      %swap3A_2868 = arith.constant 5 : i32
      %swap3A_2869 = arith.index_cast %rem3A_173 : i32 to index
      %swap3A_2870 = arith.index_cast %add3A_2369 : i32 to index
      %swap3A_2871 = arith.index_cast %swap3A_2868 : i32 to index
      %swap3A_2872 = arith.constant 64 : index
      %swap3A_2873 = tpu.vector_load %arg8[%swap3A_2869, %swap3A_2870, %swap3A_2871, %swap3A_2872] {strides = array<i32>} : memref<4x16x8x128xf32, #tpu.memory_space<vmem>>, vector<16xf32>,
      tpu.vector_store %arg8[%swap3A_2869, %swap3A_2870, %swap3A_2871, %swap3A_2872], %get3A_2867 {strides = array<i32>} : memref<4x16x8x128xf32, #tpu.memory_space<vmem>>, vector<16xf32>,
      %add3A_2874 = arith.constant 80 : i32
      %add3A_2875 = arith.addi %add3A_2823, %add3A_2874 : i32
      %get3A_2876 = arith.index_cast %add3A_2875 : i32 to index
      %get3A_2877 = tpu.vector_load %arg7[%get3A_2876] {strides = array<i32>} : memref<4096xf32, #tpu.memory_space<vmem>>, vector<16xf32>,
      %swap3A_2878 = arith.constant 5 : i32
      %swap3A_2879 = arith.index_cast %rem3A_173 : i32 to index
      %swap3A_2880 = arith.index_cast %add3A_2369 : i32 to index
      %swap3A_2881 = arith.index_cast %swap3A_2878 : i32 to index
      %swap3A_2882 = arith.constant 80 : index
      %swap3A_2883 = tpu.vector_load %arg8[%swap3A_2879, %swap3A_2880, %swap3A_2881, %swap3A_2882] {strides = array<i32>} : memref<4x16x8x128xf32, #tpu.memory_space<vmem>>, vector<16xf32>,
      tpu.vector_store %arg8[%swap3A_2879, %swap3A_2880, %swap3A_2881, %swap3A_2882], %get3A_2877 {strides = array<i32>} : memref<4x16x8x128xf32, #tpu.memory_space<vmem>>, vector<16xf32>,
      %add3A_2884 = arith.constant 96 : i32
      %add3A_2885 = arith.addi %add3A_2823, %add3A_2884 : i32
      %get3A_2886 = arith.index_cast %add3A_2885 : i32 to index
      %get3A_2887 = tpu.vector_load %arg7[%get3A_2886] {strides = array<i32>} : memref<4096xf32, #tpu.memory_space<vmem>>, vector<16xf32>,
      %swap3A_2888 = arith.constant 5 : i32
      %swap3A_2889 = arith.index_cast %rem3A_173 : i32 to index
      %swap3A_2890 = arith.index_cast %add3A_2369 : i32 to index
      %swap3A_2891 = arith.index_cast %swap3A_2888 : i32 to index
      %swap3A_2892 = arith.constant 96 : index
      %swap3A_2893 = tpu.vector_load %arg8[%swap3A_2889, %swap3A_2890, %swap3A_2891, %swap3A_2892] {strides = array<i32>} : memref<4x16x8x128xf32, #tpu.memory_space<vmem>>, vector<16xf32>,
      tpu.vector_store %arg8[%swap3A_2889, %swap3A_2890, %swap3A_2891, %swap3A_2892], %get3A_2887 {strides = array<i32>} : memref<4x16x8x128xf32, #tpu.memory_space<vmem>>, vector<16xf32>,
      %add3A_2894 = arith.constant 112 : i32
      %add3A_2895 = arith.addi %add3A_2823, %add3A_2894 : i32
      %get3A_2896 = arith.index_cast %add3A_2895 : i32 to index
      %get3A_2897 = tpu.vector_load %arg7[%get3A_2896] {strides = array<i32>} : memref<4096xf32, #tpu.memory_space<vmem>>, vector<16xf32>,
      %swap3A_2898 = arith.constant 5 : i32
      %swap3A_2899 = arith.index_cast %rem3A_173 : i32 to index
      %swap3A_2900 = arith.index_cast %add3A_2369 : i32 to index
      %swap3A_2901 = arith.index_cast %swap3A_2898 : i32 to index
      %swap3A_2902 = arith.constant 112 : index
      %swap3A_2903 = tpu.vector_load %arg8[%swap3A_2899, %swap3A_2900, %swap3A_2901, %swap3A_2902] {strides = array<i32>} : memref<4x16x8x128xf32, #tpu.memory_space<vmem>>, vector<16xf32>,
      tpu.vector_store %arg8[%swap3A_2899, %swap3A_2900, %swap3A_2901, %swap3A_2902], %get3A_2897 {strides = array<i32>} : memref<4x16x8x128xf32, #tpu.memory_space<vmem>>, vector<16xf32>,
      %mul3A_2904 = arith.constant 8 : i32
      %mul3A_2905 = arith.muli %mul3A_2904, %add3A_174 : i32
      %add3A_2906 = arith.constant 6 : i32
      %add3A_2907 = arith.addi %mul3A_2905, %add3A_2906 : i32
      %sub3A_2908 = arith.constant 2047 : i32
      %sub3A_2909 = arith.subi %sub3A_2908, %add3A_2907 : i32
      %mul3A_2910 = arith.constant 128 : i32
      %mul3A_2911 = arith.muli %mul3A_2910, %add3A_2369 : i32
      %add3A_2912 = arith.addi %sub3A_2909, %mul3A_2911 : i32
      %add3A_2913 = arith.constant 0 : i32
      %add3A_2914 = arith.addi %add3A_2912, %add3A_2913 : i32
      %get3A_2915 = arith.index_cast %add3A_2914 : i32 to index
      %get3A_2916 = tpu.vector_load %arg7[%get3A_2915] {strides = array<i32>} : memref<4096xf32, #tpu.memory_space<vmem>>, vector<16xf32>,
      %swap3A_2917 = arith.constant 6 : i32
      %swap3A_2918 = arith.index_cast %rem3A_173 : i32 to index
      %swap3A_2919 = arith.index_cast %add3A_2369 : i32 to index
      %swap3A_2920 = arith.index_cast %swap3A_2917 : i32 to index
      %swap3A_2921 = arith.constant 0 : index
      %swap3A_2922 = tpu.vector_load %arg8[%swap3A_2918, %swap3A_2919, %swap3A_2920, %swap3A_2921] {strides = array<i32>} : memref<4x16x8x128xf32, #tpu.memory_space<vmem>>, vector<16xf32>,
      tpu.vector_store %arg8[%swap3A_2918, %swap3A_2919, %swap3A_2920, %swap3A_2921], %get3A_2916 {strides = array<i32>} : memref<4x16x8x128xf32, #tpu.memory_space<vmem>>, vector<16xf32>,
      %add3A_2923 = arith.constant 16 : i32
      %add3A_2924 = arith.addi %add3A_2912, %add3A_2923 : i32
      %get3A_2925 = arith.index_cast %add3A_2924 : i32 to index
      %get3A_2926 = tpu.vector_load %arg7[%get3A_2925] {strides = array<i32>} : memref<4096xf32, #tpu.memory_space<vmem>>, vector<16xf32>,
      %swap3A_2927 = arith.constant 6 : i32
      %swap3A_2928 = arith.index_cast %rem3A_173 : i32 to index
      %swap3A_2929 = arith.index_cast %add3A_2369 : i32 to index
      %swap3A_2930 = arith.index_cast %swap3A_2927 : i32 to index
      %swap3A_2931 = arith.constant 16 : index
      %swap3A_2932 = tpu.vector_load %arg8[%swap3A_2928, %swap3A_2929, %swap3A_2930, %swap3A_2931] {strides = array<i32>} : memref<4x16x8x128xf32, #tpu.memory_space<vmem>>, vector<16xf32>,
      tpu.vector_store %arg8[%swap3A_2928, %swap3A_2929, %swap3A_2930, %swap3A_2931], %get3A_2926 {strides = array<i32>} : memref<4x16x8x128xf32, #tpu.memory_space<vmem>>, vector<16xf32>,
      %add3A_2933 = arith.constant 32 : i32
      %add3A_2934 = arith.addi %add3A_2912, %add3A_2933 : i32
      %get3A_2935 = arith.index_cast %add3A_2934 : i32 to index
      %get3A_2936 = tpu.vector_load %arg7[%get3A_2935] {strides = array<i32>} : memref<4096xf32, #tpu.memory_space<vmem>>, vector<16xf32>,
      %swap3A_2937 = arith.constant 6 : i32
      %swap3A_2938 = arith.index_cast %rem3A_173 : i32 to index
      %swap3A_2939 = arith.index_cast %add3A_2369 : i32 to index
      %swap3A_2940 = arith.index_cast %swap3A_2937 : i32 to index
      %swap3A_2941 = arith.constant 32 : index
      %swap3A_2942 = tpu.vector_load %arg8[%swap3A_2938, %swap3A_2939, %swap3A_2940, %swap3A_2941] {strides = array<i32>} : memref<4x16x8x128xf32, #tpu.memory_space<vmem>>, vector<16xf32>,
      tpu.vector_store %arg8[%swap3A_2938, %swap3A_2939, %swap3A_2940, %swap3A_2941], %get3A_2936 {strides = array<i32>} : memref<4x16x8x128xf32, #tpu.memory_space<vmem>>, vector<16xf32>,
      %add3A_2943 = arith.constant 48 : i32
      %add3A_2944 = arith.addi %add3A_2912, %add3A_2943 : i32
      %get3A_2945 = arith.index_cast %add3A_2944 : i32 to index
      %get3A_2946 = tpu.vector_load %arg7[%get3A_2945] {strides = array<i32>} : memref<4096xf32, #tpu.memory_space<vmem>>, vector<16xf32>,
      %swap3A_2947 = arith.constant 6 : i32
      %swap3A_2948 = arith.index_cast %rem3A_173 : i32 to index
      %swap3A_2949 = arith.index_cast %add3A_2369 : i32 to index
      %swap3A_2950 = arith.index_cast %swap3A_2947 : i32 to index
      %swap3A_2951 = arith.constant 48 : index
      %swap3A_2952 = tpu.vector_load %arg8[%swap3A_2948, %swap3A_2949, %swap3A_2950, %swap3A_2951] {strides = array<i32>} : memref<4x16x8x128xf32, #tpu.memory_space<vmem>>, vector<16xf32>,
      tpu.vector_store %arg8[%swap3A_2948, %swap3A_2949, %swap3A_2950, %swap3A_2951], %get3A_2946 {strides = array<i32>} : memref<4x16x8x128xf32, #tpu.memory_space<vmem>>, vector<16xf32>,
      %add3A_2953 = arith.constant 64 : i32
      %add3A_2954 = arith.addi %add3A_2912, %add3A_2953 : i32
      %get3A_2955 = arith.index_cast %add3A_2954 : i32 to index
      %get3A_2956 = tpu.vector_load %arg7[%get3A_2955] {strides = array<i32>} : memref<4096xf32, #tpu.memory_space<vmem>>, vector<16xf32>,
      %swap3A_2957 = arith.constant 6 : i32
      %swap3A_2958 = arith.index_cast %rem3A_173 : i32 to index
      %swap3A_2959 = arith.index_cast %add3A_2369 : i32 to index
      %swap3A_2960 = arith.index_cast %swap3A_2957 : i32 to index
      %swap3A_2961 = arith.constant 64 : index
      %swap3A_2962 = tpu.vector_load %arg8[%swap3A_2958, %swap3A_2959, %swap3A_2960, %swap3A_2961] {strides = array<i32>} : memref<4x16x8x128xf32, #tpu.memory_space<vmem>>, vector<16xf32>,
      tpu.vector_store %arg8[%swap3A_2958, %swap3A_2959, %swap3A_2960, %swap3A_2961], %get3A_2956 {strides = array<i32>} : memref<4x16x8x128xf32, #tpu.memory_space<vmem>>, vector<16xf32>,
      %add3A_2963 = arith.constant 80 : i32
      %add3A_2964 = arith.addi %add3A_2912, %add3A_2963 : i32
      %get3A_2965 = arith.index_cast %add3A_2964 : i32 to index
      %get3A_2966 = tpu.vector_load %arg7[%get3A_2965] {strides = array<i32>} : memref<4096xf32, #tpu.memory_space<vmem>>, vector<16xf32>,
      %swap3A_2967 = arith.constant 6 : i32
      %swap3A_2968 = arith.index_cast %rem3A_173 : i32 to index
      %swap3A_2969 = arith.index_cast %add3A_2369 : i32 to index
      %swap3A_2970 = arith.index_cast %swap3A_2967 : i32 to index
      %swap3A_2971 = arith.constant 80 : index
      %swap3A_2972 = tpu.vector_load %arg8[%swap3A_2968, %swap3A_2969, %swap3A_2970, %swap3A_2971] {strides = array<i32>} : memref<4x16x8x128xf32, #tpu.memory_space<vmem>>, vector<16xf32>,
      tpu.vector_store %arg8[%swap3A_2968, %swap3A_2969, %swap3A_2970, %swap3A_2971], %get3A_2966 {strides = array<i32>} : memref<4x16x8x128xf32, #tpu.memory_space<vmem>>, vector<16xf32>,
      %add3A_2973 = arith.constant 96 : i32
      %add3A_2974 = arith.addi %add3A_2912, %add3A_2973 : i32
      %get3A_2975 = arith.index_cast %add3A_2974 : i32 to index
      %get3A_2976 = tpu.vector_load %arg7[%get3A_2975] {strides = array<i32>} : memref<4096xf32, #tpu.memory_space<vmem>>, vector<16xf32>,
      %swap3A_2977 = arith.constant 6 : i32
      %swap3A_2978 = arith.index_cast %rem3A_173 : i32 to index
      %swap3A_2979 = arith.index_cast %add3A_2369 : i32 to index
      %swap3A_2980 = arith.index_cast %swap3A_2977 : i32 to index
      %swap3A_2981 = arith.constant 96 : index
      %swap3A_2982 = tpu.vector_load %arg8[%swap3A_2978, %swap3A_2979, %swap3A_2980, %swap3A_2981] {strides = array<i32>} : memref<4x16x8x128xf32, #tpu.memory_space<vmem>>, vector<16xf32>,
      tpu.vector_store %arg8[%swap3A_2978, %swap3A_2979, %swap3A_2980, %swap3A_2981], %get3A_2976 {strides = array<i32>} : memref<4x16x8x128xf32, #tpu.memory_space<vmem>>, vector<16xf32>,
      %add3A_2983 = arith.constant 112 : i32
      %add3A_2984 = arith.addi %add3A_2912, %add3A_2983 : i32
      %get3A_2985 = arith.index_cast %add3A_2984 : i32 to index
      %get3A_2986 = tpu.vector_load %arg7[%get3A_2985] {strides = array<i32>} : memref<4096xf32, #tpu.memory_space<vmem>>, vector<16xf32>,
      %swap3A_2987 = arith.constant 6 : i32
      %swap3A_2988 = arith.index_cast %rem3A_173 : i32 to index
      %swap3A_2989 = arith.index_cast %add3A_2369 : i32 to index
      %swap3A_2990 = arith.index_cast %swap3A_2987 : i32 to index
      %swap3A_2991 = arith.constant 112 : index
      %swap3A_2992 = tpu.vector_load %arg8[%swap3A_2988, %swap3A_2989, %swap3A_2990, %swap3A_2991] {strides = array<i32>} : memref<4x16x8x128xf32, #tpu.memory_space<vmem>>, vector<16xf32>,
      tpu.vector_store %arg8[%swap3A_2988, %swap3A_2989, %swap3A_2990, %swap3A_2991], %get3A_2986 {strides = array<i32>} : memref<4x16x8x128xf32, #tpu.memory_space<vmem>>, vector<16xf32>,
      %mul3A_2993 = arith.constant 8 : i32
      %mul3A_2994 = arith.muli %mul3A_2993, %add3A_174 : i32
      %add3A_2995 = arith.constant 7 : i32
      %add3A_2996 = arith.addi %mul3A_2994, %add3A_2995 : i32
      %sub3A_2997 = arith.constant 2047 : i32
      %sub3A_2998 = arith.subi %sub3A_2997, %add3A_2996 : i32
      %mul3A_2999 = arith.constant 128 : i32
      %mul3A_3000 = arith.muli %mul3A_2999, %add3A_2369 : i32
      %add3A_3001 = arith.addi %sub3A_2998, %mul3A_3000 : i32
      %add3A_3002 = arith.constant 0 : i32
      %add3A_3003 = arith.addi %add3A_3001, %add3A_3002 : i32
      %get3A_3004 = arith.index_cast %add3A_3003 : i32 to index
      %get3A_3005 = tpu.vector_load %arg7[%get3A_3004] {strides = array<i32>} : memref<4096xf32, #tpu.memory_space<vmem>>, vector<16xf32>,
      %swap3A_3006 = arith.constant 7 : i32
      %swap3A_3007 = arith.index_cast %rem3A_173 : i32 to index
      %swap3A_3008 = arith.index_cast %add3A_2369 : i32 to index
      %swap3A_3009 = arith.index_cast %swap3A_3006 : i32 to index
      %swap3A_3010 = arith.constant 0 : index
      %swap3A_3011 = tpu.vector_load %arg8[%swap3A_3007, %swap3A_3008, %swap3A_3009, %swap3A_3010] {strides = array<i32>} : memref<4x16x8x128xf32, #tpu.memory_space<vmem>>, vector<16xf32>,
      tpu.vector_store %arg8[%swap3A_3007, %swap3A_3008, %swap3A_3009, %swap3A_3010], %get3A_3005 {strides = array<i32>} : memref<4x16x8x128xf32, #tpu.memory_space<vmem>>, vector<16xf32>,
      %add3A_3012 = arith.constant 16 : i32
      %add3A_3013 = arith.addi %add3A_3001, %add3A_3012 : i32
      %get3A_3014 = arith.index_cast %add3A_3013 : i32 to index
      %get3A_3015 = tpu.vector_load %arg7[%get3A_3014] {strides = array<i32>} : memref<4096xf32, #tpu.memory_space<vmem>>, vector<16xf32>,
      %swap3A_3016 = arith.constant 7 : i32
      %swap3A_3017 = arith.index_cast %rem3A_173 : i32 to index
      %swap3A_3018 = arith.index_cast %add3A_2369 : i32 to index
      %swap3A_3019 = arith.index_cast %swap3A_3016 : i32 to index
      %swap3A_3020 = arith.constant 16 : index
      %swap3A_3021 = tpu.vector_load %arg8[%swap3A_3017, %swap3A_3018, %swap3A_3019, %swap3A_3020] {strides = array<i32>} : memref<4x16x8x128xf32, #tpu.memory_space<vmem>>, vector<16xf32>,
      tpu.vector_store %arg8[%swap3A_3017, %swap3A_3018, %swap3A_3019, %swap3A_3020], %get3A_3015 {strides = array<i32>} : memref<4x16x8x128xf32, #tpu.memory_space<vmem>>, vector<16xf32>,
      %add3A_3022 = arith.constant 32 : i32
      %add3A_3023 = arith.addi %add3A_3001, %add3A_3022 : i32
      %get3A_3024 = arith.index_cast %add3A_3023 : i32 to index
      %get3A_3025 = tpu.vector_load %arg7[%get3A_3024] {strides = array<i32>} : memref<4096xf32, #tpu.memory_space<vmem>>, vector<16xf32>,
      %swap3A_3026 = arith.constant 7 : i32
      %swap3A_3027 = arith.index_cast %rem3A_173 : i32 to index
      %swap3A_3028 = arith.index_cast %add3A_2369 : i32 to index
      %swap3A_3029 = arith.index_cast %swap3A_3026 : i32 to index
      %swap3A_3030 = arith.constant 32 : index
      %swap3A_3031 = tpu.vector_load %arg8[%swap3A_3027, %swap3A_3028, %swap3A_3029, %swap3A_3030] {strides = array<i32>} : memref<4x16x8x128xf32, #tpu.memory_space<vmem>>, vector<16xf32>,
      tpu.vector_store %arg8[%swap3A_3027, %swap3A_3028, %swap3A_3029, %swap3A_3030], %get3A_3025 {strides = array<i32>} : memref<4x16x8x128xf32, #tpu.memory_space<vmem>>, vector<16xf32>,
      %add3A_3032 = arith.constant 48 : i32
      %add3A_3033 = arith.addi %add3A_3001, %add3A_3032 : i32
      %get3A_3034 = arith.index_cast %add3A_3033 : i32 to index
      %get3A_3035 = tpu.vector_load %arg7[%get3A_3034] {strides = array<i32>} : memref<4096xf32, #tpu.memory_space<vmem>>, vector<16xf32>,
      %swap3A_3036 = arith.constant 7 : i32
      %swap3A_3037 = arith.index_cast %rem3A_173 : i32 to index
      %swap3A_3038 = arith.index_cast %add3A_2369 : i32 to index
      %swap3A_3039 = arith.index_cast %swap3A_3036 : i32 to index
      %swap3A_3040 = arith.constant 48 : index
      %swap3A_3041 = tpu.vector_load %arg8[%swap3A_3037, %swap3A_3038, %swap3A_3039, %swap3A_3040] {strides = array<i32>} : memref<4x16x8x128xf32, #tpu.memory_space<vmem>>, vector<16xf32>,
      tpu.vector_store %arg8[%swap3A_3037, %swap3A_3038, %swap3A_3039, %swap3A_3040], %get3A_3035 {strides = array<i32>} : memref<4x16x8x128xf32, #tpu.memory_space<vmem>>, vector<16xf32>,
      %add3A_3042 = arith.constant 64 : i32
      %add3A_3043 = arith.addi %add3A_3001, %add3A_3042 : i32
      %get3A_3044 = arith.index_cast %add3A_3043 : i32 to index
      %get3A_3045 = tpu.vector_load %arg7[%get3A_3044] {strides = array<i32>} : memref<4096xf32, #tpu.memory_space<vmem>>, vector<16xf32>,
      %swap3A_3046 = arith.constant 7 : i32
      %swap3A_3047 = arith.index_cast %rem3A_173 : i32 to index
      %swap3A_3048 = arith.index_cast %add3A_2369 : i32 to index
      %swap3A_3049 = arith.index_cast %swap3A_3046 : i32 to index
      %swap3A_3050 = arith.constant 64 : index
      %swap3A_3051 = tpu.vector_load %arg8[%swap3A_3047, %swap3A_3048, %swap3A_3049, %swap3A_3050] {strides = array<i32>} : memref<4x16x8x128xf32, #tpu.memory_space<vmem>>, vector<16xf32>,
      tpu.vector_store %arg8[%swap3A_3047, %swap3A_3048, %swap3A_3049, %swap3A_3050], %get3A_3045 {strides = array<i32>} : memref<4x16x8x128xf32, #tpu.memory_space<vmem>>, vector<16xf32>,
      %add3A_3052 = arith.constant 80 : i32
      %add3A_3053 = arith.addi %add3A_3001, %add3A_3052 : i32
      %get3A_3054 = arith.index_cast %add3A_3053 : i32 to index
      %get3A_3055 = tpu.vector_load %arg7[%get3A_3054] {strides = array<i32>} : memref<4096xf32, #tpu.memory_space<vmem>>, vector<16xf32>,
      %swap3A_3056 = arith.constant 7 : i32
      %swap3A_3057 = arith.index_cast %rem3A_173 : i32 to index
      %swap3A_3058 = arith.index_cast %add3A_2369 : i32 to index
      %swap3A_3059 = arith.index_cast %swap3A_3056 : i32 to index
      %swap3A_3060 = arith.constant 80 : index
      %swap3A_3061 = tpu.vector_load %arg8[%swap3A_3057, %swap3A_3058, %swap3A_3059, %swap3A_3060] {strides = array<i32>} : memref<4x16x8x128xf32, #tpu.memory_space<vmem>>, vector<16xf32>,
      tpu.vector_store %arg8[%swap3A_3057, %swap3A_3058, %swap3A_3059, %swap3A_3060], %get3A_3055 {strides = array<i32>} : memref<4x16x8x128xf32, #tpu.memory_space<vmem>>, vector<16xf32>,
      %add3A_3062 = arith.constant 96 : i32
      %add3A_3063 = arith.addi %add3A_3001, %add3A_3062 : i32
      %get3A_3064 = arith.index_cast %add3A_3063 : i32 to index
      %get3A_3065 = tpu.vector_load %arg7[%get3A_3064] {strides = array<i32>} : memref<4096xf32, #tpu.memory_space<vmem>>, vector<16xf32>,
      %swap3A_3066 = arith.constant 7 : i32
      %swap3A_3067 = arith.index_cast %rem3A_173 : i32 to index
      %swap3A_3068 = arith.index_cast %add3A_2369 : i32 to index
      %swap3A_3069 = arith.index_cast %swap3A_3066 : i32 to index
      %swap3A_3070 = arith.constant 96 : index
      %swap3A_3071 = tpu.vector_load %arg8[%swap3A_3067, %swap3A_3068, %swap3A_3069, %swap3A_3070] {strides = array<i32>} : memref<4x16x8x128xf32, #tpu.memory_space<vmem>>, vector<16xf32>,
      tpu.vector_store %arg8[%swap3A_3067, %swap3A_3068, %swap3A_3069, %swap3A_3070], %get3A_3065 {strides = array<i32>} : memref<4x16x8x128xf32, #tpu.memory_space<vmem>>, vector<16xf32>,
      %add3A_3072 = arith.constant 112 : i32
      %add3A_3073 = arith.addi %add3A_3001, %add3A_3072 : i32
      %get3A_3074 = arith.index_cast %add3A_3073 : i32 to index
      %get3A_3075 = tpu.vector_load %arg7[%get3A_3074] {strides = array<i32>} : memref<4096xf32, #tpu.memory_space<vmem>>, vector<16xf32>,
      %swap3A_3076 = arith.constant 7 : i32
      %swap3A_3077 = arith.index_cast %rem3A_173 : i32 to index
      %swap3A_3078 = arith.index_cast %add3A_2369 : i32 to index
      %swap3A_3079 = arith.index_cast %swap3A_3076 : i32 to index
      %swap3A_3080 = arith.constant 112 : index
      %swap3A_3081 = tpu.vector_load %arg8[%swap3A_3077, %swap3A_3078, %swap3A_3079, %swap3A_3080] {strides = array<i32>} : memref<4x16x8x128xf32, #tpu.memory_space<vmem>>, vector<16xf32>,
      tpu.vector_store %arg8[%swap3A_3077, %swap3A_3078, %swap3A_3079, %swap3A_3080], %get3A_3075 {strides = array<i32>} : memref<4x16x8x128xf32, #tpu.memory_space<vmem>>, vector<16xf32>,
      %dma_start3A = arith.constant 0 : i32
      %dma_start3A_3082 = arith.constant 0 : i32
      %dma_start3A_3083 = arith.constant 0 : i32
      %dma_start3A_3084 = tpu.memref_slice %arg8[%rem3A_173, %dma_start3A, %dma_start3A_3082, %dma_start3A_3083] : memref<4x16x8x128xf32, #tpu.memory_space<vmem>> -> memref<1x16x8x128xf32, #tpu.memory_space<vmem>>
      %dma_start3A_3085 = tpu.memref_squeeze %dma_start3A_3084 : memref<1x16x8x128xf32, #tpu.memory_space<vmem>> -> memref<16x8x128xf32, #tpu.memory_space<vmem>>
      %dma_start3A_3086 = arith.constant 0 : i32
      %dma_start3A_3087 = arith.constant 0 : i32
      %dma_start3A_3088 = arith.constant 0 : i32
      %dma_start3A_3089 = tpu.memref_slice %arg4[%select_n3A, %add3A_174, %dma_start3A_3086, %dma_start3A_3087, %dma_start3A_3088] : memref<16x256x16x8x128xf32, #tpu.memory_space<hbm>> -> memref<1x1x16x8x128xf32, #tpu.memory_space<hbm>>
      %dma_start3A_3090 = tpu.memref_squeeze %dma_start3A_3089 : memref<1x1x16x8x128xf32, #tpu.memory_space<hbm>> -> memref<16x8x128xf32, #tpu.memory_space<hbm>>
      %dma_start3A_3091 = arith.constant 0 : i32
      %dma_start3A_3092 = arith.constant 0 : i32
      %dma_start3A_3093 = arith.constant 0 : i32
      %dma_start3A_3094 = tpu.memref_slice %arg4[%select_n3A, %add3A_174, %dma_start3A_3091, %dma_start3A_3092, %dma_start3A_3093] : memref<16x256x16x8x128xf32, #tpu.memory_space<hbm>> -> memref<1x1x16x8x128xf32, #tpu.memory_space<hbm>>
      %dma_start3A_3095 = tpu.memref_squeeze %dma_start3A_3094 : memref<1x1x16x8x128xf32, #tpu.memory_space<hbm>> -> memref<16x8x128xf32, #tpu.memory_space<hbm>>
      %dma_start3A_3096 = arith.constant 0 : i32
      %dma_start3A_3097 = arith.constant 0 : i32
      %dma_start3A_3098 = arith.constant 0 : i32
      %dma_start3A_3099 = tpu.memref_slice %arg8[%rem3A_173, %dma_start3A_3096, %dma_start3A_3097, %dma_start3A_3098] : memref<4x16x8x128xf32, #tpu.memory_space<vmem>> -> memref<1x16x8x128xf32, #tpu.memory_space<vmem>>
      %dma_start3A_3100 = tpu.memref_squeeze %dma_start3A_3099 : memref<1x16x8x128xf32, #tpu.memory_space<vmem>> -> memref<16x8x128xf32, #tpu.memory_space<vmem>>
      tpu.enqueue_dma source(%dma_start3A_3100 : memref<16x8x128xf32, #tpu.memory_space<vmem>>) target(%dma_start3A_3095 : memref<16x8x128xf32, #tpu.memory_space<hbm>>) target_semaphore(%arg9 : memref<!tpu.dma_semaphore, #tpu.memory_space<semaphore_mem>>)
    }
    %scan3A_79 = arith.constant 128 : i32
    %dma_wait3A = arith.constant 0 : i32
    %dma_wait3A_80 = arith.constant 0 : i32
    %dma_wait3A_81 = arith.constant 0 : i32
    %dma_wait3A_82 = arith.constant 0 : i32
    %dma_wait3A_83 = arith.constant 0 : i32
    %dma_wait3A_84 = arith.constant 0 : i32
    %dma_wait3A_85 = tpu.memref_slice %arg8[%dma_wait3A, %dma_wait3A_82, %dma_wait3A_83, %dma_wait3A_84] : memref<4x16x8x128xf32, #tpu.memory_space<vmem>> -> memref<1x16x8x128xf32, #tpu.memory_space<vmem>>
    %dma_wait3A_86 = tpu.memref_squeeze %dma_wait3A_85 : memref<1x16x8x128xf32, #tpu.memory_space<vmem>> -> memref<16x8x128xf32, #tpu.memory_space<vmem>>
    %dma_wait3A_87 = arith.constant 0 : i32
    %dma_wait3A_88 = arith.constant 0 : i32
    %dma_wait3A_89 = arith.constant 0 : i32
    %dma_wait3A_90 = tpu.memref_slice %arg4[%dma_wait3A_80, %dma_wait3A_81, %dma_wait3A_87, %dma_wait3A_88, %dma_wait3A_89] : memref<16x256x16x8x128xf32, #tpu.memory_space<hbm>> -> memref<1x1x16x8x128xf32, #tpu.memory_space<hbm>>
    %dma_wait3A_91 = tpu.memref_squeeze %dma_wait3A_90 : memref<1x1x16x8x128xf32, #tpu.memory_space<hbm>> -> memref<16x8x128xf32, #tpu.memory_space<hbm>>
    %dma_wait3A_92 = arith.constant 0 : i32
    %dma_wait3A_93 = arith.constant 0 : i32
    %dma_wait3A_94 = arith.constant 0 : i32
    %dma_wait3A_95 = tpu.memref_slice %arg4[%dma_wait3A_80, %dma_wait3A_81, %dma_wait3A_92, %dma_wait3A_93, %dma_wait3A_94] : memref<16x256x16x8x128xf32, #tpu.memory_space<hbm>> -> memref<1x1x16x8x128xf32, #tpu.memory_space<hbm>>
    %dma_wait3A_96 = tpu.memref_squeeze %dma_wait3A_95 : memref<1x1x16x8x128xf32, #tpu.memory_space<hbm>> -> memref<16x8x128xf32, #tpu.memory_space<hbm>>
    %dma_wait3A_97 = arith.constant 0 : i32
    %dma_wait3A_98 = arith.constant 0 : i32
    %dma_wait3A_99 = arith.constant 0 : i32
    %dma_wait3A_100 = tpu.memref_slice %arg8[%dma_wait3A, %dma_wait3A_97, %dma_wait3A_98, %dma_wait3A_99] : memref<4x16x8x128xf32, #tpu.memory_space<vmem>> -> memref<1x16x8x128xf32, #tpu.memory_space<vmem>>
    %dma_wait3A_101 = tpu.memref_squeeze %dma_wait3A_100 : memref<1x16x8x128xf32, #tpu.memory_space<vmem>> -> memref<16x8x128xf32, #tpu.memory_space<vmem>>
    tpu.wait_dma2 semaphore(%arg9 : memref<!tpu.dma_semaphore, #tpu.memory_space<semaphore_mem>>) src(%dma_wait3A_101 : memref<16x8x128xf32, #tpu.memory_space<vmem>>) dst(%dma_wait3A_96 : memref<16x8x128xf32, #tpu.memory_space<hbm>>)
    %dma_wait3A_102 = arith.constant 0 : i32
    %dma_wait3A_103 = arith.constant 0 : i32
    %dma_wait3A_104 = arith.constant 0 : i32
    %dma_wait3A_105 = arith.constant 0 : i32
    %dma_wait3A_106 = arith.constant 0 : i32
    %dma_wait3A_107 = arith.constant 0 : i32
    %dma_wait3A_108 = tpu.memref_slice %arg8[%dma_wait3A_102, %dma_wait3A_105, %dma_wait3A_106, %dma_wait3A_107] : memref<4x16x8x128xf32, #tpu.memory_space<vmem>> -> memref<1x16x8x128xf32, #tpu.memory_space<vmem>>
    %dma_wait3A_109 = tpu.memref_squeeze %dma_wait3A_108 : memref<1x16x8x128xf32, #tpu.memory_space<vmem>> -> memref<16x8x128xf32, #tpu.memory_space<vmem>>
    %dma_wait3A_110 = arith.constant 0 : i32
    %dma_wait3A_111 = arith.constant 0 : i32
    %dma_wait3A_112 = arith.constant 0 : i32
    %dma_wait3A_113 = tpu.memref_slice %arg4[%dma_wait3A_103, %dma_wait3A_104, %dma_wait3A_110, %dma_wait3A_111, %dma_wait3A_112] : memref<16x256x16x8x128xf32, #tpu.memory_space<hbm>> -> memref<1x1x16x8x128xf32, #tpu.memory_space<hbm>>
    %dma_wait3A_114 = tpu.memref_squeeze %dma_wait3A_113 : memref<1x1x16x8x128xf32, #tpu.memory_space<hbm>> -> memref<16x8x128xf32, #tpu.memory_space<hbm>>
    %dma_wait3A_115 = arith.constant 0 : i32
    %dma_wait3A_116 = arith.constant 0 : i32
    %dma_wait3A_117 = arith.constant 0 : i32
    %dma_wait3A_118 = tpu.memref_slice %arg4[%dma_wait3A_103, %dma_wait3A_104, %dma_wait3A_115, %dma_wait3A_116, %dma_wait3A_117] : memref<16x256x16x8x128xf32, #tpu.memory_space<hbm>> -> memref<1x1x16x8x128xf32, #tpu.memory_space<hbm>>
    %dma_wait3A_119 = tpu.memref_squeeze %dma_wait3A_118 : memref<1x1x16x8x128xf32, #tpu.memory_space<hbm>> -> memref<16x8x128xf32, #tpu.memory_space<hbm>>
    %dma_wait3A_120 = arith.constant 0 : i32
    %dma_wait3A_121 = arith.constant 0 : i32
    %dma_wait3A_122 = arith.constant 0 : i32
    %dma_wait3A_123 = tpu.memref_slice %arg8[%dma_wait3A_102, %dma_wait3A_120, %dma_wait3A_121, %dma_wait3A_122] : memref<4x16x8x128xf32, #tpu.memory_space<vmem>> -> memref<1x16x8x128xf32, #tpu.memory_space<vmem>>
    %dma_wait3A_124 = tpu.memref_squeeze %dma_wait3A_123 : memref<1x16x8x128xf32, #tpu.memory_space<vmem>> -> memref<16x8x128xf32, #tpu.memory_space<vmem>>
    tpu.wait_dma2 semaphore(%arg9 : memref<!tpu.dma_semaphore, #tpu.memory_space<semaphore_mem>>) src(%dma_wait3A_124 : memref<16x8x128xf32, #tpu.memory_space<vmem>>) dst(%dma_wait3A_119 : memref<16x8x128xf32, #tpu.memory_space<hbm>>)
    %dma_wait3A_125 = arith.constant 0 : i32
    %dma_wait3A_126 = arith.constant 0 : i32
    %dma_wait3A_127 = arith.constant 0 : i32
    %dma_wait3A_128 = arith.constant 0 : i32
    %dma_wait3A_129 = arith.constant 0 : i32
    %dma_wait3A_130 = arith.constant 0 : i32
    %dma_wait3A_131 = tpu.memref_slice %arg8[%dma_wait3A_125, %dma_wait3A_128, %dma_wait3A_129, %dma_wait3A_130] : memref<4x16x8x128xf32, #tpu.memory_space<vmem>> -> memref<1x16x8x128xf32, #tpu.memory_space<vmem>>
    %dma_wait3A_132 = tpu.memref_squeeze %dma_wait3A_131 : memref<1x16x8x128xf32, #tpu.memory_space<vmem>> -> memref<16x8x128xf32, #tpu.memory_space<vmem>>
    %dma_wait3A_133 = arith.constant 0 : i32
    %dma_wait3A_134 = arith.constant 0 : i32
    %dma_wait3A_135 = arith.constant 0 : i32
    %dma_wait3A_136 = tpu.memref_slice %arg4[%dma_wait3A_126, %dma_wait3A_127, %dma_wait3A_133, %dma_wait3A_134, %dma_wait3A_135] : memref<16x256x16x8x128xf32, #tpu.memory_space<hbm>> -> memref<1x1x16x8x128xf32, #tpu.memory_space<hbm>>
    %dma_wait3A_137 = tpu.memref_squeeze %dma_wait3A_136 : memref<1x1x16x8x128xf32, #tpu.memory_space<hbm>> -> memref<16x8x128xf32, #tpu.memory_space<hbm>>
    %dma_wait3A_138 = arith.constant 0 : i32
    %dma_wait3A_139 = arith.constant 0 : i32
    %dma_wait3A_140 = arith.constant 0 : i32
    %dma_wait3A_141 = tpu.memref_slice %arg4[%dma_wait3A_126, %dma_wait3A_127, %dma_wait3A_138, %dma_wait3A_139, %dma_wait3A_140] : memref<16x256x16x8x128xf32, #tpu.memory_space<hbm>> -> memref<1x1x16x8x128xf32, #tpu.memory_space<hbm>>
    %dma_wait3A_142 = tpu.memref_squeeze %dma_wait3A_141 : memref<1x1x16x8x128xf32, #tpu.memory_space<hbm>> -> memref<16x8x128xf32, #tpu.memory_space<hbm>>
    %dma_wait3A_143 = arith.constant 0 : i32
    %dma_wait3A_144 = arith.constant 0 : i32
    %dma_wait3A_145 = arith.constant 0 : i32
    %dma_wait3A_146 = tpu.memref_slice %arg8[%dma_wait3A_125, %dma_wait3A_143, %dma_wait3A_144, %dma_wait3A_145] : memref<4x16x8x128xf32, #tpu.memory_space<vmem>> -> memref<1x16x8x128xf32, #tpu.memory_space<vmem>>
    %dma_wait3A_147 = tpu.memref_squeeze %dma_wait3A_146 : memref<1x16x8x128xf32, #tpu.memory_space<vmem>> -> memref<16x8x128xf32, #tpu.memory_space<vmem>>
    tpu.wait_dma2 semaphore(%arg9 : memref<!tpu.dma_semaphore, #tpu.memory_space<semaphore_mem>>) src(%dma_wait3A_147 : memref<16x8x128xf32, #tpu.memory_space<vmem>>) dst(%dma_wait3A_142 : memref<16x8x128xf32, #tpu.memory_space<hbm>>)
    %dma_wait3A_148 = arith.constant 0 : i32
    %dma_wait3A_149 = arith.constant 0 : i32
    %dma_wait3A_150 = arith.constant 0 : i32
    %dma_wait3A_151 = arith.constant 0 : i32
    %dma_wait3A_152 = arith.constant 0 : i32
    %dma_wait3A_153 = arith.constant 0 : i32
    %dma_wait3A_154 = tpu.memref_slice %arg8[%dma_wait3A_148, %dma_wait3A_151, %dma_wait3A_152, %dma_wait3A_153] : memref<4x16x8x128xf32, #tpu.memory_space<vmem>> -> memref<1x16x8x128xf32, #tpu.memory_space<vmem>>
    %dma_wait3A_155 = tpu.memref_squeeze %dma_wait3A_154 : memref<1x16x8x128xf32, #tpu.memory_space<vmem>> -> memref<16x8x128xf32, #tpu.memory_space<vmem>>
    %dma_wait3A_156 = arith.constant 0 : i32
    %dma_wait3A_157 = arith.constant 0 : i32
    %dma_wait3A_158 = arith.constant 0 : i32
    %dma_wait3A_159 = tpu.memref_slice %arg4[%dma_wait3A_149, %dma_wait3A_150, %dma_wait3A_156, %dma_wait3A_157, %dma_wait3A_158] : memref<16x256x16x8x128xf32, #tpu.memory_space<hbm>> -> memref<1x1x16x8x128xf32, #tpu.memory_space<hbm>>
    %dma_wait3A_160 = tpu.memref_squeeze %dma_wait3A_159 : memref<1x1x16x8x128xf32, #tpu.memory_space<hbm>> -> memref<16x8x128xf32, #tpu.memory_space<hbm>>
    %dma_wait3A_161 = arith.constant 0 : i32
    %dma_wait3A_162 = arith.constant 0 : i32
    %dma_wait3A_163 = arith.constant 0 : i32
    %dma_wait3A_164 = tpu.memref_slice %arg4[%dma_wait3A_149, %dma_wait3A_150, %dma_wait3A_161, %dma_wait3A_162, %dma_wait3A_163] : memref<16x256x16x8x128xf32, #tpu.memory_space<hbm>> -> memref<1x1x16x8x128xf32, #tpu.memory_space<hbm>>
    %dma_wait3A_165 = tpu.memref_squeeze %dma_wait3A_164 : memref<1x1x16x8x128xf32, #tpu.memory_space<hbm>> -> memref<16x8x128xf32, #tpu.memory_space<hbm>>
    %dma_wait3A_166 = arith.constant 0 : i32
    %dma_wait3A_167 = arith.constant 0 : i32
    %dma_wait3A_168 = arith.constant 0 : i32
    %dma_wait3A_169 = tpu.memref_slice %arg8[%dma_wait3A_148, %dma_wait3A_166, %dma_wait3A_167, %dma_wait3A_168] : memref<4x16x8x128xf32, #tpu.memory_space<vmem>> -> memref<1x16x8x128xf32, #tpu.memory_space<vmem>>
    %dma_wait3A_170 = tpu.memref_squeeze %dma_wait3A_169 : memref<1x16x8x128xf32, #tpu.memory_space<vmem>> -> memref<16x8x128xf32, #tpu.memory_space<vmem>>
    tpu.wait_dma2 semaphore(%arg9 : memref<!tpu.dma_semaphore, #tpu.memory_space<semaphore_mem>>) src(%dma_wait3A_170 : memref<16x8x128xf32, #tpu.memory_space<vmem>>) dst(%dma_wait3A_165 : memref<16x8x128xf32, #tpu.memory_space<hbm>>)
    return
  }
}

</mosaic_0001>

<sc_bundles>
// kernel: kernel.3.cloned.1.call-start
scs
__scs_entry_jumppad:
0x0: {  	(pc) =	sbr.rel $0x88, $3  }
0x1: {  	(tag) =	ssettag $0x0;
	lr =	simm.s32 $0x1  }
0x2: {  	[smem:$0x3F9E] =	sst lr;
	_ =	strace $0xD0000000  }
0x3: {  	_ = 	snop  }
0x4: {  	_ = 	snop  }
0x5: {  	_ = 	snop  }
0x6: {  	_ = 	snop  }
0x7: {  	_ = 	snop  }
__scs_overlays_trampoline_lowered:
0x8: {  	[smem:$0x3FAD] =	sst s0  }
0x9: {  	[smem:$0x3FAE] =	sst s1  }
0xa: {  	[smem:$0x3FAF] =	sst s2  }
0xb: {  	[smem:$0x3FB0] =	sst s3  }
0xc: {  	[smem:$0x3FB1] =	sst s4  }
0xd: {  	[smem:$0x3FB2] =	sst s5  }
0xe: {  	[smem:$0x3FB3] =	sst s6  }
0xf: {  	[smem:$0x3FB4] =	sst s7  }
0x10: {  	[smem:$0x3FB5] =	sst s8  }
0x11: {  	[smem:$0x3FB6] =	sst s9;
	s0 =	simm.s32 @!p0 $0x0  }
0x12: {  	s1 =	sld [smem:$0x3F9C];
	s0 =	simm.s32 @p0 $0x1  }
0x13: {  	[smem:$0x3FB7] =	sst s0;
	s0 =	simm.s32 @!p1 $0x0  }
0x14: {  	s2 =	sld [smem:$0x3F9B];
	s0 =	simm.s32 @p1 $0x1  }
0x15: {  	[smem:$0x3FB8] =	sst s0;
	s0 =	simm.s32 @!p2 $0x0  }
0x16: {  	s3 =	sld [smem:$0x3FDB];
	s0 =	simm.s32 @p2 $0x1  }
0x17: {  	s4 =	simm.s32 $0x1BF5;
	[smem:$0x3FBA] =	sst s0  }
0x18: {  	s0 =	sld [smem:$0x3F9D];
	_ =	swait.ge [sflag:s4], $0x0  }
0x19: {  	s7 =	sld [smem:$0x3F9E]  }
0x1a: {  	s8 =	sadd.s32 $0xFFFFE003, lr  }
0x1b: {  	s9 =	sadd.s32 $0xFFFFFEF7, lr;
	s5 =	simm.s32 $0xFFFFFFFF;
	p2 =	slt.u32 s8, $0xFFFFF086  }
0x1c: {  	p1 =	slt.u32 s9, $0xF7A;
	s5 =	simm.s32 @!p2 $0x0  }
0x1d: {  	s5 =	simm.s32 @p1 $0x1;
	p0 =	seq.s32 s7, s2  }
0x1e: {  	s7 =	smul.u32 @!p0 $0xF7A, s2;
	p2 =	seq.s32 @!p0 s5, $0x0  }
0x1f: {  	s9 =	smul.u32 $0xF7A, s1;
	s8 =	simm.s32 @!p0 $0x1BF5;
	p2 =	por !p2, p0  }
0x20: {  	[sflag:s8] =	ssyncset.s32 @!p0 $0xFFFFF086;
	s6 =	sadd.s32 @!p0 s3, s7;
	s7 =	simm.s32 @!p0 $0x108  }
0x21: {  	s3 =	sadd.s32 s3, s9;
	s6 =	sadd.s32 @!p0 $0x88, s6;
	s7 =	simm.s32 @p2 $0x1082  }
0x22: {  	[simem:s7], [sflag:s8] =	dma.local @!p0 [hbm:s6], $0xF7A  }
0x23: {  	s9 =	sor.u32 $0xD0000000, s2;
	s6 =	simm.s32 $0x108;
	_ =	swait.ge @!p0 [sflag:s8], $0x0  }
0x24: {  	s3 =	sadd.s32 $0x88, s3;
	s6 =	simm.s32 @!p1 $0x1082;
	[sflag:s4] =	ssyncset.s32 $0xFFFFF086  }
0x25: {  	[simem:s6], [sflag:s4] =	dma.local [hbm:s3], $0xF7A  }
0x26: {  	[smem:$0x3F9E] =	sst s1;
	(tag) =	ssettag s2;
	_ =	strace s9  }
0x27: {  	s1 =	sld [smem:$0x3FAE]  }
0x28: {  	s2 =	sld [smem:$0x3FAF]  }
0x29: {  	s4 =	sld [smem:$0x3FB1]  }
0x2a: {  	p0 =	seq.s32 s5, $0x0;
	s5 =	sld [smem:$0x3FB2]  }
0x2b: {  	s6 =	sld [smem:$0x3FB3]  }
0x2c: {  	s7 =	sld [smem:$0x3FB4]  }
0x2d: {  	s3 =	simm.s32 $0x108;
	s8 =	sld [smem:$0x3FB5]  }
0x2e: {  	s3 =	simm.s32 @!p0 $0x1082;
	s9 =	sld [smem:$0x3FB6]  }
0x2f: {  	lr =	sadd.s32 s0, s3;
	s0 =	sld [smem:$0x3FAD]  }
0x30: {  	s3 =	sld [smem:$0x3FB0]  }
0x31: {  	[smem:$0x3FB9] =	sst s10  }
0x32: {  	s10 =	sld [smem:$0x3FB7];
	_ =	sdelay $0x3  }
0x33: {  	p0 =	seq.s32 s10, $0x1;
	s10 =	sld [smem:$0x3FB9];
	_ =	sdelay $0x3  }
0x34: {  	[smem:$0x3FB9] =	sst s10  }
0x35: {  	s10 =	sld [smem:$0x3FB8];
	_ =	sdelay $0x3  }
0x36: {  	p1 =	seq.s32 s10, $0x1;
	s10 =	sld [smem:$0x3FB9];
	_ =	sdelay $0x3  }
0x37: {  	[smem:$0x3FB9] =	sst s10  }
0x38: {  	s10 =	sld [smem:$0x3FBA]  }
0x39: {  	_ = 	snop;
	(pc) =	sbr.ind lr, $3  }
0x3a: {  	_ = 	snop  }
0x3b: {  	_ = 	snop  }
0x3c: {  	p2 =	seq.s32 s10, $0x1;
	s10 =	sld [smem:$0x3FB9]  }
0x3d: {  	_ =	shalt  }
0x3e: {  	_ =	shalt  }
0x3f: {  	_ =	shalt  }
0x40: {  	_ =	shalt  }
0x41: {  	_ =	shalt  }
0x42: {  	_ =	shalt  }
0x43: {  	_ =	shalt  }
0x44: {  	_ =	shalt  }
0x45: {  	_ =	shalt  }
0x46: {  	_ =	shalt  }
0x47: {  	_ =	shalt  }
0x48: {  	_ =	shalt  }
0x49: {  	_ =	shalt  }
0x4a: {  	_ =	shalt  }
0x4b: {  	_ =	shalt  }
0x4c: {  	_ =	shalt  }
0x4d: {  	_ =	shalt  }
0x4e: {  	_ =	shalt  }
0x4f: {  	_ =	shalt  }
0x50: {  	_ =	shalt  }
0x51: {  	_ =	shalt  }
0x52: {  	_ =	shalt  }
0x53: {  	_ =	shalt  }
0x54: {  	_ =	shalt  }
0x55: {  	_ =	shalt  }
0x56: {  	_ =	shalt  }
0x57: {  	_ =	shalt  }
0x58: {  	_ =	shalt  }
0x59: {  	_ =	shalt  }
0x5a: {  	_ =	shalt  }
0x5b: {  	_ =	shalt  }
0x5c: {  	_ =	shalt  }
0x5d: {  	_ =	shalt  }
0x5e: {  	_ =	shalt  }
0x5f: {  	_ =	shalt  }
0x60: {  	_ =	shalt  }
0x61: {  	_ =	shalt  }
0x62: {  	_ =	shalt  }
0x63: {  	_ =	shalt  }
0x64: {  	_ =	shalt  }
0x65: {  	_ =	shalt  }
0x66: {  	_ =	shalt  }
0x67: {  	_ =	shalt  }
0x68: {  	_ =	shalt  }
0x69: {  	_ =	shalt  }
0x6a: {  	_ =	shalt  }
0x6b: {  	_ =	shalt  }
0x6c: {  	_ =	shalt  }
0x6d: {  	_ =	shalt  }
0x6e: {  	_ =	shalt  }
0x6f: {  	_ =	shalt  }
0x70: {  	_ =	shalt  }
0x71: {  	_ =	shalt  }
0x72: {  	_ =	shalt  }
0x73: {  	_ =	shalt  }
0x74: {  	_ =	shalt  }
0x75: {  	_ =	shalt  }
0x76: {  	_ =	shalt  }
0x77: {  	_ =	shalt  }
0x78: {  	_ =	shalt  }
0x79: {  	_ =	shalt  }
0x7a: {  	_ =	shalt  }
0x7b: {  	_ =	shalt  }
0x7c: {  	_ =	shalt  }
0x7d: {  	_ =	shalt  }
0x7e: {  	_ =	shalt  }
0x7f: {  	_ =	shalt  }
0x80: {  	_ =	shalt  }
0x81: {  	_ =	shalt  }
0x82: {  	_ =	shalt  }
0x83: {  	_ =	shalt  }
0x84: {  	_ =	shalt  }
0x85: {  	_ =	shalt  }
0x86: {  	_ =	shalt  }
0x87: {  	_ =	shalt  }
.Lfunc_end0:
.L_simem_size_0:
called_computation_lowered:
.L_overlay_start_0:
0x88: {  	s2 =	sld [smem:$0x3FD9]  }
0x89: {  	s3 =	sld [smem:$0x3FFE];
	_ =	sdelay $0x1  }
0x8a: {  	s1 =	srdreg.scid  }
0x8b: {  	s0 =	sand.u32 $0x1, s1  }
0x8c: {  	s17 =	sshll.u32 s0, $0xA;
	s2 =	sadd.s32 s3, s2  }
0x8d: {  	s2 =	sadd.s32 s2, s17  }
0x8e: {  	[smem:$0x3FC5] =	sst s2  }
0x8f: {  	_ = 	snop  }
0x90: {  	s2 =	sld [smem:$0x3FD0];
	(tm) =	ssettm $0x1  }
0x91: {  	s18 =	sld [smem:$0x3FFB];
	_ =	sdelay $0x3  }
0x92: {  	_ =	strace s18  }
0x93: {  	s3 =	sld [smem:$0x3FFC];
	_ =	sdelay $0x3  }
0x94: {  	_ =	strace s3  }
0x95: {  	s3 =	sld [smem:$0x3FFD];
	_ =	sdelay $0x3  }
0x96: {  	_ =	strace s3  }
0x97: {  	_ =	strace $0x8FFFFFFF  }
0x98: {  	s19 =	sld [smem:$0x3FDB];
	_ =	sdelay $0x1  }
0x99: {  	s4 =	simm.s32 $_scs_section_size  }
0x9a: {  	s5 =	simm.s32 $_size__tile_overlayer_lowered;
	s6 =	simm.s32 $_tile_overlayer_lowered  }
0x9b: {  	s22 =	simm.s32 $0x1BFF;
	s21 =	sshll.u32 s6, $0x1;
	s3 =	sadd.s32 s4, s19  }
0x9c: {  	s7 =	simm.s32 $0x0;
	s20 =	sshll.u32 s5, $0x1;
	s5 =	sadd.s32 s21, s3  }
0x9d: {  	[timem:s7], [sflag:s22] =	dma.local [hbm:s5], s20  }
0x9e: {  	_ =	swait.ge [sflag:s22], s20  }
0x9f: {  	s4 =	ssub.s32 $0x0, s20;
	[sflag:s22] =	ssyncset.done $0x0  }
0xa0: {  	[sflag:s22] =	ssyncadd.s32 s4;
	_ =	sdelay $0x1  }
0xa1: {  	s23 =	simm.s32 $0x1B8B  }
0xa2: {  	_ =	swait.ge [sflag:s23], $0x1  }
0xa3: {  	[sflag:s23] =	ssyncset.done $0x0  }
0xa4: {  	s25 =	simm.s32 $0x1B8E;
	s24 =	sld [smem:$0x3FFE];
	[sflag:s23] =	ssyncadd.s32 $0xFFFFFFFF  }
0xa5: {  	s26 =	simm.s32 $execute0_lowered;
	[smem:$0x3FD2] =	sst s25  }
0xa6: {  	s5 =	sshll.u32 s26, $0x1;
	_ =	strace $0x80000046;
	[dreg:$0x1] =	wrdreg $0xFFFFFFFF  }
0xa7: {  	s28 =	simm.s32 $_size_execute0_lowered;
	s3 =	sadd.s32 s3, s5;
	[dreg:$0x0] =	wrdreg $0x0  }
0xa8: {  	s5 =	sshll.u32 s28, $0x1;
	[dreg:$0x2] =	wrdreg s3  }
0xa9: {  	[dreg:$0x3] =	wrdreg s5  }
0xaa: {  	[dreg:$0x4] =	wrdreg $0xC0  }
0xab: {  	_ =	task [dreg:s7], $0x5FFFF  }
0xac: {  	[dreg:$0x1] =	wrdreg $0xFFFFFFFF  }
0xad: {  	[dreg:$0x0] =	wrdreg $0x60  }
0xae: {  	[dreg:$0x2] =	wrdreg s24  }
0xaf: {  	[dreg:$0x3] =	wrdreg s2  }
0xb0: {  	[dreg:$0x4] =	wrdreg $0x9  }
0xb1: {  	_ =	task.clear_ibuf [dreg:s7], $0x5FFFF;
	_ =	strace $0x90000046  }
0xb2: {  	s29 =	simm.s32 $0x9;
	_ =	strace $0x80000048  }
0xb3: {  	_ =	swait.ge [sflag:s29], $0x1  }
0xb4: {  	[sflag:s29] =	ssyncadd.s32 $0xFFFFFFFF  }
0xb5: {  	_ =	strace $0x90000048  }
0xb6: {  	_ =	sfence  }
0xb7: {  	s30 =	sld [smem:$0x0];
	_ =	sdelay $0x2  }
0xb8: {  	s31 =	sshll.u32 s1, $0xD;
	s1 =	sshrl.u32 s1, $0x2  }
0xb9: {  	s3 =	sand.u32 $0x4000, s31;
	s1 =	sadd.s32 s1, s30  }
0xba: {  	s0 =	sor.u32 s3, s0;
	s1 =	sshll.u32 s1, $0x11  }
0xbb: {  	s0 =	sor.u32 s1, s0  }
0xbc: {  	s0 =	sadd.s32 $0x8F2B, s0  }
0xbd: {  	[sflag:s0] =	ssyncadd.remote.s32 $0x1  }
0xbe: {  	_ =	sfence.sel $0xFFFF  }
0xbf: {  	[dreg:$0x0] =	wrdreg $0xFFFFFFFF;
	(pc) =	sbr.abs _section_cstart, $3  }
0xc0: {  	[dreg:$0x1] =	wrdreg $0xFFFFFFFF  }
0xc1: {  	_ =	task.clear_ibuf [dreg:s7], $0x2FFFF;
	_ =	strace $0x9FFFFFFF  }
0xc2: {  	(tm) =	ssettm $0x7FFFFFFF  }
0xc3: {  	_ =	shalt  }
tec
execute0_lowered:
.L_overlay_start_1:
0x0: {  	(tag) =	ssettag $0x1  }
0x1: {  	s5 =	rddreg [dreg:$0x0];
	s0 =	srdreg.scid  }
0x2: {  	s2 =	rddreg [dreg:$0x1];
	s1 =	stileid.u32;
	s7 =	sand.u32 $0x1, s0  }
0x3: {  	s3 =	simm.s32 $0x0;
	s8 =	simm.s32 $0x1;
	s4 =	sor.u32 s7, s1  }
0x4: {  	s10 =	simm.s32 $0x2;
	p1 =	seq.s32 s7, $0x1;
	p0 =	seq.s32 s4, $0x0  }
0x5: {  	s11 =	simm.s32 $0x1010;
	s12 =	simm.s32 $0x0;
	p0 =	por !p0, !p1  }
.Ltmp0:
0x6: {  	[smem:$0x7FF] =	sst s3;
	p0 =	por !p0, !p0;
	(pc) =	sbr.rel .LBB2_1-.Ltmp0, $4  }
0x7: {  	_ =	strace $0x80000047;
	s6 =	ssub.s32 $0x2, s7;
	s8 =	simm.s32 @!p0 $0x0  }
0x8: {  	s7 =	sshll.u32 s7, $0x7;
	s9 =	sshrl.u32 s6, $0x1;
	s8 =	ssub.s32 s1, s8  }
0x9: {  	v3 =	vlaneseq.u32;
	s4 =	sadd.s32 $0x400, s5;
	s5 =	sadd.s32 $0x800, s5;
	s9 =	ssub.s32 s6, s9;
	v0 =	vmov s8  }
0xa: {  	v3 =	vadd.s32 $0xFFFFF801, v3;
	s6 =	simm.s32 $0x1;
	s9 =	smax.u32 s9, $0x1;
	s8 =	sshll.u32 s8, $0x16;
	v1 =	vadd.s32 $0x800, v0;
	v2 =	vadd.s32 $0x1000, v0  }
.LBB2_13:
0xb: {  	_ =	swait.ge [sflag:s6], $0x4000  }
0xc: {  	[sflag:s6] =	ssyncset.done $0x0  }
0xd: {  	[sflag:s6] =	ssyncadd.s32 $0xFFFFC000  }
0xe: {  	_ =	swait.ge [sflag:s6], $0x4000  }
0xf: {  	[sflag:s6] =	ssyncset.done $0x0  }
0x10: {  	s12 =	sadd.s32 $0x1, s12;
	[sflag:s6] =	ssyncadd.s32 $0xFFFFC000  }
0x11: {  	p0 =	sne.s32 s12, s9;
	_ =	swait.ge [sflag:s6], $0x4000  }
.Ltmp1:
0x12: {  	[sflag:s6] =	ssyncset.done $0x0;
	(pc) =	sbr.rel @!p0 .LBB2_14-.Ltmp1, $4  }
0x13: {  	[sflag:s6] =	ssyncadd.s32 $0xFFFFC000  }
0x14: {  	_ =	swait.ge [sflag:s6], $0x4000  }
0x15: {  	[sflag:s6] =	ssyncset.done $0x0  }
0x16: {  	[sflag:s6] =	ssyncadd.s32 $0xFFFFC000  }
.LBB2_1:
0x17: {  	[tilespmem:s3], [sflag:$0x2] =	stream.linear.gather [hbm4b:s4+s3], $0x1010, $0x38;
	[tilespmem:$0x12020] =	vst v63  }
0x18: {  	_ =	swait.ge [sflag:s10], $0x1010  }
0x19: {  	[sflag:s10] =	ssyncset.done $0x0  }
0x1a: {  	[sflag:s10] =	ssyncadd.s32 $0xFFFFEFF0  }
0x1b: {  	[tilespmem:s11], [sflag:$0x2] =	stream.linear.gather [hbm4b:s5+s3], $0x10, $0x38;
	[tilespmem:$0x12020] =	vst v63  }
0x1c: {  	_ =	swait.ge [sflag:s10], $0x10  }
0x1d: {  	[sflag:s10] =	ssyncset.done $0x0  }
0x1e: {  	[sflag:s10] =	ssyncadd.s32 $0xFFFFFFF0  }
0x1f: {  	v4 =	vld [tilespmem:$0x1010];
	_ =	sdelay $0x4  }
0x20: {  	v5 =	vadd.s32 v3, v4  }
0x21: {  	v6 =	vadd.s32 s3, v5  }
0x22: {  	vm0 =	vgt.s32 v6, $0xFFFFFF80  }
0x23: {  	v6 =	vnsel vm0, $0xFFFFFF80, v6  }
0x24: {  	vm0 =	vlt.s32 v6, $0x80  }
0x25: {  	v6 =	vnsel vm0, $0x80, v6  }
0x26: {  	s13 =	simm.s32 $0x10;
	v6 =	vshll.u32 v6, $0x4  }
0x27: {  	v7 =	vadd.s32 s13, v5;
	v6 =	vadd.s32 v6, v1  }
0x28: {  	vm14 =	vgt.s32 v7, $0xFFFFFF80  }
0x29: {  	v7 =	vnsel vm14, $0xFFFFFF80, v7  }
0x2a: {  	vm0 =	vlt.s32 v7, $0x80  }
0x2b: {  	v7 =	vnsel vm0, $0x80, v7  }
0x2c: {  	s31 =	simm.s32 $0x20;
	v7 =	vshll.u32 v7, $0x4;
	v6 =	vld.idx.msk [tilespmem:v6+s3+$0x0], $0xffff  }
0x2d: {  	v8 =	vadd.s32 s31, v5;
	v7 =	vadd.s32 v7, v1  }
0x2e: {  	vm15 =	vgt.s32 v8, $0xFFFFFF80  }
0x2f: {  	v8 =	vnsel vm15, $0xFFFFFF80, v8  }
0x30: {  	s13 =	simm.s32 $0x1020;
	vm0 =	vlt.s32 v8, $0x80  }
0x31: {  	v8 =	vnsel vm0, $0x80, v8;
	[tilespmem:s13+$0x0] =	vst v6  }
0x32: {  	v8 =	vshll.u32 v8, $0x4;
	v6 =	vld.idx.msk [tilespmem:v7+s3+$0x0], $0xffff  }
0x33: {  	s14 =	simm.s32 $0x30;
	v7 =	vadd.s32 v8, v1  }
0x34: {  	v8 =	vadd.s32 s14, v5;
	s14 =	simm.s32 $0x40  }
.LBB2_2:
0x35: {  	p0 =	sne.s32 s14, $0xFF0;
	vm0 =	vgt.s32 v8, $0xFFFFFF80  }
0x36: {  	s13 =	sadd.s32 $0x10, s13;
	v8 =	vnsel vm0, $0xFFFFFF80, v8  }
.Ltmp2:
0x37: {  	vm0 =	vlt.s32 v8, $0x80;
	[tilespmem:s13+$0x0] =	vst v6;
	(pc) =	sbr.rel @p0 .LBB2_2-.Ltmp2, $4  }
0x38: {  	v8 =	vnsel vm0, $0x80, v8;
	v6 =	vld.idx.msk [tilespmem:v7+s3+$0x0], $0xffff  }
0x39: {  	v7 =	vshll.u32 v8, $0x4  }
0x3a: {  	v7 =	vadd.s32 v7, v1  }
0x3b: {  	v8 =	vadd.s32 s14, v5;
	s14 =	sadd.s32 $0x10, s14  }
0x3c: {  	v4 =	vxor.u32 $0x80000000, v4  }
0x3d: {  	(xrf0) =	vmax.scan.msk.u32 $0xffff, v4;
	_ =	sdelay $0x5  }
0x3e: {  	vm0 =	vgt.s32 v8, $0xFFFFFF80;
	v4, _, _ =	vpop (xrf0)  }
0x3f: {  	(v2sf) =	vpush v4, $0xF;
	v4 =	vnsel vm0, $0xFFFFFF80, v8  }
0x40: {  	s13 =	sadd.s32 $0x10, s13;
	vm0 =	vlt.s32 v4, $0x80  }
0x41: {  	[tilespmem:s13+$0x0] =	vst v6;
	v4 =	vnsel vm0, $0x80, v4  }
0x42: {  	v5 =	vld.idx.msk [tilespmem:v7+s3+$0x0], $0xffff;
	v4 =	vshll.u32 v4, $0x4  }
0x43: {  	v4 =	vadd.s32 v4, v1;
	_ =	sdelay $0x2  }
0x44: {  	s13 =	sadd.s32 $0x10, s13  }
0x45: {  	[tilespmem:s13+$0x0] =	vst v5  }
0x46: {  	v4 =	vld.idx.msk [tilespmem:v4+s3+$0x0], $0xffff;
	_ =	sdelay $0x3  }
0x47: {  	s13 =	sadd.s32 $0x10, s13  }
0x48: {  	[tilespmem:s13+$0x0] =	vst v4;
	s13 =	simm.s32 $0x0  }
0x49: {  	v4 =	vld.idx.msk [tilespmem:v0+s13+$0x0], $0xffff  }
.Ltmp3:
0x4a: {  	v5 =	vld.idx.msk [tilespmem:v2+s13+$0x0], $0xffff;
	(pc) =	sbr.rel .LBB2_4-.Ltmp3, $4  }
0x4b: {  	_ = 	snop  }
0x4c: {  	s14 =	spop (v2sf)  }
0x4d: {  	s15 =	sxor.u32 $0x7FFFFFFF, s14  }
0x4e: {  	s16 =	simm.s32 $0x0;
	s14 =	sadd.s32 $0xFFFFFF82, s15;
	s15 =	sadd.s32 $0xFFFFFF62, s15  }
.LBB2_11:
0x4f: {  	[tilespmem:s19+$0xFFFFFC20] =	vst v5  }
.LBB2_12:
0x50: {  	s21 =	sxor.u32 $0x7FF, s20;
	s30 =	sshll.u32 s18, $0x7  }
0x51: {  	s22 =	sadd.s32 s21, s30  }
0x52: {  	v6 =	vld [tilespmem:s22+$0x1020]  }
0x53: {  	s19 =	sand.u32 $0x3, s16  }
0x54: {  	s19 =	sshll.u32 s19, $0xE  }
0x55: {  	s23 =	sshll.u32 s18, $0xA;
	s19 =	sor.u32 $0x2020, s19  }
0x56: {  	s29 =	sadd.s32 s23, s19  }
0x57: {  	s22 =	sand.u32 $0xFF8, s22;
	[tilespmem:s29+$0x0] =	vst v6  }
0x58: {  	v6 =	vld [tilespmem:s22+$0x1037];
	_ =	sdelay $0x4  }
0x59: {  	[tilespmem:s29+$0x10] =	vst v6  }
0x5a: {  	v6 =	vld [tilespmem:s22+$0x1047];
	_ =	sdelay $0x4  }
0x5b: {  	[tilespmem:s29+$0x20] =	vst v6  }
0x5c: {  	v6 =	vld [tilespmem:s22+$0x1057];
	_ =	sdelay $0x4  }
0x5d: {  	[tilespmem:s29+$0x30] =	vst v6  }
0x5e: {  	v6 =	vld [tilespmem:s22+$0x1067];
	_ =	sdelay $0x4  }
0x5f: {  	[tilespmem:s29+$0x40] =	vst v6  }
0x60: {  	v6 =	vld [tilespmem:s22+$0x1077];
	_ =	sdelay $0x4  }
0x61: {  	[tilespmem:s29+$0x50] =	vst v6  }
0x62: {  	v6 =	vld [tilespmem:s22+$0x1087];
	_ =	sdelay $0x4  }
0x63: {  	[tilespmem:s29+$0x60] =	vst v6  }
0x64: {  	v6 =	vld [tilespmem:s22+$0x1097];
	_ =	sdelay $0x3  }
0x65: {  	s22 =	ssub.s32 $0x7FE, s20  }
0x66: {  	s28 =	sadd.s32 s22, s30;
	[tilespmem:s29+$0x70] =	vst v6  }
0x67: {  	v6 =	vld [tilespmem:s28+$0x1020];
	_ =	sdelay $0x4  }
0x68: {  	s23 =	sand.u32 $0xFF8, s28;
	[tilespmem:s29+$0x80] =	vst v6  }
0x69: {  	v6 =	vld [tilespmem:s23+$0x1036];
	_ =	sdelay $0x4  }
0x6a: {  	[tilespmem:s29+$0x90] =	vst v6  }
0x6b: {  	v6 =	vld [tilespmem:s23+$0x1046];
	_ =	sdelay $0x4  }
0x6c: {  	[tilespmem:s29+$0xA0] =	vst v6  }
0x6d: {  	v6 =	vld [tilespmem:s23+$0x1056];
	_ =	sdelay $0x4  }
0x6e: {  	[tilespmem:s29+$0xB0] =	vst v6  }
0x6f: {  	v6 =	vld [tilespmem:s23+$0x1066];
	_ =	sdelay $0x4  }
0x70: {  	[tilespmem:s29+$0xC0] =	vst v6  }
0x71: {  	v6 =	vld [tilespmem:s23+$0x1076];
	_ =	sdelay $0x4  }
0x72: {  	[tilespmem:s29+$0xD0] =	vst v6  }
0x73: {  	v6 =	vld [tilespmem:s23+$0x1086];
	_ =	sdelay $0x4  }
0x74: {  	[tilespmem:s29+$0xE0] =	vst v6  }
0x75: {  	v6 =	vld [tilespmem:s23+$0x1096];
	_ =	sdelay $0x3  }
0x76: {  	s23 =	ssub.s32 $0x7FD, s20  }
0x77: {  	s24 =	sadd.s32 s23, s30;
	[tilespmem:s29+$0xF0] =	vst v6  }
0x78: {  	v6 =	vld [tilespmem:s24+$0x1020];
	_ =	sdelay $0x4  }
0x79: {  	s24 =	sand.u32 $0xFF8, s24;
	[tilespmem:s29+$0x100] =	vst v6  }
0x7a: {  	v6 =	vld [tilespmem:s24+$0x1035];
	_ =	sdelay $0x4  }
0x7b: {  	[tilespmem:s29+$0x110] =	vst v6  }
0x7c: {  	v6 =	vld [tilespmem:s24+$0x1045];
	_ =	sdelay $0x4  }
0x7d: {  	[tilespmem:s29+$0x120] =	vst v6  }
0x7e: {  	v6 =	vld [tilespmem:s24+$0x1055];
	_ =	sdelay $0x4  }
0x7f: {  	[tilespmem:s29+$0x130] =	vst v6  }
0x80: {  	v6 =	vld [tilespmem:s24+$0x1065];
	_ =	sdelay $0x4  }
0x81: {  	[tilespmem:s29+$0x140] =	vst v6  }
0x82: {  	v6 =	vld [tilespmem:s24+$0x1075];
	_ =	sdelay $0x4  }
0x83: {  	[tilespmem:s29+$0x150] =	vst v6  }
0x84: {  	v6 =	vld [tilespmem:s24+$0x1085];
	_ =	sdelay $0x4  }
0x85: {  	[tilespmem:s29+$0x160] =	vst v6  }
0x86: {  	v6 =	vld [tilespmem:s24+$0x1095];
	_ =	sdelay $0x3  }
0x87: {  	s24 =	ssub.s32 $0x7FC, s20  }
0x88: {  	s25 =	sadd.s32 s24, s30;
	[tilespmem:s29+$0x170] =	vst v6  }
0x89: {  	v6 =	vld [tilespmem:s25+$0x1020];
	_ =	sdelay $0x4  }
0x8a: {  	s25 =	sand.u32 $0xFF8, s25;
	[tilespmem:s29+$0x180] =	vst v6  }
0x8b: {  	v6 =	vld [tilespmem:s25+$0x1034];
	_ =	sdelay $0x4  }
0x8c: {  	[tilespmem:s29+$0x190] =	vst v6  }
0x8d: {  	v6 =	vld [tilespmem:s25+$0x1044];
	_ =	sdelay $0x4  }
0x8e: {  	[tilespmem:s29+$0x1A0] =	vst v6  }
0x8f: {  	v6 =	vld [tilespmem:s25+$0x1054];
	_ =	sdelay $0x4  }
0x90: {  	[tilespmem:s29+$0x1B0] =	vst v6  }
0x91: {  	v6 =	vld [tilespmem:s25+$0x1064];
	_ =	sdelay $0x4  }
0x92: {  	[tilespmem:s29+$0x1C0] =	vst v6  }
0x93: {  	v6 =	vld [tilespmem:s25+$0x1074];
	_ =	sdelay $0x4  }
0x94: {  	[tilespmem:s29+$0x1D0] =	vst v6  }
0x95: {  	v6 =	vld [tilespmem:s25+$0x1084];
	_ =	sdelay $0x4  }
0x96: {  	[tilespmem:s29+$0x1E0] =	vst v6  }
0x97: {  	v6 =	vld [tilespmem:s25+$0x1094];
	_ =	sdelay $0x3  }
0x98: {  	s25 =	ssub.s32 $0x7FB, s20  }
0x99: {  	s26 =	sadd.s32 s25, s30;
	[tilespmem:s29+$0x1F0] =	vst v6  }
0x9a: {  	v6 =	vld [tilespmem:s26+$0x1020];
	_ =	sdelay $0x4  }
0x9b: {  	s26 =	sand.u32 $0xFF8, s26;
	[tilespmem:s29+$0x200] =	vst v6  }
0x9c: {  	v6 =	vld [tilespmem:s26+$0x1033];
	_ =	sdelay $0x4  }
0x9d: {  	[tilespmem:s29+$0x210] =	vst v6  }
0x9e: {  	v6 =	vld [tilespmem:s26+$0x1043];
	_ =	sdelay $0x4  }
0x9f: {  	[tilespmem:s29+$0x220] =	vst v6  }
0xa0: {  	v6 =	vld [tilespmem:s26+$0x1053];
	_ =	sdelay $0x4  }
0xa1: {  	[tilespmem:s29+$0x230] =	vst v6  }
0xa2: {  	v6 =	vld [tilespmem:s26+$0x1063];
	_ =	sdelay $0x4  }
0xa3: {  	[tilespmem:s29+$0x240] =	vst v6  }
0xa4: {  	v6 =	vld [tilespmem:s26+$0x1073];
	_ =	sdelay $0x4  }
0xa5: {  	[tilespmem:s29+$0x250] =	vst v6  }
0xa6: {  	v6 =	vld [tilespmem:s26+$0x1083];
	_ =	sdelay $0x4  }
0xa7: {  	[tilespmem:s29+$0x260] =	vst v6  }
0xa8: {  	v6 =	vld [tilespmem:s26+$0x1093];
	_ =	sdelay $0x3  }
0xa9: {  	s26 =	ssub.s32 $0x7FA, s20  }
0xaa: {  	s28 =	sadd.s32 s26, s30;
	[tilespmem:s29+$0x270] =	vst v6  }
0xab: {  	v6 =	vld [tilespmem:s28+$0x1020];
	_ =	sdelay $0x4  }
0xac: {  	s28 =	sand.u32 $0xFF8, s28;
	[tilespmem:s29+$0x280] =	vst v6  }
0xad: {  	v6 =	vld [tilespmem:s28+$0x1032];
	_ =	sdelay $0x4  }
0xae: {  	[tilespmem:s29+$0x290] =	vst v6  }
0xaf: {  	v6 =	vld [tilespmem:s28+$0x1042];
	_ =	sdelay $0x4  }
0xb0: {  	[tilespmem:s29+$0x2A0] =	vst v6  }
0xb1: {  	v6 =	vld [tilespmem:s28+$0x1052];
	_ =	sdelay $0x4  }
0xb2: {  	[tilespmem:s29+$0x2B0] =	vst v6  }
0xb3: {  	v6 =	vld [tilespmem:s28+$0x1062];
	_ =	sdelay $0x4  }
0xb4: {  	[tilespmem:s29+$0x2C0] =	vst v6  }
0xb5: {  	v6 =	vld [tilespmem:s28+$0x1072];
	_ =	sdelay $0x4  }
0xb6: {  	[tilespmem:s29+$0x2D0] =	vst v6  }
0xb7: {  	v6 =	vld [tilespmem:s28+$0x1082];
	_ =	sdelay $0x4  }
0xb8: {  	[tilespmem:s29+$0x2E0] =	vst v6  }
0xb9: {  	v6 =	vld [tilespmem:s28+$0x1092];
	_ =	sdelay $0x3  }
0xba: {  	s28 =	ssub.s32 $0x7F9, s20  }
0xbb: {  	s31 =	sadd.s32 s28, s30;
	[tilespmem:s29+$0x2F0] =	vst v6  }
0xbc: {  	v6 =	vld [tilespmem:s31+$0x1020];
	_ =	sdelay $0x4  }
0xbd: {  	s31 =	sand.u32 $0xFF8, s31;
	[tilespmem:s29+$0x300] =	vst v6  }
0xbe: {  	v6 =	vld [tilespmem:s31+$0x1031];
	_ =	sdelay $0x4  }
0xbf: {  	[tilespmem:s29+$0x310] =	vst v6  }
0xc0: {  	v6 =	vld [tilespmem:s31+$0x1041];
	_ =	sdelay $0x4  }
0xc1: {  	[tilespmem:s29+$0x320] =	vst v6  }
0xc2: {  	v6 =	vld [tilespmem:s31+$0x1051];
	_ =	sdelay $0x4  }
0xc3: {  	[tilespmem:s29+$0x330] =	vst v6  }
0xc4: {  	v6 =	vld [tilespmem:s31+$0x1061];
	_ =	sdelay $0x4  }
0xc5: {  	[tilespmem:s29+$0x340] =	vst v6  }
0xc6: {  	v6 =	vld [tilespmem:s31+$0x1071];
	_ =	sdelay $0x4  }
0xc7: {  	[tilespmem:s29+$0x350] =	vst v6  }
0xc8: {  	v6 =	vld [tilespmem:s31+$0x1081];
	_ =	sdelay $0x4  }
0xc9: {  	[tilespmem:s29+$0x360] =	vst v6  }
0xca: {  	v6 =	vld [tilespmem:s31+$0x1091];
	_ =	sdelay $0x3  }
0xcb: {  	s20 =	ssub.s32 $0x1818, s20  }
0xcc: {  	s30 =	sadd.s32 s30, s20;
	[tilespmem:s29+$0x370] =	vst v6  }
0xcd: {  	v6 =	vld [tilespmem:s30+$0x0];
	_ =	sdelay $0x4  }
0xce: {  	[tilespmem:s29+$0x380] =	vst v6  }
0xcf: {  	v6 =	vld [tilespmem:s30+$0x10];
	_ =	sdelay $0x4  }
0xd0: {  	[tilespmem:s29+$0x390] =	vst v6  }
0xd1: {  	v6 =	vld [tilespmem:s30+$0x20];
	_ =	sdelay $0x4  }
0xd2: {  	[tilespmem:s29+$0x3A0] =	vst v6  }
0xd3: {  	v6 =	vld [tilespmem:s30+$0x30];
	_ =	sdelay $0x4  }
0xd4: {  	[tilespmem:s29+$0x3B0] =	vst v6  }
0xd5: {  	v6 =	vld [tilespmem:s30+$0x40];
	_ =	sdelay $0x4  }
0xd6: {  	[tilespmem:s29+$0x3C0] =	vst v6  }
0xd7: {  	v6 =	vld [tilespmem:s30+$0x50];
	_ =	sdelay $0x4  }
0xd8: {  	[tilespmem:s29+$0x3D0] =	vst v6  }
0xd9: {  	v6 =	vld [tilespmem:s30+$0x60];
	_ =	sdelay $0x4  }
0xda: {  	[tilespmem:s29+$0x3E0] =	vst v6  }
0xdb: {  	v6 =	vld [tilespmem:s30+$0x70];
	_ =	sdelay $0x2  }
0xdc: {  	s31 =	sadd.s32 $0x1, s18  }
0xdd: {  	s30 =	sshll.u32 s31, $0x7  }
0xde: {  	s0 =	sadd.s32 s21, s30;
	[tilespmem:s29+$0x3F0] =	vst v6  }
0xdf: {  	v6 =	vld [tilespmem:s0+$0x1020];
	_ =	sdelay $0x2  }
0xe0: {  	s31 =	sshll.u32 s31, $0xA  }
0xe1: {  	s29 =	sadd.s32 s31, s19  }
0xe2: {  	s0 =	sand.u32 $0x1FF8, s0;
	[tilespmem:s29+$0x0] =	vst v6  }
0xe3: {  	v6 =	vld [tilespmem:s0+$0x1037];
	_ =	sdelay $0x4  }
0xe4: {  	[tilespmem:s29+$0x10] =	vst v6  }
0xe5: {  	v6 =	vld [tilespmem:s0+$0x1047];
	_ =	sdelay $0x4  }
0xe6: {  	[tilespmem:s29+$0x20] =	vst v6  }
0xe7: {  	v6 =	vld [tilespmem:s0+$0x1057];
	_ =	sdelay $0x4  }
0xe8: {  	[tilespmem:s29+$0x30] =	vst v6  }
0xe9: {  	v6 =	vld [tilespmem:s0+$0x1067];
	_ =	sdelay $0x4  }
0xea: {  	[tilespmem:s29+$0x40] =	vst v6  }
0xeb: {  	v6 =	vld [tilespmem:s0+$0x1077];
	_ =	sdelay $0x4  }
0xec: {  	[tilespmem:s29+$0x50] =	vst v6  }
0xed: {  	v6 =	vld [tilespmem:s0+$0x1087];
	_ =	sdelay $0x4  }
0xee: {  	[tilespmem:s29+$0x60] =	vst v6  }
0xef: {  	v6 =	vld [tilespmem:s0+$0x1097];
	_ =	sdelay $0x4  }
0xf0: {  	s31 =	sadd.s32 s22, s30;
	[tilespmem:s29+$0x70] =	vst v6  }
0xf1: {  	v6 =	vld [tilespmem:s31+$0x1020];
	_ =	sdelay $0x4  }
0xf2: {  	s0 =	sand.u32 $0x1FF8, s31;
	[tilespmem:s29+$0x80] =	vst v6  }
0xf3: {  	v6 =	vld [tilespmem:s0+$0x1036];
	_ =	sdelay $0x4  }
0xf4: {  	[tilespmem:s29+$0x90] =	vst v6  }
0xf5: {  	v6 =	vld [tilespmem:s0+$0x1046];
	_ =	sdelay $0x4  }
0xf6: {  	[tilespmem:s29+$0xA0] =	vst v6  }
0xf7: {  	v6 =	vld [tilespmem:s0+$0x1056];
	_ =	sdelay $0x4  }
0xf8: {  	[tilespmem:s29+$0xB0] =	vst v6  }
0xf9: {  	v6 =	vld [tilespmem:s0+$0x1066];
	_ =	sdelay $0x4  }
0xfa: {  	[tilespmem:s29+$0xC0] =	vst v6  }
0xfb: {  	v6 =	vld [tilespmem:s0+$0x1076];
	_ =	sdelay $0x4  }
0xfc: {  	[tilespmem:s29+$0xD0] =	vst v6  }
0xfd: {  	v6 =	vld [tilespmem:s0+$0x1086];
	_ =	sdelay $0x4  }
0xfe: {  	[tilespmem:s29+$0xE0] =	vst v6  }
0xff: {  	v6 =	vld [tilespmem:s0+$0x1096];
	_ =	sdelay $0x4  }
0x100: {  	s31 =	sadd.s32 s23, s30;
	[tilespmem:s29+$0xF0] =	vst v6  }
0x101: {  	v6 =	vld [tilespmem:s31+$0x1020];
	_ =	sdelay $0x4  }
0x102: {  	s0 =	sand.u32 $0x1FF8, s31;
	[tilespmem:s29+$0x100] =	vst v6  }
0x103: {  	v6 =	vld [tilespmem:s0+$0x1035];
	_ =	sdelay $0x4  }
0x104: {  	[tilespmem:s29+$0x110] =	vst v6  }
0x105: {  	v6 =	vld [tilespmem:s0+$0x1045];
	_ =	sdelay $0x4  }
0x106: {  	[tilespmem:s29+$0x120] =	vst v6  }
0x107: {  	v6 =	vld [tilespmem:s0+$0x1055];
	_ =	sdelay $0x4  }
0x108: {  	[tilespmem:s29+$0x130] =	vst v6  }
0x109: {  	v6 =	vld [tilespmem:s0+$0x1065];
	_ =	sdelay $0x4  }
0x10a: {  	[tilespmem:s29+$0x140] =	vst v6  }
0x10b: {  	v6 =	vld [tilespmem:s0+$0x1075];
	_ =	sdelay $0x4  }
0x10c: {  	[tilespmem:s29+$0x150] =	vst v6  }
0x10d: {  	v6 =	vld [tilespmem:s0+$0x1085];
	_ =	sdelay $0x4  }
0x10e: {  	[tilespmem:s29+$0x160] =	vst v6  }
0x10f: {  	v6 =	vld [tilespmem:s0+$0x1095];
	_ =	sdelay $0x4  }
0x110: {  	s31 =	sadd.s32 s24, s30;
	[tilespmem:s29+$0x170] =	vst v6  }
0x111: {  	v6 =	vld [tilespmem:s31+$0x1020];
	_ =	sdelay $0x4  }
0x112: {  	s0 =	sand.u32 $0x1FF8, s31;
	[tilespmem:s29+$0x180] =	vst v6  }
0x113: {  	v6 =	vld [tilespmem:s0+$0x1034];
	_ =	sdelay $0x4  }
0x114: {  	[tilespmem:s29+$0x190] =	vst v6  }
0x115: {  	v6 =	vld [tilespmem:s0+$0x1044];
	_ =	sdelay $0x4  }
0x116: {  	[tilespmem:s29+$0x1A0] =	vst v6  }
0x117: {  	v6 =	vld [tilespmem:s0+$0x1054];
	_ =	sdelay $0x4  }
0x118: {  	[tilespmem:s29+$0x1B0] =	vst v6  }
0x119: {  	v6 =	vld [tilespmem:s0+$0x1064];
	_ =	sdelay $0x4  }
0x11a: {  	[tilespmem:s29+$0x1C0] =	vst v6  }
0x11b: {  	v6 =	vld [tilespmem:s0+$0x1074];
	_ =	sdelay $0x4  }
0x11c: {  	[tilespmem:s29+$0x1D0] =	vst v6  }
0x11d: {  	v6 =	vld [tilespmem:s0+$0x1084];
	_ =	sdelay $0x4  }
0x11e: {  	[tilespmem:s29+$0x1E0] =	vst v6  }
0x11f: {  	v6 =	vld [tilespmem:s0+$0x1094];
	_ =	sdelay $0x4  }
0x120: {  	s31 =	sadd.s32 s25, s30;
	[tilespmem:s29+$0x1F0] =	vst v6  }
0x121: {  	v6 =	vld [tilespmem:s31+$0x1020];
	_ =	sdelay $0x4  }
0x122: {  	s0 =	sand.u32 $0x1FF8, s31;
	[tilespmem:s29+$0x200] =	vst v6  }
0x123: {  	v6 =	vld [tilespmem:s0+$0x1033];
	_ =	sdelay $0x4  }
0x124: {  	[tilespmem:s29+$0x210] =	vst v6  }
0x125: {  	v6 =	vld [tilespmem:s0+$0x1043];
	_ =	sdelay $0x4  }
0x126: {  	[tilespmem:s29+$0x220] =	vst v6  }
0x127: {  	v6 =	vld [tilespmem:s0+$0x1053];
	_ =	sdelay $0x4  }
0x128: {  	[tilespmem:s29+$0x230] =	vst v6  }
0x129: {  	v6 =	vld [tilespmem:s0+$0x1063];
	_ =	sdelay $0x4  }
0x12a: {  	[tilespmem:s29+$0x240] =	vst v6  }
0x12b: {  	v6 =	vld [tilespmem:s0+$0x1073];
	_ =	sdelay $0x4  }
0x12c: {  	[tilespmem:s29+$0x250] =	vst v6  }
0x12d: {  	v6 =	vld [tilespmem:s0+$0x1083];
	_ =	sdelay $0x4  }
0x12e: {  	[tilespmem:s29+$0x260] =	vst v6  }
0x12f: {  	v6 =	vld [tilespmem:s0+$0x1093];
	_ =	sdelay $0x4  }
0x130: {  	s31 =	sadd.s32 s26, s30;
	[tilespmem:s29+$0x270] =	vst v6  }
0x131: {  	v6 =	vld [tilespmem:s31+$0x1020];
	_ =	sdelay $0x4  }
0x132: {  	s0 =	sand.u32 $0x1FF8, s31;
	[tilespmem:s29+$0x280] =	vst v6  }
0x133: {  	v6 =	vld [tilespmem:s0+$0x1032];
	_ =	sdelay $0x4  }
0x134: {  	[tilespmem:s29+$0x290] =	vst v6  }
0x135: {  	v6 =	vld [tilespmem:s0+$0x1042];
	_ =	sdelay $0x4  }
0x136: {  	[tilespmem:s29+$0x2A0] =	vst v6  }
0x137: {  	v6 =	vld [tilespmem:s0+$0x1052];
	_ =	sdelay $0x4  }
0x138: {  	[tilespmem:s29+$0x2B0] =	vst v6  }
0x139: {  	v6 =	vld [tilespmem:s0+$0x1062];
	_ =	sdelay $0x4  }
0x13a: {  	[tilespmem:s29+$0x2C0] =	vst v6  }
0x13b: {  	v6 =	vld [tilespmem:s0+$0x1072];
	_ =	sdelay $0x4  }
0x13c: {  	[tilespmem:s29+$0x2D0] =	vst v6  }
0x13d: {  	v6 =	vld [tilespmem:s0+$0x1082];
	_ =	sdelay $0x4  }
0x13e: {  	[tilespmem:s29+$0x2E0] =	vst v6  }
0x13f: {  	v6 =	vld [tilespmem:s0+$0x1092];
	_ =	sdelay $0x4  }
0x140: {  	s31 =	sadd.s32 s28, s30;
	[tilespmem:s29+$0x2F0] =	vst v6  }
0x141: {  	v6 =	vld [tilespmem:s31+$0x1020];
	_ =	sdelay $0x4  }
0x142: {  	s0 =	sand.u32 $0x1FF8, s31;
	[tilespmem:s29+$0x300] =	vst v6  }
0x143: {  	v6 =	vld [tilespmem:s0+$0x1031];
	_ =	sdelay $0x4  }
0x144: {  	[tilespmem:s29+$0x310] =	vst v6  }
0x145: {  	v6 =	vld [tilespmem:s0+$0x1041];
	_ =	sdelay $0x4  }
0x146: {  	[tilespmem:s29+$0x320] =	vst v6  }
0x147: {  	v6 =	vld [tilespmem:s0+$0x1051];
	_ =	sdelay $0x4  }
0x148: {  	[tilespmem:s29+$0x330] =	vst v6  }
0x149: {  	v6 =	vld [tilespmem:s0+$0x1061];
	_ =	sdelay $0x4  }
0x14a: {  	[tilespmem:s29+$0x340] =	vst v6  }
0x14b: {  	v6 =	vld [tilespmem:s0+$0x1071];
	_ =	sdelay $0x4  }
0x14c: {  	[tilespmem:s29+$0x350] =	vst v6  }
0x14d: {  	v6 =	vld [tilespmem:s0+$0x1081];
	_ =	sdelay $0x4  }
0x14e: {  	[tilespmem:s29+$0x360] =	vst v6  }
0x14f: {  	v6 =	vld [tilespmem:s0+$0x1091];
	_ =	sdelay $0x4  }
0x150: {  	s30 =	sadd.s32 s30, s20;
	[tilespmem:s29+$0x370] =	vst v6  }
0x151: {  	v6 =	vld [tilespmem:s30+$0x0];
	_ =	sdelay $0x4  }
0x152: {  	[tilespmem:s29+$0x380] =	vst v6  }
0x153: {  	v6 =	vld [tilespmem:s30+$0x10];
	_ =	sdelay $0x4  }
0x154: {  	[tilespmem:s29+$0x390] =	vst v6  }
0x155: {  	v6 =	vld [tilespmem:s30+$0x20];
	_ =	sdelay $0x4  }
0x156: {  	[tilespmem:s29+$0x3A0] =	vst v6  }
0x157: {  	v6 =	vld [tilespmem:s30+$0x30];
	_ =	sdelay $0x4  }
0x158: {  	[tilespmem:s29+$0x3B0] =	vst v6  }
0x159: {  	v6 =	vld [tilespmem:s30+$0x40];
	_ =	sdelay $0x4  }
0x15a: {  	[tilespmem:s29+$0x3C0] =	vst v6  }
0x15b: {  	v6 =	vld [tilespmem:s30+$0x50];
	_ =	sdelay $0x4  }
0x15c: {  	[tilespmem:s29+$0x3D0] =	vst v6  }
0x15d: {  	v6 =	vld [tilespmem:s30+$0x60];
	_ =	sdelay $0x4  }
0x15e: {  	[tilespmem:s29+$0x3E0] =	vst v6  }
0x15f: {  	v6 =	vld [tilespmem:s30+$0x70];
	_ =	sdelay $0x2  }
0x160: {  	s0 =	sadd.s32 $0x2, s18  }
0x161: {  	s30 =	sshll.u32 s0, $0x7  }
0x162: {  	s31 =	sadd.s32 s21, s30;
	[tilespmem:s29+$0x3F0] =	vst v6  }
0x163: {  	v6 =	vld [tilespmem:s31+$0x1020];
	_ =	sdelay $0x2  }
0x164: {  	s0 =	sshll.u32 s0, $0xA  }
0x165: {  	s29 =	sadd.s32 s0, s19  }
0x166: {  	s31 =	sand.u32 $0x1FF8, s31;
	[tilespmem:s29+$0x0] =	vst v6  }
0x167: {  	v6 =	vld [tilespmem:s31+$0x1037];
	_ =	sdelay $0x4  }
0x168: {  	[tilespmem:s29+$0x10] =	vst v6  }
0x169: {  	v6 =	vld [tilespmem:s31+$0x1047];
	_ =	sdelay $0x4  }
0x16a: {  	[tilespmem:s29+$0x20] =	vst v6  }
0x16b: {  	v6 =	vld [tilespmem:s31+$0x1057];
	_ =	sdelay $0x4  }
0x16c: {  	[tilespmem:s29+$0x30] =	vst v6  }
0x16d: {  	v6 =	vld [tilespmem:s31+$0x1067];
	_ =	sdelay $0x4  }
0x16e: {  	[tilespmem:s29+$0x40] =	vst v6  }
0x16f: {  	v6 =	vld [tilespmem:s31+$0x1077];
	_ =	sdelay $0x4  }
0x170: {  	[tilespmem:s29+$0x50] =	vst v6  }
0x171: {  	v6 =	vld [tilespmem:s31+$0x1087];
	_ =	sdelay $0x4  }
0x172: {  	[tilespmem:s29+$0x60] =	vst v6  }
0x173: {  	v6 =	vld [tilespmem:s31+$0x1097];
	_ =	sdelay $0x4  }
0x174: {  	s31 =	sadd.s32 s22, s30;
	[tilespmem:s29+$0x70] =	vst v6  }
0x175: {  	v6 =	vld [tilespmem:s31+$0x1020];
	_ =	sdelay $0x4  }
0x176: {  	s0 =	sand.u32 $0x1FF8, s31;
	[tilespmem:s29+$0x80] =	vst v6  }
0x177: {  	v6 =	vld [tilespmem:s0+$0x1036];
	_ =	sdelay $0x4  }
0x178: {  	[tilespmem:s29+$0x90] =	vst v6  }
0x179: {  	v6 =	vld [tilespmem:s0+$0x1046];
	_ =	sdelay $0x4  }
0x17a: {  	[tilespmem:s29+$0xA0] =	vst v6  }
0x17b: {  	v6 =	vld [tilespmem:s0+$0x1056];
	_ =	sdelay $0x4  }
0x17c: {  	[tilespmem:s29+$0xB0] =	vst v6  }
0x17d: {  	v6 =	vld [tilespmem:s0+$0x1066];
	_ =	sdelay $0x4  }
0x17e: {  	[tilespmem:s29+$0xC0] =	vst v6  }
0x17f: {  	v6 =	vld [tilespmem:s0+$0x1076];
	_ =	sdelay $0x4  }
0x180: {  	[tilespmem:s29+$0xD0] =	vst v6  }
0x181: {  	v6 =	vld [tilespmem:s0+$0x1086];
	_ =	sdelay $0x4  }
0x182: {  	[tilespmem:s29+$0xE0] =	vst v6  }
0x183: {  	v6 =	vld [tilespmem:s0+$0x1096];
	_ =	sdelay $0x4  }
0x184: {  	s31 =	sadd.s32 s23, s30;
	[tilespmem:s29+$0xF0] =	vst v6  }
0x185: {  	v6 =	vld [tilespmem:s31+$0x1020];
	_ =	sdelay $0x4  }
0x186: {  	s0 =	sand.u32 $0x1FF8, s31;
	[tilespmem:s29+$0x100] =	vst v6  }
0x187: {  	v6 =	vld [tilespmem:s0+$0x1035];
	_ =	sdelay $0x4  }
0x188: {  	[tilespmem:s29+$0x110] =	vst v6  }
0x189: {  	v6 =	vld [tilespmem:s0+$0x1045];
	_ =	sdelay $0x4  }
0x18a: {  	[tilespmem:s29+$0x120] =	vst v6  }
0x18b: {  	v6 =	vld [tilespmem:s0+$0x1055];
	_ =	sdelay $0x4  }
0x18c: {  	[tilespmem:s29+$0x130] =	vst v6  }
0x18d: {  	v6 =	vld [tilespmem:s0+$0x1065];
	_ =	sdelay $0x4  }
0x18e: {  	[tilespmem:s29+$0x140] =	vst v6  }
0x18f: {  	v6 =	vld [tilespmem:s0+$0x1075];
	_ =	sdelay $0x4  }
0x190: {  	[tilespmem:s29+$0x150] =	vst v6  }
0x191: {  	v6 =	vld [tilespmem:s0+$0x1085];
	_ =	sdelay $0x4  }
0x192: {  	[tilespmem:s29+$0x160] =	vst v6  }
0x193: {  	v6 =	vld [tilespmem:s0+$0x1095];
	_ =	sdelay $0x4  }
0x194: {  	s31 =	sadd.s32 s24, s30;
	[tilespmem:s29+$0x170] =	vst v6  }
0x195: {  	v6 =	vld [tilespmem:s31+$0x1020];
	_ =	sdelay $0x4  }
0x196: {  	s0 =	sand.u32 $0x1FF8, s31;
	[tilespmem:s29+$0x180] =	vst v6  }
0x197: {  	v6 =	vld [tilespmem:s0+$0x1034];
	_ =	sdelay $0x4  }
0x198: {  	[tilespmem:s29+$0x190] =	vst v6  }
0x199: {  	v6 =	vld [tilespmem:s0+$0x1044];
	_ =	sdelay $0x4  }
0x19a: {  	[tilespmem:s29+$0x1A0] =	vst v6  }
0x19b: {  	v6 =	vld [tilespmem:s0+$0x1054];
	_ =	sdelay $0x4  }
0x19c: {  	[tilespmem:s29+$0x1B0] =	vst v6  }
0x19d: {  	v6 =	vld [tilespmem:s0+$0x1064];
	_ =	sdelay $0x4  }
0x19e: {  	[tilespmem:s29+$0x1C0] =	vst v6  }
0x19f: {  	v6 =	vld [tilespmem:s0+$0x1074];
	_ =	sdelay $0x4  }
0x1a0: {  	[tilespmem:s29+$0x1D0] =	vst v6  }
0x1a1: {  	v6 =	vld [tilespmem:s0+$0x1084];
	_ =	sdelay $0x4  }
0x1a2: {  	[tilespmem:s29+$0x1E0] =	vst v6  }
0x1a3: {  	v6 =	vld [tilespmem:s0+$0x1094];
	_ =	sdelay $0x4  }
0x1a4: {  	s31 =	sadd.s32 s25, s30;
	[tilespmem:s29+$0x1F0] =	vst v6  }
0x1a5: {  	v6 =	vld [tilespmem:s31+$0x1020];
	_ =	sdelay $0x4  }
0x1a6: {  	s0 =	sand.u32 $0x1FF8, s31;
	[tilespmem:s29+$0x200] =	vst v6  }
0x1a7: {  	v6 =	vld [tilespmem:s0+$0x1033];
	_ =	sdelay $0x4  }
0x1a8: {  	[tilespmem:s29+$0x210] =	vst v6  }
0x1a9: {  	v6 =	vld [tilespmem:s0+$0x1043];
	_ =	sdelay $0x4  }
0x1aa: {  	[tilespmem:s29+$0x220] =	vst v6  }
0x1ab: {  	v6 =	vld [tilespmem:s0+$0x1053];
	_ =	sdelay $0x4  }
0x1ac: {  	[tilespmem:s29+$0x230] =	vst v6  }
0x1ad: {  	v6 =	vld [tilespmem:s0+$0x1063];
	_ =	sdelay $0x4  }
0x1ae: {  	[tilespmem:s29+$0x240] =	vst v6  }
0x1af: {  	v6 =	vld [tilespmem:s0+$0x1073];
	_ =	sdelay $0x4  }
0x1b0: {  	[tilespmem:s29+$0x250] =	vst v6  }
0x1b1: {  	v6 =	vld [tilespmem:s0+$0x1083];
	_ =	sdelay $0x4  }
0x1b2: {  	[tilespmem:s29+$0x260] =	vst v6  }
0x1b3: {  	v6 =	vld [tilespmem:s0+$0x1093];
	_ =	sdelay $0x4  }
0x1b4: {  	s31 =	sadd.s32 s26, s30;
	[tilespmem:s29+$0x270] =	vst v6  }
0x1b5: {  	v6 =	vld [tilespmem:s31+$0x1020];
	_ =	sdelay $0x4  }
0x1b6: {  	s0 =	sand.u32 $0x1FF8, s31;
	[tilespmem:s29+$0x280] =	vst v6  }
0x1b7: {  	v6 =	vld [tilespmem:s0+$0x1032];
	_ =	sdelay $0x4  }
0x1b8: {  	[tilespmem:s29+$0x290] =	vst v6  }
0x1b9: {  	v6 =	vld [tilespmem:s0+$0x1042];
	_ =	sdelay $0x4  }
0x1ba: {  	[tilespmem:s29+$0x2A0] =	vst v6  }
0x1bb: {  	v6 =	vld [tilespmem:s0+$0x1052];
	_ =	sdelay $0x4  }
0x1bc: {  	[tilespmem:s29+$0x2B0] =	vst v6  }
0x1bd: {  	v6 =	vld [tilespmem:s0+$0x1062];
	_ =	sdelay $0x4  }
0x1be: {  	[tilespmem:s29+$0x2C0] =	vst v6  }
0x1bf: {  	v6 =	vld [tilespmem:s0+$0x1072];
	_ =	sdelay $0x4  }
0x1c0: {  	[tilespmem:s29+$0x2D0] =	vst v6  }
0x1c1: {  	v6 =	vld [tilespmem:s0+$0x1082];
	_ =	sdelay $0x4  }
0x1c2: {  	[tilespmem:s29+$0x2E0] =	vst v6  }
0x1c3: {  	v6 =	vld [tilespmem:s0+$0x1092];
	_ =	sdelay $0x4  }
0x1c4: {  	s31 =	sadd.s32 s28, s30;
	[tilespmem:s29+$0x2F0] =	vst v6  }
0x1c5: {  	v6 =	vld [tilespmem:s31+$0x1020];
	_ =	sdelay $0x4  }
0x1c6: {  	s0 =	sand.u32 $0x1FF8, s31;
	[tilespmem:s29+$0x300] =	vst v6  }
0x1c7: {  	v6 =	vld [tilespmem:s0+$0x1031];
	_ =	sdelay $0x4  }
0x1c8: {  	[tilespmem:s29+$0x310] =	vst v6  }
0x1c9: {  	v6 =	vld [tilespmem:s0+$0x1041];
	_ =	sdelay $0x4  }
0x1ca: {  	[tilespmem:s29+$0x320] =	vst v6  }
0x1cb: {  	v6 =	vld [tilespmem:s0+$0x1051];
	_ =	sdelay $0x4  }
0x1cc: {  	[tilespmem:s29+$0x330] =	vst v6  }
0x1cd: {  	v6 =	vld [tilespmem:s0+$0x1061];
	_ =	sdelay $0x4  }
0x1ce: {  	[tilespmem:s29+$0x340] =	vst v6  }
0x1cf: {  	v6 =	vld [tilespmem:s0+$0x1071];
	_ =	sdelay $0x4  }
0x1d0: {  	[tilespmem:s29+$0x350] =	vst v6  }
0x1d1: {  	v6 =	vld [tilespmem:s0+$0x1081];
	_ =	sdelay $0x4  }
0x1d2: {  	[tilespmem:s29+$0x360] =	vst v6  }
0x1d3: {  	v6 =	vld [tilespmem:s0+$0x1091];
	_ =	sdelay $0x4  }
0x1d4: {  	s31 =	sadd.s32 s30, s20;
	[tilespmem:s29+$0x370] =	vst v6  }
0x1d5: {  	v6 =	vld [tilespmem:s31+$0x0];
	_ =	sdelay $0x4  }
0x1d6: {  	[tilespmem:s29+$0x380] =	vst v6  }
0x1d7: {  	v6 =	vld [tilespmem:s31+$0x10];
	_ =	sdelay $0x4  }
0x1d8: {  	[tilespmem:s29+$0x390] =	vst v6  }
0x1d9: {  	v6 =	vld [tilespmem:s31+$0x20];
	_ =	sdelay $0x4  }
0x1da: {  	[tilespmem:s29+$0x3A0] =	vst v6  }
0x1db: {  	v6 =	vld [tilespmem:s31+$0x30];
	_ =	sdelay $0x4  }
0x1dc: {  	[tilespmem:s29+$0x3B0] =	vst v6  }
0x1dd: {  	v6 =	vld [tilespmem:s31+$0x40];
	_ =	sdelay $0x4  }
0x1de: {  	[tilespmem:s29+$0x3C0] =	vst v6  }
0x1df: {  	v6 =	vld [tilespmem:s31+$0x50];
	_ =	sdelay $0x4  }
0x1e0: {  	[tilespmem:s29+$0x3D0] =	vst v6  }
0x1e1: {  	v6 =	vld [tilespmem:s31+$0x60];
	_ =	sdelay $0x4  }
0x1e2: {  	[tilespmem:s29+$0x3E0] =	vst v6  }
0x1e3: {  	v6 =	vld [tilespmem:s31+$0x70];
	_ =	sdelay $0x2  }
0x1e4: {  	s18 =	sadd.s32 $0x3, s18  }
0x1e5: {  	s31 =	sshll.u32 s18, $0x7  }
0x1e6: {  	s21 =	sadd.s32 s21, s31;
	[tilespmem:s29+$0x3F0] =	vst v6  }
0x1e7: {  	v6 =	vld [tilespmem:s21+$0x1020];
	_ =	sdelay $0x2  }
0x1e8: {  	s0 =	sshll.u32 s18, $0xA  }
0x1e9: {  	s18 =	sadd.s32 s0, s19  }
0x1ea: {  	s21 =	sand.u32 $0x1FF8, s21;
	[tilespmem:s18+$0x0] =	vst v6  }
0x1eb: {  	v6 =	vld [tilespmem:s21+$0x1037];
	_ =	sdelay $0x4  }
0x1ec: {  	[tilespmem:s18+$0x10] =	vst v6  }
0x1ed: {  	v6 =	vld [tilespmem:s21+$0x1047];
	_ =	sdelay $0x4  }
0x1ee: {  	[tilespmem:s18+$0x20] =	vst v6  }
0x1ef: {  	v6 =	vld [tilespmem:s21+$0x1057];
	_ =	sdelay $0x4  }
0x1f0: {  	[tilespmem:s18+$0x30] =	vst v6  }
0x1f1: {  	v6 =	vld [tilespmem:s21+$0x1067];
	_ =	sdelay $0x4  }
0x1f2: {  	[tilespmem:s18+$0x40] =	vst v6  }
0x1f3: {  	v6 =	vld [tilespmem:s21+$0x1077];
	_ =	sdelay $0x4  }
0x1f4: {  	[tilespmem:s18+$0x50] =	vst v6  }
0x1f5: {  	v6 =	vld [tilespmem:s21+$0x1087];
	_ =	sdelay $0x4  }
0x1f6: {  	[tilespmem:s18+$0x60] =	vst v6  }
0x1f7: {  	v6 =	vld [tilespmem:s21+$0x1097];
	_ =	sdelay $0x4  }
0x1f8: {  	s22 =	sadd.s32 s22, s31;
	[tilespmem:s18+$0x70] =	vst v6  }
0x1f9: {  	v6 =	vld [tilespmem:s22+$0x1020];
	_ =	sdelay $0x4  }
0x1fa: {  	s0 =	sand.u32 $0x1FF8, s22;
	[tilespmem:s18+$0x80] =	vst v6  }
0x1fb: {  	v6 =	vld [tilespmem:s0+$0x1036];
	_ =	sdelay $0x4  }
0x1fc: {  	[tilespmem:s18+$0x90] =	vst v6  }
0x1fd: {  	v6 =	vld [tilespmem:s0+$0x1046];
	_ =	sdelay $0x4  }
0x1fe: {  	[tilespmem:s18+$0xA0] =	vst v6  }
0x1ff: {  	v6 =	vld [tilespmem:s0+$0x1056];
	_ =	sdelay $0x4  }
0x200: {  	[tilespmem:s18+$0xB0] =	vst v6  }
0x201: {  	v6 =	vld [tilespmem:s0+$0x1066];
	_ =	sdelay $0x4  }
0x202: {  	[tilespmem:s18+$0xC0] =	vst v6  }
0x203: {  	v6 =	vld [tilespmem:s0+$0x1076];
	_ =	sdelay $0x4  }
0x204: {  	[tilespmem:s18+$0xD0] =	vst v6  }
0x205: {  	v6 =	vld [tilespmem:s0+$0x1086];
	_ =	sdelay $0x4  }
0x206: {  	[tilespmem:s18+$0xE0] =	vst v6  }
0x207: {  	v6 =	vld [tilespmem:s0+$0x1096];
	_ =	sdelay $0x4  }
0x208: {  	s23 =	sadd.s32 s23, s31;
	[tilespmem:s18+$0xF0] =	vst v6  }
0x209: {  	v6 =	vld [tilespmem:s23+$0x1020];
	_ =	sdelay $0x4  }
0x20a: {  	s0 =	sand.u32 $0x1FF8, s23;
	[tilespmem:s18+$0x100] =	vst v6  }
0x20b: {  	v6 =	vld [tilespmem:s0+$0x1035];
	_ =	sdelay $0x4  }
0x20c: {  	[tilespmem:s18+$0x110] =	vst v6  }
0x20d: {  	v6 =	vld [tilespmem:s0+$0x1045];
	_ =	sdelay $0x4  }
0x20e: {  	[tilespmem:s18+$0x120] =	vst v6  }
0x20f: {  	v6 =	vld [tilespmem:s0+$0x1055];
	_ =	sdelay $0x4  }
0x210: {  	[tilespmem:s18+$0x130] =	vst v6  }
0x211: {  	v6 =	vld [tilespmem:s0+$0x1065];
	_ =	sdelay $0x4  }
0x212: {  	[tilespmem:s18+$0x140] =	vst v6  }
0x213: {  	v6 =	vld [tilespmem:s0+$0x1075];
	_ =	sdelay $0x4  }
0x214: {  	[tilespmem:s18+$0x150] =	vst v6  }
0x215: {  	v6 =	vld [tilespmem:s0+$0x1085];
	_ =	sdelay $0x4  }
0x216: {  	[tilespmem:s18+$0x160] =	vst v6  }
0x217: {  	v6 =	vld [tilespmem:s0+$0x1095];
	_ =	sdelay $0x4  }
0x218: {  	s24 =	sadd.s32 s24, s31;
	[tilespmem:s18+$0x170] =	vst v6  }
0x219: {  	v6 =	vld [tilespmem:s24+$0x1020];
	_ =	sdelay $0x4  }
0x21a: {  	s0 =	sand.u32 $0x1FF8, s24;
	[tilespmem:s18+$0x180] =	vst v6  }
0x21b: {  	v6 =	vld [tilespmem:s0+$0x1034];
	_ =	sdelay $0x4  }
0x21c: {  	[tilespmem:s18+$0x190] =	vst v6  }
0x21d: {  	v6 =	vld [tilespmem:s0+$0x1044];
	_ =	sdelay $0x4  }
0x21e: {  	[tilespmem:s18+$0x1A0] =	vst v6  }
0x21f: {  	v6 =	vld [tilespmem:s0+$0x1054];
	_ =	sdelay $0x4  }
0x220: {  	[tilespmem:s18+$0x1B0] =	vst v6  }
0x221: {  	v6 =	vld [tilespmem:s0+$0x1064];
	_ =	sdelay $0x4  }
0x222: {  	[tilespmem:s18+$0x1C0] =	vst v6  }
0x223: {  	v6 =	vld [tilespmem:s0+$0x1074];
	_ =	sdelay $0x4  }
0x224: {  	[tilespmem:s18+$0x1D0] =	vst v6  }
0x225: {  	v6 =	vld [tilespmem:s0+$0x1084];
	_ =	sdelay $0x4  }
0x226: {  	[tilespmem:s18+$0x1E0] =	vst v6  }
0x227: {  	v6 =	vld [tilespmem:s0+$0x1094];
	_ =	sdelay $0x4  }
0x228: {  	s25 =	sadd.s32 s25, s31;
	[tilespmem:s18+$0x1F0] =	vst v6  }
0x229: {  	v6 =	vld [tilespmem:s25+$0x1020];
	_ =	sdelay $0x4  }
0x22a: {  	s0 =	sand.u32 $0x1FF8, s25;
	[tilespmem:s18+$0x200] =	vst v6  }
0x22b: {  	v6 =	vld [tilespmem:s0+$0x1033];
	_ =	sdelay $0x4  }
0x22c: {  	[tilespmem:s18+$0x210] =	vst v6  }
0x22d: {  	v6 =	vld [tilespmem:s0+$0x1043];
	_ =	sdelay $0x4  }
0x22e: {  	[tilespmem:s18+$0x220] =	vst v6  }
0x22f: {  	v6 =	vld [tilespmem:s0+$0x1053];
	_ =	sdelay $0x4  }
0x230: {  	[tilespmem:s18+$0x230] =	vst v6  }
0x231: {  	v6 =	vld [tilespmem:s0+$0x1063];
	_ =	sdelay $0x4  }
0x232: {  	[tilespmem:s18+$0x240] =	vst v6  }
0x233: {  	v6 =	vld [tilespmem:s0+$0x1073];
	_ =	sdelay $0x4  }
0x234: {  	[tilespmem:s18+$0x250] =	vst v6  }
0x235: {  	v6 =	vld [tilespmem:s0+$0x1083];
	_ =	sdelay $0x4  }
0x236: {  	[tilespmem:s18+$0x260] =	vst v6  }
0x237: {  	v6 =	vld [tilespmem:s0+$0x1093];
	_ =	sdelay $0x4  }
0x238: {  	s26 =	sadd.s32 s26, s31;
	[tilespmem:s18+$0x270] =	vst v6  }
0x239: {  	v6 =	vld [tilespmem:s26+$0x1020];
	_ =	sdelay $0x4  }
0x23a: {  	s0 =	sand.u32 $0x1FF8, s26;
	[tilespmem:s18+$0x280] =	vst v6  }
0x23b: {  	v6 =	vld [tilespmem:s0+$0x1032];
	_ =	sdelay $0x4  }
0x23c: {  	[tilespmem:s18+$0x290] =	vst v6  }
0x23d: {  	v6 =	vld [tilespmem:s0+$0x1042];
	_ =	sdelay $0x4  }
0x23e: {  	[tilespmem:s18+$0x2A0] =	vst v6  }
0x23f: {  	v6 =	vld [tilespmem:s0+$0x1052];
	_ =	sdelay $0x4  }
0x240: {  	[tilespmem:s18+$0x2B0] =	vst v6  }
0x241: {  	v6 =	vld [tilespmem:s0+$0x1062];
	_ =	sdelay $0x4  }
0x242: {  	[tilespmem:s18+$0x2C0] =	vst v6  }
0x243: {  	v6 =	vld [tilespmem:s0+$0x1072];
	_ =	sdelay $0x4  }
0x244: {  	[tilespmem:s18+$0x2D0] =	vst v6  }
0x245: {  	v6 =	vld [tilespmem:s0+$0x1082];
	_ =	sdelay $0x4  }
0x246: {  	[tilespmem:s18+$0x2E0] =	vst v6  }
0x247: {  	v6 =	vld [tilespmem:s0+$0x1092];
	_ =	sdelay $0x4  }
0x248: {  	s29 =	sadd.s32 s28, s31;
	[tilespmem:s18+$0x2F0] =	vst v6  }
0x249: {  	v6 =	vld [tilespmem:s29+$0x1020];
	_ =	sdelay $0x4  }
0x24a: {  	s0 =	sand.u32 $0x1FF8, s29;
	[tilespmem:s18+$0x300] =	vst v6  }
0x24b: {  	v6 =	vld [tilespmem:s0+$0x1031];
	_ =	sdelay $0x4  }
0x24c: {  	[tilespmem:s18+$0x310] =	vst v6  }
0x24d: {  	v6 =	vld [tilespmem:s0+$0x1041];
	_ =	sdelay $0x4  }
0x24e: {  	[tilespmem:s18+$0x320] =	vst v6  }
0x24f: {  	v6 =	vld [tilespmem:s0+$0x1051];
	_ =	sdelay $0x4  }
0x250: {  	[tilespmem:s18+$0x330] =	vst v6  }
0x251: {  	v6 =	vld [tilespmem:s0+$0x1061];
	_ =	sdelay $0x4  }
0x252: {  	[tilespmem:s18+$0x340] =	vst v6  }
0x253: {  	v6 =	vld [tilespmem:s0+$0x1071];
	_ =	sdelay $0x4  }
0x254: {  	[tilespmem:s18+$0x350] =	vst v6  }
0x255: {  	v6 =	vld [tilespmem:s0+$0x1081];
	_ =	sdelay $0x4  }
0x256: {  	[tilespmem:s18+$0x360] =	vst v6  }
0x257: {  	v6 =	vld [tilespmem:s0+$0x1091];
	_ =	sdelay $0x4  }
0x258: {  	s30 =	sadd.s32 s31, s20;
	[tilespmem:s18+$0x370] =	vst v6  }
0x259: {  	v6 =	vld [tilespmem:s30+$0x0];
	_ =	sdelay $0x4  }
0x25a: {  	[tilespmem:s18+$0x380] =	vst v6  }
0x25b: {  	v6 =	vld [tilespmem:s30+$0x10];
	_ =	sdelay $0x4  }
0x25c: {  	[tilespmem:s18+$0x390] =	vst v6  }
0x25d: {  	v6 =	vld [tilespmem:s30+$0x20];
	_ =	sdelay $0x4  }
0x25e: {  	[tilespmem:s18+$0x3A0] =	vst v6  }
0x25f: {  	v6 =	vld [tilespmem:s30+$0x30];
	_ =	sdelay $0x4  }
0x260: {  	[tilespmem:s18+$0x3B0] =	vst v6  }
0x261: {  	v6 =	vld [tilespmem:s30+$0x40];
	_ =	sdelay $0x4  }
0x262: {  	[tilespmem:s18+$0x3C0] =	vst v6  }
0x263: {  	v6 =	vld [tilespmem:s30+$0x50];
	_ =	sdelay $0x4  }
0x264: {  	[tilespmem:s18+$0x3D0] =	vst v6  }
0x265: {  	v6 =	vld [tilespmem:s30+$0x60];
	_ =	sdelay $0x4  }
0x266: {  	[tilespmem:s18+$0x3E0] =	vst v6  }
0x267: {  	s16 =	sadd.s32 $0x1, s16;
	v6 =	vld [tilespmem:s30+$0x70]  }
0x268: {  	p0 =	sne.s32 s16, $0x80  }
.Ltmp4:
0x269: {  	s31 =	sshll.u32 s17, $0xE;
	(pc) =	sbr.rel @!p0 .LBB2_13-.Ltmp4, $4  }
0x26a: {  	s0 =	sadd.s32 s8, s31  }
0x26b: {  	s0 =	sshrl.u32 s0, $0x3  }
0x26c: {  	s13 =	sadd.s32 $0x1, s13;
	s0 =	sadd.s32 s2, s0;
	[tilespmem:s18+$0x3F0] =	vst v6  }
0x26d: {  	[hbm4b:s0+s3] =	stream.linear.scatter [tilespmem:s19], [sflag:$0x1], $0x4000, $0x38;
	[tilespmem:$0x12020] =	vst v63  }
.LBB2_4:
0x26e: {  	s17 =	sadd.s32 s7, s16  }
0x26f: {  	s20 =	sshll.u32 s17, $0x3  }
0x270: {  	s19 =	sadd.s32 s20, s15  }
0x271: {  	s18 =	sadd.s32 s20, s14;
	s19 =	sshra.s32 s19, $0x7  }
0x272: {  	s18 =	sshra.s32 s18, $0x7;
	p1 =	sgt.s32 s19, $0x0  }
0x273: {  	p0 =	sgt.s32 s18, $0x0;
	s19 =	simm.s32 @!p1 $0x0  }
0x274: {  	s18 =	simm.s32 @!p0 $0x0;
	p1 =	sgt.u32 s16, $0x3;
	s22 =	smin.u32 s19, $0xC  }
0x275: {  	s18 =	smin.u32 s18, $0xC;
	s22 =	simm.s32 @!p1 $0x0  }
0x276: {  	p1 =	sle.u32 s18, s22  }
.Ltmp5:
0x277: {  	p0 =	slt.u32 s16, $0x4;
	(pc) =	sbr.rel @p1 .LBB2_8-.Ltmp5, $4  }
0x278: {  	s21 =	simm.s32 @!p0 $0x1  }
0x279: {  	_ =	swait.ge @!p0 [sflag:s21], $0x4000  }
0x27a: {  	s31 =	sshll.u32 s13, $0x10;
	[sflag:s21] =	ssyncset.done @!p0 $0x0  }
0x27b: {  	s19 =	sand.u32 $0x30000, s31;
	[sflag:s21] =	ssyncadd.s32 @!p0 $0xFFFFC000  }
0x27c: {  	s21 =	sshll.u32 s22, $0xC  }
0x27d: {  	s21 =	sadd.s32 s21, s19  }
0x27e: {  	s21 =	sshrl.u32 s21, $0x2  }
0x27f: {  	s21 =	sadd.s32 $0x2220, s21  }
0x280: {  	[tilespmem:s21+$0xFFFFFE00] =	vst v4  }
0x281: {  	[tilespmem:s21+$0x1F0] =	vst v4  }
0x282: {  	[tilespmem:s21+$0x1E0] =	vst v4  }
0x283: {  	[tilespmem:s21+$0x1D0] =	vst v4  }
0x284: {  	[tilespmem:s21+$0x1C0] =	vst v4  }
0x285: {  	[tilespmem:s21+$0x1B0] =	vst v4  }
0x286: {  	[tilespmem:s21+$0x1A0] =	vst v4  }
0x287: {  	[tilespmem:s21+$0x190] =	vst v4  }
0x288: {  	[tilespmem:s21+$0x180] =	vst v4  }
0x289: {  	[tilespmem:s21+$0x170] =	vst v4  }
0x28a: {  	[tilespmem:s21+$0x160] =	vst v4  }
0x28b: {  	[tilespmem:s21+$0x150] =	vst v4  }
0x28c: {  	[tilespmem:s21+$0x140] =	vst v4  }
0x28d: {  	[tilespmem:s21+$0x130] =	vst v4  }
0x28e: {  	[tilespmem:s21+$0x120] =	vst v4  }
0x28f: {  	[tilespmem:s21+$0x110] =	vst v4  }
0x290: {  	[tilespmem:s21+$0x100] =	vst v4  }
0x291: {  	[tilespmem:s21+$0xF0] =	vst v4  }
0x292: {  	[tilespmem:s21+$0xE0] =	vst v4  }
0x293: {  	[tilespmem:s21+$0xD0] =	vst v4  }
0x294: {  	[tilespmem:s21+$0xC0] =	vst v4  }
0x295: {  	[tilespmem:s21+$0xB0] =	vst v4  }
0x296: {  	[tilespmem:s21+$0xA0] =	vst v4  }
0x297: {  	[tilespmem:s21+$0x90] =	vst v4  }
0x298: {  	[tilespmem:s21+$0x80] =	vst v4  }
0x299: {  	[tilespmem:s21+$0x70] =	vst v4  }
0x29a: {  	[tilespmem:s21+$0x60] =	vst v4  }
0x29b: {  	[tilespmem:s21+$0x50] =	vst v4  }
0x29c: {  	[tilespmem:s21+$0x40] =	vst v4  }
0x29d: {  	[tilespmem:s21+$0x30] =	vst v4  }
0x29e: {  	[tilespmem:s21+$0x20] =	vst v4  }
0x29f: {  	[tilespmem:s21+$0x10] =	vst v4  }
0x2a0: {  	[tilespmem:s21+$0x0] =	vst v4  }
0x2a1: {  	[tilespmem:s21+$0xFFFFFFF0] =	vst v4  }
0x2a2: {  	[tilespmem:s21+$0xFFFFFFE0] =	vst v4  }
0x2a3: {  	[tilespmem:s21+$0xFFFFFFD0] =	vst v4  }
0x2a4: {  	[tilespmem:s21+$0xFFFFFFC0] =	vst v4  }
0x2a5: {  	[tilespmem:s21+$0xFFFFFFB0] =	vst v4  }
0x2a6: {  	[tilespmem:s21+$0xFFFFFFA0] =	vst v4  }
0x2a7: {  	[tilespmem:s21+$0xFFFFFF90] =	vst v4  }
0x2a8: {  	[tilespmem:s21+$0xFFFFFF80] =	vst v4  }
0x2a9: {  	[tilespmem:s21+$0xFFFFFF70] =	vst v4  }
0x2aa: {  	[tilespmem:s21+$0xFFFFFF60] =	vst v4  }
0x2ab: {  	[tilespmem:s21+$0xFFFFFF50] =	vst v4  }
0x2ac: {  	[tilespmem:s21+$0xFFFFFF40] =	vst v4  }
0x2ad: {  	[tilespmem:s21+$0xFFFFFF30] =	vst v4  }
0x2ae: {  	[tilespmem:s21+$0xFFFFFF20] =	vst v4  }
0x2af: {  	[tilespmem:s21+$0xFFFFFF10] =	vst v4  }
0x2b0: {  	[tilespmem:s21+$0xFFFFFF00] =	vst v4  }
0x2b1: {  	[tilespmem:s21+$0xFFFFFEF0] =	vst v4  }
0x2b2: {  	[tilespmem:s21+$0xFFFFFEE0] =	vst v4  }
0x2b3: {  	[tilespmem:s21+$0xFFFFFED0] =	vst v4  }
0x2b4: {  	[tilespmem:s21+$0xFFFFFEC0] =	vst v4  }
0x2b5: {  	[tilespmem:s21+$0xFFFFFEB0] =	vst v4  }
0x2b6: {  	[tilespmem:s21+$0xFFFFFEA0] =	vst v4  }
0x2b7: {  	[tilespmem:s21+$0xFFFFFE90] =	vst v4  }
0x2b8: {  	s31 =	ssub.s32 s18, s22;
	[tilespmem:s21+$0xFFFFFE80] =	vst v4  }
0x2b9: {  	p1 =	sne.s32 s31, $0x1;
	[tilespmem:s21+$0xFFFFFE70] =	vst v4  }
.Ltmp6:
0x2ba: {  	[tilespmem:s21+$0xFFFFFE60] =	vst v4;
	(pc) =	sbr.rel @!p1 .LBB2_7-.Ltmp6, $4  }
0x2bb: {  	[tilespmem:s21+$0xFFFFFE50] =	vst v4  }
0x2bc: {  	[tilespmem:s21+$0xFFFFFE40] =	vst v4  }
0x2bd: {  	[tilespmem:s21+$0xFFFFFE30] =	vst v4  }
0x2be: {  	s22 =	sadd.s32 $0xFFFFFFFF, s31;
	[tilespmem:s21+$0xFFFFFE20] =	vst v4  }
.LBB2_6:
0x2bf: {  	p1 =	sne.s32 s22, $0x1;
	s22 =	sadd.s32 $0xFFFFFFFF, s22;
	[tilespmem:s21+$0xFFFFFE10] =	vst v4;
	s21 =	sadd.s32 $0x400, s21  }
0x2c0: {  	[tilespmem:s21+$0xFFFFFE00] =	vst v4  }
0x2c1: {  	[tilespmem:s21+$0x1F0] =	vst v4  }
0x2c2: {  	[tilespmem:s21+$0x1E0] =	vst v4  }
0x2c3: {  	[tilespmem:s21+$0x1D0] =	vst v4  }
0x2c4: {  	[tilespmem:s21+$0x1C0] =	vst v4  }
0x2c5: {  	[tilespmem:s21+$0x1B0] =	vst v4  }
0x2c6: {  	[tilespmem:s21+$0x1A0] =	vst v4  }
0x2c7: {  	[tilespmem:s21+$0x190] =	vst v4  }
0x2c8: {  	[tilespmem:s21+$0x180] =	vst v4  }
0x2c9: {  	[tilespmem:s21+$0x170] =	vst v4  }
0x2ca: {  	[tilespmem:s21+$0x160] =	vst v4  }
0x2cb: {  	[tilespmem:s21+$0x150] =	vst v4  }
0x2cc: {  	[tilespmem:s21+$0x140] =	vst v4  }
0x2cd: {  	[tilespmem:s21+$0x130] =	vst v4  }
0x2ce: {  	[tilespmem:s21+$0x120] =	vst v4  }
0x2cf: {  	[tilespmem:s21+$0x110] =	vst v4  }
0x2d0: {  	[tilespmem:s21+$0x100] =	vst v4  }
0x2d1: {  	[tilespmem:s21+$0xF0] =	vst v4  }
0x2d2: {  	[tilespmem:s21+$0xE0] =	vst v4  }
0x2d3: {  	[tilespmem:s21+$0xD0] =	vst v4  }
0x2d4: {  	[tilespmem:s21+$0xC0] =	vst v4  }
0x2d5: {  	[tilespmem:s21+$0xB0] =	vst v4  }
0x2d6: {  	[tilespmem:s21+$0xA0] =	vst v4  }
0x2d7: {  	[tilespmem:s21+$0x90] =	vst v4  }
0x2d8: {  	[tilespmem:s21+$0x80] =	vst v4  }
0x2d9: {  	[tilespmem:s21+$0x70] =	vst v4  }
0x2da: {  	[tilespmem:s21+$0x60] =	vst v4  }
0x2db: {  	[tilespmem:s21+$0x50] =	vst v4  }
0x2dc: {  	[tilespmem:s21+$0x40] =	vst v4  }
0x2dd: {  	[tilespmem:s21+$0x30] =	vst v4  }
0x2de: {  	[tilespmem:s21+$0x20] =	vst v4  }
0x2df: {  	[tilespmem:s21+$0x10] =	vst v4  }
0x2e0: {  	[tilespmem:s21+$0x0] =	vst v4  }
0x2e1: {  	[tilespmem:s21+$0xFFFFFFF0] =	vst v4  }
0x2e2: {  	[tilespmem:s21+$0xFFFFFFE0] =	vst v4  }
0x2e3: {  	[tilespmem:s21+$0xFFFFFFD0] =	vst v4  }
0x2e4: {  	[tilespmem:s21+$0xFFFFFFC0] =	vst v4  }
0x2e5: {  	[tilespmem:s21+$0xFFFFFFB0] =	vst v4  }
0x2e6: {  	[tilespmem:s21+$0xFFFFFFA0] =	vst v4  }
0x2e7: {  	[tilespmem:s21+$0xFFFFFF90] =	vst v4  }
0x2e8: {  	[tilespmem:s21+$0xFFFFFF80] =	vst v4  }
0x2e9: {  	[tilespmem:s21+$0xFFFFFF70] =	vst v4  }
0x2ea: {  	[tilespmem:s21+$0xFFFFFF60] =	vst v4  }
0x2eb: {  	[tilespmem:s21+$0xFFFFFF50] =	vst v4  }
0x2ec: {  	[tilespmem:s21+$0xFFFFFF40] =	vst v4  }
0x2ed: {  	[tilespmem:s21+$0xFFFFFF30] =	vst v4  }
0x2ee: {  	[tilespmem:s21+$0xFFFFFF20] =	vst v4  }
0x2ef: {  	[tilespmem:s21+$0xFFFFFF10] =	vst v4  }
0x2f0: {  	[tilespmem:s21+$0xFFFFFF00] =	vst v4  }
0x2f1: {  	[tilespmem:s21+$0xFFFFFEF0] =	vst v4  }
0x2f2: {  	[tilespmem:s21+$0xFFFFFEE0] =	vst v4  }
0x2f3: {  	[tilespmem:s21+$0xFFFFFED0] =	vst v4  }
0x2f4: {  	[tilespmem:s21+$0xFFFFFEC0] =	vst v4  }
0x2f5: {  	[tilespmem:s21+$0xFFFFFEB0] =	vst v4  }
0x2f6: {  	[tilespmem:s21+$0xFFFFFEA0] =	vst v4  }
0x2f7: {  	[tilespmem:s21+$0xFFFFFE90] =	vst v4  }
0x2f8: {  	[tilespmem:s21+$0xFFFFFE80] =	vst v4  }
0x2f9: {  	[tilespmem:s21+$0xFFFFFE70] =	vst v4  }
.Ltmp7:
0x2fa: {  	[tilespmem:s21+$0xFFFFFE60] =	vst v4;
	(pc) =	sbr.rel @p1 .LBB2_6-.Ltmp7, $4  }
0x2fb: {  	[tilespmem:s21+$0xFFFFFE50] =	vst v4  }
0x2fc: {  	[tilespmem:s21+$0xFFFFFE40] =	vst v4  }
0x2fd: {  	[tilespmem:s21+$0xFFFFFE30] =	vst v4  }
0x2fe: {  	[tilespmem:s21+$0xFFFFFE20] =	vst v4  }
.LBB2_7:
0x2ff: {  	[tilespmem:s21+$0xFFFFFE10] =	vst v4  }
.LBB2_8:
0x300: {  	s22 =	sadd.s32 $0x4, s18  }
0x301: {  	s21 =	smov.u32 s22  }
0x302: {  	s21 =	simm.s32 @p0 $0x10  }
0x303: {  	p0 =	sge.u32 s22, s21  }
.Ltmp8:
0x304: {  	_ = 	snop;
	(pc) =	sbr.rel @p0 .LBB2_12-.Ltmp8, $1  }
0x305: {  	_ =	sdelay $0x3  }
0x306: {  	s22 =	sshll.u32 s18, $0xC  }
0x307: {  	s19 =	sadd.s32 s22, s19  }
0x308: {  	s19 =	sshrl.u32 s19, $0x2  }
0x309: {  	s19 =	sadd.s32 $0x3410, s19  }
0x30a: {  	[tilespmem:s19+$0xFFFFFC10] =	vst v5  }
0x30b: {  	[tilespmem:s19+$0x0] =	vst v5  }
0x30c: {  	[tilespmem:s19+$0xFFFFFFF0] =	vst v5  }
0x30d: {  	[tilespmem:s19+$0xFFFFFFE0] =	vst v5  }
0x30e: {  	[tilespmem:s19+$0xFFFFFFD0] =	vst v5  }
0x30f: {  	[tilespmem:s19+$0xFFFFFFC0] =	vst v5  }
0x310: {  	[tilespmem:s19+$0xFFFFFFB0] =	vst v5  }
0x311: {  	[tilespmem:s19+$0xFFFFFFA0] =	vst v5  }
0x312: {  	[tilespmem:s19+$0xFFFFFF90] =	vst v5  }
0x313: {  	[tilespmem:s19+$0xFFFFFF80] =	vst v5  }
0x314: {  	[tilespmem:s19+$0xFFFFFF70] =	vst v5  }
0x315: {  	[tilespmem:s19+$0xFFFFFF60] =	vst v5  }
0x316: {  	[tilespmem:s19+$0xFFFFFF50] =	vst v5  }
0x317: {  	[tilespmem:s19+$0xFFFFFF40] =	vst v5  }
0x318: {  	[tilespmem:s19+$0xFFFFFF30] =	vst v5  }
0x319: {  	[tilespmem:s19+$0xFFFFFF20] =	vst v5  }
0x31a: {  	[tilespmem:s19+$0xFFFFFF10] =	vst v5  }
0x31b: {  	[tilespmem:s19+$0xFFFFFF00] =	vst v5  }
0x31c: {  	[tilespmem:s19+$0xFFFFFEF0] =	vst v5  }
0x31d: {  	[tilespmem:s19+$0xFFFFFEE0] =	vst v5  }
0x31e: {  	[tilespmem:s19+$0xFFFFFED0] =	vst v5  }
0x31f: {  	[tilespmem:s19+$0xFFFFFEC0] =	vst v5  }
0x320: {  	[tilespmem:s19+$0xFFFFFEB0] =	vst v5  }
0x321: {  	[tilespmem:s19+$0xFFFFFEA0] =	vst v5  }
0x322: {  	[tilespmem:s19+$0xFFFFFE90] =	vst v5  }
0x323: {  	[tilespmem:s19+$0xFFFFFE80] =	vst v5  }
0x324: {  	[tilespmem:s19+$0xFFFFFE70] =	vst v5  }
0x325: {  	[tilespmem:s19+$0xFFFFFE60] =	vst v5  }
0x326: {  	[tilespmem:s19+$0xFFFFFE50] =	vst v5  }
0x327: {  	[tilespmem:s19+$0xFFFFFE40] =	vst v5  }
0x328: {  	[tilespmem:s19+$0xFFFFFE30] =	vst v5  }
0x329: {  	[tilespmem:s19+$0xFFFFFE20] =	vst v5  }
0x32a: {  	[tilespmem:s19+$0xFFFFFE10] =	vst v5  }
0x32b: {  	[tilespmem:s19+$0xFFFFFE00] =	vst v5  }
0x32c: {  	[tilespmem:s19+$0xFFFFFDF0] =	vst v5  }
0x32d: {  	[tilespmem:s19+$0xFFFFFDE0] =	vst v5  }
0x32e: {  	[tilespmem:s19+$0xFFFFFDD0] =	vst v5  }
0x32f: {  	[tilespmem:s19+$0xFFFFFDC0] =	vst v5  }
0x330: {  	[tilespmem:s19+$0xFFFFFDB0] =	vst v5  }
0x331: {  	[tilespmem:s19+$0xFFFFFDA0] =	vst v5  }
0x332: {  	[tilespmem:s19+$0xFFFFFD90] =	vst v5  }
0x333: {  	[tilespmem:s19+$0xFFFFFD80] =	vst v5  }
0x334: {  	[tilespmem:s19+$0xFFFFFD70] =	vst v5  }
0x335: {  	[tilespmem:s19+$0xFFFFFD60] =	vst v5  }
0x336: {  	[tilespmem:s19+$0xFFFFFD50] =	vst v5  }
0x337: {  	[tilespmem:s19+$0xFFFFFD40] =	vst v5  }
0x338: {  	[tilespmem:s19+$0xFFFFFD30] =	vst v5  }
0x339: {  	[tilespmem:s19+$0xFFFFFD20] =	vst v5  }
0x33a: {  	[tilespmem:s19+$0xFFFFFD10] =	vst v5  }
0x33b: {  	[tilespmem:s19+$0xFFFFFD00] =	vst v5  }
0x33c: {  	[tilespmem:s19+$0xFFFFFCF0] =	vst v5  }
0x33d: {  	[tilespmem:s19+$0xFFFFFCE0] =	vst v5  }
0x33e: {  	[tilespmem:s19+$0xFFFFFCD0] =	vst v5  }
0x33f: {  	[tilespmem:s19+$0xFFFFFCC0] =	vst v5  }
0x340: {  	[tilespmem:s19+$0xFFFFFCB0] =	vst v5  }
0x341: {  	s21 =	ssub.s32 s21, s18;
	[tilespmem:s19+$0xFFFFFCA0] =	vst v5  }
0x342: {  	s21 =	sadd.s32 $0xFFFFFFFC, s21;
	[tilespmem:s19+$0xFFFFFC90] =	vst v5  }
0x343: {  	p0 =	sne.s32 s21, $0x1;
	[tilespmem:s19+$0xFFFFFC80] =	vst v5  }
.Ltmp9:
0x344: {  	[tilespmem:s19+$0xFFFFFC70] =	vst v5;
	(pc) =	sbr.rel @!p0 .LBB2_11-.Ltmp9, $4  }
0x345: {  	[tilespmem:s19+$0xFFFFFC60] =	vst v5  }
0x346: {  	[tilespmem:s19+$0xFFFFFC50] =	vst v5  }
0x347: {  	[tilespmem:s19+$0xFFFFFC40] =	vst v5  }
0x348: {  	s21 =	sadd.s32 $0xFFFFFFFF, s21;
	[tilespmem:s19+$0xFFFFFC30] =	vst v5  }
.LBB2_10:
0x349: {  	p0 =	sne.s32 s21, $0x1;
	s21 =	sadd.s32 $0xFFFFFFFF, s21;
	[tilespmem:s19+$0xFFFFFC20] =	vst v5;
	s19 =	sadd.s32 $0x400, s19  }
0x34a: {  	[tilespmem:s19+$0xFFFFFC10] =	vst v5  }
0x34b: {  	[tilespmem:s19+$0x0] =	vst v5  }
0x34c: {  	[tilespmem:s19+$0xFFFFFFF0] =	vst v5  }
0x34d: {  	[tilespmem:s19+$0xFFFFFFE0] =	vst v5  }
0x34e: {  	[tilespmem:s19+$0xFFFFFFD0] =	vst v5  }
0x34f: {  	[tilespmem:s19+$0xFFFFFFC0] =	vst v5  }
0x350: {  	[tilespmem:s19+$0xFFFFFFB0] =	vst v5  }
0x351: {  	[tilespmem:s19+$0xFFFFFFA0] =	vst v5  }
0x352: {  	[tilespmem:s19+$0xFFFFFF90] =	vst v5  }
0x353: {  	[tilespmem:s19+$0xFFFFFF80] =	vst v5  }
0x354: {  	[tilespmem:s19+$0xFFFFFF70] =	vst v5  }
0x355: {  	[tilespmem:s19+$0xFFFFFF60] =	vst v5  }
0x356: {  	[tilespmem:s19+$0xFFFFFF50] =	vst v5  }
0x357: {  	[tilespmem:s19+$0xFFFFFF40] =	vst v5  }
0x358: {  	[tilespmem:s19+$0xFFFFFF30] =	vst v5  }
0x359: {  	[tilespmem:s19+$0xFFFFFF20] =	vst v5  }
0x35a: {  	[tilespmem:s19+$0xFFFFFF10] =	vst v5  }
0x35b: {  	[tilespmem:s19+$0xFFFFFF00] =	vst v5  }
0x35c: {  	[tilespmem:s19+$0xFFFFFEF0] =	vst v5  }
0x35d: {  	[tilespmem:s19+$0xFFFFFEE0] =	vst v5  }
0x35e: {  	[tilespmem:s19+$0xFFFFFED0] =	vst v5  }
0x35f: {  	[tilespmem:s19+$0xFFFFFEC0] =	vst v5  }
0x360: {  	[tilespmem:s19+$0xFFFFFEB0] =	vst v5  }
0x361: {  	[tilespmem:s19+$0xFFFFFEA0] =	vst v5  }
0x362: {  	[tilespmem:s19+$0xFFFFFE90] =	vst v5  }
0x363: {  	[tilespmem:s19+$0xFFFFFE80] =	vst v5  }
0x364: {  	[tilespmem:s19+$0xFFFFFE70] =	vst v5  }
0x365: {  	[tilespmem:s19+$0xFFFFFE60] =	vst v5  }
0x366: {  	[tilespmem:s19+$0xFFFFFE50] =	vst v5  }
0x367: {  	[tilespmem:s19+$0xFFFFFE40] =	vst v5  }
0x368: {  	[tilespmem:s19+$0xFFFFFE30] =	vst v5  }
0x369: {  	[tilespmem:s19+$0xFFFFFE20] =	vst v5  }
0x36a: {  	[tilespmem:s19+$0xFFFFFE10] =	vst v5  }
0x36b: {  	[tilespmem:s19+$0xFFFFFE00] =	vst v5  }
0x36c: {  	[tilespmem:s19+$0xFFFFFDF0] =	vst v5  }
0x36d: {  	[tilespmem:s19+$0xFFFFFDE0] =	vst v5  }
0x36e: {  	[tilespmem:s19+$0xFFFFFDD0] =	vst v5  }
0x36f: {  	[tilespmem:s19+$0xFFFFFDC0] =	vst v5  }
0x370: {  	[tilespmem:s19+$0xFFFFFDB0] =	vst v5  }
0x371: {  	[tilespmem:s19+$0xFFFFFDA0] =	vst v5  }
0x372: {  	[tilespmem:s19+$0xFFFFFD90] =	vst v5  }
0x373: {  	[tilespmem:s19+$0xFFFFFD80] =	vst v5  }
0x374: {  	[tilespmem:s19+$0xFFFFFD70] =	vst v5  }
0x375: {  	[tilespmem:s19+$0xFFFFFD60] =	vst v5  }
0x376: {  	[tilespmem:s19+$0xFFFFFD50] =	vst v5  }
0x377: {  	[tilespmem:s19+$0xFFFFFD40] =	vst v5  }
0x378: {  	[tilespmem:s19+$0xFFFFFD30] =	vst v5  }
0x379: {  	[tilespmem:s19+$0xFFFFFD20] =	vst v5  }
0x37a: {  	[tilespmem:s19+$0xFFFFFD10] =	vst v5  }
0x37b: {  	[tilespmem:s19+$0xFFFFFD00] =	vst v5  }
0x37c: {  	[tilespmem:s19+$0xFFFFFCF0] =	vst v5  }
0x37d: {  	[tilespmem:s19+$0xFFFFFCE0] =	vst v5  }
0x37e: {  	[tilespmem:s19+$0xFFFFFCD0] =	vst v5  }
0x37f: {  	[tilespmem:s19+$0xFFFFFCC0] =	vst v5  }
0x380: {  	[tilespmem:s19+$0xFFFFFCB0] =	vst v5  }
0x381: {  	[tilespmem:s19+$0xFFFFFCA0] =	vst v5  }
0x382: {  	[tilespmem:s19+$0xFFFFFC90] =	vst v5  }
0x383: {  	[tilespmem:s19+$0xFFFFFC80] =	vst v5  }
.Ltmp10:
0x384: {  	[tilespmem:s19+$0xFFFFFC70] =	vst v5;
	(pc) =	sbr.rel @p0 .LBB2_10-.Ltmp10, $4  }
0x385: {  	[tilespmem:s19+$0xFFFFFC60] =	vst v5  }
0x386: {  	[tilespmem:s19+$0xFFFFFC50] =	vst v5  }
0x387: {  	[tilespmem:s19+$0xFFFFFC40] =	vst v5  }
0x388: {  	[tilespmem:s19+$0xFFFFFC30] =	vst v5  }
.Ltmp11:
0x389: {  	_ = 	snop;
	(pc) =	sbr.rel .LBB2_11-.Ltmp11, $1  }
0x38a: {  	_ =	sdelay $0x3  }
.LBB2_14:
0x38b: {  	_ =	sfence.sel $0x180000  }
0x38c: {  	[bflag:$0x0] =	sbarrier.arrive $0xFFFF  }
0x38d: {  	_ =	strace $0x90000047  }
0x38e: {  	[bflag:$0x2] =	sbarrier.arrive $0xFFFF  }
0x38f: {  	p0 =	sne.s32 s1, $0x0;
	s0 =	rddreg [dreg:$0x2]  }
0x390: {  	s0 =	sadd.s32 @!p0 $0x100000, s0  }
0x391: {  	[sflag:s0] =	ssyncadd.tile.s32 @!p0 $0x1;
	_ =	shalt  }
.Lfunc_end2:
_tile_overlayer_lowered:
.L_overlay_start_2:
0x392: {  	(tag) =	ssettag $0x2  }
0x393: {  	s0 =	rddreg [dreg:$0x0];
	s2 =	stileid.u32  }
0x394: {  	s1 =	rddreg [dreg:$0x1];
	p0 =	sne.s32 s2, $0x0  }
0x395: {  	s3 =	rddreg [dreg:$0x2];
	[bflag:$0x3] =	sbarrier.arrive $0xFFFF;
	s2 =	simm.s32 @!p0 $0x1C02  }
0x396: {  	[timem:s3], [sflag:s2] =	dma.local @!p0 [hbm:s0], s1  }
0x397: {  	s0 =	simm.s32 @!p0 $0x2  }
0x398: {  	_ =	swait.ge @!p0 [sflag:s0], s1  }
0x399: {  	s1 =	ssub.s32 @!p0 $0x0, s1;
	[sflag:s0] =	ssyncset.done @!p0 $0x0  }
0x39a: {  	[sflag:s0] =	ssyncadd.s32 @!p0 s1  }
0x39b: {  	[bflag:$0x3] =	sbarrier.arrive $0xFFFF  }
0x39c: {  	_ =	shalt  }

</sc_bundles>
